<compile_context>
chip_gen: v7x
topology: tpu7x:2x2x1
jax: 0.10.2.dev20260603
libtpu: 0.0.44.dev20260713+nightly
codegen_flags: <defaults>
</compile_context>

<pallas_src>
import dataclasses
import functools

import jax
import jax.numpy as jnp
from jax import lax
from jax.experimental import pallas as pl
from jax.experimental.pallas import tpu as pltpu
from jax.experimental.pallas import tpu_sc as plsc

_N = 10000
_E = 160000
_D = 256
_L = 3
_G = 64
_HALF = 128
_NC = 2
_NS = 16
_EPT = _E // _NS
_K = 128

_HIGH = jax.lax.Precision.HIGHEST
_DEF = jax.lax.Precision.DEFAULT

_ROWS_PT = _N // _NS
_IDXB = 10
_PAD = (_IDXB + 2) * _K


def _sc_agg_body(h2_hbm, src_hbm, dst_hbm, b0_hbm, b1_hbm, out_hbm,
                 srcx_v0, dstx_v0, rows_v0,
                 srcx_v1, dstx_v1, rows_v1,
                 sem0, sem1, src_blk, dst_blk, zbuf_v, bnd_v, acc_sh):
    c = lax.axis_index("c")
    s = lax.axis_index("s")
    lane = lax.iota(jnp.int32, 16)
    bufs = ((srcx_v0, dstx_v0, rows_v0, sem0),
            (srcx_v1, dstx_v1, rows_v1, sem1))

    pltpu.sync_copy(b0_hbm, bnd_v)
    b0 = jnp.sum(jnp.where(lane == s, bnd_v[...], 0), axis=0)
    pltpu.sync_copy(b1_hbm, bnd_v)
    b1 = jnp.sum(jnp.where(lane == s, bnd_v[...], 0), axis=0)

    @pl.loop(0, 16)
    def _(i):
        @pl.loop(0, _HALF, step=16)
        def _(j):
            zbuf_v.at[i, pl.ds(j, 16)][...] = jnp.zeros((16,), jnp.float32)

    @pl.loop(s * 16, _N + 16, step=_NS * 16)
    def _(r):
        pltpu.sync_copy(zbuf_v, acc_sh.at[pl.ds(r, 16)])

    plsc.subcore_barrier()

    start = (b0 // 8) * 8
    nch = (b1 - start + _K - 1) // _K

    def prefetch(k, buf):
        srcx_v, dstx_v, rows_v, sem = buf
        eb = start + k * _K
        off = (k % _IDXB) * _K

        @pl.when(off == 0)
        def _():
            pltpu.sync_copy(src_hbm.at[pl.ds(eb, _IDXB * _K)], src_blk)
            pltpu.sync_copy(dst_hbm.at[pl.ds(eb, _IDXB * _K)], dst_blk)

        @pl.loop(0, _K, step=16)
        def _(j):
            pos = eb + j + lane
            valid = (pos >= b0) & (pos < b1)
            dstx_v.at[pl.ds(j, 16)][...] = jnp.where(
                valid, dst_blk.at[pl.ds(off + j, 16)][...], _N + lane)
            srcx_v.at[pl.ds(j, 16)][...] = src_blk.at[pl.ds(off + j, 16)][...] * 2 + c

        pltpu.async_copy(h2_hbm.at[srcx_v], rows_v, sem)

    def finish(buf):
        srcx_v, dstx_v, rows_v, sem = buf
        pltpu.make_async_copy(h2_hbm.at[srcx_v], rows_v, sem).wait()
        pltpu.sync_copy(rows_v, acc_sh.at[dstx_v], add=True)

    @pl.when(nch > 0)
    def _():
        prefetch(0, bufs[0])

    @pl.loop(0, nch)
    def _(k):
        even = k % 2 == 0

        @pl.when((k + 1 < nch) & even)
        def _():
            prefetch(k + 1, bufs[1])

        @pl.when((k + 1 < nch) & jnp.logical_not(even))
        def _():
            prefetch(k + 1, bufs[0])

        @pl.when(even)
        def _():
            finish(bufs[0])

        @pl.when(jnp.logical_not(even))
        def _():
            finish(bufs[1])

    plsc.subcore_barrier()

    @pl.loop(s * 16, _N, step=_NS * 16)
    def _(r):
        pltpu.sync_copy(acc_sh.at[pl.ds(r, 16)], out_hbm.at[c].at[pl.ds(r, 16)])


@functools.lru_cache(maxsize=1)
def _get_sc_agg():
    mesh = plsc.VectorSubcoreMesh(
        core_axis_name="c", subcore_axis_name="s",
        num_cores=_NC, num_subcores=_NS)
    cp = pltpu.CompilerParams()
    if "needs_layout_passes" in pltpu.CompilerParams.__dataclass_fields__:
        cp = dataclasses.replace(cp, needs_layout_passes=False)
    return pl.kernel(
        _sc_agg_body,
        out_type=jax.ShapeDtypeStruct((_NC, _N, _HALF), jnp.float32),
        mesh=mesh,
        scratch_types=(
            2 * [
                pltpu.VMEM((_K,), jnp.int32),
                pltpu.VMEM((_K,), jnp.int32),
                pltpu.VMEM((_K, _HALF), jnp.float32),
            ]
            + [
                pltpu.SemaphoreType.DMA,
                pltpu.SemaphoreType.DMA,
                pltpu.VMEM((_IDXB * _K,), jnp.int32),
                pltpu.VMEM((_IDXB * _K,), jnp.int32),
                pltpu.VMEM((16, _HALF), jnp.float32),
                pltpu.VMEM((16,), jnp.int32),
                pltpu.VMEM_SHARED((_N + 16, _HALF), jnp.float32),
            ]
        ),
        compiler_params=cp,
    )


def _enc_body(x_ref, w_ref, b_ref, o_ref):
    o_ref[...] = x_ref[...] * w_ref[...] + b_ref[...]


def _bn(z, g, b):
    m = jnp.mean(z, axis=0, keepdims=True)
    v = jnp.mean((z - m) ** 2, axis=0, keepdims=True)
    return g * (z - m) / jnp.sqrt(v + 1e-5) + b


def _layer_body(h_ref, a0_ref, a1_ref, ep_ref, w1_ref, b1_ref, g1_ref, be1_ref,
                w2_ref, b2_ref, go_ref, bo_ref, o_ref):
    agg = jnp.concatenate([a0_ref[...], a1_ref[...]], axis=1)
    z = ep_ref[...] * h_ref[...] + agg
    z = jnp.dot(z, w1_ref[...], precision=_DEF,
                preferred_element_type=jnp.float32) + b1_ref[...]
    z = jnp.maximum(_bn(z, g1_ref[...], be1_ref[...]), 0.0)
    z = jnp.dot(z, w2_ref[...], precision=_DEF,
                preferred_element_type=jnp.float32) + b2_ref[...]
    o_ref[...] = jnp.maximum(_bn(z, go_ref[...], bo_ref[...]), 0.0)


def _final_body(h_ref, bt_ref, cw_ref, cb_ref, o_ref):
    ids = lax.broadcasted_iota(jnp.int32, (_G, 1), 0)
    oh = (ids == bt_ref[...]).astype(jnp.float32)
    sums = jnp.dot(oh, h_ref[...], precision=_HIGH,
                   preferred_element_type=jnp.float32)
    cnts = jnp.sum(oh, axis=1, keepdims=True)
    pooled = sums / jnp.maximum(cnts, 1.0)
    o_ref[...] = jnp.dot(pooled, cw_ref[...], precision=_DEF,
                         preferred_element_type=jnp.float32) + cb_ref[...]


_enc_call = pl.pallas_call(
    _enc_body, out_shape=jax.ShapeDtypeStruct((_N, _D), jnp.float32))

_layer_call = pl.pallas_call(
    _layer_body, out_shape=jax.ShapeDtypeStruct((_N, _D), jnp.float32),
    compiler_params=pltpu.CompilerParams(vmem_limit_bytes=64 * 1024 * 1024))

_final_call = pl.pallas_call(
    _final_body, out_shape=jax.ShapeDtypeStruct((_G, 2), jnp.float32))


def kernel(x, edge_index, batch, enc_W, enc_b, W1, b1, g1, be1, W2, b2, eps,
           g_out, b_out, cls_W, cls_b):
    src = edge_index[0]
    dst = edge_index[1]

    b = dst // _ROWS_PT
    oh = (b[:, None] == jnp.arange(_NS, dtype=jnp.int32)[None, :]).astype(jnp.int32)
    csum = jnp.cumsum(oh, axis=0)
    counts = csum[-1]
    offs = jnp.concatenate([jnp.zeros((1,), jnp.int32),
                            jnp.cumsum(counts)[:-1].astype(jnp.int32)])
    newpos = offs[b] + jnp.take_along_axis(csum, b[:, None], axis=1)[:, 0] - 1
    inv = jnp.zeros((_E,), jnp.int32).at[newpos].add(jnp.arange(_E, dtype=jnp.int32))
    srcs = src[inv]
    dsts = dst[inv]
    b0s = offs
    b1s = offs + counts.astype(jnp.int32)
    pad_src = (jnp.arange(_PAD, dtype=jnp.int32) * 97) % _N
    srcs = jnp.concatenate([srcs, pad_src])
    dsts = jnp.concatenate([dsts, jnp.zeros((_PAD,), jnp.int32)])

    h = _enc_call(x, enc_W, enc_b.reshape(1, _D))
    for l in range(_L):
        aggp = _get_sc_agg()(h.reshape(2 * _N, _HALF), srcs, dsts, b0s, b1s)
        h = _layer_call(
            h, aggp[0], aggp[1],
            (1.0 + eps[l]).reshape(1, 1),
            W1[l], b1[l].reshape(1, _D), g1[l].reshape(1, _D),
            be1[l].reshape(1, _D),
            W2[l], b2[l].reshape(1, _D),
            g_out[l].reshape(1, _D), b_out[l].reshape(1, _D),
        )
    return _final_call(h, batch.reshape(1, _N), cls_W, cls_b.reshape(1, 2))

# --- scband reference (transcript-rebuilt; emitter-appended) ---
"""Pipeline reference for scband-mpnn-83064667505112 (READ-ONLY COPY).

The authoritative reference and input builder live on the scoring server;
editing this copy changes nothing except your own understanding.
"""

import jax, jax.numpy as jnp
import numpy as np

N = 10000
E = 160000
D = 256
L = 3
G = 64


def setup_inputs(seed: int = 0) -> dict:
    key = jax.random.key(seed)
    ks = jax.random.split(key, 12)
    x = jax.random.normal(ks[0], (N, 1), dtype=jnp.float32)
    edge_index = jax.random.randint(ks[1], (2, E), 0, N, dtype=jnp.int32)
    batch = jnp.sort(jax.random.randint(ks[2], (N,), 0, G, dtype=jnp.int32))
    enc_W = jax.random.normal(ks[3], (1, D), dtype=jnp.float32) * 0.1
    enc_b = jnp.zeros((D,), jnp.float32)
    W1 = jax.random.normal(ks[4], (L, D, D), dtype=jnp.float32) * 0.05
    b1 = jnp.zeros((L, D), jnp.float32)
    g1 = jnp.ones((L, D), jnp.float32)
    be1 = jnp.zeros((L, D), jnp.float32)
    W2 = jax.random.normal(ks[5], (L, D, D), dtype=jnp.float32) * 0.05
    b2 = jnp.zeros((L, D), jnp.float32)
    eps = jnp.zeros((L,), jnp.float32)
    g_out = jnp.ones((L, D), jnp.float32)
    b_out = jnp.zeros((L, D), jnp.float32)
    cls_W = jax.random.normal(ks[6], (D, 2), dtype=jnp.float32) * 0.05
    cls_b = jnp.zeros((2,), jnp.float32)
    return {"x": x, "edge_index": edge_index, "batch": batch, "enc_W": enc_W, "enc_b": enc_b,
            "W1": W1, "b1": b1, "g1": g1, "be1": be1, "W2": W2, "b2": b2, "eps": eps,
            "g_out": g_out, "b_out": b_out, "cls_W": cls_W, "cls_b": cls_b}


def _bn(h, g, b):
    m = jnp.mean(h, axis=0)
    v = jnp.var(h, axis=0)
    return g * (h - m) / jnp.sqrt(v + 1e-5) + b


def reference(x, edge_index, batch, enc_W, enc_b, W1, b1, g1, be1, W2, b2, eps, g_out, b_out, cls_W, cls_b):
    h = x @ enc_W + enc_b
    src = edge_index[0]
    dst = edge_index[1]
    for l in range(L):
        # GINConv: sum-aggregate neighbor (source) features onto destination nodes
        agg = jnp.zeros_like(h).at[dst].add(h[src])
        z = (1.0 + eps[l]) * h + agg
        # inner MLP: Linear -> BatchNorm -> ReLU -> (Dropout p=0) -> Linear
        z = z @ W1[l] + b1[l]
        z = _bn(z, g1[l], be1[l])
        z = jax.nn.relu(z)
        z = z @ W2[l] + b2[l]
        # outer BatchNorm + ReLU
        z = _bn(z, g_out[l], b_out[l])
        h = jax.nn.relu(z)
    # global mean pool over graphs
    sums = jax.ops.segment_sum(h, batch, num_segments=G)
    cnts = jax.ops.segment_sum(jnp.ones((h.shape[0], 1), h.dtype), batch, num_segments=G)
    pooled = sums / jnp.maximum(cnts, 1.0)
    return pooled @ cls_W + cls_b

if __name__ == "__main__":
    import jax
    _d = setup_inputs()
    print(jax.jit(kernel)(*tuple(_d.values())))

</pallas_src>

<mosaic_0001>
#map = affine_map<(d0, d1) -> (0, 0)>
#map1 = affine_map<(d0, d1) -> (0)>
#map2 = affine_map<(d0, d1) -> (0, 0, 0)>
module attributes {stable_mosaic.version = 14 : i64} {
  func.func @_sc_agg_body(%arg0: i32, %arg1: i32, %arg2: memref<20000x128xf32, #tpu.memory_space<hbm>>, %arg3: memref<161536xi32, #tpu.memory_space<hbm>>, %arg4: memref<161536xi32, #tpu.memory_space<hbm>>, %arg5: memref<16xi32, #tpu.memory_space<hbm>>, %arg6: memref<16xi32, #tpu.memory_space<hbm>>, %arg7: memref<2x10000x128xf32, #tpu.memory_space<hbm>>, %arg8: memref<128xi32, #tpu.memory_space<vmem>>, %arg9: memref<128xi32, #tpu.memory_space<vmem>>, %arg10: memref<128x128xf32, #tpu.memory_space<vmem>>, %arg11: memref<128xi32, #tpu.memory_space<vmem>>, %arg12: memref<128xi32, #tpu.memory_space<vmem>>, %arg13: memref<128x128xf32, #tpu.memory_space<vmem>>, %arg14: memref<!tpu.dma_semaphore, #tpu.memory_space<semaphore_mem>>, %arg15: memref<!tpu.dma_semaphore, #tpu.memory_space<semaphore_mem>>, %arg16: memref<1280xi32, #tpu.memory_space<vmem>>, %arg17: memref<1280xi32, #tpu.memory_space<vmem>>, %arg18: memref<16x128xf32, #tpu.memory_space<vmem>>, %arg19: memref<16xi32, #tpu.memory_space<vmem>>, %arg20: memref<10016x128xf32, #tpu.memory_space<vmem_shared>>) attributes {dimension_semantics = [#tpu.dimension_semantics<core_parallel>, #tpu.dimension_semantics<subcore_parallel>], iteration_bounds = array<i64: 2, 16>, scalar_prefetch = 0 : i64, scratch_operands = 13 : i64, tpu.core_type = #tpu.core_type<sc_vector_subcore>, window_params = [{transform_indices = #map}, {transform_indices = #map1}, {transform_indices = #map1}, {transform_indices = #map1}, {transform_indices = #map1}, {transform_indices = #map2}]} {
    %iota3A = tpu.iota {dimensions = array<i32: 0>} : vector<16xi32>
    "tpu.region"() ({
      %run_scoped3A = tpu.sem_alloc : memref<!tpu.dma_semaphore, #tpu.memory_space<semaphore_mem>>
      tpu.enqueue_dma source(%arg5 : memref<16xi32, #tpu.memory_space<hbm>>) target(%arg19 : memref<16xi32, #tpu.memory_space<vmem>>) target_semaphore(%run_scoped3A : memref<!tpu.dma_semaphore, #tpu.memory_space<semaphore_mem>>)
      tpu.wait_dma2 semaphore(%run_scoped3A : memref<!tpu.dma_semaphore, #tpu.memory_space<semaphore_mem>>) src(%arg5 : memref<16xi32, #tpu.memory_space<hbm>>) dst(%arg19 : memref<16xi32, #tpu.memory_space<vmem>>)
      tpu.yield
    }) : () -> ()
    %eq3A = vector.broadcast %arg1 : i32 to vector<16xi32>
    %eq3A_0 = arith.cmpi eq, %iota3A, %eq3A : vector<16xi32>
    %get3A = arith.constant 0 : index
    %get3A_1 = tpu.vector_load %arg19[%get3A] {strides = array<i32>} : memref<16xi32, #tpu.memory_space<vmem>>, vector<16xi32>,
    %jit3A = arith.constant 0 : i32
    %broadcast_in_dim3A = vector.broadcast %jit3A : i32 to vector<16xi32>
    %select_n3A = arith.select %eq3A_0, %get3A_1, %broadcast_in_dim3A : vector<16xi1>, vector<16xi32>
    %reduce_sum3A = arith.constant true
    %reduce_sum3A_2 = vector.broadcast %reduce_sum3A : i1 to vector<16xi1>
    %reduce_sum3A_3 = tpu.scan <sum>, %select_n3A masked %reduce_sum3A_2 : vector<16xi32>, vector<16xi1> -> vector<16xi32>
    %reduce_sum3A_4 = vector.extract %reduce_sum3A_3[15] : i32 from vector<16xi32>
    "tpu.region"() ({
      %run_scoped3A = tpu.sem_alloc : memref<!tpu.dma_semaphore, #tpu.memory_space<semaphore_mem>>
      tpu.enqueue_dma source(%arg6 : memref<16xi32, #tpu.memory_space<hbm>>) target(%arg19 : memref<16xi32, #tpu.memory_space<vmem>>) target_semaphore(%run_scoped3A : memref<!tpu.dma_semaphore, #tpu.memory_space<semaphore_mem>>)
      tpu.wait_dma2 semaphore(%run_scoped3A : memref<!tpu.dma_semaphore, #tpu.memory_space<semaphore_mem>>) src(%arg6 : memref<16xi32, #tpu.memory_space<hbm>>) dst(%arg19 : memref<16xi32, #tpu.memory_space<vmem>>)
      tpu.yield
    }) : () -> ()
    %eq3A_5 = vector.broadcast %arg1 : i32 to vector<16xi32>
    %eq3A_6 = arith.cmpi eq, %iota3A, %eq3A_5 : vector<16xi32>
    %get3A_7 = arith.constant 0 : index
    %get3A_8 = tpu.vector_load %arg19[%get3A_7] {strides = array<i32>} : memref<16xi32, #tpu.memory_space<vmem>>, vector<16xi32>,
    %jit3A_9 = arith.constant 0 : i32
    %broadcast_in_dim3A_10 = vector.broadcast %jit3A_9 : i32 to vector<16xi32>
    %select_n3A_11 = arith.select %eq3A_6, %get3A_8, %broadcast_in_dim3A_10 : vector<16xi1>, vector<16xi32>
    %reduce_sum3A_12 = arith.constant true
    %reduce_sum3A_13 = vector.broadcast %reduce_sum3A_12 : i1 to vector<16xi1>
    %reduce_sum3A_14 = tpu.scan <sum>, %select_n3A_11 masked %reduce_sum3A_13 : vector<16xi32>, vector<16xi1> -> vector<16xi32>
    %reduce_sum3A_15 = vector.extract %reduce_sum3A_14[15] : i32 from vector<16xi32>
    %scan3A = arith.constant 0 : i32
    %scan3A_16 = arith.constant 16 : i32
    %scan3A_17 = arith.addi %scan3A, %scan3A_16 : i32
    %scan3A_18 = arith.constant 1 : i32
    scf.for %scan3A_128 = %scan3A to %scan3A_17 step %scan3A_18  : i32 {
      %mul3A_129 = arith.constant 1 : i32
      %mul3A_130 = arith.muli %scan3A_128, %mul3A_129 : i32
      %add3A_131 = arith.constant 0 : i32
      %add3A_132 = arith.addi %add3A_131, %mul3A_130 : i32
      %scan3A_133 = arith.constant 0 : i32
      %scan3A_134 = arith.constant 8 : i32
      %scan3A_135 = arith.addi %scan3A_133, %scan3A_134 : i32
      %scan3A_136 = arith.constant 1 : i32
      scf.for %scan3A_138 = %scan3A_133 to %scan3A_135 step %scan3A_136  : i32 {
        %mul3A_139 = arith.constant 16 : i32
        %mul3A_140 = arith.muli %scan3A_138, %mul3A_139 : i32
        %add3A_141 = arith.constant 0 : i32
        %add3A_142 = arith.addi %add3A_141, %mul3A_140 : i32
        %broadcast_in_dim3A_143 = arith.constant 0.000000e+00 : f32
        %broadcast_in_dim3A_144 = vector.broadcast %broadcast_in_dim3A_143 : f32 to vector<16xf32>
        %swap3A = arith.index_cast %add3A_132 : i32 to index
        %swap3A_145 = arith.index_cast %add3A_142 : i32 to index
        %swap3A_146 = tpu.vector_load %arg18[%swap3A, %swap3A_145] {strides = array<i32>} : memref<16x128xf32, #tpu.memory_space<vmem>>, vector<16xf32>,
        tpu.vector_store %arg18[%swap3A, %swap3A_145], %broadcast_in_dim3A_144 {strides = array<i32>} : memref<16x128xf32, #tpu.memory_space<vmem>>, vector<16xf32>,
      }
      %scan3A_137 = arith.constant 8 : i32
    }
    %scan3A_19 = arith.constant 16 : i32
    %mul3A = arith.constant 16 : i32
    %mul3A_20 = arith.muli %arg1, %mul3A : i32
    %sub3A = arith.constant 10016 : i32
    %sub3A_21 = arith.subi %sub3A, %mul3A_20 : i32
    %sub3A_22 = arith.constant 256 : i32
    %sub3A_23 = arith.constant 1 : i32
    %sub3A_24 = arith.subi %sub3A_22, %sub3A_23 : i32
    %add3A = arith.addi %sub3A_21, %sub3A_24 : i32
    %div3A = arith.constant 256 : i32
    %div3A_25 = arith.divsi %add3A, %div3A : i32
    %while3A = arith.constant 256 : i32
    %while3A_26 = arith.constant 0 : i32
    %while3A_27 = arith.subi %div3A_25, %while3A_26 : i32
    %while3A_28 = arith.addi %while3A_26, %while3A_27 : i32
    %while3A_29 = arith.constant 1 : i32
    %while3A_30 = arith.divsi %while3A_27, %while3A_29 : i32
    %while3A_31 = arith.muli %while3A_30, %while3A_29 : i32
    %while3A_32 = arith.addi %while3A_26, %while3A_31 : i32
    %while3A_33 = arith.constant 1 : i32
    scf.for %while3A_128 = %while3A_26 to %while3A_32 step %while3A_33  : i32 {
      %mul3A_129 = arith.muli %while3A_128, %while3A : i32
      %add3A_130 = arith.addi %mul3A_20, %mul3A_129 : i32
      "tpu.region"() ({
        %run_scoped3A = tpu.sem_alloc : memref<!tpu.dma_semaphore, #tpu.memory_space<semaphore_mem>>
        %dma_start3A = arith.constant 0 : i32
        %dma_start3A_131 = tpu.memref_slice %arg20[%add3A_130, %dma_start3A] : memref<10016x128xf32, #tpu.memory_space<vmem_shared>> -> memref<16x128xf32, #tpu.memory_space<vmem_shared>>
        %dma_start3A_132 = arith.constant 0 : i32
        %dma_start3A_133 = tpu.memref_slice %arg20[%add3A_130, %dma_start3A_132] : memref<10016x128xf32, #tpu.memory_space<vmem_shared>> -> memref<16x128xf32, #tpu.memory_space<vmem_shared>>
        tpu.enqueue_dma source(%arg18 : memref<16x128xf32, #tpu.memory_space<vmem>>) target(%dma_start3A_133 : memref<16x128xf32, #tpu.memory_space<vmem_shared>>) target_semaphore(%run_scoped3A : memref<!tpu.dma_semaphore, #tpu.memory_space<semaphore_mem>>)
        %dma_wait3A = arith.constant 0 : i32
        %dma_wait3A_134 = tpu.memref_slice %arg20[%add3A_130, %dma_wait3A] : memref<10016x128xf32, #tpu.memory_space<vmem_shared>> -> memref<16x128xf32, #tpu.memory_space<vmem_shared>>
        %dma_wait3A_135 = arith.constant 0 : i32
        %dma_wait3A_136 = tpu.memref_slice %arg20[%add3A_130, %dma_wait3A_135] : memref<10016x128xf32, #tpu.memory_space<vmem_shared>> -> memref<16x128xf32, #tpu.memory_space<vmem_shared>>
        tpu.wait_dma2 semaphore(%run_scoped3A : memref<!tpu.dma_semaphore, #tpu.memory_space<semaphore_mem>>) src(%arg18 : memref<16x128xf32, #tpu.memory_space<vmem>>) dst(%dma_wait3A_136 : memref<16x128xf32, #tpu.memory_space<vmem_shared>>)
        tpu.yield
      }) : () -> ()
    }
    %while3A_34 = arith.constant 1 : i32
    scf.for %while3A_128 = %while3A_32 to %while3A_28 step %while3A_34  : i32 {
      %mul3A_129 = arith.muli %while3A_128, %while3A : i32
      %add3A_130 = arith.addi %mul3A_20, %mul3A_129 : i32
      "tpu.region"() ({
        %run_scoped3A = tpu.sem_alloc : memref<!tpu.dma_semaphore, #tpu.memory_space<semaphore_mem>>
        %dma_start3A = arith.constant 0 : i32
        %dma_start3A_131 = tpu.memref_slice %arg20[%add3A_130, %dma_start3A] : memref<10016x128xf32, #tpu.memory_space<vmem_shared>> -> memref<16x128xf32, #tpu.memory_space<vmem_shared>>
        %dma_start3A_132 = arith.constant 0 : i32
        %dma_start3A_133 = tpu.memref_slice %arg20[%add3A_130, %dma_start3A_132] : memref<10016x128xf32, #tpu.memory_space<vmem_shared>> -> memref<16x128xf32, #tpu.memory_space<vmem_shared>>
        tpu.enqueue_dma source(%arg18 : memref<16x128xf32, #tpu.memory_space<vmem>>) target(%dma_start3A_133 : memref<16x128xf32, #tpu.memory_space<vmem_shared>>) target_semaphore(%run_scoped3A : memref<!tpu.dma_semaphore, #tpu.memory_space<semaphore_mem>>)
        %dma_wait3A = arith.constant 0 : i32
        %dma_wait3A_134 = tpu.memref_slice %arg20[%add3A_130, %dma_wait3A] : memref<10016x128xf32, #tpu.memory_space<vmem_shared>> -> memref<16x128xf32, #tpu.memory_space<vmem_shared>>
        %dma_wait3A_135 = arith.constant 0 : i32
        %dma_wait3A_136 = tpu.memref_slice %arg20[%add3A_130, %dma_wait3A_135] : memref<10016x128xf32, #tpu.memory_space<vmem_shared>> -> memref<16x128xf32, #tpu.memory_space<vmem_shared>>
        tpu.wait_dma2 semaphore(%run_scoped3A : memref<!tpu.dma_semaphore, #tpu.memory_space<semaphore_mem>>) src(%arg18 : memref<16x128xf32, #tpu.memory_space<vmem>>) dst(%dma_wait3A_136 : memref<16x128xf32, #tpu.memory_space<vmem_shared>>)
        tpu.yield
      }) : () -> ()
    }
    %barrier3A = arith.constant 0 : index
    tpu.barrier barrier_id(%barrier3A)
    %jit3A_35 = arith.constant 8 : i32
    %div3A_36 = arith.divsi %reduce_sum3A_4, %jit3A_35 : i32
    %sign3A = arith.constant 0 : i32
    %sign3A_37 = arith.cmpi sgt, %reduce_sum3A_4, %sign3A : i32
    %sign3A_38 = arith.extui %sign3A_37 : i1 to i32
    %sign3A_39 = arith.constant 0 : i32
    %sign3A_40 = arith.cmpi slt, %reduce_sum3A_4, %sign3A_39 : i32
    %sign3A_41 = arith.extui %sign3A_40 : i1 to i32
    %sign3A_42 = arith.subi %sign3A_38, %sign3A_41 : i32
    %sign3A_43 = arith.constant 0 : i32
    %sign3A_44 = arith.cmpi sgt, %jit3A_35, %sign3A_43 : i32
    %sign3A_45 = arith.extui %sign3A_44 : i1 to i32
    %sign3A_46 = arith.constant 0 : i32
    %sign3A_47 = arith.cmpi slt, %jit3A_35, %sign3A_46 : i32
    %sign3A_48 = arith.extui %sign3A_47 : i1 to i32
    %sign3A_49 = arith.subi %sign3A_45, %sign3A_48 : i32
    %ne3A = arith.cmpi ne, %sign3A_42, %sign3A_49 : i32
    %rem3A = arith.remsi %reduce_sum3A_4, %jit3A_35 : i32
    %ne3A_50 = arith.constant 0 : i32
    %ne3A_51 = arith.cmpi ne, %rem3A, %ne3A_50 : i32
    %and3A = arith.andi %ne3A, %ne3A_51 : i1
    %sub3A_52 = arith.constant 1 : i32
    %sub3A_53 = arith.subi %div3A_36, %sub3A_52 : i32
    %select_n3A_54 = arith.select %and3A, %sub3A_53, %div3A_36 : i32
    %mul3A_55 = arith.constant 8 : i32
    %mul3A_56 = arith.muli %select_n3A_54, %mul3A_55 : i32
    %sub3A_57 = arith.subi %reduce_sum3A_15, %mul3A_56 : i32
    %add3A_58 = arith.constant 128 : i32
    %add3A_59 = arith.addi %sub3A_57, %add3A_58 : i32
    %sub3A_60 = arith.constant 1 : i32
    %sub3A_61 = arith.subi %add3A_59, %sub3A_60 : i32
    %jit3A_62 = arith.constant 128 : i32
    %div3A_63 = arith.divsi %sub3A_61, %jit3A_62 : i32
    %sign3A_64 = arith.constant 0 : i32
    %sign3A_65 = arith.cmpi sgt, %sub3A_61, %sign3A_64 : i32
    %sign3A_66 = arith.extui %sign3A_65 : i1 to i32
    %sign3A_67 = arith.constant 0 : i32
    %sign3A_68 = arith.cmpi slt, %sub3A_61, %sign3A_67 : i32
    %sign3A_69 = arith.extui %sign3A_68 : i1 to i32
    %sign3A_70 = arith.subi %sign3A_66, %sign3A_69 : i32
    %sign3A_71 = arith.constant 0 : i32
    %sign3A_72 = arith.cmpi sgt, %jit3A_62, %sign3A_71 : i32
    %sign3A_73 = arith.extui %sign3A_72 : i1 to i32
    %sign3A_74 = arith.constant 0 : i32
    %sign3A_75 = arith.cmpi slt, %jit3A_62, %sign3A_74 : i32
    %sign3A_76 = arith.extui %sign3A_75 : i1 to i32
    %sign3A_77 = arith.subi %sign3A_73, %sign3A_76 : i32
    %ne3A_78 = arith.cmpi ne, %sign3A_70, %sign3A_77 : i32
    %rem3A_79 = arith.remsi %sub3A_61, %jit3A_62 : i32
    %ne3A_80 = arith.constant 0 : i32
    %ne3A_81 = arith.cmpi ne, %rem3A_79, %ne3A_80 : i32
    %and3A_82 = arith.andi %ne3A_78, %ne3A_81 : i1
    %sub3A_83 = arith.constant 1 : i32
    %sub3A_84 = arith.subi %div3A_63, %sub3A_83 : i32
    %select_n3A_85 = arith.select %and3A_82, %sub3A_84, %div3A_63 : i32
    %gt3A = arith.constant 0 : i32
    %gt3A_86 = arith.cmpi sgt, %select_n3A_85, %gt3A : i32
    %convert_element_type3A = arith.extui %gt3A_86 : i1 to i32
    %cond3A = arith.constant 0 : i32
    %cond3A_87 = arith.cmpi ne, %convert_element_type3A, %cond3A : i32
    scf.if %cond3A_87 {
      %add3A_128 = arith.constant 0 : i32
      %add3A_129 = arith.addi %mul3A_56, %add3A_128 : i32
      "tpu.region"() ({
        %run_scoped3A = tpu.sem_alloc : memref<!tpu.dma_semaphore, #tpu.memory_space<semaphore_mem>>
        %dma_start3A_137 = tpu.memref_slice %arg3[%add3A_129] : memref<161536xi32, #tpu.memory_space<hbm>> -> memref<1280xi32, #tpu.memory_space<hbm>>
        %dma_start3A_138 = tpu.memref_slice %arg3[%add3A_129] : memref<161536xi32, #tpu.memory_space<hbm>> -> memref<1280xi32, #tpu.memory_space<hbm>>
        tpu.enqueue_dma source(%dma_start3A_138 : memref<1280xi32, #tpu.memory_space<hbm>>) target(%arg16 : memref<1280xi32, #tpu.memory_space<vmem>>) target_semaphore(%run_scoped3A : memref<!tpu.dma_semaphore, #tpu.memory_space<semaphore_mem>>)
        %dma_wait3A = tpu.memref_slice %arg3[%add3A_129] : memref<161536xi32, #tpu.memory_space<hbm>> -> memref<1280xi32, #tpu.memory_space<hbm>>
        %dma_wait3A_139 = tpu.memref_slice %arg3[%add3A_129] : memref<161536xi32, #tpu.memory_space<hbm>> -> memref<1280xi32, #tpu.memory_space<hbm>>
        tpu.wait_dma2 semaphore(%run_scoped3A : memref<!tpu.dma_semaphore, #tpu.memory_space<semaphore_mem>>) src(%dma_wait3A_139 : memref<1280xi32, #tpu.memory_space<hbm>>) dst(%arg16 : memref<1280xi32, #tpu.memory_space<vmem>>)
        tpu.yield
      }) : () -> ()
      "tpu.region"() ({
        %run_scoped3A = tpu.sem_alloc : memref<!tpu.dma_semaphore, #tpu.memory_space<semaphore_mem>>
        %dma_start3A_137 = tpu.memref_slice %arg4[%add3A_129] : memref<161536xi32, #tpu.memory_space<hbm>> -> memref<1280xi32, #tpu.memory_space<hbm>>
        %dma_start3A_138 = tpu.memref_slice %arg4[%add3A_129] : memref<161536xi32, #tpu.memory_space<hbm>> -> memref<1280xi32, #tpu.memory_space<hbm>>
        tpu.enqueue_dma source(%dma_start3A_138 : memref<1280xi32, #tpu.memory_space<hbm>>) target(%arg17 : memref<1280xi32, #tpu.memory_space<vmem>>) target_semaphore(%run_scoped3A : memref<!tpu.dma_semaphore, #tpu.memory_space<semaphore_mem>>)
        %dma_wait3A = tpu.memref_slice %arg4[%add3A_129] : memref<161536xi32, #tpu.memory_space<hbm>> -> memref<1280xi32, #tpu.memory_space<hbm>>
        %dma_wait3A_139 = tpu.memref_slice %arg4[%add3A_129] : memref<161536xi32, #tpu.memory_space<hbm>> -> memref<1280xi32, #tpu.memory_space<hbm>>
        tpu.wait_dma2 semaphore(%run_scoped3A : memref<!tpu.dma_semaphore, #tpu.memory_space<semaphore_mem>>) src(%dma_wait3A_139 : memref<1280xi32, #tpu.memory_space<hbm>>) dst(%arg17 : memref<1280xi32, #tpu.memory_space<vmem>>)
        tpu.yield
      }) : () -> ()
      %scan3A_130 = arith.constant 0 : i32
      %scan3A_131 = arith.constant 8 : i32
      %scan3A_132 = arith.addi %scan3A_130, %scan3A_131 : i32
      %scan3A_133 = arith.constant 1 : i32
      scf.for %scan3A_137 = %scan3A_130 to %scan3A_132 step %scan3A_133  : i32 {
        %mul3A_138 = arith.constant 16 : i32
        %mul3A_139 = arith.muli %scan3A_137, %mul3A_138 : i32
        %add3A_140 = arith.constant 0 : i32
        %add3A_141 = arith.addi %add3A_140, %mul3A_139 : i32
        %add3A_142 = arith.addi %add3A_129, %add3A_141 : i32
        %add3A_143 = vector.broadcast %add3A_142 : i32 to vector<16xi32>
        %add3A_144 = arith.addi %add3A_143, %iota3A : vector<16xi32>
        %ge3A = vector.broadcast %reduce_sum3A_4 : i32 to vector<16xi32>
        %ge3A_145 = arith.cmpi sge, %add3A_144, %ge3A : vector<16xi32>
        %lt3A = vector.broadcast %reduce_sum3A_15 : i32 to vector<16xi32>
        %lt3A_146 = arith.cmpi slt, %add3A_144, %lt3A : vector<16xi32>
        %and3A_147 = arith.andi %ge3A_145, %lt3A_146 : vector<16xi1>
        %add3A_148 = arith.constant 0 : i32
        %add3A_149 = arith.addi %add3A_148, %add3A_141 : i32
        %get3A_150 = arith.index_cast %add3A_149 : i32 to index
        %get3A_151 = tpu.vector_load %arg17[%get3A_150] {strides = array<i32>} : memref<1280xi32, #tpu.memory_space<vmem>>, vector<16xi32>,
        %add3A_152 = arith.constant 10000 : i32
        %add3A_153 = vector.broadcast %add3A_152 : i32 to vector<16xi32>
        %add3A_154 = arith.addi %add3A_153, %iota3A : vector<16xi32>
        %select_n3A_155 = arith.select %and3A_147, %get3A_151, %add3A_154 : vector<16xi1>, vector<16xi32>
        %swap3A = arith.index_cast %add3A_141 : i32 to index
        %swap3A_156 = tpu.vector_load %arg9[%swap3A] {strides = array<i32>} : memref<128xi32, #tpu.memory_space<vmem>>, vector<16xi32>,
        tpu.vector_store %arg9[%swap3A], %select_n3A_155 {strides = array<i32>} : memref<128xi32, #tpu.memory_space<vmem>>, vector<16xi32>,
        %add3A_157 = arith.constant 0 : i32
        %add3A_158 = arith.addi %add3A_157, %add3A_141 : i32
        %get3A_159 = arith.index_cast %add3A_158 : i32 to index
        %get3A_160 = tpu.vector_load %arg16[%get3A_159] {strides = array<i32>} : memref<1280xi32, #tpu.memory_space<vmem>>, vector<16xi32>,
        %mul3A_161 = arith.constant 2 : i32
        %mul3A_162 = vector.broadcast %mul3A_161 : i32 to vector<16xi32>
        %mul3A_163 = arith.muli %get3A_160, %mul3A_162 : vector<16xi32>
        %add3A_164 = vector.broadcast %arg0 : i32 to vector<16xi32>
        %add3A_165 = arith.addi %mul3A_163, %add3A_164 : vector<16xi32>
        %swap3A_166 = arith.index_cast %add3A_141 : i32 to index
        %swap3A_167 = tpu.vector_load %arg8[%swap3A_166] {strides = array<i32>} : memref<128xi32, #tpu.memory_space<vmem>>, vector<16xi32>,
        tpu.vector_store %arg8[%swap3A_166], %add3A_165 {strides = array<i32>} : memref<128xi32, #tpu.memory_space<vmem>>, vector<16xi32>,
      }
      %scan3A_134 = arith.constant 8 : i32
      %dma_start3A = arith.constant 0 : i32
      %dma_start3A_135 = arith.constant 0 : i32
      %dma_start3A_136 = tpu.memref_slice %arg2[%dma_start3A, %dma_start3A_135] : memref<20000x128xf32, #tpu.memory_space<hbm>> -> memref<20000x128xf32, #tpu.memory_space<hbm>>
      tpu.enqueue_indirect_dma source(%dma_start3A_136 : memref<20000x128xf32, #tpu.memory_space<hbm>>) target(%arg10 : memref<128x128xf32, #tpu.memory_space<vmem>>) offsets(%arg8 : memref<128xi32, #tpu.memory_space<vmem>>) semaphore(%arg14 : memref<!tpu.dma_semaphore, #tpu.memory_space<semaphore_mem>>)
    } else {
    }
    %sub3A_88 = arith.constant 0 : i32
    %sub3A_89 = arith.subi %select_n3A_85, %sub3A_88 : i32
    %sub3A_90 = arith.constant 1 : i32
    %sub3A_91 = arith.constant 1 : i32
    %sub3A_92 = arith.subi %sub3A_90, %sub3A_91 : i32
    %add3A_93 = arith.addi %sub3A_89, %sub3A_92 : i32
    %div3A_94 = arith.constant 1 : i32
    %div3A_95 = arith.divsi %add3A_93, %div3A_94 : i32
    %while3A_96 = arith.constant 1 : i32
    %while3A_97 = arith.constant 0 : i32
    %while3A_98 = arith.constant 0 : i32
    %while3A_99 = arith.subi %div3A_95, %while3A_98 : i32
    %while3A_100 = arith.addi %while3A_98, %while3A_99 : i32
    %while3A_101 = arith.constant 1 : i32
    %while3A_102 = arith.divsi %while3A_99, %while3A_101 : i32
    %while3A_103 = arith.muli %while3A_102, %while3A_101 : i32
    %while3A_104 = arith.addi %while3A_98, %while3A_103 : i32
    %while3A_105 = arith.constant 1 : i32
    scf.for %while3A_128 = %while3A_98 to %while3A_104 step %while3A_105  : i32 {
      %mul3A_129 = arith.muli %while3A_128, %while3A_96 : i32
      %add3A_130 = arith.addi %while3A_97, %mul3A_129 : i32
      %jit3A_131 = arith.constant 2 : i32
      %eq3A_132 = arith.constant 0 : i32
      %eq3A_133 = arith.cmpi eq, %jit3A_131, %eq3A_132 : i32
      %jit3A_134 = arith.constant 1 : i32
      %select_n3A_135 = arith.select %eq3A_133, %jit3A_134, %jit3A_131 : i32
      %rem3A_136 = arith.remsi %add3A_130, %select_n3A_135 : i32
      %ne3A_137 = arith.constant 0 : i32
      %ne3A_138 = arith.cmpi ne, %rem3A_136, %ne3A_137 : i32
      %lt3A = arith.constant 0 : i32
      %lt3A_139 = arith.cmpi slt, %rem3A_136, %lt3A : i32
      %lt3A_140 = arith.constant 0 : i32
      %lt3A_141 = arith.cmpi slt, %select_n3A_135, %lt3A_140 : i32
      %ne3A_142 = arith.xori %lt3A_139, %lt3A_141 : i1
      %and3A_143 = arith.andi %ne3A_142, %ne3A_138 : i1
      %add3A_144 = arith.addi %rem3A_136, %select_n3A_135 : i32
      %select_n3A_145 = arith.select %and3A_143, %add3A_144, %rem3A_136 : i32
      %eq3A_146 = arith.constant 0 : i32
      %eq3A_147 = arith.cmpi eq, %select_n3A_145, %eq3A_146 : i32
      %add3A_148 = arith.constant 1 : i32
      %add3A_149 = arith.addi %add3A_130, %add3A_148 : i32
      %lt3A_150 = arith.cmpi slt, %add3A_149, %select_n3A_85 : i32
      %and3A_151 = arith.andi %lt3A_150, %eq3A_147 : i1
      %convert_element_type3A_152 = arith.extui %and3A_151 : i1 to i32
      %cond3A_153 = arith.constant 0 : i32
      %cond3A_154 = arith.cmpi ne, %convert_element_type3A_152, %cond3A_153 : i32
      scf.if %cond3A_154 {
        %add3A_171 = arith.constant 1 : i32
        %add3A_172 = arith.addi %add3A_130, %add3A_171 : i32
        %mul3A_173 = arith.constant 128 : i32
        %mul3A_174 = arith.muli %add3A_172, %mul3A_173 : i32
        %add3A_175 = arith.addi %mul3A_56, %mul3A_174 : i32
        %jit3A_176 = arith.constant 10 : i32
        %eq3A_177 = arith.constant 0 : i32
        %eq3A_178 = arith.cmpi eq, %jit3A_176, %eq3A_177 : i32
        %jit3A_179 = arith.constant 1 : i32
        %select_n3A_180 = arith.select %eq3A_178, %jit3A_179, %jit3A_176 : i32
        %rem3A_181 = arith.remsi %add3A_172, %select_n3A_180 : i32
        %ne3A_182 = arith.constant 0 : i32
        %ne3A_183 = arith.cmpi ne, %rem3A_181, %ne3A_182 : i32
        %lt3A_184 = arith.constant 0 : i32
        %lt3A_185 = arith.cmpi slt, %rem3A_181, %lt3A_184 : i32
        %lt3A_186 = arith.constant 0 : i32
        %lt3A_187 = arith.cmpi slt, %select_n3A_180, %lt3A_186 : i32
        %ne3A_188 = arith.xori %lt3A_185, %lt3A_187 : i1
        %and3A_189 = arith.andi %ne3A_188, %ne3A_183 : i1
        %add3A_190 = arith.addi %rem3A_181, %select_n3A_180 : i32
        %select_n3A_191 = arith.select %and3A_189, %add3A_190, %rem3A_181 : i32
        %mul3A_192 = arith.constant 128 : i32
        %mul3A_193 = arith.muli %select_n3A_191, %mul3A_192 : i32
        %eq3A_194 = arith.constant 0 : i32
        %eq3A_195 = arith.cmpi eq, %mul3A_193, %eq3A_194 : i32
        %convert_element_type3A_196 = arith.extui %eq3A_195 : i1 to i32
        %cond3A_197 = arith.constant 0 : i32
        %cond3A_198 = arith.cmpi ne, %convert_element_type3A_196, %cond3A_197 : i32
        scf.if %cond3A_198 {
          "tpu.region"() ({
            %run_scoped3A = tpu.sem_alloc : memref<!tpu.dma_semaphore, #tpu.memory_space<semaphore_mem>>
            %dma_start3A_206 = tpu.memref_slice %arg3[%add3A_175] : memref<161536xi32, #tpu.memory_space<hbm>> -> memref<1280xi32, #tpu.memory_space<hbm>>
            %dma_start3A_207 = tpu.memref_slice %arg3[%add3A_175] : memref<161536xi32, #tpu.memory_space<hbm>> -> memref<1280xi32, #tpu.memory_space<hbm>>
            tpu.enqueue_dma source(%dma_start3A_207 : memref<1280xi32, #tpu.memory_space<hbm>>) target(%arg16 : memref<1280xi32, #tpu.memory_space<vmem>>) target_semaphore(%run_scoped3A : memref<!tpu.dma_semaphore, #tpu.memory_space<semaphore_mem>>)
            %dma_wait3A = tpu.memref_slice %arg3[%add3A_175] : memref<161536xi32, #tpu.memory_space<hbm>> -> memref<1280xi32, #tpu.memory_space<hbm>>
            %dma_wait3A_208 = tpu.memref_slice %arg3[%add3A_175] : memref<161536xi32, #tpu.memory_space<hbm>> -> memref<1280xi32, #tpu.memory_space<hbm>>
            tpu.wait_dma2 semaphore(%run_scoped3A : memref<!tpu.dma_semaphore, #tpu.memory_space<semaphore_mem>>) src(%dma_wait3A_208 : memref<1280xi32, #tpu.memory_space<hbm>>) dst(%arg16 : memref<1280xi32, #tpu.memory_space<vmem>>)
            tpu.yield
          }) : () -> ()
          "tpu.region"() ({
            %run_scoped3A = tpu.sem_alloc : memref<!tpu.dma_semaphore, #tpu.memory_space<semaphore_mem>>
            %dma_start3A_206 = tpu.memref_slice %arg4[%add3A_175] : memref<161536xi32, #tpu.memory_space<hbm>> -> memref<1280xi32, #tpu.memory_space<hbm>>
            %dma_start3A_207 = tpu.memref_slice %arg4[%add3A_175] : memref<161536xi32, #tpu.memory_space<hbm>> -> memref<1280xi32, #tpu.memory_space<hbm>>
            tpu.enqueue_dma source(%dma_start3A_207 : memref<1280xi32, #tpu.memory_space<hbm>>) target(%arg17 : memref<1280xi32, #tpu.memory_space<vmem>>) target_semaphore(%run_scoped3A : memref<!tpu.dma_semaphore, #tpu.memory_space<semaphore_mem>>)
            %dma_wait3A = tpu.memref_slice %arg4[%add3A_175] : memref<161536xi32, #tpu.memory_space<hbm>> -> memref<1280xi32, #tpu.memory_space<hbm>>
            %dma_wait3A_208 = tpu.memref_slice %arg4[%add3A_175] : memref<161536xi32, #tpu.memory_space<hbm>> -> memref<1280xi32, #tpu.memory_space<hbm>>
            tpu.wait_dma2 semaphore(%run_scoped3A : memref<!tpu.dma_semaphore, #tpu.memory_space<semaphore_mem>>) src(%dma_wait3A_208 : memref<1280xi32, #tpu.memory_space<hbm>>) dst(%arg17 : memref<1280xi32, #tpu.memory_space<vmem>>)
            tpu.yield
          }) : () -> ()
        } else {
        }
        %scan3A_199 = arith.constant 0 : i32
        %scan3A_200 = arith.constant 8 : i32
        %scan3A_201 = arith.addi %scan3A_199, %scan3A_200 : i32
        %scan3A_202 = arith.constant 1 : i32
        scf.for %scan3A_206 = %scan3A_199 to %scan3A_201 step %scan3A_202  : i32 {
          %mul3A_207 = arith.constant 16 : i32
          %mul3A_208 = arith.muli %scan3A_206, %mul3A_207 : i32
          %add3A_209 = arith.constant 0 : i32
          %add3A_210 = arith.addi %add3A_209, %mul3A_208 : i32
          %add3A_211 = arith.addi %add3A_175, %add3A_210 : i32
          %add3A_212 = vector.broadcast %add3A_211 : i32 to vector<16xi32>
          %add3A_213 = arith.addi %add3A_212, %iota3A : vector<16xi32>
          %ge3A = vector.broadcast %reduce_sum3A_4 : i32 to vector<16xi32>
          %ge3A_214 = arith.cmpi sge, %add3A_213, %ge3A : vector<16xi32>
          %lt3A_215 = vector.broadcast %reduce_sum3A_15 : i32 to vector<16xi32>
          %lt3A_216 = arith.cmpi slt, %add3A_213, %lt3A_215 : vector<16xi32>
          %and3A_217 = arith.andi %ge3A_214, %lt3A_216 : vector<16xi1>
          %add3A_218 = arith.addi %mul3A_193, %add3A_210 : i32
          %get3A_219 = arith.index_cast %add3A_218 : i32 to index
          %get3A_220 = tpu.vector_load %arg17[%get3A_219] {strides = array<i32>} : memref<1280xi32, #tpu.memory_space<vmem>>, vector<16xi32>,
          %add3A_221 = arith.constant 10000 : i32
          %add3A_222 = vector.broadcast %add3A_221 : i32 to vector<16xi32>
          %add3A_223 = arith.addi %add3A_222, %iota3A : vector<16xi32>
          %select_n3A_224 = arith.select %and3A_217, %get3A_220, %add3A_223 : vector<16xi1>, vector<16xi32>
          %swap3A = arith.index_cast %add3A_210 : i32 to index
          %swap3A_225 = tpu.vector_load %arg12[%swap3A] {strides = array<i32>} : memref<128xi32, #tpu.memory_space<vmem>>, vector<16xi32>,
          tpu.vector_store %arg12[%swap3A], %select_n3A_224 {strides = array<i32>} : memref<128xi32, #tpu.memory_space<vmem>>, vector<16xi32>,
          %add3A_226 = arith.addi %mul3A_193, %add3A_210 : i32
          %get3A_227 = arith.index_cast %add3A_226 : i32 to index
          %get3A_228 = tpu.vector_load %arg16[%get3A_227] {strides = array<i32>} : memref<1280xi32, #tpu.memory_space<vmem>>, vector<16xi32>,
          %mul3A_229 = arith.constant 2 : i32
          %mul3A_230 = vector.broadcast %mul3A_229 : i32 to vector<16xi32>
          %mul3A_231 = arith.muli %get3A_228, %mul3A_230 : vector<16xi32>
          %add3A_232 = vector.broadcast %arg0 : i32 to vector<16xi32>
          %add3A_233 = arith.addi %mul3A_231, %add3A_232 : vector<16xi32>
          %swap3A_234 = arith.index_cast %add3A_210 : i32 to index
          %swap3A_235 = tpu.vector_load %arg11[%swap3A_234] {strides = array<i32>} : memref<128xi32, #tpu.memory_space<vmem>>, vector<16xi32>,
          tpu.vector_store %arg11[%swap3A_234], %add3A_233 {strides = array<i32>} : memref<128xi32, #tpu.memory_space<vmem>>, vector<16xi32>,
        }
        %scan3A_203 = arith.constant 8 : i32
        %dma_start3A = arith.constant 0 : i32
        %dma_start3A_204 = arith.constant 0 : i32
        %dma_start3A_205 = tpu.memref_slice %arg2[%dma_start3A, %dma_start3A_204] : memref<20000x128xf32, #tpu.memory_space<hbm>> -> memref<20000x128xf32, #tpu.memory_space<hbm>>
        tpu.enqueue_indirect_dma source(%dma_start3A_205 : memref<20000x128xf32, #tpu.memory_space<hbm>>) target(%arg13 : memref<128x128xf32, #tpu.memory_space<vmem>>) offsets(%arg11 : memref<128xi32, #tpu.memory_space<vmem>>) semaphore(%arg15 : memref<!tpu.dma_semaphore, #tpu.memory_space<semaphore_mem>>)
      } else {
      }
      %add3A_155 = arith.constant 1 : i32
      %add3A_156 = arith.addi %add3A_130, %add3A_155 : i32
      %lt3A_157 = arith.cmpi slt, %add3A_156, %select_n3A_85 : i32
      %not3A = arith.constant true
      %not3A_158 = arith.xori %eq3A_147, %not3A : i1
      %and3A_159 = arith.andi %lt3A_157, %not3A_158 : i1
      %convert_element_type3A_160 = arith.extui %and3A_159 : i1 to i32
      %cond3A_161 = arith.constant 0 : i32
      %cond3A_162 = arith.cmpi ne, %convert_element_type3A_160, %cond3A_161 : i32
      scf.if %cond3A_162 {
        %add3A_171 = arith.constant 1 : i32
        %add3A_172 = arith.addi %add3A_130, %add3A_171 : i32
        %mul3A_173 = arith.constant 128 : i32
        %mul3A_174 = arith.muli %add3A_172, %mul3A_173 : i32
        %add3A_175 = arith.addi %mul3A_56, %mul3A_174 : i32
        %jit3A_176 = arith.constant 10 : i32
        %eq3A_177 = arith.constant 0 : i32
        %eq3A_178 = arith.cmpi eq, %jit3A_176, %eq3A_177 : i32
        %jit3A_179 = arith.constant 1 : i32
        %select_n3A_180 = arith.select %eq3A_178, %jit3A_179, %jit3A_176 : i32
        %rem3A_181 = arith.remsi %add3A_172, %select_n3A_180 : i32
        %ne3A_182 = arith.constant 0 : i32
        %ne3A_183 = arith.cmpi ne, %rem3A_181, %ne3A_182 : i32
        %lt3A_184 = arith.constant 0 : i32
        %lt3A_185 = arith.cmpi slt, %rem3A_181, %lt3A_184 : i32
        %lt3A_186 = arith.constant 0 : i32
        %lt3A_187 = arith.cmpi slt, %select_n3A_180, %lt3A_186 : i32
        %ne3A_188 = arith.xori %lt3A_185, %lt3A_187 : i1
        %and3A_189 = arith.andi %ne3A_188, %ne3A_183 : i1
        %add3A_190 = arith.addi %rem3A_181, %select_n3A_180 : i32
        %select_n3A_191 = arith.select %and3A_189, %add3A_190, %rem3A_181 : i32
        %mul3A_192 = arith.constant 128 : i32
        %mul3A_193 = arith.muli %select_n3A_191, %mul3A_192 : i32
        %eq3A_194 = arith.constant 0 : i32
        %eq3A_195 = arith.cmpi eq, %mul3A_193, %eq3A_194 : i32
        %convert_element_type3A_196 = arith.extui %eq3A_195 : i1 to i32
        %cond3A_197 = arith.constant 0 : i32
        %cond3A_198 = arith.cmpi ne, %convert_element_type3A_196, %cond3A_197 : i32
        scf.if %cond3A_198 {
          "tpu.region"() ({
            %run_scoped3A = tpu.sem_alloc : memref<!tpu.dma_semaphore, #tpu.memory_space<semaphore_mem>>
            %dma_start3A_206 = tpu.memref_slice %arg3[%add3A_175] : memref<161536xi32, #tpu.memory_space<hbm>> -> memref<1280xi32, #tpu.memory_space<hbm>>
            %dma_start3A_207 = tpu.memref_slice %arg3[%add3A_175] : memref<161536xi32, #tpu.memory_space<hbm>> -> memref<1280xi32, #tpu.memory_space<hbm>>
            tpu.enqueue_dma source(%dma_start3A_207 : memref<1280xi32, #tpu.memory_space<hbm>>) target(%arg16 : memref<1280xi32, #tpu.memory_space<vmem>>) target_semaphore(%run_scoped3A : memref<!tpu.dma_semaphore, #tpu.memory_space<semaphore_mem>>)
            %dma_wait3A = tpu.memref_slice %arg3[%add3A_175] : memref<161536xi32, #tpu.memory_space<hbm>> -> memref<1280xi32, #tpu.memory_space<hbm>>
            %dma_wait3A_208 = tpu.memref_slice %arg3[%add3A_175] : memref<161536xi32, #tpu.memory_space<hbm>> -> memref<1280xi32, #tpu.memory_space<hbm>>
            tpu.wait_dma2 semaphore(%run_scoped3A : memref<!tpu.dma_semaphore, #tpu.memory_space<semaphore_mem>>) src(%dma_wait3A_208 : memref<1280xi32, #tpu.memory_space<hbm>>) dst(%arg16 : memref<1280xi32, #tpu.memory_space<vmem>>)
            tpu.yield
          }) : () -> ()
          "tpu.region"() ({
            %run_scoped3A = tpu.sem_alloc : memref<!tpu.dma_semaphore, #tpu.memory_space<semaphore_mem>>
            %dma_start3A_206 = tpu.memref_slice %arg4[%add3A_175] : memref<161536xi32, #tpu.memory_space<hbm>> -> memref<1280xi32, #tpu.memory_space<hbm>>
            %dma_start3A_207 = tpu.memref_slice %arg4[%add3A_175] : memref<161536xi32, #tpu.memory_space<hbm>> -> memref<1280xi32, #tpu.memory_space<hbm>>
            tpu.enqueue_dma source(%dma_start3A_207 : memref<1280xi32, #tpu.memory_space<hbm>>) target(%arg17 : memref<1280xi32, #tpu.memory_space<vmem>>) target_semaphore(%run_scoped3A : memref<!tpu.dma_semaphore, #tpu.memory_space<semaphore_mem>>)
            %dma_wait3A = tpu.memref_slice %arg4[%add3A_175] : memref<161536xi32, #tpu.memory_space<hbm>> -> memref<1280xi32, #tpu.memory_space<hbm>>
            %dma_wait3A_208 = tpu.memref_slice %arg4[%add3A_175] : memref<161536xi32, #tpu.memory_space<hbm>> -> memref<1280xi32, #tpu.memory_space<hbm>>
            tpu.wait_dma2 semaphore(%run_scoped3A : memref<!tpu.dma_semaphore, #tpu.memory_space<semaphore_mem>>) src(%dma_wait3A_208 : memref<1280xi32, #tpu.memory_space<hbm>>) dst(%arg17 : memref<1280xi32, #tpu.memory_space<vmem>>)
            tpu.yield
          }) : () -> ()
        } else {
        }
        %scan3A_199 = arith.constant 0 : i32
        %scan3A_200 = arith.constant 8 : i32
        %scan3A_201 = arith.addi %scan3A_199, %scan3A_200 : i32
        %scan3A_202 = arith.constant 1 : i32
        scf.for %scan3A_206 = %scan3A_199 to %scan3A_201 step %scan3A_202  : i32 {
          %mul3A_207 = arith.constant 16 : i32
          %mul3A_208 = arith.muli %scan3A_206, %mul3A_207 : i32
          %add3A_209 = arith.constant 0 : i32
          %add3A_210 = arith.addi %add3A_209, %mul3A_208 : i32
          %add3A_211 = arith.addi %add3A_175, %add3A_210 : i32
          %add3A_212 = vector.broadcast %add3A_211 : i32 to vector<16xi32>
          %add3A_213 = arith.addi %add3A_212, %iota3A : vector<16xi32>
          %ge3A = vector.broadcast %reduce_sum3A_4 : i32 to vector<16xi32>
          %ge3A_214 = arith.cmpi sge, %add3A_213, %ge3A : vector<16xi32>
          %lt3A_215 = vector.broadcast %reduce_sum3A_15 : i32 to vector<16xi32>
          %lt3A_216 = arith.cmpi slt, %add3A_213, %lt3A_215 : vector<16xi32>
          %and3A_217 = arith.andi %ge3A_214, %lt3A_216 : vector<16xi1>
          %add3A_218 = arith.addi %mul3A_193, %add3A_210 : i32
          %get3A_219 = arith.index_cast %add3A_218 : i32 to index
          %get3A_220 = tpu.vector_load %arg17[%get3A_219] {strides = array<i32>} : memref<1280xi32, #tpu.memory_space<vmem>>, vector<16xi32>,
          %add3A_221 = arith.constant 10000 : i32
          %add3A_222 = vector.broadcast %add3A_221 : i32 to vector<16xi32>
          %add3A_223 = arith.addi %add3A_222, %iota3A : vector<16xi32>
          %select_n3A_224 = arith.select %and3A_217, %get3A_220, %add3A_223 : vector<16xi1>, vector<16xi32>
          %swap3A = arith.index_cast %add3A_210 : i32 to index
          %swap3A_225 = tpu.vector_load %arg9[%swap3A] {strides = array<i32>} : memref<128xi32, #tpu.memory_space<vmem>>, vector<16xi32>,
          tpu.vector_store %arg9[%swap3A], %select_n3A_224 {strides = array<i32>} : memref<128xi32, #tpu.memory_space<vmem>>, vector<16xi32>,
          %add3A_226 = arith.addi %mul3A_193, %add3A_210 : i32
          %get3A_227 = arith.index_cast %add3A_226 : i32 to index
          %get3A_228 = tpu.vector_load %arg16[%get3A_227] {strides = array<i32>} : memref<1280xi32, #tpu.memory_space<vmem>>, vector<16xi32>,
          %mul3A_229 = arith.constant 2 : i32
          %mul3A_230 = vector.broadcast %mul3A_229 : i32 to vector<16xi32>
          %mul3A_231 = arith.muli %get3A_228, %mul3A_230 : vector<16xi32>
          %add3A_232 = vector.broadcast %arg0 : i32 to vector<16xi32>
          %add3A_233 = arith.addi %mul3A_231, %add3A_232 : vector<16xi32>
          %swap3A_234 = arith.index_cast %add3A_210 : i32 to index
          %swap3A_235 = tpu.vector_load %arg8[%swap3A_234] {strides = array<i32>} : memref<128xi32, #tpu.memory_space<vmem>>, vector<16xi32>,
          tpu.vector_store %arg8[%swap3A_234], %add3A_233 {strides = array<i32>} : memref<128xi32, #tpu.memory_space<vmem>>, vector<16xi32>,
        }
        %scan3A_203 = arith.constant 8 : i32
        %dma_start3A = arith.constant 0 : i32
        %dma_start3A_204 = arith.constant 0 : i32
        %dma_start3A_205 = tpu.memref_slice %arg2[%dma_start3A, %dma_start3A_204] : memref<20000x128xf32, #tpu.memory_space<hbm>> -> memref<20000x128xf32, #tpu.memory_space<hbm>>
        tpu.enqueue_indirect_dma source(%dma_start3A_205 : memref<20000x128xf32, #tpu.memory_space<hbm>>) target(%arg10 : memref<128x128xf32, #tpu.memory_space<vmem>>) offsets(%arg8 : memref<128xi32, #tpu.memory_space<vmem>>) semaphore(%arg14 : memref<!tpu.dma_semaphore, #tpu.memory_space<semaphore_mem>>)
      } else {
      }
      %convert_element_type3A_163 = arith.extui %eq3A_147 : i1 to i32
      %cond3A_164 = arith.constant 0 : i32
      %cond3A_165 = arith.cmpi ne, %convert_element_type3A_163, %cond3A_164 : i32
      scf.if %cond3A_165 {
        %dma_wait3A = arith.constant 0 : i32
        %dma_wait3A_171 = arith.constant 0 : i32
        %dma_wait3A_172 = tpu.memref_slice %arg2[%dma_wait3A, %dma_wait3A_171] : memref<20000x128xf32, #tpu.memory_space<hbm>> -> memref<20000x128xf32, #tpu.memory_space<hbm>>
        tpu.wait_indirect_dma semaphore(%arg14 : memref<!tpu.dma_semaphore, #tpu.memory_space<semaphore_mem>>) src(%dma_wait3A_172 : memref<20000x128xf32, #tpu.memory_space<hbm>>) dst(%arg10 : memref<128x128xf32, #tpu.memory_space<vmem>>)
        "tpu.region"() ({
          %run_scoped3A = tpu.sem_alloc : memref<!tpu.dma_semaphore, #tpu.memory_space<semaphore_mem>>
          %dma_start3A = arith.constant 0 : i32
          %dma_start3A_173 = arith.constant 0 : i32
          %dma_start3A_174 = tpu.memref_slice %arg20[%dma_start3A, %dma_start3A_173] : memref<10016x128xf32, #tpu.memory_space<vmem_shared>> -> memref<10016x128xf32, #tpu.memory_space<vmem_shared>>
          tpu.enqueue_indirect_dma source(%arg10 : memref<128x128xf32, #tpu.memory_space<vmem>>) target(%dma_start3A_174 : memref<10016x128xf32, #tpu.memory_space<vmem_shared>>) offsets(%arg9 : memref<128xi32, #tpu.memory_space<vmem>>) semaphore(%run_scoped3A : memref<!tpu.dma_semaphore, #tpu.memory_space<semaphore_mem>>) {add = true}
          %dma_wait3A_175 = arith.constant 0 : i32
          %dma_wait3A_176 = arith.constant 0 : i32
          %dma_wait3A_177 = tpu.memref_slice %arg20[%dma_wait3A_175, %dma_wait3A_176] : memref<10016x128xf32, #tpu.memory_space<vmem_shared>> -> memref<10016x128xf32, #tpu.memory_space<vmem_shared>>
          tpu.wait_indirect_dma semaphore(%run_scoped3A : memref<!tpu.dma_semaphore, #tpu.memory_space<semaphore_mem>>) src(%arg10 : memref<128x128xf32, #tpu.memory_space<vmem>>) dst(%dma_wait3A_177 : memref<10016x128xf32, #tpu.memory_space<vmem_shared>>)
          tpu.yield
        }) : () -> ()
      } else {
      }
      %not3A_166 = arith.constant true
      %not3A_167 = arith.xori %eq3A_147, %not3A_166 : i1
      %convert_element_type3A_168 = arith.extui %not3A_167 : i1 to i32
      %cond3A_169 = arith.constant 0 : i32
      %cond3A_170 = arith.cmpi ne, %convert_element_type3A_168, %cond3A_169 : i32
      scf.if %cond3A_170 {
        %dma_wait3A = arith.constant 0 : i32
        %dma_wait3A_171 = arith.constant 0 : i32
        %dma_wait3A_172 = tpu.memref_slice %arg2[%dma_wait3A, %dma_wait3A_171] : memref<20000x128xf32, #tpu.memory_space<hbm>> -> memref<20000x128xf32, #tpu.memory_space<hbm>>
        tpu.wait_indirect_dma semaphore(%arg15 : memref<!tpu.dma_semaphore, #tpu.memory_space<semaphore_mem>>) src(%dma_wait3A_172 : memref<20000x128xf32, #tpu.memory_space<hbm>>) dst(%arg13 : memref<128x128xf32, #tpu.memory_space<vmem>>)
        "tpu.region"() ({
          %run_scoped3A = tpu.sem_alloc : memref<!tpu.dma_semaphore, #tpu.memory_space<semaphore_mem>>
          %dma_start3A = arith.constant 0 : i32
          %dma_start3A_173 = arith.constant 0 : i32
          %dma_start3A_174 = tpu.memref_slice %arg20[%dma_start3A, %dma_start3A_173] : memref<10016x128xf32, #tpu.memory_space<vmem_shared>> -> memref<10016x128xf32, #tpu.memory_space<vmem_shared>>
          tpu.enqueue_indirect_dma source(%arg13 : memref<128x128xf32, #tpu.memory_space<vmem>>) target(%dma_start3A_174 : memref<10016x128xf32, #tpu.memory_space<vmem_shared>>) offsets(%arg12 : memref<128xi32, #tpu.memory_space<vmem>>) semaphore(%run_scoped3A : memref<!tpu.dma_semaphore, #tpu.memory_space<semaphore_mem>>) {add = true}
          %dma_wait3A_175 = arith.constant 0 : i32
          %dma_wait3A_176 = arith.constant 0 : i32
          %dma_wait3A_177 = tpu.memref_slice %arg20[%dma_wait3A_175, %dma_wait3A_176] : memref<10016x128xf32, #tpu.memory_space<vmem_shared>> -> memref<10016x128xf32, #tpu.memory_space<vmem_shared>>
          tpu.wait_indirect_dma semaphore(%run_scoped3A : memref<!tpu.dma_semaphore, #tpu.memory_space<semaphore_mem>>) src(%arg13 : memref<128x128xf32, #tpu.memory_space<vmem>>) dst(%dma_wait3A_177 : memref<10016x128xf32, #tpu.memory_space<vmem_shared>>)
          tpu.yield
        }) : () -> ()
      } else {
      }
    }
    %while3A_106 = arith.constant 1 : i32
    scf.for %while3A_128 = %while3A_104 to %while3A_100 step %while3A_106  : i32 {
      %mul3A_129 = arith.muli %while3A_128, %while3A_96 : i32
      %add3A_130 = arith.addi %while3A_97, %mul3A_129 : i32
      %jit3A_131 = arith.constant 2 : i32
      %eq3A_132 = arith.constant 0 : i32
      %eq3A_133 = arith.cmpi eq, %jit3A_131, %eq3A_132 : i32
      %jit3A_134 = arith.constant 1 : i32
      %select_n3A_135 = arith.select %eq3A_133, %jit3A_134, %jit3A_131 : i32
      %rem3A_136 = arith.remsi %add3A_130, %select_n3A_135 : i32
      %ne3A_137 = arith.constant 0 : i32
      %ne3A_138 = arith.cmpi ne, %rem3A_136, %ne3A_137 : i32
      %lt3A = arith.constant 0 : i32
      %lt3A_139 = arith.cmpi slt, %rem3A_136, %lt3A : i32
      %lt3A_140 = arith.constant 0 : i32
      %lt3A_141 = arith.cmpi slt, %select_n3A_135, %lt3A_140 : i32
      %ne3A_142 = arith.xori %lt3A_139, %lt3A_141 : i1
      %and3A_143 = arith.andi %ne3A_142, %ne3A_138 : i1
      %add3A_144 = arith.addi %rem3A_136, %select_n3A_135 : i32
      %select_n3A_145 = arith.select %and3A_143, %add3A_144, %rem3A_136 : i32
      %eq3A_146 = arith.constant 0 : i32
      %eq3A_147 = arith.cmpi eq, %select_n3A_145, %eq3A_146 : i32
      %add3A_148 = arith.constant 1 : i32
      %add3A_149 = arith.addi %add3A_130, %add3A_148 : i32
      %lt3A_150 = arith.cmpi slt, %add3A_149, %select_n3A_85 : i32
      %and3A_151 = arith.andi %lt3A_150, %eq3A_147 : i1
      %convert_element_type3A_152 = arith.extui %and3A_151 : i1 to i32
      %cond3A_153 = arith.constant 0 : i32
      %cond3A_154 = arith.cmpi ne, %convert_element_type3A_152, %cond3A_153 : i32
      scf.if %cond3A_154 {
        %add3A_171 = arith.constant 1 : i32
        %add3A_172 = arith.addi %add3A_130, %add3A_171 : i32
        %mul3A_173 = arith.constant 128 : i32
        %mul3A_174 = arith.muli %add3A_172, %mul3A_173 : i32
        %add3A_175 = arith.addi %mul3A_56, %mul3A_174 : i32
        %jit3A_176 = arith.constant 10 : i32
        %eq3A_177 = arith.constant 0 : i32
        %eq3A_178 = arith.cmpi eq, %jit3A_176, %eq3A_177 : i32
        %jit3A_179 = arith.constant 1 : i32
        %select_n3A_180 = arith.select %eq3A_178, %jit3A_179, %jit3A_176 : i32
        %rem3A_181 = arith.remsi %add3A_172, %select_n3A_180 : i32
        %ne3A_182 = arith.constant 0 : i32
        %ne3A_183 = arith.cmpi ne, %rem3A_181, %ne3A_182 : i32
        %lt3A_184 = arith.constant 0 : i32
        %lt3A_185 = arith.cmpi slt, %rem3A_181, %lt3A_184 : i32
        %lt3A_186 = arith.constant 0 : i32
        %lt3A_187 = arith.cmpi slt, %select_n3A_180, %lt3A_186 : i32
        %ne3A_188 = arith.xori %lt3A_185, %lt3A_187 : i1
        %and3A_189 = arith.andi %ne3A_188, %ne3A_183 : i1
        %add3A_190 = arith.addi %rem3A_181, %select_n3A_180 : i32
        %select_n3A_191 = arith.select %and3A_189, %add3A_190, %rem3A_181 : i32
        %mul3A_192 = arith.constant 128 : i32
        %mul3A_193 = arith.muli %select_n3A_191, %mul3A_192 : i32
        %eq3A_194 = arith.constant 0 : i32
        %eq3A_195 = arith.cmpi eq, %mul3A_193, %eq3A_194 : i32
        %convert_element_type3A_196 = arith.extui %eq3A_195 : i1 to i32
        %cond3A_197 = arith.constant 0 : i32
        %cond3A_198 = arith.cmpi ne, %convert_element_type3A_196, %cond3A_197 : i32
        scf.if %cond3A_198 {
          "tpu.region"() ({
            %run_scoped3A = tpu.sem_alloc : memref<!tpu.dma_semaphore, #tpu.memory_space<semaphore_mem>>
            %dma_start3A_206 = tpu.memref_slice %arg3[%add3A_175] : memref<161536xi32, #tpu.memory_space<hbm>> -> memref<1280xi32, #tpu.memory_space<hbm>>
            %dma_start3A_207 = tpu.memref_slice %arg3[%add3A_175] : memref<161536xi32, #tpu.memory_space<hbm>> -> memref<1280xi32, #tpu.memory_space<hbm>>
            tpu.enqueue_dma source(%dma_start3A_207 : memref<1280xi32, #tpu.memory_space<hbm>>) target(%arg16 : memref<1280xi32, #tpu.memory_space<vmem>>) target_semaphore(%run_scoped3A : memref<!tpu.dma_semaphore, #tpu.memory_space<semaphore_mem>>)
            %dma_wait3A = tpu.memref_slice %arg3[%add3A_175] : memref<161536xi32, #tpu.memory_space<hbm>> -> memref<1280xi32, #tpu.memory_space<hbm>>
            %dma_wait3A_208 = tpu.memref_slice %arg3[%add3A_175] : memref<161536xi32, #tpu.memory_space<hbm>> -> memref<1280xi32, #tpu.memory_space<hbm>>
            tpu.wait_dma2 semaphore(%run_scoped3A : memref<!tpu.dma_semaphore, #tpu.memory_space<semaphore_mem>>) src(%dma_wait3A_208 : memref<1280xi32, #tpu.memory_space<hbm>>) dst(%arg16 : memref<1280xi32, #tpu.memory_space<vmem>>)
            tpu.yield
          }) : () -> ()
          "tpu.region"() ({
            %run_scoped3A = tpu.sem_alloc : memref<!tpu.dma_semaphore, #tpu.memory_space<semaphore_mem>>
            %dma_start3A_206 = tpu.memref_slice %arg4[%add3A_175] : memref<161536xi32, #tpu.memory_space<hbm>> -> memref<1280xi32, #tpu.memory_space<hbm>>
            %dma_start3A_207 = tpu.memref_slice %arg4[%add3A_175] : memref<161536xi32, #tpu.memory_space<hbm>> -> memref<1280xi32, #tpu.memory_space<hbm>>
            tpu.enqueue_dma source(%dma_start3A_207 : memref<1280xi32, #tpu.memory_space<hbm>>) target(%arg17 : memref<1280xi32, #tpu.memory_space<vmem>>) target_semaphore(%run_scoped3A : memref<!tpu.dma_semaphore, #tpu.memory_space<semaphore_mem>>)
            %dma_wait3A = tpu.memref_slice %arg4[%add3A_175] : memref<161536xi32, #tpu.memory_space<hbm>> -> memref<1280xi32, #tpu.memory_space<hbm>>
            %dma_wait3A_208 = tpu.memref_slice %arg4[%add3A_175] : memref<161536xi32, #tpu.memory_space<hbm>> -> memref<1280xi32, #tpu.memory_space<hbm>>
            tpu.wait_dma2 semaphore(%run_scoped3A : memref<!tpu.dma_semaphore, #tpu.memory_space<semaphore_mem>>) src(%dma_wait3A_208 : memref<1280xi32, #tpu.memory_space<hbm>>) dst(%arg17 : memref<1280xi32, #tpu.memory_space<vmem>>)
            tpu.yield
          }) : () -> ()
        } else {
        }
        %scan3A_199 = arith.constant 0 : i32
        %scan3A_200 = arith.constant 8 : i32
        %scan3A_201 = arith.addi %scan3A_199, %scan3A_200 : i32
        %scan3A_202 = arith.constant 1 : i32
        scf.for %scan3A_206 = %scan3A_199 to %scan3A_201 step %scan3A_202  : i32 {
          %mul3A_207 = arith.constant 16 : i32
          %mul3A_208 = arith.muli %scan3A_206, %mul3A_207 : i32
          %add3A_209 = arith.constant 0 : i32
          %add3A_210 = arith.addi %add3A_209, %mul3A_208 : i32
          %add3A_211 = arith.addi %add3A_175, %add3A_210 : i32
          %add3A_212 = vector.broadcast %add3A_211 : i32 to vector<16xi32>
          %add3A_213 = arith.addi %add3A_212, %iota3A : vector<16xi32>
          %ge3A = vector.broadcast %reduce_sum3A_4 : i32 to vector<16xi32>
          %ge3A_214 = arith.cmpi sge, %add3A_213, %ge3A : vector<16xi32>
          %lt3A_215 = vector.broadcast %reduce_sum3A_15 : i32 to vector<16xi32>
          %lt3A_216 = arith.cmpi slt, %add3A_213, %lt3A_215 : vector<16xi32>
          %and3A_217 = arith.andi %ge3A_214, %lt3A_216 : vector<16xi1>
          %add3A_218 = arith.addi %mul3A_193, %add3A_210 : i32
          %get3A_219 = arith.index_cast %add3A_218 : i32 to index
          %get3A_220 = tpu.vector_load %arg17[%get3A_219] {strides = array<i32>} : memref<1280xi32, #tpu.memory_space<vmem>>, vector<16xi32>,
          %add3A_221 = arith.constant 10000 : i32
          %add3A_222 = vector.broadcast %add3A_221 : i32 to vector<16xi32>
          %add3A_223 = arith.addi %add3A_222, %iota3A : vector<16xi32>
          %select_n3A_224 = arith.select %and3A_217, %get3A_220, %add3A_223 : vector<16xi1>, vector<16xi32>
          %swap3A = arith.index_cast %add3A_210 : i32 to index
          %swap3A_225 = tpu.vector_load %arg12[%swap3A] {strides = array<i32>} : memref<128xi32, #tpu.memory_space<vmem>>, vector<16xi32>,
          tpu.vector_store %arg12[%swap3A], %select_n3A_224 {strides = array<i32>} : memref<128xi32, #tpu.memory_space<vmem>>, vector<16xi32>,
          %add3A_226 = arith.addi %mul3A_193, %add3A_210 : i32
          %get3A_227 = arith.index_cast %add3A_226 : i32 to index
          %get3A_228 = tpu.vector_load %arg16[%get3A_227] {strides = array<i32>} : memref<1280xi32, #tpu.memory_space<vmem>>, vector<16xi32>,
          %mul3A_229 = arith.constant 2 : i32
          %mul3A_230 = vector.broadcast %mul3A_229 : i32 to vector<16xi32>
          %mul3A_231 = arith.muli %get3A_228, %mul3A_230 : vector<16xi32>
          %add3A_232 = vector.broadcast %arg0 : i32 to vector<16xi32>
          %add3A_233 = arith.addi %mul3A_231, %add3A_232 : vector<16xi32>
          %swap3A_234 = arith.index_cast %add3A_210 : i32 to index
          %swap3A_235 = tpu.vector_load %arg11[%swap3A_234] {strides = array<i32>} : memref<128xi32, #tpu.memory_space<vmem>>, vector<16xi32>,
          tpu.vector_store %arg11[%swap3A_234], %add3A_233 {strides = array<i32>} : memref<128xi32, #tpu.memory_space<vmem>>, vector<16xi32>,
        }
        %scan3A_203 = arith.constant 8 : i32
        %dma_start3A = arith.constant 0 : i32
        %dma_start3A_204 = arith.constant 0 : i32
        %dma_start3A_205 = tpu.memref_slice %arg2[%dma_start3A, %dma_start3A_204] : memref<20000x128xf32, #tpu.memory_space<hbm>> -> memref<20000x128xf32, #tpu.memory_space<hbm>>
        tpu.enqueue_indirect_dma source(%dma_start3A_205 : memref<20000x128xf32, #tpu.memory_space<hbm>>) target(%arg13 : memref<128x128xf32, #tpu.memory_space<vmem>>) offsets(%arg11 : memref<128xi32, #tpu.memory_space<vmem>>) semaphore(%arg15 : memref<!tpu.dma_semaphore, #tpu.memory_space<semaphore_mem>>)
      } else {
      }
      %add3A_155 = arith.constant 1 : i32
      %add3A_156 = arith.addi %add3A_130, %add3A_155 : i32
      %lt3A_157 = arith.cmpi slt, %add3A_156, %select_n3A_85 : i32
      %not3A = arith.constant true
      %not3A_158 = arith.xori %eq3A_147, %not3A : i1
      %and3A_159 = arith.andi %lt3A_157, %not3A_158 : i1
      %convert_element_type3A_160 = arith.extui %and3A_159 : i1 to i32
      %cond3A_161 = arith.constant 0 : i32
      %cond3A_162 = arith.cmpi ne, %convert_element_type3A_160, %cond3A_161 : i32
      scf.if %cond3A_162 {
        %add3A_171 = arith.constant 1 : i32
        %add3A_172 = arith.addi %add3A_130, %add3A_171 : i32
        %mul3A_173 = arith.constant 128 : i32
        %mul3A_174 = arith.muli %add3A_172, %mul3A_173 : i32
        %add3A_175 = arith.addi %mul3A_56, %mul3A_174 : i32
        %jit3A_176 = arith.constant 10 : i32
        %eq3A_177 = arith.constant 0 : i32
        %eq3A_178 = arith.cmpi eq, %jit3A_176, %eq3A_177 : i32
        %jit3A_179 = arith.constant 1 : i32
        %select_n3A_180 = arith.select %eq3A_178, %jit3A_179, %jit3A_176 : i32
        %rem3A_181 = arith.remsi %add3A_172, %select_n3A_180 : i32
        %ne3A_182 = arith.constant 0 : i32
        %ne3A_183 = arith.cmpi ne, %rem3A_181, %ne3A_182 : i32
        %lt3A_184 = arith.constant 0 : i32
        %lt3A_185 = arith.cmpi slt, %rem3A_181, %lt3A_184 : i32
        %lt3A_186 = arith.constant 0 : i32
        %lt3A_187 = arith.cmpi slt, %select_n3A_180, %lt3A_186 : i32
        %ne3A_188 = arith.xori %lt3A_185, %lt3A_187 : i1
        %and3A_189 = arith.andi %ne3A_188, %ne3A_183 : i1
        %add3A_190 = arith.addi %rem3A_181, %select_n3A_180 : i32
        %select_n3A_191 = arith.select %and3A_189, %add3A_190, %rem3A_181 : i32
        %mul3A_192 = arith.constant 128 : i32
        %mul3A_193 = arith.muli %select_n3A_191, %mul3A_192 : i32
        %eq3A_194 = arith.constant 0 : i32
        %eq3A_195 = arith.cmpi eq, %mul3A_193, %eq3A_194 : i32
        %convert_element_type3A_196 = arith.extui %eq3A_195 : i1 to i32
        %cond3A_197 = arith.constant 0 : i32
        %cond3A_198 = arith.cmpi ne, %convert_element_type3A_196, %cond3A_197 : i32
        scf.if %cond3A_198 {
          "tpu.region"() ({
            %run_scoped3A = tpu.sem_alloc : memref<!tpu.dma_semaphore, #tpu.memory_space<semaphore_mem>>
            %dma_start3A_206 = tpu.memref_slice %arg3[%add3A_175] : memref<161536xi32, #tpu.memory_space<hbm>> -> memref<1280xi32, #tpu.memory_space<hbm>>
            %dma_start3A_207 = tpu.memref_slice %arg3[%add3A_175] : memref<161536xi32, #tpu.memory_space<hbm>> -> memref<1280xi32, #tpu.memory_space<hbm>>
            tpu.enqueue_dma source(%dma_start3A_207 : memref<1280xi32, #tpu.memory_space<hbm>>) target(%arg16 : memref<1280xi32, #tpu.memory_space<vmem>>) target_semaphore(%run_scoped3A : memref<!tpu.dma_semaphore, #tpu.memory_space<semaphore_mem>>)
            %dma_wait3A = tpu.memref_slice %arg3[%add3A_175] : memref<161536xi32, #tpu.memory_space<hbm>> -> memref<1280xi32, #tpu.memory_space<hbm>>
            %dma_wait3A_208 = tpu.memref_slice %arg3[%add3A_175] : memref<161536xi32, #tpu.memory_space<hbm>> -> memref<1280xi32, #tpu.memory_space<hbm>>
            tpu.wait_dma2 semaphore(%run_scoped3A : memref<!tpu.dma_semaphore, #tpu.memory_space<semaphore_mem>>) src(%dma_wait3A_208 : memref<1280xi32, #tpu.memory_space<hbm>>) dst(%arg16 : memref<1280xi32, #tpu.memory_space<vmem>>)
            tpu.yield
          }) : () -> ()
          "tpu.region"() ({
            %run_scoped3A = tpu.sem_alloc : memref<!tpu.dma_semaphore, #tpu.memory_space<semaphore_mem>>
            %dma_start3A_206 = tpu.memref_slice %arg4[%add3A_175] : memref<161536xi32, #tpu.memory_space<hbm>> -> memref<1280xi32, #tpu.memory_space<hbm>>
            %dma_start3A_207 = tpu.memref_slice %arg4[%add3A_175] : memref<161536xi32, #tpu.memory_space<hbm>> -> memref<1280xi32, #tpu.memory_space<hbm>>
            tpu.enqueue_dma source(%dma_start3A_207 : memref<1280xi32, #tpu.memory_space<hbm>>) target(%arg17 : memref<1280xi32, #tpu.memory_space<vmem>>) target_semaphore(%run_scoped3A : memref<!tpu.dma_semaphore, #tpu.memory_space<semaphore_mem>>)
            %dma_wait3A = tpu.memref_slice %arg4[%add3A_175] : memref<161536xi32, #tpu.memory_space<hbm>> -> memref<1280xi32, #tpu.memory_space<hbm>>
            %dma_wait3A_208 = tpu.memref_slice %arg4[%add3A_175] : memref<161536xi32, #tpu.memory_space<hbm>> -> memref<1280xi32, #tpu.memory_space<hbm>>
            tpu.wait_dma2 semaphore(%run_scoped3A : memref<!tpu.dma_semaphore, #tpu.memory_space<semaphore_mem>>) src(%dma_wait3A_208 : memref<1280xi32, #tpu.memory_space<hbm>>) dst(%arg17 : memref<1280xi32, #tpu.memory_space<vmem>>)
            tpu.yield
          }) : () -> ()
        } else {
        }
        %scan3A_199 = arith.constant 0 : i32
        %scan3A_200 = arith.constant 8 : i32
        %scan3A_201 = arith.addi %scan3A_199, %scan3A_200 : i32
        %scan3A_202 = arith.constant 1 : i32
        scf.for %scan3A_206 = %scan3A_199 to %scan3A_201 step %scan3A_202  : i32 {
          %mul3A_207 = arith.constant 16 : i32
          %mul3A_208 = arith.muli %scan3A_206, %mul3A_207 : i32
          %add3A_209 = arith.constant 0 : i32
          %add3A_210 = arith.addi %add3A_209, %mul3A_208 : i32
          %add3A_211 = arith.addi %add3A_175, %add3A_210 : i32
          %add3A_212 = vector.broadcast %add3A_211 : i32 to vector<16xi32>
          %add3A_213 = arith.addi %add3A_212, %iota3A : vector<16xi32>
          %ge3A = vector.broadcast %reduce_sum3A_4 : i32 to vector<16xi32>
          %ge3A_214 = arith.cmpi sge, %add3A_213, %ge3A : vector<16xi32>
          %lt3A_215 = vector.broadcast %reduce_sum3A_15 : i32 to vector<16xi32>
          %lt3A_216 = arith.cmpi slt, %add3A_213, %lt3A_215 : vector<16xi32>
          %and3A_217 = arith.andi %ge3A_214, %lt3A_216 : vector<16xi1>
          %add3A_218 = arith.addi %mul3A_193, %add3A_210 : i32
          %get3A_219 = arith.index_cast %add3A_218 : i32 to index
          %get3A_220 = tpu.vector_load %arg17[%get3A_219] {strides = array<i32>} : memref<1280xi32, #tpu.memory_space<vmem>>, vector<16xi32>,
          %add3A_221 = arith.constant 10000 : i32
          %add3A_222 = vector.broadcast %add3A_221 : i32 to vector<16xi32>
          %add3A_223 = arith.addi %add3A_222, %iota3A : vector<16xi32>
          %select_n3A_224 = arith.select %and3A_217, %get3A_220, %add3A_223 : vector<16xi1>, vector<16xi32>
          %swap3A = arith.index_cast %add3A_210 : i32 to index
          %swap3A_225 = tpu.vector_load %arg9[%swap3A] {strides = array<i32>} : memref<128xi32, #tpu.memory_space<vmem>>, vector<16xi32>,
          tpu.vector_store %arg9[%swap3A], %select_n3A_224 {strides = array<i32>} : memref<128xi32, #tpu.memory_space<vmem>>, vector<16xi32>,
          %add3A_226 = arith.addi %mul3A_193, %add3A_210 : i32
          %get3A_227 = arith.index_cast %add3A_226 : i32 to index
          %get3A_228 = tpu.vector_load %arg16[%get3A_227] {strides = array<i32>} : memref<1280xi32, #tpu.memory_space<vmem>>, vector<16xi32>,
          %mul3A_229 = arith.constant 2 : i32
          %mul3A_230 = vector.broadcast %mul3A_229 : i32 to vector<16xi32>
          %mul3A_231 = arith.muli %get3A_228, %mul3A_230 : vector<16xi32>
          %add3A_232 = vector.broadcast %arg0 : i32 to vector<16xi32>
          %add3A_233 = arith.addi %mul3A_231, %add3A_232 : vector<16xi32>
          %swap3A_234 = arith.index_cast %add3A_210 : i32 to index
          %swap3A_235 = tpu.vector_load %arg8[%swap3A_234] {strides = array<i32>} : memref<128xi32, #tpu.memory_space<vmem>>, vector<16xi32>,
          tpu.vector_store %arg8[%swap3A_234], %add3A_233 {strides = array<i32>} : memref<128xi32, #tpu.memory_space<vmem>>, vector<16xi32>,
        }
        %scan3A_203 = arith.constant 8 : i32
        %dma_start3A = arith.constant 0 : i32
        %dma_start3A_204 = arith.constant 0 : i32
        %dma_start3A_205 = tpu.memref_slice %arg2[%dma_start3A, %dma_start3A_204] : memref<20000x128xf32, #tpu.memory_space<hbm>> -> memref<20000x128xf32, #tpu.memory_space<hbm>>
        tpu.enqueue_indirect_dma source(%dma_start3A_205 : memref<20000x128xf32, #tpu.memory_space<hbm>>) target(%arg10 : memref<128x128xf32, #tpu.memory_space<vmem>>) offsets(%arg8 : memref<128xi32, #tpu.memory_space<vmem>>) semaphore(%arg14 : memref<!tpu.dma_semaphore, #tpu.memory_space<semaphore_mem>>)
      } else {
      }
      %convert_element_type3A_163 = arith.extui %eq3A_147 : i1 to i32
      %cond3A_164 = arith.constant 0 : i32
      %cond3A_165 = arith.cmpi ne, %convert_element_type3A_163, %cond3A_164 : i32
      scf.if %cond3A_165 {
        %dma_wait3A = arith.constant 0 : i32
        %dma_wait3A_171 = arith.constant 0 : i32
        %dma_wait3A_172 = tpu.memref_slice %arg2[%dma_wait3A, %dma_wait3A_171] : memref<20000x128xf32, #tpu.memory_space<hbm>> -> memref<20000x128xf32, #tpu.memory_space<hbm>>
        tpu.wait_indirect_dma semaphore(%arg14 : memref<!tpu.dma_semaphore, #tpu.memory_space<semaphore_mem>>) src(%dma_wait3A_172 : memref<20000x128xf32, #tpu.memory_space<hbm>>) dst(%arg10 : memref<128x128xf32, #tpu.memory_space<vmem>>)
        "tpu.region"() ({
          %run_scoped3A = tpu.sem_alloc : memref<!tpu.dma_semaphore, #tpu.memory_space<semaphore_mem>>
          %dma_start3A = arith.constant 0 : i32
          %dma_start3A_173 = arith.constant 0 : i32
          %dma_start3A_174 = tpu.memref_slice %arg20[%dma_start3A, %dma_start3A_173] : memref<10016x128xf32, #tpu.memory_space<vmem_shared>> -> memref<10016x128xf32, #tpu.memory_space<vmem_shared>>
          tpu.enqueue_indirect_dma source(%arg10 : memref<128x128xf32, #tpu.memory_space<vmem>>) target(%dma_start3A_174 : memref<10016x128xf32, #tpu.memory_space<vmem_shared>>) offsets(%arg9 : memref<128xi32, #tpu.memory_space<vmem>>) semaphore(%run_scoped3A : memref<!tpu.dma_semaphore, #tpu.memory_space<semaphore_mem>>) {add = true}
          %dma_wait3A_175 = arith.constant 0 : i32
          %dma_wait3A_176 = arith.constant 0 : i32
          %dma_wait3A_177 = tpu.memref_slice %arg20[%dma_wait3A_175, %dma_wait3A_176] : memref<10016x128xf32, #tpu.memory_space<vmem_shared>> -> memref<10016x128xf32, #tpu.memory_space<vmem_shared>>
          tpu.wait_indirect_dma semaphore(%run_scoped3A : memref<!tpu.dma_semaphore, #tpu.memory_space<semaphore_mem>>) src(%arg10 : memref<128x128xf32, #tpu.memory_space<vmem>>) dst(%dma_wait3A_177 : memref<10016x128xf32, #tpu.memory_space<vmem_shared>>)
          tpu.yield
        }) : () -> ()
      } else {
      }
      %not3A_166 = arith.constant true
      %not3A_167 = arith.xori %eq3A_147, %not3A_166 : i1
      %convert_element_type3A_168 = arith.extui %not3A_167 : i1 to i32
      %cond3A_169 = arith.constant 0 : i32
      %cond3A_170 = arith.cmpi ne, %convert_element_type3A_168, %cond3A_169 : i32
      scf.if %cond3A_170 {
        %dma_wait3A = arith.constant 0 : i32
        %dma_wait3A_171 = arith.constant 0 : i32
        %dma_wait3A_172 = tpu.memref_slice %arg2[%dma_wait3A, %dma_wait3A_171] : memref<20000x128xf32, #tpu.memory_space<hbm>> -> memref<20000x128xf32, #tpu.memory_space<hbm>>
        tpu.wait_indirect_dma semaphore(%arg15 : memref<!tpu.dma_semaphore, #tpu.memory_space<semaphore_mem>>) src(%dma_wait3A_172 : memref<20000x128xf32, #tpu.memory_space<hbm>>) dst(%arg13 : memref<128x128xf32, #tpu.memory_space<vmem>>)
        "tpu.region"() ({
          %run_scoped3A = tpu.sem_alloc : memref<!tpu.dma_semaphore, #tpu.memory_space<semaphore_mem>>
          %dma_start3A = arith.constant 0 : i32
          %dma_start3A_173 = arith.constant 0 : i32
          %dma_start3A_174 = tpu.memref_slice %arg20[%dma_start3A, %dma_start3A_173] : memref<10016x128xf32, #tpu.memory_space<vmem_shared>> -> memref<10016x128xf32, #tpu.memory_space<vmem_shared>>
          tpu.enqueue_indirect_dma source(%arg13 : memref<128x128xf32, #tpu.memory_space<vmem>>) target(%dma_start3A_174 : memref<10016x128xf32, #tpu.memory_space<vmem_shared>>) offsets(%arg12 : memref<128xi32, #tpu.memory_space<vmem>>) semaphore(%run_scoped3A : memref<!tpu.dma_semaphore, #tpu.memory_space<semaphore_mem>>) {add = true}
          %dma_wait3A_175 = arith.constant 0 : i32
          %dma_wait3A_176 = arith.constant 0 : i32
          %dma_wait3A_177 = tpu.memref_slice %arg20[%dma_wait3A_175, %dma_wait3A_176] : memref<10016x128xf32, #tpu.memory_space<vmem_shared>> -> memref<10016x128xf32, #tpu.memory_space<vmem_shared>>
          tpu.wait_indirect_dma semaphore(%run_scoped3A : memref<!tpu.dma_semaphore, #tpu.memory_space<semaphore_mem>>) src(%arg13 : memref<128x128xf32, #tpu.memory_space<vmem>>) dst(%dma_wait3A_177 : memref<10016x128xf32, #tpu.memory_space<vmem_shared>>)
          tpu.yield
        }) : () -> ()
      } else {
      }
    }
    %barrier3A_107 = arith.constant 0 : index
    tpu.barrier barrier_id(%barrier3A_107)
    %mul3A_108 = arith.constant 16 : i32
    %mul3A_109 = arith.muli %arg1, %mul3A_108 : i32
    %sub3A_110 = arith.constant 10000 : i32
    %sub3A_111 = arith.subi %sub3A_110, %mul3A_109 : i32
    %sub3A_112 = arith.constant 256 : i32
    %sub3A_113 = arith.constant 1 : i32
    %sub3A_114 = arith.subi %sub3A_112, %sub3A_113 : i32
    %add3A_115 = arith.addi %sub3A_111, %sub3A_114 : i32
    %div3A_116 = arith.constant 256 : i32
    %div3A_117 = arith.divsi %add3A_115, %div3A_116 : i32
    %while3A_118 = arith.constant 256 : i32
    %while3A_119 = arith.constant 0 : i32
    %while3A_120 = arith.subi %div3A_117, %while3A_119 : i32
    %while3A_121 = arith.addi %while3A_119, %while3A_120 : i32
    %while3A_122 = arith.constant 1 : i32
    %while3A_123 = arith.divsi %while3A_120, %while3A_122 : i32
    %while3A_124 = arith.muli %while3A_123, %while3A_122 : i32
    %while3A_125 = arith.addi %while3A_119, %while3A_124 : i32
    %while3A_126 = arith.constant 1 : i32
    scf.for %while3A_128 = %while3A_119 to %while3A_125 step %while3A_126  : i32 {
      %mul3A_129 = arith.muli %while3A_128, %while3A_118 : i32
      %add3A_130 = arith.addi %mul3A_109, %mul3A_129 : i32
      "tpu.region"() ({
        %run_scoped3A = tpu.sem_alloc : memref<!tpu.dma_semaphore, #tpu.memory_space<semaphore_mem>>
        %dma_start3A = arith.constant 0 : i32
        %dma_start3A_131 = arith.constant 0 : i32
        %dma_start3A_132 = tpu.memref_slice %arg7[%arg0, %dma_start3A, %dma_start3A_131] : memref<2x10000x128xf32, #tpu.memory_space<hbm>> -> memref<1x10000x128xf32, #tpu.memory_space<hbm>>
        %dma_start3A_133 = tpu.memref_squeeze %dma_start3A_132 : memref<1x10000x128xf32, #tpu.memory_space<hbm>> -> memref<10000x128xf32, #tpu.memory_space<hbm>>
        %dma_start3A_134 = arith.constant 0 : i32
        %dma_start3A_135 = tpu.memref_slice %dma_start3A_133[%add3A_130, %dma_start3A_134] : memref<10000x128xf32, #tpu.memory_space<hbm>> -> memref<16x128xf32, #tpu.memory_space<hbm>>
        %dma_start3A_136 = arith.constant 0 : i32
        %dma_start3A_137 = tpu.memref_slice %arg20[%add3A_130, %dma_start3A_136] : memref<10016x128xf32, #tpu.memory_space<vmem_shared>> -> memref<16x128xf32, #tpu.memory_space<vmem_shared>>
        tpu.enqueue_dma source(%dma_start3A_137 : memref<16x128xf32, #tpu.memory_space<vmem_shared>>) target(%dma_start3A_135 : memref<16x128xf32, #tpu.memory_space<hbm>>) target_semaphore(%run_scoped3A : memref<!tpu.dma_semaphore, #tpu.memory_space<semaphore_mem>>)
        %dma_wait3A = arith.constant 0 : i32
        %dma_wait3A_138 = arith.constant 0 : i32
        %dma_wait3A_139 = tpu.memref_slice %arg7[%arg0, %dma_wait3A, %dma_wait3A_138] : memref<2x10000x128xf32, #tpu.memory_space<hbm>> -> memref<1x10000x128xf32, #tpu.memory_space<hbm>>
        %dma_wait3A_140 = tpu.memref_squeeze %dma_wait3A_139 : memref<1x10000x128xf32, #tpu.memory_space<hbm>> -> memref<10000x128xf32, #tpu.memory_space<hbm>>
        %dma_wait3A_141 = arith.constant 0 : i32
        %dma_wait3A_142 = tpu.memref_slice %dma_wait3A_140[%add3A_130, %dma_wait3A_141] : memref<10000x128xf32, #tpu.memory_space<hbm>> -> memref<16x128xf32, #tpu.memory_space<hbm>>
        %dma_wait3A_143 = arith.constant 0 : i32
        %dma_wait3A_144 = tpu.memref_slice %arg20[%add3A_130, %dma_wait3A_143] : memref<10016x128xf32, #tpu.memory_space<vmem_shared>> -> memref<16x128xf32, #tpu.memory_space<vmem_shared>>
        tpu.wait_dma2 semaphore(%run_scoped3A : memref<!tpu.dma_semaphore, #tpu.memory_space<semaphore_mem>>) src(%dma_wait3A_144 : memref<16x128xf32, #tpu.memory_space<vmem_shared>>) dst(%dma_wait3A_142 : memref<16x128xf32, #tpu.memory_space<hbm>>)
        tpu.yield
      }) : () -> ()
    }
    %while3A_127 = arith.constant 1 : i32
    scf.for %while3A_128 = %while3A_125 to %while3A_121 step %while3A_127  : i32 {
      %mul3A_129 = arith.muli %while3A_128, %while3A_118 : i32
      %add3A_130 = arith.addi %mul3A_109, %mul3A_129 : i32
      "tpu.region"() ({
        %run_scoped3A = tpu.sem_alloc : memref<!tpu.dma_semaphore, #tpu.memory_space<semaphore_mem>>
        %dma_start3A = arith.constant 0 : i32
        %dma_start3A_131 = arith.constant 0 : i32
        %dma_start3A_132 = tpu.memref_slice %arg7[%arg0, %dma_start3A, %dma_start3A_131] : memref<2x10000x128xf32, #tpu.memory_space<hbm>> -> memref<1x10000x128xf32, #tpu.memory_space<hbm>>
        %dma_start3A_133 = tpu.memref_squeeze %dma_start3A_132 : memref<1x10000x128xf32, #tpu.memory_space<hbm>> -> memref<10000x128xf32, #tpu.memory_space<hbm>>
        %dma_start3A_134 = arith.constant 0 : i32
        %dma_start3A_135 = tpu.memref_slice %dma_start3A_133[%add3A_130, %dma_start3A_134] : memref<10000x128xf32, #tpu.memory_space<hbm>> -> memref<16x128xf32, #tpu.memory_space<hbm>>
        %dma_start3A_136 = arith.constant 0 : i32
        %dma_start3A_137 = tpu.memref_slice %arg20[%add3A_130, %dma_start3A_136] : memref<10016x128xf32, #tpu.memory_space<vmem_shared>> -> memref<16x128xf32, #tpu.memory_space<vmem_shared>>
        tpu.enqueue_dma source(%dma_start3A_137 : memref<16x128xf32, #tpu.memory_space<vmem_shared>>) target(%dma_start3A_135 : memref<16x128xf32, #tpu.memory_space<hbm>>) target_semaphore(%run_scoped3A : memref<!tpu.dma_semaphore, #tpu.memory_space<semaphore_mem>>)
        %dma_wait3A = arith.constant 0 : i32
        %dma_wait3A_138 = arith.constant 0 : i32
        %dma_wait3A_139 = tpu.memref_slice %arg7[%arg0, %dma_wait3A, %dma_wait3A_138] : memref<2x10000x128xf32, #tpu.memory_space<hbm>> -> memref<1x10000x128xf32, #tpu.memory_space<hbm>>
        %dma_wait3A_140 = tpu.memref_squeeze %dma_wait3A_139 : memref<1x10000x128xf32, #tpu.memory_space<hbm>> -> memref<10000x128xf32, #tpu.memory_space<hbm>>
        %dma_wait3A_141 = arith.constant 0 : i32
        %dma_wait3A_142 = tpu.memref_slice %dma_wait3A_140[%add3A_130, %dma_wait3A_141] : memref<10000x128xf32, #tpu.memory_space<hbm>> -> memref<16x128xf32, #tpu.memory_space<hbm>>
        %dma_wait3A_143 = arith.constant 0 : i32
        %dma_wait3A_144 = tpu.memref_slice %arg20[%add3A_130, %dma_wait3A_143] : memref<10016x128xf32, #tpu.memory_space<vmem_shared>> -> memref<16x128xf32, #tpu.memory_space<vmem_shared>>
        tpu.wait_dma2 semaphore(%run_scoped3A : memref<!tpu.dma_semaphore, #tpu.memory_space<semaphore_mem>>) src(%dma_wait3A_144 : memref<16x128xf32, #tpu.memory_space<vmem_shared>>) dst(%dma_wait3A_142 : memref<16x128xf32, #tpu.memory_space<hbm>>)
        tpu.yield
      }) : () -> ()
    }
    return
  }
}

#map = affine_map<(d0, d1) -> (0, 0)>
#map1 = affine_map<(d0, d1) -> (0)>
#map2 = affine_map<(d0, d1) -> (0, 0, 0)>
module attributes {stable_mosaic.version = 14 : i64} {
  func.func @_sc_agg_body(%arg0: i32, %arg1: i32, %arg2: memref<20000x128xf32, #tpu.memory_space<hbm>>, %arg3: memref<161536xi32, #tpu.memory_space<hbm>>, %arg4: memref<161536xi32, #tpu.memory_space<hbm>>, %arg5: memref<16xi32, #tpu.memory_space<hbm>>, %arg6: memref<16xi32, #tpu.memory_space<hbm>>, %arg7: memref<2x10000x128xf32, #tpu.memory_space<hbm>>, %arg8: memref<128xi32, #tpu.memory_space<vmem>>, %arg9: memref<128xi32, #tpu.memory_space<vmem>>, %arg10: memref<128x128xf32, #tpu.memory_space<vmem>>, %arg11: memref<128xi32, #tpu.memory_space<vmem>>, %arg12: memref<128xi32, #tpu.memory_space<vmem>>, %arg13: memref<128x128xf32, #tpu.memory_space<vmem>>, %arg14: memref<!tpu.dma_semaphore, #tpu.memory_space<semaphore_mem>>, %arg15: memref<!tpu.dma_semaphore, #tpu.memory_space<semaphore_mem>>, %arg16: memref<1280xi32, #tpu.memory_space<vmem>>, %arg17: memref<1280xi32, #tpu.memory_space<vmem>>, %arg18: memref<16x128xf32, #tpu.memory_space<vmem>>, %arg19: memref<16xi32, #tpu.memory_space<vmem>>, %arg20: memref<10016x128xf32, #tpu.memory_space<vmem_shared>>) attributes {dimension_semantics = [#tpu.dimension_semantics<core_parallel>, #tpu.dimension_semantics<subcore_parallel>], iteration_bounds = array<i64: 2, 16>, scalar_prefetch = 0 : i64, scratch_operands = 13 : i64, tpu.core_type = #tpu.core_type<sc_vector_subcore>, window_params = [{transform_indices = #map}, {transform_indices = #map1}, {transform_indices = #map1}, {transform_indices = #map1}, {transform_indices = #map1}, {transform_indices = #map2}]} {
    %iota3A = tpu.iota {dimensions = array<i32: 0>} : vector<16xi32>
    "tpu.region"() ({
      %run_scoped3A = tpu.sem_alloc : memref<!tpu.dma_semaphore, #tpu.memory_space<semaphore_mem>>
      tpu.enqueue_dma source(%arg5 : memref<16xi32, #tpu.memory_space<hbm>>) target(%arg19 : memref<16xi32, #tpu.memory_space<vmem>>) target_semaphore(%run_scoped3A : memref<!tpu.dma_semaphore, #tpu.memory_space<semaphore_mem>>)
      tpu.wait_dma2 semaphore(%run_scoped3A : memref<!tpu.dma_semaphore, #tpu.memory_space<semaphore_mem>>) src(%arg5 : memref<16xi32, #tpu.memory_space<hbm>>) dst(%arg19 : memref<16xi32, #tpu.memory_space<vmem>>)
      tpu.yield
    }) : () -> ()
    %eq3A = vector.broadcast %arg1 : i32 to vector<16xi32>
    %eq3A_0 = arith.cmpi eq, %iota3A, %eq3A : vector<16xi32>
    %get3A = arith.constant 0 : index
    %get3A_1 = tpu.vector_load %arg19[%get3A] {strides = array<i32>} : memref<16xi32, #tpu.memory_space<vmem>>, vector<16xi32>,
    %jit3A = arith.constant 0 : i32
    %broadcast_in_dim3A = vector.broadcast %jit3A : i32 to vector<16xi32>
    %select_n3A = arith.select %eq3A_0, %get3A_1, %broadcast_in_dim3A : vector<16xi1>, vector<16xi32>
    %reduce_sum3A = arith.constant true
    %reduce_sum3A_2 = vector.broadcast %reduce_sum3A : i1 to vector<16xi1>
    %reduce_sum3A_3 = tpu.scan <sum>, %select_n3A masked %reduce_sum3A_2 : vector<16xi32>, vector<16xi1> -> vector<16xi32>
    %reduce_sum3A_4 = vector.extract %reduce_sum3A_3[15] : i32 from vector<16xi32>
    "tpu.region"() ({
      %run_scoped3A = tpu.sem_alloc : memref<!tpu.dma_semaphore, #tpu.memory_space<semaphore_mem>>
      tpu.enqueue_dma source(%arg6 : memref<16xi32, #tpu.memory_space<hbm>>) target(%arg19 : memref<16xi32, #tpu.memory_space<vmem>>) target_semaphore(%run_scoped3A : memref<!tpu.dma_semaphore, #tpu.memory_space<semaphore_mem>>)
      tpu.wait_dma2 semaphore(%run_scoped3A : memref<!tpu.dma_semaphore, #tpu.memory_space<semaphore_mem>>) src(%arg6 : memref<16xi32, #tpu.memory_space<hbm>>) dst(%arg19 : memref<16xi32, #tpu.memory_space<vmem>>)
      tpu.yield
    }) : () -> ()
    %eq3A_5 = vector.broadcast %arg1 : i32 to vector<16xi32>
    %eq3A_6 = arith.cmpi eq, %iota3A, %eq3A_5 : vector<16xi32>
    %get3A_7 = arith.constant 0 : index
    %get3A_8 = tpu.vector_load %arg19[%get3A_7] {strides = array<i32>} : memref<16xi32, #tpu.memory_space<vmem>>, vector<16xi32>,
    %jit3A_9 = arith.constant 0 : i32
    %broadcast_in_dim3A_10 = vector.broadcast %jit3A_9 : i32 to vector<16xi32>
    %select_n3A_11 = arith.select %eq3A_6, %get3A_8, %broadcast_in_dim3A_10 : vector<16xi1>, vector<16xi32>
    %reduce_sum3A_12 = arith.constant true
    %reduce_sum3A_13 = vector.broadcast %reduce_sum3A_12 : i1 to vector<16xi1>
    %reduce_sum3A_14 = tpu.scan <sum>, %select_n3A_11 masked %reduce_sum3A_13 : vector<16xi32>, vector<16xi1> -> vector<16xi32>
    %reduce_sum3A_15 = vector.extract %reduce_sum3A_14[15] : i32 from vector<16xi32>
    %scan3A = arith.constant 0 : i32
    %scan3A_16 = arith.constant 16 : i32
    %scan3A_17 = arith.addi %scan3A, %scan3A_16 : i32
    %scan3A_18 = arith.constant 1 : i32
    scf.for %scan3A_128 = %scan3A to %scan3A_17 step %scan3A_18  : i32 {
      %mul3A_129 = arith.constant 1 : i32
      %mul3A_130 = arith.muli %scan3A_128, %mul3A_129 : i32
      %add3A_131 = arith.constant 0 : i32
      %add3A_132 = arith.addi %add3A_131, %mul3A_130 : i32
      %scan3A_133 = arith.constant 0 : i32
      %scan3A_134 = arith.constant 8 : i32
      %scan3A_135 = arith.addi %scan3A_133, %scan3A_134 : i32
      %scan3A_136 = arith.constant 1 : i32
      scf.for %scan3A_138 = %scan3A_133 to %scan3A_135 step %scan3A_136  : i32 {
        %mul3A_139 = arith.constant 16 : i32
        %mul3A_140 = arith.muli %scan3A_138, %mul3A_139 : i32
        %add3A_141 = arith.constant 0 : i32
        %add3A_142 = arith.addi %add3A_141, %mul3A_140 : i32
        %broadcast_in_dim3A_143 = arith.constant 0.000000e+00 : f32
        %broadcast_in_dim3A_144 = vector.broadcast %broadcast_in_dim3A_143 : f32 to vector<16xf32>
        %swap3A = arith.index_cast %add3A_132 : i32 to index
        %swap3A_145 = arith.index_cast %add3A_142 : i32 to index
        %swap3A_146 = tpu.vector_load %arg18[%swap3A, %swap3A_145] {strides = array<i32>} : memref<16x128xf32, #tpu.memory_space<vmem>>, vector<16xf32>,
        tpu.vector_store %arg18[%swap3A, %swap3A_145], %broadcast_in_dim3A_144 {strides = array<i32>} : memref<16x128xf32, #tpu.memory_space<vmem>>, vector<16xf32>,
      }
      %scan3A_137 = arith.constant 8 : i32
    }
    %scan3A_19 = arith.constant 16 : i32
    %mul3A = arith.constant 16 : i32
    %mul3A_20 = arith.muli %arg1, %mul3A : i32
    %sub3A = arith.constant 10016 : i32
    %sub3A_21 = arith.subi %sub3A, %mul3A_20 : i32
    %sub3A_22 = arith.constant 256 : i32
    %sub3A_23 = arith.constant 1 : i32
    %sub3A_24 = arith.subi %sub3A_22, %sub3A_23 : i32
    %add3A = arith.addi %sub3A_21, %sub3A_24 : i32
    %div3A = arith.constant 256 : i32
    %div3A_25 = arith.divsi %add3A, %div3A : i32
    %while3A = arith.constant 256 : i32
    %while3A_26 = arith.constant 0 : i32
    %while3A_27 = arith.subi %div3A_25, %while3A_26 : i32
    %while3A_28 = arith.addi %while3A_26, %while3A_27 : i32
    %while3A_29 = arith.constant 1 : i32
    %while3A_30 = arith.divsi %while3A_27, %while3A_29 : i32
    %while3A_31 = arith.muli %while3A_30, %while3A_29 : i32
    %while3A_32 = arith.addi %while3A_26, %while3A_31 : i32
    %while3A_33 = arith.constant 1 : i32
    scf.for %while3A_128 = %while3A_26 to %while3A_32 step %while3A_33  : i32 {
      %mul3A_129 = arith.muli %while3A_128, %while3A : i32
      %add3A_130 = arith.addi %mul3A_20, %mul3A_129 : i32
      "tpu.region"() ({
        %run_scoped3A = tpu.sem_alloc : memref<!tpu.dma_semaphore, #tpu.memory_space<semaphore_mem>>
        %dma_start3A = arith.constant 0 : i32
        %dma_start3A_131 = tpu.memref_slice %arg20[%add3A_130, %dma_start3A] : memref<10016x128xf32, #tpu.memory_space<vmem_shared>> -> memref<16x128xf32, #tpu.memory_space<vmem_shared>>
        %dma_start3A_132 = arith.constant 0 : i32
        %dma_start3A_133 = tpu.memref_slice %arg20[%add3A_130, %dma_start3A_132] : memref<10016x128xf32, #tpu.memory_space<vmem_shared>> -> memref<16x128xf32, #tpu.memory_space<vmem_shared>>
        tpu.enqueue_dma source(%arg18 : memref<16x128xf32, #tpu.memory_space<vmem>>) target(%dma_start3A_133 : memref<16x128xf32, #tpu.memory_space<vmem_shared>>) target_semaphore(%run_scoped3A : memref<!tpu.dma_semaphore, #tpu.memory_space<semaphore_mem>>)
        %dma_wait3A = arith.constant 0 : i32
        %dma_wait3A_134 = tpu.memref_slice %arg20[%add3A_130, %dma_wait3A] : memref<10016x128xf32, #tpu.memory_space<vmem_shared>> -> memref<16x128xf32, #tpu.memory_space<vmem_shared>>
        %dma_wait3A_135 = arith.constant 0 : i32
        %dma_wait3A_136 = tpu.memref_slice %arg20[%add3A_130, %dma_wait3A_135] : memref<10016x128xf32, #tpu.memory_space<vmem_shared>> -> memref<16x128xf32, #tpu.memory_space<vmem_shared>>
        tpu.wait_dma2 semaphore(%run_scoped3A : memref<!tpu.dma_semaphore, #tpu.memory_space<semaphore_mem>>) src(%arg18 : memref<16x128xf32, #tpu.memory_space<vmem>>) dst(%dma_wait3A_136 : memref<16x128xf32, #tpu.memory_space<vmem_shared>>)
        tpu.yield
      }) : () -> ()
    }
    %while3A_34 = arith.constant 1 : i32
    scf.for %while3A_128 = %while3A_32 to %while3A_28 step %while3A_34  : i32 {
      %mul3A_129 = arith.muli %while3A_128, %while3A : i32
      %add3A_130 = arith.addi %mul3A_20, %mul3A_129 : i32
      "tpu.region"() ({
        %run_scoped3A = tpu.sem_alloc : memref<!tpu.dma_semaphore, #tpu.memory_space<semaphore_mem>>
        %dma_start3A = arith.constant 0 : i32
        %dma_start3A_131 = tpu.memref_slice %arg20[%add3A_130, %dma_start3A] : memref<10016x128xf32, #tpu.memory_space<vmem_shared>> -> memref<16x128xf32, #tpu.memory_space<vmem_shared>>
        %dma_start3A_132 = arith.constant 0 : i32
        %dma_start3A_133 = tpu.memref_slice %arg20[%add3A_130, %dma_start3A_132] : memref<10016x128xf32, #tpu.memory_space<vmem_shared>> -> memref<16x128xf32, #tpu.memory_space<vmem_shared>>
        tpu.enqueue_dma source(%arg18 : memref<16x128xf32, #tpu.memory_space<vmem>>) target(%dma_start3A_133 : memref<16x128xf32, #tpu.memory_space<vmem_shared>>) target_semaphore(%run_scoped3A : memref<!tpu.dma_semaphore, #tpu.memory_space<semaphore_mem>>)
        %dma_wait3A = arith.constant 0 : i32
        %dma_wait3A_134 = tpu.memref_slice %arg20[%add3A_130, %dma_wait3A] : memref<10016x128xf32, #tpu.memory_space<vmem_shared>> -> memref<16x128xf32, #tpu.memory_space<vmem_shared>>
        %dma_wait3A_135 = arith.constant 0 : i32
        %dma_wait3A_136 = tpu.memref_slice %arg20[%add3A_130, %dma_wait3A_135] : memref<10016x128xf32, #tpu.memory_space<vmem_shared>> -> memref<16x128xf32, #tpu.memory_space<vmem_shared>>
        tpu.wait_dma2 semaphore(%run_scoped3A : memref<!tpu.dma_semaphore, #tpu.memory_space<semaphore_mem>>) src(%arg18 : memref<16x128xf32, #tpu.memory_space<vmem>>) dst(%dma_wait3A_136 : memref<16x128xf32, #tpu.memory_space<vmem_shared>>)
        tpu.yield
      }) : () -> ()
    }
    %barrier3A = arith.constant 0 : index
    tpu.barrier barrier_id(%barrier3A)
    %jit3A_35 = arith.constant 8 : i32
    %div3A_36 = arith.divsi %reduce_sum3A_4, %jit3A_35 : i32
    %sign3A = arith.constant 0 : i32
    %sign3A_37 = arith.cmpi sgt, %reduce_sum3A_4, %sign3A : i32
    %sign3A_38 = arith.extui %sign3A_37 : i1 to i32
    %sign3A_39 = arith.constant 0 : i32
    %sign3A_40 = arith.cmpi slt, %reduce_sum3A_4, %sign3A_39 : i32
    %sign3A_41 = arith.extui %sign3A_40 : i1 to i32
    %sign3A_42 = arith.subi %sign3A_38, %sign3A_41 : i32
    %sign3A_43 = arith.constant 0 : i32
    %sign3A_44 = arith.cmpi sgt, %jit3A_35, %sign3A_43 : i32
    %sign3A_45 = arith.extui %sign3A_44 : i1 to i32
    %sign3A_46 = arith.constant 0 : i32
    %sign3A_47 = arith.cmpi slt, %jit3A_35, %sign3A_46 : i32
    %sign3A_48 = arith.extui %sign3A_47 : i1 to i32
    %sign3A_49 = arith.subi %sign3A_45, %sign3A_48 : i32
    %ne3A = arith.cmpi ne, %sign3A_42, %sign3A_49 : i32
    %rem3A = arith.remsi %reduce_sum3A_4, %jit3A_35 : i32
    %ne3A_50 = arith.constant 0 : i32
    %ne3A_51 = arith.cmpi ne, %rem3A, %ne3A_50 : i32
    %and3A = arith.andi %ne3A, %ne3A_51 : i1
    %sub3A_52 = arith.constant 1 : i32
    %sub3A_53 = arith.subi %div3A_36, %sub3A_52 : i32
    %select_n3A_54 = arith.select %and3A, %sub3A_53, %div3A_36 : i32
    %mul3A_55 = arith.constant 8 : i32
    %mul3A_56 = arith.muli %select_n3A_54, %mul3A_55 : i32
    %sub3A_57 = arith.subi %reduce_sum3A_15, %mul3A_56 : i32
    %add3A_58 = arith.constant 128 : i32
    %add3A_59 = arith.addi %sub3A_57, %add3A_58 : i32
    %sub3A_60 = arith.constant 1 : i32
    %sub3A_61 = arith.subi %add3A_59, %sub3A_60 : i32
    %jit3A_62 = arith.constant 128 : i32
    %div3A_63 = arith.divsi %sub3A_61, %jit3A_62 : i32
    %sign3A_64 = arith.constant 0 : i32
    %sign3A_65 = arith.cmpi sgt, %sub3A_61, %sign3A_64 : i32
    %sign3A_66 = arith.extui %sign3A_65 : i1 to i32
    %sign3A_67 = arith.constant 0 : i32
    %sign3A_68 = arith.cmpi slt, %sub3A_61, %sign3A_67 : i32
    %sign3A_69 = arith.extui %sign3A_68 : i1 to i32
    %sign3A_70 = arith.subi %sign3A_66, %sign3A_69 : i32
    %sign3A_71 = arith.constant 0 : i32
    %sign3A_72 = arith.cmpi sgt, %jit3A_62, %sign3A_71 : i32
    %sign3A_73 = arith.extui %sign3A_72 : i1 to i32
    %sign3A_74 = arith.constant 0 : i32
    %sign3A_75 = arith.cmpi slt, %jit3A_62, %sign3A_74 : i32
    %sign3A_76 = arith.extui %sign3A_75 : i1 to i32
    %sign3A_77 = arith.subi %sign3A_73, %sign3A_76 : i32
    %ne3A_78 = arith.cmpi ne, %sign3A_70, %sign3A_77 : i32
    %rem3A_79 = arith.remsi %sub3A_61, %jit3A_62 : i32
    %ne3A_80 = arith.constant 0 : i32
    %ne3A_81 = arith.cmpi ne, %rem3A_79, %ne3A_80 : i32
    %and3A_82 = arith.andi %ne3A_78, %ne3A_81 : i1
    %sub3A_83 = arith.constant 1 : i32
    %sub3A_84 = arith.subi %div3A_63, %sub3A_83 : i32
    %select_n3A_85 = arith.select %and3A_82, %sub3A_84, %div3A_63 : i32
    %gt3A = arith.constant 0 : i32
    %gt3A_86 = arith.cmpi sgt, %select_n3A_85, %gt3A : i32
    %convert_element_type3A = arith.extui %gt3A_86 : i1 to i32
    %cond3A = arith.constant 0 : i32
    %cond3A_87 = arith.cmpi ne, %convert_element_type3A, %cond3A : i32
    scf.if %cond3A_87 {
      %add3A_128 = arith.constant 0 : i32
      %add3A_129 = arith.addi %mul3A_56, %add3A_128 : i32
      "tpu.region"() ({
        %run_scoped3A = tpu.sem_alloc : memref<!tpu.dma_semaphore, #tpu.memory_space<semaphore_mem>>
        %dma_start3A_137 = tpu.memref_slice %arg3[%add3A_129] : memref<161536xi32, #tpu.memory_space<hbm>> -> memref<1280xi32, #tpu.memory_space<hbm>>
        %dma_start3A_138 = tpu.memref_slice %arg3[%add3A_129] : memref<161536xi32, #tpu.memory_space<hbm>> -> memref<1280xi32, #tpu.memory_space<hbm>>
        tpu.enqueue_dma source(%dma_start3A_138 : memref<1280xi32, #tpu.memory_space<hbm>>) target(%arg16 : memref<1280xi32, #tpu.memory_space<vmem>>) target_semaphore(%run_scoped3A : memref<!tpu.dma_semaphore, #tpu.memory_space<semaphore_mem>>)
        %dma_wait3A = tpu.memref_slice %arg3[%add3A_129] : memref<161536xi32, #tpu.memory_space<hbm>> -> memref<1280xi32, #tpu.memory_space<hbm>>
        %dma_wait3A_139 = tpu.memref_slice %arg3[%add3A_129] : memref<161536xi32, #tpu.memory_space<hbm>> -> memref<1280xi32, #tpu.memory_space<hbm>>
        tpu.wait_dma2 semaphore(%run_scoped3A : memref<!tpu.dma_semaphore, #tpu.memory_space<semaphore_mem>>) src(%dma_wait3A_139 : memref<1280xi32, #tpu.memory_space<hbm>>) dst(%arg16 : memref<1280xi32, #tpu.memory_space<vmem>>)
        tpu.yield
      }) : () -> ()
      "tpu.region"() ({
        %run_scoped3A = tpu.sem_alloc : memref<!tpu.dma_semaphore, #tpu.memory_space<semaphore_mem>>
        %dma_start3A_137 = tpu.memref_slice %arg4[%add3A_129] : memref<161536xi32, #tpu.memory_space<hbm>> -> memref<1280xi32, #tpu.memory_space<hbm>>
        %dma_start3A_138 = tpu.memref_slice %arg4[%add3A_129] : memref<161536xi32, #tpu.memory_space<hbm>> -> memref<1280xi32, #tpu.memory_space<hbm>>
        tpu.enqueue_dma source(%dma_start3A_138 : memref<1280xi32, #tpu.memory_space<hbm>>) target(%arg17 : memref<1280xi32, #tpu.memory_space<vmem>>) target_semaphore(%run_scoped3A : memref<!tpu.dma_semaphore, #tpu.memory_space<semaphore_mem>>)
        %dma_wait3A = tpu.memref_slice %arg4[%add3A_129] : memref<161536xi32, #tpu.memory_space<hbm>> -> memref<1280xi32, #tpu.memory_space<hbm>>
        %dma_wait3A_139 = tpu.memref_slice %arg4[%add3A_129] : memref<161536xi32, #tpu.memory_space<hbm>> -> memref<1280xi32, #tpu.memory_space<hbm>>
        tpu.wait_dma2 semaphore(%run_scoped3A : memref<!tpu.dma_semaphore, #tpu.memory_space<semaphore_mem>>) src(%dma_wait3A_139 : memref<1280xi32, #tpu.memory_space<hbm>>) dst(%arg17 : memref<1280xi32, #tpu.memory_space<vmem>>)
        tpu.yield
      }) : () -> ()
      %scan3A_130 = arith.constant 0 : i32
      %scan3A_131 = arith.constant 8 : i32
      %scan3A_132 = arith.addi %scan3A_130, %scan3A_131 : i32
      %scan3A_133 = arith.constant 1 : i32
      scf.for %scan3A_137 = %scan3A_130 to %scan3A_132 step %scan3A_133  : i32 {
        %mul3A_138 = arith.constant 16 : i32
        %mul3A_139 = arith.muli %scan3A_137, %mul3A_138 : i32
        %add3A_140 = arith.constant 0 : i32
        %add3A_141 = arith.addi %add3A_140, %mul3A_139 : i32
        %add3A_142 = arith.addi %add3A_129, %add3A_141 : i32
        %add3A_143 = vector.broadcast %add3A_142 : i32 to vector<16xi32>
        %add3A_144 = arith.addi %add3A_143, %iota3A : vector<16xi32>
        %ge3A = vector.broadcast %reduce_sum3A_4 : i32 to vector<16xi32>
        %ge3A_145 = arith.cmpi sge, %add3A_144, %ge3A : vector<16xi32>
        %lt3A = vector.broadcast %reduce_sum3A_15 : i32 to vector<16xi32>
        %lt3A_146 = arith.cmpi slt, %add3A_144, %lt3A : vector<16xi32>
        %and3A_147 = arith.andi %ge3A_145, %lt3A_146 : vector<16xi1>
        %add3A_148 = arith.constant 0 : i32
        %add3A_149 = arith.addi %add3A_148, %add3A_141 : i32
        %get3A_150 = arith.index_cast %add3A_149 : i32 to index
        %get3A_151 = tpu.vector_load %arg17[%get3A_150] {strides = array<i32>} : memref<1280xi32, #tpu.memory_space<vmem>>, vector<16xi32>,
        %add3A_152 = arith.constant 10000 : i32
        %add3A_153 = vector.broadcast %add3A_152 : i32 to vector<16xi32>
        %add3A_154 = arith.addi %add3A_153, %iota3A : vector<16xi32>
        %select_n3A_155 = arith.select %and3A_147, %get3A_151, %add3A_154 : vector<16xi1>, vector<16xi32>
        %swap3A = arith.index_cast %add3A_141 : i32 to index
        %swap3A_156 = tpu.vector_load %arg9[%swap3A] {strides = array<i32>} : memref<128xi32, #tpu.memory_space<vmem>>, vector<16xi32>,
        tpu.vector_store %arg9[%swap3A], %select_n3A_155 {strides = array<i32>} : memref<128xi32, #tpu.memory_space<vmem>>, vector<16xi32>,
        %add3A_157 = arith.constant 0 : i32
        %add3A_158 = arith.addi %add3A_157, %add3A_141 : i32
        %get3A_159 = arith.index_cast %add3A_158 : i32 to index
        %get3A_160 = tpu.vector_load %arg16[%get3A_159] {strides = array<i32>} : memref<1280xi32, #tpu.memory_space<vmem>>, vector<16xi32>,
        %mul3A_161 = arith.constant 2 : i32
        %mul3A_162 = vector.broadcast %mul3A_161 : i32 to vector<16xi32>
        %mul3A_163 = arith.muli %get3A_160, %mul3A_162 : vector<16xi32>
        %add3A_164 = vector.broadcast %arg0 : i32 to vector<16xi32>
        %add3A_165 = arith.addi %mul3A_163, %add3A_164 : vector<16xi32>
        %swap3A_166 = arith.index_cast %add3A_141 : i32 to index
        %swap3A_167 = tpu.vector_load %arg8[%swap3A_166] {strides = array<i32>} : memref<128xi32, #tpu.memory_space<vmem>>, vector<16xi32>,
        tpu.vector_store %arg8[%swap3A_166], %add3A_165 {strides = array<i32>} : memref<128xi32, #tpu.memory_space<vmem>>, vector<16xi32>,
      }
      %scan3A_134 = arith.constant 8 : i32
      %dma_start3A = arith.constant 0 : i32
      %dma_start3A_135 = arith.constant 0 : i32
      %dma_start3A_136 = tpu.memref_slice %arg2[%dma_start3A, %dma_start3A_135] : memref<20000x128xf32, #tpu.memory_space<hbm>> -> memref<20000x128xf32, #tpu.memory_space<hbm>>
      tpu.enqueue_indirect_dma source(%dma_start3A_136 : memref<20000x128xf32, #tpu.memory_space<hbm>>) target(%arg10 : memref<128x128xf32, #tpu.memory_space<vmem>>) offsets(%arg8 : memref<128xi32, #tpu.memory_space<vmem>>) semaphore(%arg14 : memref<!tpu.dma_semaphore, #tpu.memory_space<semaphore_mem>>)
    } else {
    }
    %sub3A_88 = arith.constant 0 : i32
    %sub3A_89 = arith.subi %select_n3A_85, %sub3A_88 : i32
    %sub3A_90 = arith.constant 1 : i32
    %sub3A_91 = arith.constant 1 : i32
    %sub3A_92 = arith.subi %sub3A_90, %sub3A_91 : i32
    %add3A_93 = arith.addi %sub3A_89, %sub3A_92 : i32
    %div3A_94 = arith.constant 1 : i32
    %div3A_95 = arith.divsi %add3A_93, %div3A_94 : i32
    %while3A_96 = arith.constant 1 : i32
    %while3A_97 = arith.constant 0 : i32
    %while3A_98 = arith.constant 0 : i32
    %while3A_99 = arith.subi %div3A_95, %while3A_98 : i32
    %while3A_100 = arith.addi %while3A_98, %while3A_99 : i32
    %while3A_101 = arith.constant 1 : i32
    %while3A_102 = arith.divsi %while3A_99, %while3A_101 : i32
    %while3A_103 = arith.muli %while3A_102, %while3A_101 : i32
    %while3A_104 = arith.addi %while3A_98, %while3A_103 : i32
    %while3A_105 = arith.constant 1 : i32
    scf.for %while3A_128 = %while3A_98 to %while3A_104 step %while3A_105  : i32 {
      %mul3A_129 = arith.muli %while3A_128, %while3A_96 : i32
      %add3A_130 = arith.addi %while3A_97, %mul3A_129 : i32
      %jit3A_131 = arith.constant 2 : i32
      %eq3A_132 = arith.constant 0 : i32
      %eq3A_133 = arith.cmpi eq, %jit3A_131, %eq3A_132 : i32
      %jit3A_134 = arith.constant 1 : i32
      %select_n3A_135 = arith.select %eq3A_133, %jit3A_134, %jit3A_131 : i32
      %rem3A_136 = arith.remsi %add3A_130, %select_n3A_135 : i32
      %ne3A_137 = arith.constant 0 : i32
      %ne3A_138 = arith.cmpi ne, %rem3A_136, %ne3A_137 : i32
      %lt3A = arith.constant 0 : i32
      %lt3A_139 = arith.cmpi slt, %rem3A_136, %lt3A : i32
      %lt3A_140 = arith.constant 0 : i32
      %lt3A_141 = arith.cmpi slt, %select_n3A_135, %lt3A_140 : i32
      %ne3A_142 = arith.xori %lt3A_139, %lt3A_141 : i1
      %and3A_143 = arith.andi %ne3A_142, %ne3A_138 : i1
      %add3A_144 = arith.addi %rem3A_136, %select_n3A_135 : i32
      %select_n3A_145 = arith.select %and3A_143, %add3A_144, %rem3A_136 : i32
      %eq3A_146 = arith.constant 0 : i32
      %eq3A_147 = arith.cmpi eq, %select_n3A_145, %eq3A_146 : i32
      %add3A_148 = arith.constant 1 : i32
      %add3A_149 = arith.addi %add3A_130, %add3A_148 : i32
      %lt3A_150 = arith.cmpi slt, %add3A_149, %select_n3A_85 : i32
      %and3A_151 = arith.andi %lt3A_150, %eq3A_147 : i1
      %convert_element_type3A_152 = arith.extui %and3A_151 : i1 to i32
      %cond3A_153 = arith.constant 0 : i32
      %cond3A_154 = arith.cmpi ne, %convert_element_type3A_152, %cond3A_153 : i32
      scf.if %cond3A_154 {
        %add3A_171 = arith.constant 1 : i32
        %add3A_172 = arith.addi %add3A_130, %add3A_171 : i32
        %mul3A_173 = arith.constant 128 : i32
        %mul3A_174 = arith.muli %add3A_172, %mul3A_173 : i32
        %add3A_175 = arith.addi %mul3A_56, %mul3A_174 : i32
        %jit3A_176 = arith.constant 10 : i32
        %eq3A_177 = arith.constant 0 : i32
        %eq3A_178 = arith.cmpi eq, %jit3A_176, %eq3A_177 : i32
        %jit3A_179 = arith.constant 1 : i32
        %select_n3A_180 = arith.select %eq3A_178, %jit3A_179, %jit3A_176 : i32
        %rem3A_181 = arith.remsi %add3A_172, %select_n3A_180 : i32
        %ne3A_182 = arith.constant 0 : i32
        %ne3A_183 = arith.cmpi ne, %rem3A_181, %ne3A_182 : i32
        %lt3A_184 = arith.constant 0 : i32
        %lt3A_185 = arith.cmpi slt, %rem3A_181, %lt3A_184 : i32
        %lt3A_186 = arith.constant 0 : i32
        %lt3A_187 = arith.cmpi slt, %select_n3A_180, %lt3A_186 : i32
        %ne3A_188 = arith.xori %lt3A_185, %lt3A_187 : i1
        %and3A_189 = arith.andi %ne3A_188, %ne3A_183 : i1
        %add3A_190 = arith.addi %rem3A_181, %select_n3A_180 : i32
        %select_n3A_191 = arith.select %and3A_189, %add3A_190, %rem3A_181 : i32
        %mul3A_192 = arith.constant 128 : i32
        %mul3A_193 = arith.muli %select_n3A_191, %mul3A_192 : i32
        %eq3A_194 = arith.constant 0 : i32
        %eq3A_195 = arith.cmpi eq, %mul3A_193, %eq3A_194 : i32
        %convert_element_type3A_196 = arith.extui %eq3A_195 : i1 to i32
        %cond3A_197 = arith.constant 0 : i32
        %cond3A_198 = arith.cmpi ne, %convert_element_type3A_196, %cond3A_197 : i32
        scf.if %cond3A_198 {
          "tpu.region"() ({
            %run_scoped3A = tpu.sem_alloc : memref<!tpu.dma_semaphore, #tpu.memory_space<semaphore_mem>>
            %dma_start3A_206 = tpu.memref_slice %arg3[%add3A_175] : memref<161536xi32, #tpu.memory_space<hbm>> -> memref<1280xi32, #tpu.memory_space<hbm>>
            %dma_start3A_207 = tpu.memref_slice %arg3[%add3A_175] : memref<161536xi32, #tpu.memory_space<hbm>> -> memref<1280xi32, #tpu.memory_space<hbm>>
            tpu.enqueue_dma source(%dma_start3A_207 : memref<1280xi32, #tpu.memory_space<hbm>>) target(%arg16 : memref<1280xi32, #tpu.memory_space<vmem>>) target_semaphore(%run_scoped3A : memref<!tpu.dma_semaphore, #tpu.memory_space<semaphore_mem>>)
            %dma_wait3A = tpu.memref_slice %arg3[%add3A_175] : memref<161536xi32, #tpu.memory_space<hbm>> -> memref<1280xi32, #tpu.memory_space<hbm>>
            %dma_wait3A_208 = tpu.memref_slice %arg3[%add3A_175] : memref<161536xi32, #tpu.memory_space<hbm>> -> memref<1280xi32, #tpu.memory_space<hbm>>
            tpu.wait_dma2 semaphore(%run_scoped3A : memref<!tpu.dma_semaphore, #tpu.memory_space<semaphore_mem>>) src(%dma_wait3A_208 : memref<1280xi32, #tpu.memory_space<hbm>>) dst(%arg16 : memref<1280xi32, #tpu.memory_space<vmem>>)
            tpu.yield
          }) : () -> ()
          "tpu.region"() ({
            %run_scoped3A = tpu.sem_alloc : memref<!tpu.dma_semaphore, #tpu.memory_space<semaphore_mem>>
            %dma_start3A_206 = tpu.memref_slice %arg4[%add3A_175] : memref<161536xi32, #tpu.memory_space<hbm>> -> memref<1280xi32, #tpu.memory_space<hbm>>
            %dma_start3A_207 = tpu.memref_slice %arg4[%add3A_175] : memref<161536xi32, #tpu.memory_space<hbm>> -> memref<1280xi32, #tpu.memory_space<hbm>>
            tpu.enqueue_dma source(%dma_start3A_207 : memref<1280xi32, #tpu.memory_space<hbm>>) target(%arg17 : memref<1280xi32, #tpu.memory_space<vmem>>) target_semaphore(%run_scoped3A : memref<!tpu.dma_semaphore, #tpu.memory_space<semaphore_mem>>)
            %dma_wait3A = tpu.memref_slice %arg4[%add3A_175] : memref<161536xi32, #tpu.memory_space<hbm>> -> memref<1280xi32, #tpu.memory_space<hbm>>
            %dma_wait3A_208 = tpu.memref_slice %arg4[%add3A_175] : memref<161536xi32, #tpu.memory_space<hbm>> -> memref<1280xi32, #tpu.memory_space<hbm>>
            tpu.wait_dma2 semaphore(%run_scoped3A : memref<!tpu.dma_semaphore, #tpu.memory_space<semaphore_mem>>) src(%dma_wait3A_208 : memref<1280xi32, #tpu.memory_space<hbm>>) dst(%arg17 : memref<1280xi32, #tpu.memory_space<vmem>>)
            tpu.yield
          }) : () -> ()
        } else {
        }
        %scan3A_199 = arith.constant 0 : i32
        %scan3A_200 = arith.constant 8 : i32
        %scan3A_201 = arith.addi %scan3A_199, %scan3A_200 : i32
        %scan3A_202 = arith.constant 1 : i32
        scf.for %scan3A_206 = %scan3A_199 to %scan3A_201 step %scan3A_202  : i32 {
          %mul3A_207 = arith.constant 16 : i32
          %mul3A_208 = arith.muli %scan3A_206, %mul3A_207 : i32
          %add3A_209 = arith.constant 0 : i32
          %add3A_210 = arith.addi %add3A_209, %mul3A_208 : i32
          %add3A_211 = arith.addi %add3A_175, %add3A_210 : i32
          %add3A_212 = vector.broadcast %add3A_211 : i32 to vector<16xi32>
          %add3A_213 = arith.addi %add3A_212, %iota3A : vector<16xi32>
          %ge3A = vector.broadcast %reduce_sum3A_4 : i32 to vector<16xi32>
          %ge3A_214 = arith.cmpi sge, %add3A_213, %ge3A : vector<16xi32>
          %lt3A_215 = vector.broadcast %reduce_sum3A_15 : i32 to vector<16xi32>
          %lt3A_216 = arith.cmpi slt, %add3A_213, %lt3A_215 : vector<16xi32>
          %and3A_217 = arith.andi %ge3A_214, %lt3A_216 : vector<16xi1>
          %add3A_218 = arith.addi %mul3A_193, %add3A_210 : i32
          %get3A_219 = arith.index_cast %add3A_218 : i32 to index
          %get3A_220 = tpu.vector_load %arg17[%get3A_219] {strides = array<i32>} : memref<1280xi32, #tpu.memory_space<vmem>>, vector<16xi32>,
          %add3A_221 = arith.constant 10000 : i32
          %add3A_222 = vector.broadcast %add3A_221 : i32 to vector<16xi32>
          %add3A_223 = arith.addi %add3A_222, %iota3A : vector<16xi32>
          %select_n3A_224 = arith.select %and3A_217, %get3A_220, %add3A_223 : vector<16xi1>, vector<16xi32>
          %swap3A = arith.index_cast %add3A_210 : i32 to index
          %swap3A_225 = tpu.vector_load %arg12[%swap3A] {strides = array<i32>} : memref<128xi32, #tpu.memory_space<vmem>>, vector<16xi32>,
          tpu.vector_store %arg12[%swap3A], %select_n3A_224 {strides = array<i32>} : memref<128xi32, #tpu.memory_space<vmem>>, vector<16xi32>,
          %add3A_226 = arith.addi %mul3A_193, %add3A_210 : i32
          %get3A_227 = arith.index_cast %add3A_226 : i32 to index
          %get3A_228 = tpu.vector_load %arg16[%get3A_227] {strides = array<i32>} : memref<1280xi32, #tpu.memory_space<vmem>>, vector<16xi32>,
          %mul3A_229 = arith.constant 2 : i32
          %mul3A_230 = vector.broadcast %mul3A_229 : i32 to vector<16xi32>
          %mul3A_231 = arith.muli %get3A_228, %mul3A_230 : vector<16xi32>
          %add3A_232 = vector.broadcast %arg0 : i32 to vector<16xi32>
          %add3A_233 = arith.addi %mul3A_231, %add3A_232 : vector<16xi32>
          %swap3A_234 = arith.index_cast %add3A_210 : i32 to index
          %swap3A_235 = tpu.vector_load %arg11[%swap3A_234] {strides = array<i32>} : memref<128xi32, #tpu.memory_space<vmem>>, vector<16xi32>,
          tpu.vector_store %arg11[%swap3A_234], %add3A_233 {strides = array<i32>} : memref<128xi32, #tpu.memory_space<vmem>>, vector<16xi32>,
        }
        %scan3A_203 = arith.constant 8 : i32
        %dma_start3A = arith.constant 0 : i32
        %dma_start3A_204 = arith.constant 0 : i32
        %dma_start3A_205 = tpu.memref_slice %arg2[%dma_start3A, %dma_start3A_204] : memref<20000x128xf32, #tpu.memory_space<hbm>> -> memref<20000x128xf32, #tpu.memory_space<hbm>>
        tpu.enqueue_indirect_dma source(%dma_start3A_205 : memref<20000x128xf32, #tpu.memory_space<hbm>>) target(%arg13 : memref<128x128xf32, #tpu.memory_space<vmem>>) offsets(%arg11 : memref<128xi32, #tpu.memory_space<vmem>>) semaphore(%arg15 : memref<!tpu.dma_semaphore, #tpu.memory_space<semaphore_mem>>)
      } else {
      }
      %add3A_155 = arith.constant 1 : i32
      %add3A_156 = arith.addi %add3A_130, %add3A_155 : i32
      %lt3A_157 = arith.cmpi slt, %add3A_156, %select_n3A_85 : i32
      %not3A = arith.constant true
      %not3A_158 = arith.xori %eq3A_147, %not3A : i1
      %and3A_159 = arith.andi %lt3A_157, %not3A_158 : i1
      %convert_element_type3A_160 = arith.extui %and3A_159 : i1 to i32
      %cond3A_161 = arith.constant 0 : i32
      %cond3A_162 = arith.cmpi ne, %convert_element_type3A_160, %cond3A_161 : i32
      scf.if %cond3A_162 {
        %add3A_171 = arith.constant 1 : i32
        %add3A_172 = arith.addi %add3A_130, %add3A_171 : i32
        %mul3A_173 = arith.constant 128 : i32
        %mul3A_174 = arith.muli %add3A_172, %mul3A_173 : i32
        %add3A_175 = arith.addi %mul3A_56, %mul3A_174 : i32
        %jit3A_176 = arith.constant 10 : i32
        %eq3A_177 = arith.constant 0 : i32
        %eq3A_178 = arith.cmpi eq, %jit3A_176, %eq3A_177 : i32
        %jit3A_179 = arith.constant 1 : i32
        %select_n3A_180 = arith.select %eq3A_178, %jit3A_179, %jit3A_176 : i32
        %rem3A_181 = arith.remsi %add3A_172, %select_n3A_180 : i32
        %ne3A_182 = arith.constant 0 : i32
        %ne3A_183 = arith.cmpi ne, %rem3A_181, %ne3A_182 : i32
        %lt3A_184 = arith.constant 0 : i32
        %lt3A_185 = arith.cmpi slt, %rem3A_181, %lt3A_184 : i32
        %lt3A_186 = arith.constant 0 : i32
        %lt3A_187 = arith.cmpi slt, %select_n3A_180, %lt3A_186 : i32
        %ne3A_188 = arith.xori %lt3A_185, %lt3A_187 : i1
        %and3A_189 = arith.andi %ne3A_188, %ne3A_183 : i1
        %add3A_190 = arith.addi %rem3A_181, %select_n3A_180 : i32
        %select_n3A_191 = arith.select %and3A_189, %add3A_190, %rem3A_181 : i32
        %mul3A_192 = arith.constant 128 : i32
        %mul3A_193 = arith.muli %select_n3A_191, %mul3A_192 : i32
        %eq3A_194 = arith.constant 0 : i32
        %eq3A_195 = arith.cmpi eq, %mul3A_193, %eq3A_194 : i32
        %convert_element_type3A_196 = arith.extui %eq3A_195 : i1 to i32
        %cond3A_197 = arith.constant 0 : i32
        %cond3A_198 = arith.cmpi ne, %convert_element_type3A_196, %cond3A_197 : i32
        scf.if %cond3A_198 {
          "tpu.region"() ({
            %run_scoped3A = tpu.sem_alloc : memref<!tpu.dma_semaphore, #tpu.memory_space<semaphore_mem>>
            %dma_start3A_206 = tpu.memref_slice %arg3[%add3A_175] : memref<161536xi32, #tpu.memory_space<hbm>> -> memref<1280xi32, #tpu.memory_space<hbm>>
            %dma_start3A_207 = tpu.memref_slice %arg3[%add3A_175] : memref<161536xi32, #tpu.memory_space<hbm>> -> memref<1280xi32, #tpu.memory_space<hbm>>
            tpu.enqueue_dma source(%dma_start3A_207 : memref<1280xi32, #tpu.memory_space<hbm>>) target(%arg16 : memref<1280xi32, #tpu.memory_space<vmem>>) target_semaphore(%run_scoped3A : memref<!tpu.dma_semaphore, #tpu.memory_space<semaphore_mem>>)
            %dma_wait3A = tpu.memref_slice %arg3[%add3A_175] : memref<161536xi32, #tpu.memory_space<hbm>> -> memref<1280xi32, #tpu.memory_space<hbm>>
            %dma_wait3A_208 = tpu.memref_slice %arg3[%add3A_175] : memref<161536xi32, #tpu.memory_space<hbm>> -> memref<1280xi32, #tpu.memory_space<hbm>>
            tpu.wait_dma2 semaphore(%run_scoped3A : memref<!tpu.dma_semaphore, #tpu.memory_space<semaphore_mem>>) src(%dma_wait3A_208 : memref<1280xi32, #tpu.memory_space<hbm>>) dst(%arg16 : memref<1280xi32, #tpu.memory_space<vmem>>)
            tpu.yield
          }) : () -> ()
          "tpu.region"() ({
            %run_scoped3A = tpu.sem_alloc : memref<!tpu.dma_semaphore, #tpu.memory_space<semaphore_mem>>
            %dma_start3A_206 = tpu.memref_slice %arg4[%add3A_175] : memref<161536xi32, #tpu.memory_space<hbm>> -> memref<1280xi32, #tpu.memory_space<hbm>>
            %dma_start3A_207 = tpu.memref_slice %arg4[%add3A_175] : memref<161536xi32, #tpu.memory_space<hbm>> -> memref<1280xi32, #tpu.memory_space<hbm>>
            tpu.enqueue_dma source(%dma_start3A_207 : memref<1280xi32, #tpu.memory_space<hbm>>) target(%arg17 : memref<1280xi32, #tpu.memory_space<vmem>>) target_semaphore(%run_scoped3A : memref<!tpu.dma_semaphore, #tpu.memory_space<semaphore_mem>>)
            %dma_wait3A = tpu.memref_slice %arg4[%add3A_175] : memref<161536xi32, #tpu.memory_space<hbm>> -> memref<1280xi32, #tpu.memory_space<hbm>>
            %dma_wait3A_208 = tpu.memref_slice %arg4[%add3A_175] : memref<161536xi32, #tpu.memory_space<hbm>> -> memref<1280xi32, #tpu.memory_space<hbm>>
            tpu.wait_dma2 semaphore(%run_scoped3A : memref<!tpu.dma_semaphore, #tpu.memory_space<semaphore_mem>>) src(%dma_wait3A_208 : memref<1280xi32, #tpu.memory_space<hbm>>) dst(%arg17 : memref<1280xi32, #tpu.memory_space<vmem>>)
            tpu.yield
          }) : () -> ()
        } else {
        }
        %scan3A_199 = arith.constant 0 : i32
        %scan3A_200 = arith.constant 8 : i32
        %scan3A_201 = arith.addi %scan3A_199, %scan3A_200 : i32
        %scan3A_202 = arith.constant 1 : i32
        scf.for %scan3A_206 = %scan3A_199 to %scan3A_201 step %scan3A_202  : i32 {
          %mul3A_207 = arith.constant 16 : i32
          %mul3A_208 = arith.muli %scan3A_206, %mul3A_207 : i32
          %add3A_209 = arith.constant 0 : i32
          %add3A_210 = arith.addi %add3A_209, %mul3A_208 : i32
          %add3A_211 = arith.addi %add3A_175, %add3A_210 : i32
          %add3A_212 = vector.broadcast %add3A_211 : i32 to vector<16xi32>
          %add3A_213 = arith.addi %add3A_212, %iota3A : vector<16xi32>
          %ge3A = vector.broadcast %reduce_sum3A_4 : i32 to vector<16xi32>
          %ge3A_214 = arith.cmpi sge, %add3A_213, %ge3A : vector<16xi32>
          %lt3A_215 = vector.broadcast %reduce_sum3A_15 : i32 to vector<16xi32>
          %lt3A_216 = arith.cmpi slt, %add3A_213, %lt3A_215 : vector<16xi32>
          %and3A_217 = arith.andi %ge3A_214, %lt3A_216 : vector<16xi1>
          %add3A_218 = arith.addi %mul3A_193, %add3A_210 : i32
          %get3A_219 = arith.index_cast %add3A_218 : i32 to index
          %get3A_220 = tpu.vector_load %arg17[%get3A_219] {strides = array<i32>} : memref<1280xi32, #tpu.memory_space<vmem>>, vector<16xi32>,
          %add3A_221 = arith.constant 10000 : i32
          %add3A_222 = vector.broadcast %add3A_221 : i32 to vector<16xi32>
          %add3A_223 = arith.addi %add3A_222, %iota3A : vector<16xi32>
          %select_n3A_224 = arith.select %and3A_217, %get3A_220, %add3A_223 : vector<16xi1>, vector<16xi32>
          %swap3A = arith.index_cast %add3A_210 : i32 to index
          %swap3A_225 = tpu.vector_load %arg9[%swap3A] {strides = array<i32>} : memref<128xi32, #tpu.memory_space<vmem>>, vector<16xi32>,
          tpu.vector_store %arg9[%swap3A], %select_n3A_224 {strides = array<i32>} : memref<128xi32, #tpu.memory_space<vmem>>, vector<16xi32>,
          %add3A_226 = arith.addi %mul3A_193, %add3A_210 : i32
          %get3A_227 = arith.index_cast %add3A_226 : i32 to index
          %get3A_228 = tpu.vector_load %arg16[%get3A_227] {strides = array<i32>} : memref<1280xi32, #tpu.memory_space<vmem>>, vector<16xi32>,
          %mul3A_229 = arith.constant 2 : i32
          %mul3A_230 = vector.broadcast %mul3A_229 : i32 to vector<16xi32>
          %mul3A_231 = arith.muli %get3A_228, %mul3A_230 : vector<16xi32>
          %add3A_232 = vector.broadcast %arg0 : i32 to vector<16xi32>
          %add3A_233 = arith.addi %mul3A_231, %add3A_232 : vector<16xi32>
          %swap3A_234 = arith.index_cast %add3A_210 : i32 to index
          %swap3A_235 = tpu.vector_load %arg8[%swap3A_234] {strides = array<i32>} : memref<128xi32, #tpu.memory_space<vmem>>, vector<16xi32>,
          tpu.vector_store %arg8[%swap3A_234], %add3A_233 {strides = array<i32>} : memref<128xi32, #tpu.memory_space<vmem>>, vector<16xi32>,
        }
        %scan3A_203 = arith.constant 8 : i32
        %dma_start3A = arith.constant 0 : i32
        %dma_start3A_204 = arith.constant 0 : i32
        %dma_start3A_205 = tpu.memref_slice %arg2[%dma_start3A, %dma_start3A_204] : memref<20000x128xf32, #tpu.memory_space<hbm>> -> memref<20000x128xf32, #tpu.memory_space<hbm>>
        tpu.enqueue_indirect_dma source(%dma_start3A_205 : memref<20000x128xf32, #tpu.memory_space<hbm>>) target(%arg10 : memref<128x128xf32, #tpu.memory_space<vmem>>) offsets(%arg8 : memref<128xi32, #tpu.memory_space<vmem>>) semaphore(%arg14 : memref<!tpu.dma_semaphore, #tpu.memory_space<semaphore_mem>>)
      } else {
      }
      %convert_element_type3A_163 = arith.extui %eq3A_147 : i1 to i32
      %cond3A_164 = arith.constant 0 : i32
      %cond3A_165 = arith.cmpi ne, %convert_element_type3A_163, %cond3A_164 : i32
      scf.if %cond3A_165 {
        %dma_wait3A = arith.constant 0 : i32
        %dma_wait3A_171 = arith.constant 0 : i32
        %dma_wait3A_172 = tpu.memref_slice %arg2[%dma_wait3A, %dma_wait3A_171] : memref<20000x128xf32, #tpu.memory_space<hbm>> -> memref<20000x128xf32, #tpu.memory_space<hbm>>
        tpu.wait_indirect_dma semaphore(%arg14 : memref<!tpu.dma_semaphore, #tpu.memory_space<semaphore_mem>>) src(%dma_wait3A_172 : memref<20000x128xf32, #tpu.memory_space<hbm>>) dst(%arg10 : memref<128x128xf32, #tpu.memory_space<vmem>>)
        "tpu.region"() ({
          %run_scoped3A = tpu.sem_alloc : memref<!tpu.dma_semaphore, #tpu.memory_space<semaphore_mem>>
          %dma_start3A = arith.constant 0 : i32
          %dma_start3A_173 = arith.constant 0 : i32
          %dma_start3A_174 = tpu.memref_slice %arg20[%dma_start3A, %dma_start3A_173] : memref<10016x128xf32, #tpu.memory_space<vmem_shared>> -> memref<10016x128xf32, #tpu.memory_space<vmem_shared>>
          tpu.enqueue_indirect_dma source(%arg10 : memref<128x128xf32, #tpu.memory_space<vmem>>) target(%dma_start3A_174 : memref<10016x128xf32, #tpu.memory_space<vmem_shared>>) offsets(%arg9 : memref<128xi32, #tpu.memory_space<vmem>>) semaphore(%run_scoped3A : memref<!tpu.dma_semaphore, #tpu.memory_space<semaphore_mem>>) {add = true}
          %dma_wait3A_175 = arith.constant 0 : i32
          %dma_wait3A_176 = arith.constant 0 : i32
          %dma_wait3A_177 = tpu.memref_slice %arg20[%dma_wait3A_175, %dma_wait3A_176] : memref<10016x128xf32, #tpu.memory_space<vmem_shared>> -> memref<10016x128xf32, #tpu.memory_space<vmem_shared>>
          tpu.wait_indirect_dma semaphore(%run_scoped3A : memref<!tpu.dma_semaphore, #tpu.memory_space<semaphore_mem>>) src(%arg10 : memref<128x128xf32, #tpu.memory_space<vmem>>) dst(%dma_wait3A_177 : memref<10016x128xf32, #tpu.memory_space<vmem_shared>>)
          tpu.yield
        }) : () -> ()
      } else {
      }
      %not3A_166 = arith.constant true
      %not3A_167 = arith.xori %eq3A_147, %not3A_166 : i1
      %convert_element_type3A_168 = arith.extui %not3A_167 : i1 to i32
      %cond3A_169 = arith.constant 0 : i32
      %cond3A_170 = arith.cmpi ne, %convert_element_type3A_168, %cond3A_169 : i32
      scf.if %cond3A_170 {
        %dma_wait3A = arith.constant 0 : i32
        %dma_wait3A_171 = arith.constant 0 : i32
        %dma_wait3A_172 = tpu.memref_slice %arg2[%dma_wait3A, %dma_wait3A_171] : memref<20000x128xf32, #tpu.memory_space<hbm>> -> memref<20000x128xf32, #tpu.memory_space<hbm>>
        tpu.wait_indirect_dma semaphore(%arg15 : memref<!tpu.dma_semaphore, #tpu.memory_space<semaphore_mem>>) src(%dma_wait3A_172 : memref<20000x128xf32, #tpu.memory_space<hbm>>) dst(%arg13 : memref<128x128xf32, #tpu.memory_space<vmem>>)
        "tpu.region"() ({
          %run_scoped3A = tpu.sem_alloc : memref<!tpu.dma_semaphore, #tpu.memory_space<semaphore_mem>>
          %dma_start3A = arith.constant 0 : i32
          %dma_start3A_173 = arith.constant 0 : i32
          %dma_start3A_174 = tpu.memref_slice %arg20[%dma_start3A, %dma_start3A_173] : memref<10016x128xf32, #tpu.memory_space<vmem_shared>> -> memref<10016x128xf32, #tpu.memory_space<vmem_shared>>
          tpu.enqueue_indirect_dma source(%arg13 : memref<128x128xf32, #tpu.memory_space<vmem>>) target(%dma_start3A_174 : memref<10016x128xf32, #tpu.memory_space<vmem_shared>>) offsets(%arg12 : memref<128xi32, #tpu.memory_space<vmem>>) semaphore(%run_scoped3A : memref<!tpu.dma_semaphore, #tpu.memory_space<semaphore_mem>>) {add = true}
          %dma_wait3A_175 = arith.constant 0 : i32
          %dma_wait3A_176 = arith.constant 0 : i32
          %dma_wait3A_177 = tpu.memref_slice %arg20[%dma_wait3A_175, %dma_wait3A_176] : memref<10016x128xf32, #tpu.memory_space<vmem_shared>> -> memref<10016x128xf32, #tpu.memory_space<vmem_shared>>
          tpu.wait_indirect_dma semaphore(%run_scoped3A : memref<!tpu.dma_semaphore, #tpu.memory_space<semaphore_mem>>) src(%arg13 : memref<128x128xf32, #tpu.memory_space<vmem>>) dst(%dma_wait3A_177 : memref<10016x128xf32, #tpu.memory_space<vmem_shared>>)
          tpu.yield
        }) : () -> ()
      } else {
      }
    }
    %while3A_106 = arith.constant 1 : i32
    scf.for %while3A_128 = %while3A_104 to %while3A_100 step %while3A_106  : i32 {
      %mul3A_129 = arith.muli %while3A_128, %while3A_96 : i32
      %add3A_130 = arith.addi %while3A_97, %mul3A_129 : i32
      %jit3A_131 = arith.constant 2 : i32
      %eq3A_132 = arith.constant 0 : i32
      %eq3A_133 = arith.cmpi eq, %jit3A_131, %eq3A_132 : i32
      %jit3A_134 = arith.constant 1 : i32
      %select_n3A_135 = arith.select %eq3A_133, %jit3A_134, %jit3A_131 : i32
      %rem3A_136 = arith.remsi %add3A_130, %select_n3A_135 : i32
      %ne3A_137 = arith.constant 0 : i32
      %ne3A_138 = arith.cmpi ne, %rem3A_136, %ne3A_137 : i32
      %lt3A = arith.constant 0 : i32
      %lt3A_139 = arith.cmpi slt, %rem3A_136, %lt3A : i32
      %lt3A_140 = arith.constant 0 : i32
      %lt3A_141 = arith.cmpi slt, %select_n3A_135, %lt3A_140 : i32
      %ne3A_142 = arith.xori %lt3A_139, %lt3A_141 : i1
      %and3A_143 = arith.andi %ne3A_142, %ne3A_138 : i1
      %add3A_144 = arith.addi %rem3A_136, %select_n3A_135 : i32
      %select_n3A_145 = arith.select %and3A_143, %add3A_144, %rem3A_136 : i32
      %eq3A_146 = arith.constant 0 : i32
      %eq3A_147 = arith.cmpi eq, %select_n3A_145, %eq3A_146 : i32
      %add3A_148 = arith.constant 1 : i32
      %add3A_149 = arith.addi %add3A_130, %add3A_148 : i32
      %lt3A_150 = arith.cmpi slt, %add3A_149, %select_n3A_85 : i32
      %and3A_151 = arith.andi %lt3A_150, %eq3A_147 : i1
      %convert_element_type3A_152 = arith.extui %and3A_151 : i1 to i32
      %cond3A_153 = arith.constant 0 : i32
      %cond3A_154 = arith.cmpi ne, %convert_element_type3A_152, %cond3A_153 : i32
      scf.if %cond3A_154 {
        %add3A_171 = arith.constant 1 : i32
        %add3A_172 = arith.addi %add3A_130, %add3A_171 : i32
        %mul3A_173 = arith.constant 128 : i32
        %mul3A_174 = arith.muli %add3A_172, %mul3A_173 : i32
        %add3A_175 = arith.addi %mul3A_56, %mul3A_174 : i32
        %jit3A_176 = arith.constant 10 : i32
        %eq3A_177 = arith.constant 0 : i32
        %eq3A_178 = arith.cmpi eq, %jit3A_176, %eq3A_177 : i32
        %jit3A_179 = arith.constant 1 : i32
        %select_n3A_180 = arith.select %eq3A_178, %jit3A_179, %jit3A_176 : i32
        %rem3A_181 = arith.remsi %add3A_172, %select_n3A_180 : i32
        %ne3A_182 = arith.constant 0 : i32
        %ne3A_183 = arith.cmpi ne, %rem3A_181, %ne3A_182 : i32
        %lt3A_184 = arith.constant 0 : i32
        %lt3A_185 = arith.cmpi slt, %rem3A_181, %lt3A_184 : i32
        %lt3A_186 = arith.constant 0 : i32
        %lt3A_187 = arith.cmpi slt, %select_n3A_180, %lt3A_186 : i32
        %ne3A_188 = arith.xori %lt3A_185, %lt3A_187 : i1
        %and3A_189 = arith.andi %ne3A_188, %ne3A_183 : i1
        %add3A_190 = arith.addi %rem3A_181, %select_n3A_180 : i32
        %select_n3A_191 = arith.select %and3A_189, %add3A_190, %rem3A_181 : i32
        %mul3A_192 = arith.constant 128 : i32
        %mul3A_193 = arith.muli %select_n3A_191, %mul3A_192 : i32
        %eq3A_194 = arith.constant 0 : i32
        %eq3A_195 = arith.cmpi eq, %mul3A_193, %eq3A_194 : i32
        %convert_element_type3A_196 = arith.extui %eq3A_195 : i1 to i32
        %cond3A_197 = arith.constant 0 : i32
        %cond3A_198 = arith.cmpi ne, %convert_element_type3A_196, %cond3A_197 : i32
        scf.if %cond3A_198 {
          "tpu.region"() ({
            %run_scoped3A = tpu.sem_alloc : memref<!tpu.dma_semaphore, #tpu.memory_space<semaphore_mem>>
            %dma_start3A_206 = tpu.memref_slice %arg3[%add3A_175] : memref<161536xi32, #tpu.memory_space<hbm>> -> memref<1280xi32, #tpu.memory_space<hbm>>
            %dma_start3A_207 = tpu.memref_slice %arg3[%add3A_175] : memref<161536xi32, #tpu.memory_space<hbm>> -> memref<1280xi32, #tpu.memory_space<hbm>>
            tpu.enqueue_dma source(%dma_start3A_207 : memref<1280xi32, #tpu.memory_space<hbm>>) target(%arg16 : memref<1280xi32, #tpu.memory_space<vmem>>) target_semaphore(%run_scoped3A : memref<!tpu.dma_semaphore, #tpu.memory_space<semaphore_mem>>)
            %dma_wait3A = tpu.memref_slice %arg3[%add3A_175] : memref<161536xi32, #tpu.memory_space<hbm>> -> memref<1280xi32, #tpu.memory_space<hbm>>
            %dma_wait3A_208 = tpu.memref_slice %arg3[%add3A_175] : memref<161536xi32, #tpu.memory_space<hbm>> -> memref<1280xi32, #tpu.memory_space<hbm>>
            tpu.wait_dma2 semaphore(%run_scoped3A : memref<!tpu.dma_semaphore, #tpu.memory_space<semaphore_mem>>) src(%dma_wait3A_208 : memref<1280xi32, #tpu.memory_space<hbm>>) dst(%arg16 : memref<1280xi32, #tpu.memory_space<vmem>>)
            tpu.yield
          }) : () -> ()
          "tpu.region"() ({
            %run_scoped3A = tpu.sem_alloc : memref<!tpu.dma_semaphore, #tpu.memory_space<semaphore_mem>>
            %dma_start3A_206 = tpu.memref_slice %arg4[%add3A_175] : memref<161536xi32, #tpu.memory_space<hbm>> -> memref<1280xi32, #tpu.memory_space<hbm>>
            %dma_start3A_207 = tpu.memref_slice %arg4[%add3A_175] : memref<161536xi32, #tpu.memory_space<hbm>> -> memref<1280xi32, #tpu.memory_space<hbm>>
            tpu.enqueue_dma source(%dma_start3A_207 : memref<1280xi32, #tpu.memory_space<hbm>>) target(%arg17 : memref<1280xi32, #tpu.memory_space<vmem>>) target_semaphore(%run_scoped3A : memref<!tpu.dma_semaphore, #tpu.memory_space<semaphore_mem>>)
            %dma_wait3A = tpu.memref_slice %arg4[%add3A_175] : memref<161536xi32, #tpu.memory_space<hbm>> -> memref<1280xi32, #tpu.memory_space<hbm>>
            %dma_wait3A_208 = tpu.memref_slice %arg4[%add3A_175] : memref<161536xi32, #tpu.memory_space<hbm>> -> memref<1280xi32, #tpu.memory_space<hbm>>
            tpu.wait_dma2 semaphore(%run_scoped3A : memref<!tpu.dma_semaphore, #tpu.memory_space<semaphore_mem>>) src(%dma_wait3A_208 : memref<1280xi32, #tpu.memory_space<hbm>>) dst(%arg17 : memref<1280xi32, #tpu.memory_space<vmem>>)
            tpu.yield
          }) : () -> ()
        } else {
        }
        %scan3A_199 = arith.constant 0 : i32
        %scan3A_200 = arith.constant 8 : i32
        %scan3A_201 = arith.addi %scan3A_199, %scan3A_200 : i32
        %scan3A_202 = arith.constant 1 : i32
        scf.for %scan3A_206 = %scan3A_199 to %scan3A_201 step %scan3A_202  : i32 {
          %mul3A_207 = arith.constant 16 : i32
          %mul3A_208 = arith.muli %scan3A_206, %mul3A_207 : i32
          %add3A_209 = arith.constant 0 : i32
          %add3A_210 = arith.addi %add3A_209, %mul3A_208 : i32
          %add3A_211 = arith.addi %add3A_175, %add3A_210 : i32
          %add3A_212 = vector.broadcast %add3A_211 : i32 to vector<16xi32>
          %add3A_213 = arith.addi %add3A_212, %iota3A : vector<16xi32>
          %ge3A = vector.broadcast %reduce_sum3A_4 : i32 to vector<16xi32>
          %ge3A_214 = arith.cmpi sge, %add3A_213, %ge3A : vector<16xi32>
          %lt3A_215 = vector.broadcast %reduce_sum3A_15 : i32 to vector<16xi32>
          %lt3A_216 = arith.cmpi slt, %add3A_213, %lt3A_215 : vector<16xi32>
          %and3A_217 = arith.andi %ge3A_214, %lt3A_216 : vector<16xi1>
          %add3A_218 = arith.addi %mul3A_193, %add3A_210 : i32
          %get3A_219 = arith.index_cast %add3A_218 : i32 to index
          %get3A_220 = tpu.vector_load %arg17[%get3A_219] {strides = array<i32>} : memref<1280xi32, #tpu.memory_space<vmem>>, vector<16xi32>,
          %add3A_221 = arith.constant 10000 : i32
          %add3A_222 = vector.broadcast %add3A_221 : i32 to vector<16xi32>
          %add3A_223 = arith.addi %add3A_222, %iota3A : vector<16xi32>
          %select_n3A_224 = arith.select %and3A_217, %get3A_220, %add3A_223 : vector<16xi1>, vector<16xi32>
          %swap3A = arith.index_cast %add3A_210 : i32 to index
          %swap3A_225 = tpu.vector_load %arg12[%swap3A] {strides = array<i32>} : memref<128xi32, #tpu.memory_space<vmem>>, vector<16xi32>,
          tpu.vector_store %arg12[%swap3A], %select_n3A_224 {strides = array<i32>} : memref<128xi32, #tpu.memory_space<vmem>>, vector<16xi32>,
          %add3A_226 = arith.addi %mul3A_193, %add3A_210 : i32
          %get3A_227 = arith.index_cast %add3A_226 : i32 to index
          %get3A_228 = tpu.vector_load %arg16[%get3A_227] {strides = array<i32>} : memref<1280xi32, #tpu.memory_space<vmem>>, vector<16xi32>,
          %mul3A_229 = arith.constant 2 : i32
          %mul3A_230 = vector.broadcast %mul3A_229 : i32 to vector<16xi32>
          %mul3A_231 = arith.muli %get3A_228, %mul3A_230 : vector<16xi32>
          %add3A_232 = vector.broadcast %arg0 : i32 to vector<16xi32>
          %add3A_233 = arith.addi %mul3A_231, %add3A_232 : vector<16xi32>
          %swap3A_234 = arith.index_cast %add3A_210 : i32 to index
          %swap3A_235 = tpu.vector_load %arg11[%swap3A_234] {strides = array<i32>} : memref<128xi32, #tpu.memory_space<vmem>>, vector<16xi32>,
          tpu.vector_store %arg11[%swap3A_234], %add3A_233 {strides = array<i32>} : memref<128xi32, #tpu.memory_space<vmem>>, vector<16xi32>,
        }
        %scan3A_203 = arith.constant 8 : i32
        %dma_start3A = arith.constant 0 : i32
        %dma_start3A_204 = arith.constant 0 : i32
        %dma_start3A_205 = tpu.memref_slice %arg2[%dma_start3A, %dma_start3A_204] : memref<20000x128xf32, #tpu.memory_space<hbm>> -> memref<20000x128xf32, #tpu.memory_space<hbm>>
        tpu.enqueue_indirect_dma source(%dma_start3A_205 : memref<20000x128xf32, #tpu.memory_space<hbm>>) target(%arg13 : memref<128x128xf32, #tpu.memory_space<vmem>>) offsets(%arg11 : memref<128xi32, #tpu.memory_space<vmem>>) semaphore(%arg15 : memref<!tpu.dma_semaphore, #tpu.memory_space<semaphore_mem>>)
      } else {
      }
      %add3A_155 = arith.constant 1 : i32
      %add3A_156 = arith.addi %add3A_130, %add3A_155 : i32
      %lt3A_157 = arith.cmpi slt, %add3A_156, %select_n3A_85 : i32
      %not3A = arith.constant true
      %not3A_158 = arith.xori %eq3A_147, %not3A : i1
      %and3A_159 = arith.andi %lt3A_157, %not3A_158 : i1
      %convert_element_type3A_160 = arith.extui %and3A_159 : i1 to i32
      %cond3A_161 = arith.constant 0 : i32
      %cond3A_162 = arith.cmpi ne, %convert_element_type3A_160, %cond3A_161 : i32
      scf.if %cond3A_162 {
        %add3A_171 = arith.constant 1 : i32
        %add3A_172 = arith.addi %add3A_130, %add3A_171 : i32
        %mul3A_173 = arith.constant 128 : i32
        %mul3A_174 = arith.muli %add3A_172, %mul3A_173 : i32
        %add3A_175 = arith.addi %mul3A_56, %mul3A_174 : i32
        %jit3A_176 = arith.constant 10 : i32
        %eq3A_177 = arith.constant 0 : i32
        %eq3A_178 = arith.cmpi eq, %jit3A_176, %eq3A_177 : i32
        %jit3A_179 = arith.constant 1 : i32
        %select_n3A_180 = arith.select %eq3A_178, %jit3A_179, %jit3A_176 : i32
        %rem3A_181 = arith.remsi %add3A_172, %select_n3A_180 : i32
        %ne3A_182 = arith.constant 0 : i32
        %ne3A_183 = arith.cmpi ne, %rem3A_181, %ne3A_182 : i32
        %lt3A_184 = arith.constant 0 : i32
        %lt3A_185 = arith.cmpi slt, %rem3A_181, %lt3A_184 : i32
        %lt3A_186 = arith.constant 0 : i32
        %lt3A_187 = arith.cmpi slt, %select_n3A_180, %lt3A_186 : i32
        %ne3A_188 = arith.xori %lt3A_185, %lt3A_187 : i1
        %and3A_189 = arith.andi %ne3A_188, %ne3A_183 : i1
        %add3A_190 = arith.addi %rem3A_181, %select_n3A_180 : i32
        %select_n3A_191 = arith.select %and3A_189, %add3A_190, %rem3A_181 : i32
        %mul3A_192 = arith.constant 128 : i32
        %mul3A_193 = arith.muli %select_n3A_191, %mul3A_192 : i32
        %eq3A_194 = arith.constant 0 : i32
        %eq3A_195 = arith.cmpi eq, %mul3A_193, %eq3A_194 : i32
        %convert_element_type3A_196 = arith.extui %eq3A_195 : i1 to i32
        %cond3A_197 = arith.constant 0 : i32
        %cond3A_198 = arith.cmpi ne, %convert_element_type3A_196, %cond3A_197 : i32
        scf.if %cond3A_198 {
          "tpu.region"() ({
            %run_scoped3A = tpu.sem_alloc : memref<!tpu.dma_semaphore, #tpu.memory_space<semaphore_mem>>
            %dma_start3A_206 = tpu.memref_slice %arg3[%add3A_175] : memref<161536xi32, #tpu.memory_space<hbm>> -> memref<1280xi32, #tpu.memory_space<hbm>>
            %dma_start3A_207 = tpu.memref_slice %arg3[%add3A_175] : memref<161536xi32, #tpu.memory_space<hbm>> -> memref<1280xi32, #tpu.memory_space<hbm>>
            tpu.enqueue_dma source(%dma_start3A_207 : memref<1280xi32, #tpu.memory_space<hbm>>) target(%arg16 : memref<1280xi32, #tpu.memory_space<vmem>>) target_semaphore(%run_scoped3A : memref<!tpu.dma_semaphore, #tpu.memory_space<semaphore_mem>>)
            %dma_wait3A = tpu.memref_slice %arg3[%add3A_175] : memref<161536xi32, #tpu.memory_space<hbm>> -> memref<1280xi32, #tpu.memory_space<hbm>>
            %dma_wait3A_208 = tpu.memref_slice %arg3[%add3A_175] : memref<161536xi32, #tpu.memory_space<hbm>> -> memref<1280xi32, #tpu.memory_space<hbm>>
            tpu.wait_dma2 semaphore(%run_scoped3A : memref<!tpu.dma_semaphore, #tpu.memory_space<semaphore_mem>>) src(%dma_wait3A_208 : memref<1280xi32, #tpu.memory_space<hbm>>) dst(%arg16 : memref<1280xi32, #tpu.memory_space<vmem>>)
            tpu.yield
          }) : () -> ()
          "tpu.region"() ({
            %run_scoped3A = tpu.sem_alloc : memref<!tpu.dma_semaphore, #tpu.memory_space<semaphore_mem>>
            %dma_start3A_206 = tpu.memref_slice %arg4[%add3A_175] : memref<161536xi32, #tpu.memory_space<hbm>> -> memref<1280xi32, #tpu.memory_space<hbm>>
            %dma_start3A_207 = tpu.memref_slice %arg4[%add3A_175] : memref<161536xi32, #tpu.memory_space<hbm>> -> memref<1280xi32, #tpu.memory_space<hbm>>
            tpu.enqueue_dma source(%dma_start3A_207 : memref<1280xi32, #tpu.memory_space<hbm>>) target(%arg17 : memref<1280xi32, #tpu.memory_space<vmem>>) target_semaphore(%run_scoped3A : memref<!tpu.dma_semaphore, #tpu.memory_space<semaphore_mem>>)
            %dma_wait3A = tpu.memref_slice %arg4[%add3A_175] : memref<161536xi32, #tpu.memory_space<hbm>> -> memref<1280xi32, #tpu.memory_space<hbm>>
            %dma_wait3A_208 = tpu.memref_slice %arg4[%add3A_175] : memref<161536xi32, #tpu.memory_space<hbm>> -> memref<1280xi32, #tpu.memory_space<hbm>>
            tpu.wait_dma2 semaphore(%run_scoped3A : memref<!tpu.dma_semaphore, #tpu.memory_space<semaphore_mem>>) src(%dma_wait3A_208 : memref<1280xi32, #tpu.memory_space<hbm>>) dst(%arg17 : memref<1280xi32, #tpu.memory_space<vmem>>)
            tpu.yield
          }) : () -> ()
        } else {
        }
        %scan3A_199 = arith.constant 0 : i32
        %scan3A_200 = arith.constant 8 : i32
        %scan3A_201 = arith.addi %scan3A_199, %scan3A_200 : i32
        %scan3A_202 = arith.constant 1 : i32
        scf.for %scan3A_206 = %scan3A_199 to %scan3A_201 step %scan3A_202  : i32 {
          %mul3A_207 = arith.constant 16 : i32
          %mul3A_208 = arith.muli %scan3A_206, %mul3A_207 : i32
          %add3A_209 = arith.constant 0 : i32
          %add3A_210 = arith.addi %add3A_209, %mul3A_208 : i32
          %add3A_211 = arith.addi %add3A_175, %add3A_210 : i32
          %add3A_212 = vector.broadcast %add3A_211 : i32 to vector<16xi32>
          %add3A_213 = arith.addi %add3A_212, %iota3A : vector<16xi32>
          %ge3A = vector.broadcast %reduce_sum3A_4 : i32 to vector<16xi32>
          %ge3A_214 = arith.cmpi sge, %add3A_213, %ge3A : vector<16xi32>
          %lt3A_215 = vector.broadcast %reduce_sum3A_15 : i32 to vector<16xi32>
          %lt3A_216 = arith.cmpi slt, %add3A_213, %lt3A_215 : vector<16xi32>
          %and3A_217 = arith.andi %ge3A_214, %lt3A_216 : vector<16xi1>
          %add3A_218 = arith.addi %mul3A_193, %add3A_210 : i32
          %get3A_219 = arith.index_cast %add3A_218 : i32 to index
          %get3A_220 = tpu.vector_load %arg17[%get3A_219] {strides = array<i32>} : memref<1280xi32, #tpu.memory_space<vmem>>, vector<16xi32>,
          %add3A_221 = arith.constant 10000 : i32
          %add3A_222 = vector.broadcast %add3A_221 : i32 to vector<16xi32>
          %add3A_223 = arith.addi %add3A_222, %iota3A : vector<16xi32>
          %select_n3A_224 = arith.select %and3A_217, %get3A_220, %add3A_223 : vector<16xi1>, vector<16xi32>
          %swap3A = arith.index_cast %add3A_210 : i32 to index
          %swap3A_225 = tpu.vector_load %arg9[%swap3A] {strides = array<i32>} : memref<128xi32, #tpu.memory_space<vmem>>, vector<16xi32>,
          tpu.vector_store %arg9[%swap3A], %select_n3A_224 {strides = array<i32>} : memref<128xi32, #tpu.memory_space<vmem>>, vector<16xi32>,
          %add3A_226 = arith.addi %mul3A_193, %add3A_210 : i32
          %get3A_227 = arith.index_cast %add3A_226 : i32 to index
          %get3A_228 = tpu.vector_load %arg16[%get3A_227] {strides = array<i32>} : memref<1280xi32, #tpu.memory_space<vmem>>, vector<16xi32>,
          %mul3A_229 = arith.constant 2 : i32
          %mul3A_230 = vector.broadcast %mul3A_229 : i32 to vector<16xi32>
          %mul3A_231 = arith.muli %get3A_228, %mul3A_230 : vector<16xi32>
          %add3A_232 = vector.broadcast %arg0 : i32 to vector<16xi32>
          %add3A_233 = arith.addi %mul3A_231, %add3A_232 : vector<16xi32>
          %swap3A_234 = arith.index_cast %add3A_210 : i32 to index
          %swap3A_235 = tpu.vector_load %arg8[%swap3A_234] {strides = array<i32>} : memref<128xi32, #tpu.memory_space<vmem>>, vector<16xi32>,
          tpu.vector_store %arg8[%swap3A_234], %add3A_233 {strides = array<i32>} : memref<128xi32, #tpu.memory_space<vmem>>, vector<16xi32>,
        }
        %scan3A_203 = arith.constant 8 : i32
        %dma_start3A = arith.constant 0 : i32
        %dma_start3A_204 = arith.constant 0 : i32
        %dma_start3A_205 = tpu.memref_slice %arg2[%dma_start3A, %dma_start3A_204] : memref<20000x128xf32, #tpu.memory_space<hbm>> -> memref<20000x128xf32, #tpu.memory_space<hbm>>
        tpu.enqueue_indirect_dma source(%dma_start3A_205 : memref<20000x128xf32, #tpu.memory_space<hbm>>) target(%arg10 : memref<128x128xf32, #tpu.memory_space<vmem>>) offsets(%arg8 : memref<128xi32, #tpu.memory_space<vmem>>) semaphore(%arg14 : memref<!tpu.dma_semaphore, #tpu.memory_space<semaphore_mem>>)
      } else {
      }
      %convert_element_type3A_163 = arith.extui %eq3A_147 : i1 to i32
      %cond3A_164 = arith.constant 0 : i32
      %cond3A_165 = arith.cmpi ne, %convert_element_type3A_163, %cond3A_164 : i32
      scf.if %cond3A_165 {
        %dma_wait3A = arith.constant 0 : i32
        %dma_wait3A_171 = arith.constant 0 : i32
        %dma_wait3A_172 = tpu.memref_slice %arg2[%dma_wait3A, %dma_wait3A_171] : memref<20000x128xf32, #tpu.memory_space<hbm>> -> memref<20000x128xf32, #tpu.memory_space<hbm>>
        tpu.wait_indirect_dma semaphore(%arg14 : memref<!tpu.dma_semaphore, #tpu.memory_space<semaphore_mem>>) src(%dma_wait3A_172 : memref<20000x128xf32, #tpu.memory_space<hbm>>) dst(%arg10 : memref<128x128xf32, #tpu.memory_space<vmem>>)
        "tpu.region"() ({
          %run_scoped3A = tpu.sem_alloc : memref<!tpu.dma_semaphore, #tpu.memory_space<semaphore_mem>>
          %dma_start3A = arith.constant 0 : i32
          %dma_start3A_173 = arith.constant 0 : i32
          %dma_start3A_174 = tpu.memref_slice %arg20[%dma_start3A, %dma_start3A_173] : memref<10016x128xf32, #tpu.memory_space<vmem_shared>> -> memref<10016x128xf32, #tpu.memory_space<vmem_shared>>
          tpu.enqueue_indirect_dma source(%arg10 : memref<128x128xf32, #tpu.memory_space<vmem>>) target(%dma_start3A_174 : memref<10016x128xf32, #tpu.memory_space<vmem_shared>>) offsets(%arg9 : memref<128xi32, #tpu.memory_space<vmem>>) semaphore(%run_scoped3A : memref<!tpu.dma_semaphore, #tpu.memory_space<semaphore_mem>>) {add = true}
          %dma_wait3A_175 = arith.constant 0 : i32
          %dma_wait3A_176 = arith.constant 0 : i32
          %dma_wait3A_177 = tpu.memref_slice %arg20[%dma_wait3A_175, %dma_wait3A_176] : memref<10016x128xf32, #tpu.memory_space<vmem_shared>> -> memref<10016x128xf32, #tpu.memory_space<vmem_shared>>
          tpu.wait_indirect_dma semaphore(%run_scoped3A : memref<!tpu.dma_semaphore, #tpu.memory_space<semaphore_mem>>) src(%arg10 : memref<128x128xf32, #tpu.memory_space<vmem>>) dst(%dma_wait3A_177 : memref<10016x128xf32, #tpu.memory_space<vmem_shared>>)
          tpu.yield
        }) : () -> ()
      } else {
      }
      %not3A_166 = arith.constant true
      %not3A_167 = arith.xori %eq3A_147, %not3A_166 : i1
      %convert_element_type3A_168 = arith.extui %not3A_167 : i1 to i32
      %cond3A_169 = arith.constant 0 : i32
      %cond3A_170 = arith.cmpi ne, %convert_element_type3A_168, %cond3A_169 : i32
      scf.if %cond3A_170 {
        %dma_wait3A = arith.constant 0 : i32
        %dma_wait3A_171 = arith.constant 0 : i32
        %dma_wait3A_172 = tpu.memref_slice %arg2[%dma_wait3A, %dma_wait3A_171] : memref<20000x128xf32, #tpu.memory_space<hbm>> -> memref<20000x128xf32, #tpu.memory_space<hbm>>
        tpu.wait_indirect_dma semaphore(%arg15 : memref<!tpu.dma_semaphore, #tpu.memory_space<semaphore_mem>>) src(%dma_wait3A_172 : memref<20000x128xf32, #tpu.memory_space<hbm>>) dst(%arg13 : memref<128x128xf32, #tpu.memory_space<vmem>>)
        "tpu.region"() ({
          %run_scoped3A = tpu.sem_alloc : memref<!tpu.dma_semaphore, #tpu.memory_space<semaphore_mem>>
          %dma_start3A = arith.constant 0 : i32
          %dma_start3A_173 = arith.constant 0 : i32
          %dma_start3A_174 = tpu.memref_slice %arg20[%dma_start3A, %dma_start3A_173] : memref<10016x128xf32, #tpu.memory_space<vmem_shared>> -> memref<10016x128xf32, #tpu.memory_space<vmem_shared>>
          tpu.enqueue_indirect_dma source(%arg13 : memref<128x128xf32, #tpu.memory_space<vmem>>) target(%dma_start3A_174 : memref<10016x128xf32, #tpu.memory_space<vmem_shared>>) offsets(%arg12 : memref<128xi32, #tpu.memory_space<vmem>>) semaphore(%run_scoped3A : memref<!tpu.dma_semaphore, #tpu.memory_space<semaphore_mem>>) {add = true}
          %dma_wait3A_175 = arith.constant 0 : i32
          %dma_wait3A_176 = arith.constant 0 : i32
          %dma_wait3A_177 = tpu.memref_slice %arg20[%dma_wait3A_175, %dma_wait3A_176] : memref<10016x128xf32, #tpu.memory_space<vmem_shared>> -> memref<10016x128xf32, #tpu.memory_space<vmem_shared>>
          tpu.wait_indirect_dma semaphore(%run_scoped3A : memref<!tpu.dma_semaphore, #tpu.memory_space<semaphore_mem>>) src(%arg13 : memref<128x128xf32, #tpu.memory_space<vmem>>) dst(%dma_wait3A_177 : memref<10016x128xf32, #tpu.memory_space<vmem_shared>>)
          tpu.yield
        }) : () -> ()
      } else {
      }
    }
    %barrier3A_107 = arith.constant 0 : index
    tpu.barrier barrier_id(%barrier3A_107)
    %mul3A_108 = arith.constant 16 : i32
    %mul3A_109 = arith.muli %arg1, %mul3A_108 : i32
    %sub3A_110 = arith.constant 10000 : i32
    %sub3A_111 = arith.subi %sub3A_110, %mul3A_109 : i32
    %sub3A_112 = arith.constant 256 : i32
    %sub3A_113 = arith.constant 1 : i32
    %sub3A_114 = arith.subi %sub3A_112, %sub3A_113 : i32
    %add3A_115 = arith.addi %sub3A_111, %sub3A_114 : i32
    %div3A_116 = arith.constant 256 : i32
    %div3A_117 = arith.divsi %add3A_115, %div3A_116 : i32
    %while3A_118 = arith.constant 256 : i32
    %while3A_119 = arith.constant 0 : i32
    %while3A_120 = arith.subi %div3A_117, %while3A_119 : i32
    %while3A_121 = arith.addi %while3A_119, %while3A_120 : i32
    %while3A_122 = arith.constant 1 : i32
    %while3A_123 = arith.divsi %while3A_120, %while3A_122 : i32
    %while3A_124 = arith.muli %while3A_123, %while3A_122 : i32
    %while3A_125 = arith.addi %while3A_119, %while3A_124 : i32
    %while3A_126 = arith.constant 1 : i32
    scf.for %while3A_128 = %while3A_119 to %while3A_125 step %while3A_126  : i32 {
      %mul3A_129 = arith.muli %while3A_128, %while3A_118 : i32
      %add3A_130 = arith.addi %mul3A_109, %mul3A_129 : i32
      "tpu.region"() ({
        %run_scoped3A = tpu.sem_alloc : memref<!tpu.dma_semaphore, #tpu.memory_space<semaphore_mem>>
        %dma_start3A = arith.constant 0 : i32
        %dma_start3A_131 = arith.constant 0 : i32
        %dma_start3A_132 = tpu.memref_slice %arg7[%arg0, %dma_start3A, %dma_start3A_131] : memref<2x10000x128xf32, #tpu.memory_space<hbm>> -> memref<1x10000x128xf32, #tpu.memory_space<hbm>>
        %dma_start3A_133 = tpu.memref_squeeze %dma_start3A_132 : memref<1x10000x128xf32, #tpu.memory_space<hbm>> -> memref<10000x128xf32, #tpu.memory_space<hbm>>
        %dma_start3A_134 = arith.constant 0 : i32
        %dma_start3A_135 = tpu.memref_slice %dma_start3A_133[%add3A_130, %dma_start3A_134] : memref<10000x128xf32, #tpu.memory_space<hbm>> -> memref<16x128xf32, #tpu.memory_space<hbm>>
        %dma_start3A_136 = arith.constant 0 : i32
        %dma_start3A_137 = tpu.memref_slice %arg20[%add3A_130, %dma_start3A_136] : memref<10016x128xf32, #tpu.memory_space<vmem_shared>> -> memref<16x128xf32, #tpu.memory_space<vmem_shared>>
        tpu.enqueue_dma source(%dma_start3A_137 : memref<16x128xf32, #tpu.memory_space<vmem_shared>>) target(%dma_start3A_135 : memref<16x128xf32, #tpu.memory_space<hbm>>) target_semaphore(%run_scoped3A : memref<!tpu.dma_semaphore, #tpu.memory_space<semaphore_mem>>)
        %dma_wait3A = arith.constant 0 : i32
        %dma_wait3A_138 = arith.constant 0 : i32
        %dma_wait3A_139 = tpu.memref_slice %arg7[%arg0, %dma_wait3A, %dma_wait3A_138] : memref<2x10000x128xf32, #tpu.memory_space<hbm>> -> memref<1x10000x128xf32, #tpu.memory_space<hbm>>
        %dma_wait3A_140 = tpu.memref_squeeze %dma_wait3A_139 : memref<1x10000x128xf32, #tpu.memory_space<hbm>> -> memref<10000x128xf32, #tpu.memory_space<hbm>>
        %dma_wait3A_141 = arith.constant 0 : i32
        %dma_wait3A_142 = tpu.memref_slice %dma_wait3A_140[%add3A_130, %dma_wait3A_141] : memref<10000x128xf32, #tpu.memory_space<hbm>> -> memref<16x128xf32, #tpu.memory_space<hbm>>
        %dma_wait3A_143 = arith.constant 0 : i32
        %dma_wait3A_144 = tpu.memref_slice %arg20[%add3A_130, %dma_wait3A_143] : memref<10016x128xf32, #tpu.memory_space<vmem_shared>> -> memref<16x128xf32, #tpu.memory_space<vmem_shared>>
        tpu.wait_dma2 semaphore(%run_scoped3A : memref<!tpu.dma_semaphore, #tpu.memory_space<semaphore_mem>>) src(%dma_wait3A_144 : memref<16x128xf32, #tpu.memory_space<vmem_shared>>) dst(%dma_wait3A_142 : memref<16x128xf32, #tpu.memory_space<hbm>>)
        tpu.yield
      }) : () -> ()
    }
    %while3A_127 = arith.constant 1 : i32
    scf.for %while3A_128 = %while3A_125 to %while3A_121 step %while3A_127  : i32 {
      %mul3A_129 = arith.muli %while3A_128, %while3A_118 : i32
      %add3A_130 = arith.addi %mul3A_109, %mul3A_129 : i32
      "tpu.region"() ({
        %run_scoped3A = tpu.sem_alloc : memref<!tpu.dma_semaphore, #tpu.memory_space<semaphore_mem>>
        %dma_start3A = arith.constant 0 : i32
        %dma_start3A_131 = arith.constant 0 : i32
        %dma_start3A_132 = tpu.memref_slice %arg7[%arg0, %dma_start3A, %dma_start3A_131] : memref<2x10000x128xf32, #tpu.memory_space<hbm>> -> memref<1x10000x128xf32, #tpu.memory_space<hbm>>
        %dma_start3A_133 = tpu.memref_squeeze %dma_start3A_132 : memref<1x10000x128xf32, #tpu.memory_space<hbm>> -> memref<10000x128xf32, #tpu.memory_space<hbm>>
        %dma_start3A_134 = arith.constant 0 : i32
        %dma_start3A_135 = tpu.memref_slice %dma_start3A_133[%add3A_130, %dma_start3A_134] : memref<10000x128xf32, #tpu.memory_space<hbm>> -> memref<16x128xf32, #tpu.memory_space<hbm>>
        %dma_start3A_136 = arith.constant 0 : i32
        %dma_start3A_137 = tpu.memref_slice %arg20[%add3A_130, %dma_start3A_136] : memref<10016x128xf32, #tpu.memory_space<vmem_shared>> -> memref<16x128xf32, #tpu.memory_space<vmem_shared>>
        tpu.enqueue_dma source(%dma_start3A_137 : memref<16x128xf32, #tpu.memory_space<vmem_shared>>) target(%dma_start3A_135 : memref<16x128xf32, #tpu.memory_space<hbm>>) target_semaphore(%run_scoped3A : memref<!tpu.dma_semaphore, #tpu.memory_space<semaphore_mem>>)
        %dma_wait3A = arith.constant 0 : i32
        %dma_wait3A_138 = arith.constant 0 : i32
        %dma_wait3A_139 = tpu.memref_slice %arg7[%arg0, %dma_wait3A, %dma_wait3A_138] : memref<2x10000x128xf32, #tpu.memory_space<hbm>> -> memref<1x10000x128xf32, #tpu.memory_space<hbm>>
        %dma_wait3A_140 = tpu.memref_squeeze %dma_wait3A_139 : memref<1x10000x128xf32, #tpu.memory_space<hbm>> -> memref<10000x128xf32, #tpu.memory_space<hbm>>
        %dma_wait3A_141 = arith.constant 0 : i32
        %dma_wait3A_142 = tpu.memref_slice %dma_wait3A_140[%add3A_130, %dma_wait3A_141] : memref<10000x128xf32, #tpu.memory_space<hbm>> -> memref<16x128xf32, #tpu.memory_space<hbm>>
        %dma_wait3A_143 = arith.constant 0 : i32
        %dma_wait3A_144 = tpu.memref_slice %arg20[%add3A_130, %dma_wait3A_143] : memref<10016x128xf32, #tpu.memory_space<vmem_shared>> -> memref<16x128xf32, #tpu.memory_space<vmem_shared>>
        tpu.wait_dma2 semaphore(%run_scoped3A : memref<!tpu.dma_semaphore, #tpu.memory_space<semaphore_mem>>) src(%dma_wait3A_144 : memref<16x128xf32, #tpu.memory_space<vmem_shared>>) dst(%dma_wait3A_142 : memref<16x128xf32, #tpu.memory_space<hbm>>)
        tpu.yield
      }) : () -> ()
    }
    return
  }
}

#map = affine_map<(d0, d1) -> (0, 0)>
#map1 = affine_map<(d0, d1) -> (0)>
#map2 = affine_map<(d0, d1) -> (0, 0, 0)>
module attributes {stable_mosaic.version = 14 : i64} {
  func.func @_sc_agg_body(%arg0: i32, %arg1: i32, %arg2: memref<20000x128xf32, #tpu.memory_space<hbm>>, %arg3: memref<161536xi32, #tpu.memory_space<hbm>>, %arg4: memref<161536xi32, #tpu.memory_space<hbm>>, %arg5: memref<16xi32, #tpu.memory_space<hbm>>, %arg6: memref<16xi32, #tpu.memory_space<hbm>>, %arg7: memref<2x10000x128xf32, #tpu.memory_space<hbm>>, %arg8: memref<128xi32, #tpu.memory_space<vmem>>, %arg9: memref<128xi32, #tpu.memory_space<vmem>>, %arg10: memref<128x128xf32, #tpu.memory_space<vmem>>, %arg11: memref<128xi32, #tpu.memory_space<vmem>>, %arg12: memref<128xi32, #tpu.memory_space<vmem>>, %arg13: memref<128x128xf32, #tpu.memory_space<vmem>>, %arg14: memref<!tpu.dma_semaphore, #tpu.memory_space<semaphore_mem>>, %arg15: memref<!tpu.dma_semaphore, #tpu.memory_space<semaphore_mem>>, %arg16: memref<1280xi32, #tpu.memory_space<vmem>>, %arg17: memref<1280xi32, #tpu.memory_space<vmem>>, %arg18: memref<16x128xf32, #tpu.memory_space<vmem>>, %arg19: memref<16xi32, #tpu.memory_space<vmem>>, %arg20: memref<10016x128xf32, #tpu.memory_space<vmem_shared>>) attributes {dimension_semantics = [#tpu.dimension_semantics<core_parallel>, #tpu.dimension_semantics<subcore_parallel>], iteration_bounds = array<i64: 2, 16>, scalar_prefetch = 0 : i64, scratch_operands = 13 : i64, tpu.core_type = #tpu.core_type<sc_vector_subcore>, window_params = [{transform_indices = #map}, {transform_indices = #map1}, {transform_indices = #map1}, {transform_indices = #map1}, {transform_indices = #map1}, {transform_indices = #map2}]} {
    %iota3A = tpu.iota {dimensions = array<i32: 0>} : vector<16xi32>
    "tpu.region"() ({
      %run_scoped3A = tpu.sem_alloc : memref<!tpu.dma_semaphore, #tpu.memory_space<semaphore_mem>>
      tpu.enqueue_dma source(%arg5 : memref<16xi32, #tpu.memory_space<hbm>>) target(%arg19 : memref<16xi32, #tpu.memory_space<vmem>>) target_semaphore(%run_scoped3A : memref<!tpu.dma_semaphore, #tpu.memory_space<semaphore_mem>>)
      tpu.wait_dma2 semaphore(%run_scoped3A : memref<!tpu.dma_semaphore, #tpu.memory_space<semaphore_mem>>) src(%arg5 : memref<16xi32, #tpu.memory_space<hbm>>) dst(%arg19 : memref<16xi32, #tpu.memory_space<vmem>>)
      tpu.yield
    }) : () -> ()
    %eq3A = vector.broadcast %arg1 : i32 to vector<16xi32>
    %eq3A_0 = arith.cmpi eq, %iota3A, %eq3A : vector<16xi32>
    %get3A = arith.constant 0 : index
    %get3A_1 = tpu.vector_load %arg19[%get3A] {strides = array<i32>} : memref<16xi32, #tpu.memory_space<vmem>>, vector<16xi32>,
    %jit3A = arith.constant 0 : i32
    %broadcast_in_dim3A = vector.broadcast %jit3A : i32 to vector<16xi32>
    %select_n3A = arith.select %eq3A_0, %get3A_1, %broadcast_in_dim3A : vector<16xi1>, vector<16xi32>
    %reduce_sum3A = arith.constant true
    %reduce_sum3A_2 = vector.broadcast %reduce_sum3A : i1 to vector<16xi1>
    %reduce_sum3A_3 = tpu.scan <sum>, %select_n3A masked %reduce_sum3A_2 : vector<16xi32>, vector<16xi1> -> vector<16xi32>
    %reduce_sum3A_4 = vector.extract %reduce_sum3A_3[15] : i32 from vector<16xi32>
    "tpu.region"() ({
      %run_scoped3A = tpu.sem_alloc : memref<!tpu.dma_semaphore, #tpu.memory_space<semaphore_mem>>
      tpu.enqueue_dma source(%arg6 : memref<16xi32, #tpu.memory_space<hbm>>) target(%arg19 : memref<16xi32, #tpu.memory_space<vmem>>) target_semaphore(%run_scoped3A : memref<!tpu.dma_semaphore, #tpu.memory_space<semaphore_mem>>)
      tpu.wait_dma2 semaphore(%run_scoped3A : memref<!tpu.dma_semaphore, #tpu.memory_space<semaphore_mem>>) src(%arg6 : memref<16xi32, #tpu.memory_space<hbm>>) dst(%arg19 : memref<16xi32, #tpu.memory_space<vmem>>)
      tpu.yield
    }) : () -> ()
    %eq3A_5 = vector.broadcast %arg1 : i32 to vector<16xi32>
    %eq3A_6 = arith.cmpi eq, %iota3A, %eq3A_5 : vector<16xi32>
    %get3A_7 = arith.constant 0 : index
    %get3A_8 = tpu.vector_load %arg19[%get3A_7] {strides = array<i32>} : memref<16xi32, #tpu.memory_space<vmem>>, vector<16xi32>,
    %jit3A_9 = arith.constant 0 : i32
    %broadcast_in_dim3A_10 = vector.broadcast %jit3A_9 : i32 to vector<16xi32>
    %select_n3A_11 = arith.select %eq3A_6, %get3A_8, %broadcast_in_dim3A_10 : vector<16xi1>, vector<16xi32>
    %reduce_sum3A_12 = arith.constant true
    %reduce_sum3A_13 = vector.broadcast %reduce_sum3A_12 : i1 to vector<16xi1>
    %reduce_sum3A_14 = tpu.scan <sum>, %select_n3A_11 masked %reduce_sum3A_13 : vector<16xi32>, vector<16xi1> -> vector<16xi32>
    %reduce_sum3A_15 = vector.extract %reduce_sum3A_14[15] : i32 from vector<16xi32>
    %scan3A = arith.constant 0 : i32
    %scan3A_16 = arith.constant 16 : i32
    %scan3A_17 = arith.addi %scan3A, %scan3A_16 : i32
    %scan3A_18 = arith.constant 1 : i32
    scf.for %scan3A_128 = %scan3A to %scan3A_17 step %scan3A_18  : i32 {
      %mul3A_129 = arith.constant 1 : i32
      %mul3A_130 = arith.muli %scan3A_128, %mul3A_129 : i32
      %add3A_131 = arith.constant 0 : i32
      %add3A_132 = arith.addi %add3A_131, %mul3A_130 : i32
      %scan3A_133 = arith.constant 0 : i32
      %scan3A_134 = arith.constant 8 : i32
      %scan3A_135 = arith.addi %scan3A_133, %scan3A_134 : i32
      %scan3A_136 = arith.constant 1 : i32
      scf.for %scan3A_138 = %scan3A_133 to %scan3A_135 step %scan3A_136  : i32 {
        %mul3A_139 = arith.constant 16 : i32
        %mul3A_140 = arith.muli %scan3A_138, %mul3A_139 : i32
        %add3A_141 = arith.constant 0 : i32
        %add3A_142 = arith.addi %add3A_141, %mul3A_140 : i32
        %broadcast_in_dim3A_143 = arith.constant 0.000000e+00 : f32
        %broadcast_in_dim3A_144 = vector.broadcast %broadcast_in_dim3A_143 : f32 to vector<16xf32>
        %swap3A = arith.index_cast %add3A_132 : i32 to index
        %swap3A_145 = arith.index_cast %add3A_142 : i32 to index
        %swap3A_146 = tpu.vector_load %arg18[%swap3A, %swap3A_145] {strides = array<i32>} : memref<16x128xf32, #tpu.memory_space<vmem>>, vector<16xf32>,
        tpu.vector_store %arg18[%swap3A, %swap3A_145], %broadcast_in_dim3A_144 {strides = array<i32>} : memref<16x128xf32, #tpu.memory_space<vmem>>, vector<16xf32>,
      }
      %scan3A_137 = arith.constant 8 : i32
    }
    %scan3A_19 = arith.constant 16 : i32
    %mul3A = arith.constant 16 : i32
    %mul3A_20 = arith.muli %arg1, %mul3A : i32
    %sub3A = arith.constant 10016 : i32
    %sub3A_21 = arith.subi %sub3A, %mul3A_20 : i32
    %sub3A_22 = arith.constant 256 : i32
    %sub3A_23 = arith.constant 1 : i32
    %sub3A_24 = arith.subi %sub3A_22, %sub3A_23 : i32
    %add3A = arith.addi %sub3A_21, %sub3A_24 : i32
    %div3A = arith.constant 256 : i32
    %div3A_25 = arith.divsi %add3A, %div3A : i32
    %while3A = arith.constant 256 : i32
    %while3A_26 = arith.constant 0 : i32
    %while3A_27 = arith.subi %div3A_25, %while3A_26 : i32
    %while3A_28 = arith.addi %while3A_26, %while3A_27 : i32
    %while3A_29 = arith.constant 1 : i32
    %while3A_30 = arith.divsi %while3A_27, %while3A_29 : i32
    %while3A_31 = arith.muli %while3A_30, %while3A_29 : i32
    %while3A_32 = arith.addi %while3A_26, %while3A_31 : i32
    %while3A_33 = arith.constant 1 : i32
    scf.for %while3A_128 = %while3A_26 to %while3A_32 step %while3A_33  : i32 {
      %mul3A_129 = arith.muli %while3A_128, %while3A : i32
      %add3A_130 = arith.addi %mul3A_20, %mul3A_129 : i32
      "tpu.region"() ({
        %run_scoped3A = tpu.sem_alloc : memref<!tpu.dma_semaphore, #tpu.memory_space<semaphore_mem>>
        %dma_start3A = arith.constant 0 : i32
        %dma_start3A_131 = tpu.memref_slice %arg20[%add3A_130, %dma_start3A] : memref<10016x128xf32, #tpu.memory_space<vmem_shared>> -> memref<16x128xf32, #tpu.memory_space<vmem_shared>>
        %dma_start3A_132 = arith.constant 0 : i32
        %dma_start3A_133 = tpu.memref_slice %arg20[%add3A_130, %dma_start3A_132] : memref<10016x128xf32, #tpu.memory_space<vmem_shared>> -> memref<16x128xf32, #tpu.memory_space<vmem_shared>>
        tpu.enqueue_dma source(%arg18 : memref<16x128xf32, #tpu.memory_space<vmem>>) target(%dma_start3A_133 : memref<16x128xf32, #tpu.memory_space<vmem_shared>>) target_semaphore(%run_scoped3A : memref<!tpu.dma_semaphore, #tpu.memory_space<semaphore_mem>>)
        %dma_wait3A = arith.constant 0 : i32
        %dma_wait3A_134 = tpu.memref_slice %arg20[%add3A_130, %dma_wait3A] : memref<10016x128xf32, #tpu.memory_space<vmem_shared>> -> memref<16x128xf32, #tpu.memory_space<vmem_shared>>
        %dma_wait3A_135 = arith.constant 0 : i32
        %dma_wait3A_136 = tpu.memref_slice %arg20[%add3A_130, %dma_wait3A_135] : memref<10016x128xf32, #tpu.memory_space<vmem_shared>> -> memref<16x128xf32, #tpu.memory_space<vmem_shared>>
        tpu.wait_dma2 semaphore(%run_scoped3A : memref<!tpu.dma_semaphore, #tpu.memory_space<semaphore_mem>>) src(%arg18 : memref<16x128xf32, #tpu.memory_space<vmem>>) dst(%dma_wait3A_136 : memref<16x128xf32, #tpu.memory_space<vmem_shared>>)
        tpu.yield
      }) : () -> ()
    }
    %while3A_34 = arith.constant 1 : i32
    scf.for %while3A_128 = %while3A_32 to %while3A_28 step %while3A_34  : i32 {
      %mul3A_129 = arith.muli %while3A_128, %while3A : i32
      %add3A_130 = arith.addi %mul3A_20, %mul3A_129 : i32
      "tpu.region"() ({
        %run_scoped3A = tpu.sem_alloc : memref<!tpu.dma_semaphore, #tpu.memory_space<semaphore_mem>>
        %dma_start3A = arith.constant 0 : i32
        %dma_start3A_131 = tpu.memref_slice %arg20[%add3A_130, %dma_start3A] : memref<10016x128xf32, #tpu.memory_space<vmem_shared>> -> memref<16x128xf32, #tpu.memory_space<vmem_shared>>
        %dma_start3A_132 = arith.constant 0 : i32
        %dma_start3A_133 = tpu.memref_slice %arg20[%add3A_130, %dma_start3A_132] : memref<10016x128xf32, #tpu.memory_space<vmem_shared>> -> memref<16x128xf32, #tpu.memory_space<vmem_shared>>
        tpu.enqueue_dma source(%arg18 : memref<16x128xf32, #tpu.memory_space<vmem>>) target(%dma_start3A_133 : memref<16x128xf32, #tpu.memory_space<vmem_shared>>) target_semaphore(%run_scoped3A : memref<!tpu.dma_semaphore, #tpu.memory_space<semaphore_mem>>)
        %dma_wait3A = arith.constant 0 : i32
        %dma_wait3A_134 = tpu.memref_slice %arg20[%add3A_130, %dma_wait3A] : memref<10016x128xf32, #tpu.memory_space<vmem_shared>> -> memref<16x128xf32, #tpu.memory_space<vmem_shared>>
        %dma_wait3A_135 = arith.constant 0 : i32
        %dma_wait3A_136 = tpu.memref_slice %arg20[%add3A_130, %dma_wait3A_135] : memref<10016x128xf32, #tpu.memory_space<vmem_shared>> -> memref<16x128xf32, #tpu.memory_space<vmem_shared>>
        tpu.wait_dma2 semaphore(%run_scoped3A : memref<!tpu.dma_semaphore, #tpu.memory_space<semaphore_mem>>) src(%arg18 : memref<16x128xf32, #tpu.memory_space<vmem>>) dst(%dma_wait3A_136 : memref<16x128xf32, #tpu.memory_space<vmem_shared>>)
        tpu.yield
      }) : () -> ()
    }
    %barrier3A = arith.constant 0 : index
    tpu.barrier barrier_id(%barrier3A)
    %jit3A_35 = arith.constant 8 : i32
    %div3A_36 = arith.divsi %reduce_sum3A_4, %jit3A_35 : i32
    %sign3A = arith.constant 0 : i32
    %sign3A_37 = arith.cmpi sgt, %reduce_sum3A_4, %sign3A : i32
    %sign3A_38 = arith.extui %sign3A_37 : i1 to i32
    %sign3A_39 = arith.constant 0 : i32
    %sign3A_40 = arith.cmpi slt, %reduce_sum3A_4, %sign3A_39 : i32
    %sign3A_41 = arith.extui %sign3A_40 : i1 to i32
    %sign3A_42 = arith.subi %sign3A_38, %sign3A_41 : i32
    %sign3A_43 = arith.constant 0 : i32
    %sign3A_44 = arith.cmpi sgt, %jit3A_35, %sign3A_43 : i32
    %sign3A_45 = arith.extui %sign3A_44 : i1 to i32
    %sign3A_46 = arith.constant 0 : i32
    %sign3A_47 = arith.cmpi slt, %jit3A_35, %sign3A_46 : i32
    %sign3A_48 = arith.extui %sign3A_47 : i1 to i32
    %sign3A_49 = arith.subi %sign3A_45, %sign3A_48 : i32
    %ne3A = arith.cmpi ne, %sign3A_42, %sign3A_49 : i32
    %rem3A = arith.remsi %reduce_sum3A_4, %jit3A_35 : i32
    %ne3A_50 = arith.constant 0 : i32
    %ne3A_51 = arith.cmpi ne, %rem3A, %ne3A_50 : i32
    %and3A = arith.andi %ne3A, %ne3A_51 : i1
    %sub3A_52 = arith.constant 1 : i32
    %sub3A_53 = arith.subi %div3A_36, %sub3A_52 : i32
    %select_n3A_54 = arith.select %and3A, %sub3A_53, %div3A_36 : i32
    %mul3A_55 = arith.constant 8 : i32
    %mul3A_56 = arith.muli %select_n3A_54, %mul3A_55 : i32
    %sub3A_57 = arith.subi %reduce_sum3A_15, %mul3A_56 : i32
    %add3A_58 = arith.constant 128 : i32
    %add3A_59 = arith.addi %sub3A_57, %add3A_58 : i32
    %sub3A_60 = arith.constant 1 : i32
    %sub3A_61 = arith.subi %add3A_59, %sub3A_60 : i32
    %jit3A_62 = arith.constant 128 : i32
    %div3A_63 = arith.divsi %sub3A_61, %jit3A_62 : i32
    %sign3A_64 = arith.constant 0 : i32
    %sign3A_65 = arith.cmpi sgt, %sub3A_61, %sign3A_64 : i32
    %sign3A_66 = arith.extui %sign3A_65 : i1 to i32
    %sign3A_67 = arith.constant 0 : i32
    %sign3A_68 = arith.cmpi slt, %sub3A_61, %sign3A_67 : i32
    %sign3A_69 = arith.extui %sign3A_68 : i1 to i32
    %sign3A_70 = arith.subi %sign3A_66, %sign3A_69 : i32
    %sign3A_71 = arith.constant 0 : i32
    %sign3A_72 = arith.cmpi sgt, %jit3A_62, %sign3A_71 : i32
    %sign3A_73 = arith.extui %sign3A_72 : i1 to i32
    %sign3A_74 = arith.constant 0 : i32
    %sign3A_75 = arith.cmpi slt, %jit3A_62, %sign3A_74 : i32
    %sign3A_76 = arith.extui %sign3A_75 : i1 to i32
    %sign3A_77 = arith.subi %sign3A_73, %sign3A_76 : i32
    %ne3A_78 = arith.cmpi ne, %sign3A_70, %sign3A_77 : i32
    %rem3A_79 = arith.remsi %sub3A_61, %jit3A_62 : i32
    %ne3A_80 = arith.constant 0 : i32
    %ne3A_81 = arith.cmpi ne, %rem3A_79, %ne3A_80 : i32
    %and3A_82 = arith.andi %ne3A_78, %ne3A_81 : i1
    %sub3A_83 = arith.constant 1 : i32
    %sub3A_84 = arith.subi %div3A_63, %sub3A_83 : i32
    %select_n3A_85 = arith.select %and3A_82, %sub3A_84, %div3A_63 : i32
    %gt3A = arith.constant 0 : i32
    %gt3A_86 = arith.cmpi sgt, %select_n3A_85, %gt3A : i32
    %convert_element_type3A = arith.extui %gt3A_86 : i1 to i32
    %cond3A = arith.constant 0 : i32
    %cond3A_87 = arith.cmpi ne, %convert_element_type3A, %cond3A : i32
    scf.if %cond3A_87 {
      %add3A_128 = arith.constant 0 : i32
      %add3A_129 = arith.addi %mul3A_56, %add3A_128 : i32
      "tpu.region"() ({
        %run_scoped3A = tpu.sem_alloc : memref<!tpu.dma_semaphore, #tpu.memory_space<semaphore_mem>>
        %dma_start3A_137 = tpu.memref_slice %arg3[%add3A_129] : memref<161536xi32, #tpu.memory_space<hbm>> -> memref<1280xi32, #tpu.memory_space<hbm>>
        %dma_start3A_138 = tpu.memref_slice %arg3[%add3A_129] : memref<161536xi32, #tpu.memory_space<hbm>> -> memref<1280xi32, #tpu.memory_space<hbm>>
        tpu.enqueue_dma source(%dma_start3A_138 : memref<1280xi32, #tpu.memory_space<hbm>>) target(%arg16 : memref<1280xi32, #tpu.memory_space<vmem>>) target_semaphore(%run_scoped3A : memref<!tpu.dma_semaphore, #tpu.memory_space<semaphore_mem>>)
        %dma_wait3A = tpu.memref_slice %arg3[%add3A_129] : memref<161536xi32, #tpu.memory_space<hbm>> -> memref<1280xi32, #tpu.memory_space<hbm>>
        %dma_wait3A_139 = tpu.memref_slice %arg3[%add3A_129] : memref<161536xi32, #tpu.memory_space<hbm>> -> memref<1280xi32, #tpu.memory_space<hbm>>
        tpu.wait_dma2 semaphore(%run_scoped3A : memref<!tpu.dma_semaphore, #tpu.memory_space<semaphore_mem>>) src(%dma_wait3A_139 : memref<1280xi32, #tpu.memory_space<hbm>>) dst(%arg16 : memref<1280xi32, #tpu.memory_space<vmem>>)
        tpu.yield
      }) : () -> ()
      "tpu.region"() ({
        %run_scoped3A = tpu.sem_alloc : memref<!tpu.dma_semaphore, #tpu.memory_space<semaphore_mem>>
        %dma_start3A_137 = tpu.memref_slice %arg4[%add3A_129] : memref<161536xi32, #tpu.memory_space<hbm>> -> memref<1280xi32, #tpu.memory_space<hbm>>
        %dma_start3A_138 = tpu.memref_slice %arg4[%add3A_129] : memref<161536xi32, #tpu.memory_space<hbm>> -> memref<1280xi32, #tpu.memory_space<hbm>>
        tpu.enqueue_dma source(%dma_start3A_138 : memref<1280xi32, #tpu.memory_space<hbm>>) target(%arg17 : memref<1280xi32, #tpu.memory_space<vmem>>) target_semaphore(%run_scoped3A : memref<!tpu.dma_semaphore, #tpu.memory_space<semaphore_mem>>)
        %dma_wait3A = tpu.memref_slice %arg4[%add3A_129] : memref<161536xi32, #tpu.memory_space<hbm>> -> memref<1280xi32, #tpu.memory_space<hbm>>
        %dma_wait3A_139 = tpu.memref_slice %arg4[%add3A_129] : memref<161536xi32, #tpu.memory_space<hbm>> -> memref<1280xi32, #tpu.memory_space<hbm>>
        tpu.wait_dma2 semaphore(%run_scoped3A : memref<!tpu.dma_semaphore, #tpu.memory_space<semaphore_mem>>) src(%dma_wait3A_139 : memref<1280xi32, #tpu.memory_space<hbm>>) dst(%arg17 : memref<1280xi32, #tpu.memory_space<vmem>>)
        tpu.yield
      }) : () -> ()
      %scan3A_130 = arith.constant 0 : i32
      %scan3A_131 = arith.constant 8 : i32
      %scan3A_132 = arith.addi %scan3A_130, %scan3A_131 : i32
      %scan3A_133 = arith.constant 1 : i32
      scf.for %scan3A_137 = %scan3A_130 to %scan3A_132 step %scan3A_133  : i32 {
        %mul3A_138 = arith.constant 16 : i32
        %mul3A_139 = arith.muli %scan3A_137, %mul3A_138 : i32
        %add3A_140 = arith.constant 0 : i32
        %add3A_141 = arith.addi %add3A_140, %mul3A_139 : i32
        %add3A_142 = arith.addi %add3A_129, %add3A_141 : i32
        %add3A_143 = vector.broadcast %add3A_142 : i32 to vector<16xi32>
        %add3A_144 = arith.addi %add3A_143, %iota3A : vector<16xi32>
        %ge3A = vector.broadcast %reduce_sum3A_4 : i32 to vector<16xi32>
        %ge3A_145 = arith.cmpi sge, %add3A_144, %ge3A : vector<16xi32>
        %lt3A = vector.broadcast %reduce_sum3A_15 : i32 to vector<16xi32>
        %lt3A_146 = arith.cmpi slt, %add3A_144, %lt3A : vector<16xi32>
        %and3A_147 = arith.andi %ge3A_145, %lt3A_146 : vector<16xi1>
        %add3A_148 = arith.constant 0 : i32
        %add3A_149 = arith.addi %add3A_148, %add3A_141 : i32
        %get3A_150 = arith.index_cast %add3A_149 : i32 to index
        %get3A_151 = tpu.vector_load %arg17[%get3A_150] {strides = array<i32>} : memref<1280xi32, #tpu.memory_space<vmem>>, vector<16xi32>,
        %add3A_152 = arith.constant 10000 : i32
        %add3A_153 = vector.broadcast %add3A_152 : i32 to vector<16xi32>
        %add3A_154 = arith.addi %add3A_153, %iota3A : vector<16xi32>
        %select_n3A_155 = arith.select %and3A_147, %get3A_151, %add3A_154 : vector<16xi1>, vector<16xi32>
        %swap3A = arith.index_cast %add3A_141 : i32 to index
        %swap3A_156 = tpu.vector_load %arg9[%swap3A] {strides = array<i32>} : memref<128xi32, #tpu.memory_space<vmem>>, vector<16xi32>,
        tpu.vector_store %arg9[%swap3A], %select_n3A_155 {strides = array<i32>} : memref<128xi32, #tpu.memory_space<vmem>>, vector<16xi32>,
        %add3A_157 = arith.constant 0 : i32
        %add3A_158 = arith.addi %add3A_157, %add3A_141 : i32
        %get3A_159 = arith.index_cast %add3A_158 : i32 to index
        %get3A_160 = tpu.vector_load %arg16[%get3A_159] {strides = array<i32>} : memref<1280xi32, #tpu.memory_space<vmem>>, vector<16xi32>,
        %mul3A_161 = arith.constant 2 : i32
        %mul3A_162 = vector.broadcast %mul3A_161 : i32 to vector<16xi32>
        %mul3A_163 = arith.muli %get3A_160, %mul3A_162 : vector<16xi32>
        %add3A_164 = vector.broadcast %arg0 : i32 to vector<16xi32>
        %add3A_165 = arith.addi %mul3A_163, %add3A_164 : vector<16xi32>
        %swap3A_166 = arith.index_cast %add3A_141 : i32 to index
        %swap3A_167 = tpu.vector_load %arg8[%swap3A_166] {strides = array<i32>} : memref<128xi32, #tpu.memory_space<vmem>>, vector<16xi32>,
        tpu.vector_store %arg8[%swap3A_166], %add3A_165 {strides = array<i32>} : memref<128xi32, #tpu.memory_space<vmem>>, vector<16xi32>,
      }
      %scan3A_134 = arith.constant 8 : i32
      %dma_start3A = arith.constant 0 : i32
      %dma_start3A_135 = arith.constant 0 : i32
      %dma_start3A_136 = tpu.memref_slice %arg2[%dma_start3A, %dma_start3A_135] : memref<20000x128xf32, #tpu.memory_space<hbm>> -> memref<20000x128xf32, #tpu.memory_space<hbm>>
      tpu.enqueue_indirect_dma source(%dma_start3A_136 : memref<20000x128xf32, #tpu.memory_space<hbm>>) target(%arg10 : memref<128x128xf32, #tpu.memory_space<vmem>>) offsets(%arg8 : memref<128xi32, #tpu.memory_space<vmem>>) semaphore(%arg14 : memref<!tpu.dma_semaphore, #tpu.memory_space<semaphore_mem>>)
    } else {
    }
    %sub3A_88 = arith.constant 0 : i32
    %sub3A_89 = arith.subi %select_n3A_85, %sub3A_88 : i32
    %sub3A_90 = arith.constant 1 : i32
    %sub3A_91 = arith.constant 1 : i32
    %sub3A_92 = arith.subi %sub3A_90, %sub3A_91 : i32
    %add3A_93 = arith.addi %sub3A_89, %sub3A_92 : i32
    %div3A_94 = arith.constant 1 : i32
    %div3A_95 = arith.divsi %add3A_93, %div3A_94 : i32
    %while3A_96 = arith.constant 1 : i32
    %while3A_97 = arith.constant 0 : i32
    %while3A_98 = arith.constant 0 : i32
    %while3A_99 = arith.subi %div3A_95, %while3A_98 : i32
    %while3A_100 = arith.addi %while3A_98, %while3A_99 : i32
    %while3A_101 = arith.constant 1 : i32
    %while3A_102 = arith.divsi %while3A_99, %while3A_101 : i32
    %while3A_103 = arith.muli %while3A_102, %while3A_101 : i32
    %while3A_104 = arith.addi %while3A_98, %while3A_103 : i32
    %while3A_105 = arith.constant 1 : i32
    scf.for %while3A_128 = %while3A_98 to %while3A_104 step %while3A_105  : i32 {
      %mul3A_129 = arith.muli %while3A_128, %while3A_96 : i32
      %add3A_130 = arith.addi %while3A_97, %mul3A_129 : i32
      %jit3A_131 = arith.constant 2 : i32
      %eq3A_132 = arith.constant 0 : i32
      %eq3A_133 = arith.cmpi eq, %jit3A_131, %eq3A_132 : i32
      %jit3A_134 = arith.constant 1 : i32
      %select_n3A_135 = arith.select %eq3A_133, %jit3A_134, %jit3A_131 : i32
      %rem3A_136 = arith.remsi %add3A_130, %select_n3A_135 : i32
      %ne3A_137 = arith.constant 0 : i32
      %ne3A_138 = arith.cmpi ne, %rem3A_136, %ne3A_137 : i32
      %lt3A = arith.constant 0 : i32
      %lt3A_139 = arith.cmpi slt, %rem3A_136, %lt3A : i32
      %lt3A_140 = arith.constant 0 : i32
      %lt3A_141 = arith.cmpi slt, %select_n3A_135, %lt3A_140 : i32
      %ne3A_142 = arith.xori %lt3A_139, %lt3A_141 : i1
      %and3A_143 = arith.andi %ne3A_142, %ne3A_138 : i1
      %add3A_144 = arith.addi %rem3A_136, %select_n3A_135 : i32
      %select_n3A_145 = arith.select %and3A_143, %add3A_144, %rem3A_136 : i32
      %eq3A_146 = arith.constant 0 : i32
      %eq3A_147 = arith.cmpi eq, %select_n3A_145, %eq3A_146 : i32
      %add3A_148 = arith.constant 1 : i32
      %add3A_149 = arith.addi %add3A_130, %add3A_148 : i32
      %lt3A_150 = arith.cmpi slt, %add3A_149, %select_n3A_85 : i32
      %and3A_151 = arith.andi %lt3A_150, %eq3A_147 : i1
      %convert_element_type3A_152 = arith.extui %and3A_151 : i1 to i32
      %cond3A_153 = arith.constant 0 : i32
      %cond3A_154 = arith.cmpi ne, %convert_element_type3A_152, %cond3A_153 : i32
      scf.if %cond3A_154 {
        %add3A_171 = arith.constant 1 : i32
        %add3A_172 = arith.addi %add3A_130, %add3A_171 : i32
        %mul3A_173 = arith.constant 128 : i32
        %mul3A_174 = arith.muli %add3A_172, %mul3A_173 : i32
        %add3A_175 = arith.addi %mul3A_56, %mul3A_174 : i32
        %jit3A_176 = arith.constant 10 : i32
        %eq3A_177 = arith.constant 0 : i32
        %eq3A_178 = arith.cmpi eq, %jit3A_176, %eq3A_177 : i32
        %jit3A_179 = arith.constant 1 : i32
        %select_n3A_180 = arith.select %eq3A_178, %jit3A_179, %jit3A_176 : i32
        %rem3A_181 = arith.remsi %add3A_172, %select_n3A_180 : i32
        %ne3A_182 = arith.constant 0 : i32
        %ne3A_183 = arith.cmpi ne, %rem3A_181, %ne3A_182 : i32
        %lt3A_184 = arith.constant 0 : i32
        %lt3A_185 = arith.cmpi slt, %rem3A_181, %lt3A_184 : i32
        %lt3A_186 = arith.constant 0 : i32
        %lt3A_187 = arith.cmpi slt, %select_n3A_180, %lt3A_186 : i32
        %ne3A_188 = arith.xori %lt3A_185, %lt3A_187 : i1
        %and3A_189 = arith.andi %ne3A_188, %ne3A_183 : i1
        %add3A_190 = arith.addi %rem3A_181, %select_n3A_180 : i32
        %select_n3A_191 = arith.select %and3A_189, %add3A_190, %rem3A_181 : i32
        %mul3A_192 = arith.constant 128 : i32
        %mul3A_193 = arith.muli %select_n3A_191, %mul3A_192 : i32
        %eq3A_194 = arith.constant 0 : i32
        %eq3A_195 = arith.cmpi eq, %mul3A_193, %eq3A_194 : i32
        %convert_element_type3A_196 = arith.extui %eq3A_195 : i1 to i32
        %cond3A_197 = arith.constant 0 : i32
        %cond3A_198 = arith.cmpi ne, %convert_element_type3A_196, %cond3A_197 : i32
        scf.if %cond3A_198 {
          "tpu.region"() ({
            %run_scoped3A = tpu.sem_alloc : memref<!tpu.dma_semaphore, #tpu.memory_space<semaphore_mem>>
            %dma_start3A_206 = tpu.memref_slice %arg3[%add3A_175] : memref<161536xi32, #tpu.memory_space<hbm>> -> memref<1280xi32, #tpu.memory_space<hbm>>
            %dma_start3A_207 = tpu.memref_slice %arg3[%add3A_175] : memref<161536xi32, #tpu.memory_space<hbm>> -> memref<1280xi32, #tpu.memory_space<hbm>>
            tpu.enqueue_dma source(%dma_start3A_207 : memref<1280xi32, #tpu.memory_space<hbm>>) target(%arg16 : memref<1280xi32, #tpu.memory_space<vmem>>) target_semaphore(%run_scoped3A : memref<!tpu.dma_semaphore, #tpu.memory_space<semaphore_mem>>)
            %dma_wait3A = tpu.memref_slice %arg3[%add3A_175] : memref<161536xi32, #tpu.memory_space<hbm>> -> memref<1280xi32, #tpu.memory_space<hbm>>
            %dma_wait3A_208 = tpu.memref_slice %arg3[%add3A_175] : memref<161536xi32, #tpu.memory_space<hbm>> -> memref<1280xi32, #tpu.memory_space<hbm>>
            tpu.wait_dma2 semaphore(%run_scoped3A : memref<!tpu.dma_semaphore, #tpu.memory_space<semaphore_mem>>) src(%dma_wait3A_208 : memref<1280xi32, #tpu.memory_space<hbm>>) dst(%arg16 : memref<1280xi32, #tpu.memory_space<vmem>>)
            tpu.yield
          }) : () -> ()
          "tpu.region"() ({
            %run_scoped3A = tpu.sem_alloc : memref<!tpu.dma_semaphore, #tpu.memory_space<semaphore_mem>>
            %dma_start3A_206 = tpu.memref_slice %arg4[%add3A_175] : memref<161536xi32, #tpu.memory_space<hbm>> -> memref<1280xi32, #tpu.memory_space<hbm>>
            %dma_start3A_207 = tpu.memref_slice %arg4[%add3A_175] : memref<161536xi32, #tpu.memory_space<hbm>> -> memref<1280xi32, #tpu.memory_space<hbm>>
            tpu.enqueue_dma source(%dma_start3A_207 : memref<1280xi32, #tpu.memory_space<hbm>>) target(%arg17 : memref<1280xi32, #tpu.memory_space<vmem>>) target_semaphore(%run_scoped3A : memref<!tpu.dma_semaphore, #tpu.memory_space<semaphore_mem>>)
            %dma_wait3A = tpu.memref_slice %arg4[%add3A_175] : memref<161536xi32, #tpu.memory_space<hbm>> -> memref<1280xi32, #tpu.memory_space<hbm>>
            %dma_wait3A_208 = tpu.memref_slice %arg4[%add3A_175] : memref<161536xi32, #tpu.memory_space<hbm>> -> memref<1280xi32, #tpu.memory_space<hbm>>
            tpu.wait_dma2 semaphore(%run_scoped3A : memref<!tpu.dma_semaphore, #tpu.memory_space<semaphore_mem>>) src(%dma_wait3A_208 : memref<1280xi32, #tpu.memory_space<hbm>>) dst(%arg17 : memref<1280xi32, #tpu.memory_space<vmem>>)
            tpu.yield
          }) : () -> ()
        } else {
        }
        %scan3A_199 = arith.constant 0 : i32
        %scan3A_200 = arith.constant 8 : i32
        %scan3A_201 = arith.addi %scan3A_199, %scan3A_200 : i32
        %scan3A_202 = arith.constant 1 : i32
        scf.for %scan3A_206 = %scan3A_199 to %scan3A_201 step %scan3A_202  : i32 {
          %mul3A_207 = arith.constant 16 : i32
          %mul3A_208 = arith.muli %scan3A_206, %mul3A_207 : i32
          %add3A_209 = arith.constant 0 : i32
          %add3A_210 = arith.addi %add3A_209, %mul3A_208 : i32
          %add3A_211 = arith.addi %add3A_175, %add3A_210 : i32
          %add3A_212 = vector.broadcast %add3A_211 : i32 to vector<16xi32>
          %add3A_213 = arith.addi %add3A_212, %iota3A : vector<16xi32>
          %ge3A = vector.broadcast %reduce_sum3A_4 : i32 to vector<16xi32>
          %ge3A_214 = arith.cmpi sge, %add3A_213, %ge3A : vector<16xi32>
          %lt3A_215 = vector.broadcast %reduce_sum3A_15 : i32 to vector<16xi32>
          %lt3A_216 = arith.cmpi slt, %add3A_213, %lt3A_215 : vector<16xi32>
          %and3A_217 = arith.andi %ge3A_214, %lt3A_216 : vector<16xi1>
          %add3A_218 = arith.addi %mul3A_193, %add3A_210 : i32
          %get3A_219 = arith.index_cast %add3A_218 : i32 to index
          %get3A_220 = tpu.vector_load %arg17[%get3A_219] {strides = array<i32>} : memref<1280xi32, #tpu.memory_space<vmem>>, vector<16xi32>,
          %add3A_221 = arith.constant 10000 : i32
          %add3A_222 = vector.broadcast %add3A_221 : i32 to vector<16xi32>
          %add3A_223 = arith.addi %add3A_222, %iota3A : vector<16xi32>
          %select_n3A_224 = arith.select %and3A_217, %get3A_220, %add3A_223 : vector<16xi1>, vector<16xi32>
          %swap3A = arith.index_cast %add3A_210 : i32 to index
          %swap3A_225 = tpu.vector_load %arg12[%swap3A] {strides = array<i32>} : memref<128xi32, #tpu.memory_space<vmem>>, vector<16xi32>,
          tpu.vector_store %arg12[%swap3A], %select_n3A_224 {strides = array<i32>} : memref<128xi32, #tpu.memory_space<vmem>>, vector<16xi32>,
          %add3A_226 = arith.addi %mul3A_193, %add3A_210 : i32
          %get3A_227 = arith.index_cast %add3A_226 : i32 to index
          %get3A_228 = tpu.vector_load %arg16[%get3A_227] {strides = array<i32>} : memref<1280xi32, #tpu.memory_space<vmem>>, vector<16xi32>,
          %mul3A_229 = arith.constant 2 : i32
          %mul3A_230 = vector.broadcast %mul3A_229 : i32 to vector<16xi32>
          %mul3A_231 = arith.muli %get3A_228, %mul3A_230 : vector<16xi32>
          %add3A_232 = vector.broadcast %arg0 : i32 to vector<16xi32>
          %add3A_233 = arith.addi %mul3A_231, %add3A_232 : vector<16xi32>
          %swap3A_234 = arith.index_cast %add3A_210 : i32 to index
          %swap3A_235 = tpu.vector_load %arg11[%swap3A_234] {strides = array<i32>} : memref<128xi32, #tpu.memory_space<vmem>>, vector<16xi32>,
          tpu.vector_store %arg11[%swap3A_234], %add3A_233 {strides = array<i32>} : memref<128xi32, #tpu.memory_space<vmem>>, vector<16xi32>,
        }
        %scan3A_203 = arith.constant 8 : i32
        %dma_start3A = arith.constant 0 : i32
        %dma_start3A_204 = arith.constant 0 : i32
        %dma_start3A_205 = tpu.memref_slice %arg2[%dma_start3A, %dma_start3A_204] : memref<20000x128xf32, #tpu.memory_space<hbm>> -> memref<20000x128xf32, #tpu.memory_space<hbm>>
        tpu.enqueue_indirect_dma source(%dma_start3A_205 : memref<20000x128xf32, #tpu.memory_space<hbm>>) target(%arg13 : memref<128x128xf32, #tpu.memory_space<vmem>>) offsets(%arg11 : memref<128xi32, #tpu.memory_space<vmem>>) semaphore(%arg15 : memref<!tpu.dma_semaphore, #tpu.memory_space<semaphore_mem>>)
      } else {
      }
      %add3A_155 = arith.constant 1 : i32
      %add3A_156 = arith.addi %add3A_130, %add3A_155 : i32
      %lt3A_157 = arith.cmpi slt, %add3A_156, %select_n3A_85 : i32
      %not3A = arith.constant true
      %not3A_158 = arith.xori %eq3A_147, %not3A : i1
      %and3A_159 = arith.andi %lt3A_157, %not3A_158 : i1
      %convert_element_type3A_160 = arith.extui %and3A_159 : i1 to i32
      %cond3A_161 = arith.constant 0 : i32
      %cond3A_162 = arith.cmpi ne, %convert_element_type3A_160, %cond3A_161 : i32
      scf.if %cond3A_162 {
        %add3A_171 = arith.constant 1 : i32
        %add3A_172 = arith.addi %add3A_130, %add3A_171 : i32
        %mul3A_173 = arith.constant 128 : i32
        %mul3A_174 = arith.muli %add3A_172, %mul3A_173 : i32
        %add3A_175 = arith.addi %mul3A_56, %mul3A_174 : i32
        %jit3A_176 = arith.constant 10 : i32
        %eq3A_177 = arith.constant 0 : i32
        %eq3A_178 = arith.cmpi eq, %jit3A_176, %eq3A_177 : i32
        %jit3A_179 = arith.constant 1 : i32
        %select_n3A_180 = arith.select %eq3A_178, %jit3A_179, %jit3A_176 : i32
        %rem3A_181 = arith.remsi %add3A_172, %select_n3A_180 : i32
        %ne3A_182 = arith.constant 0 : i32
        %ne3A_183 = arith.cmpi ne, %rem3A_181, %ne3A_182 : i32
        %lt3A_184 = arith.constant 0 : i32
        %lt3A_185 = arith.cmpi slt, %rem3A_181, %lt3A_184 : i32
        %lt3A_186 = arith.constant 0 : i32
        %lt3A_187 = arith.cmpi slt, %select_n3A_180, %lt3A_186 : i32
        %ne3A_188 = arith.xori %lt3A_185, %lt3A_187 : i1
        %and3A_189 = arith.andi %ne3A_188, %ne3A_183 : i1
        %add3A_190 = arith.addi %rem3A_181, %select_n3A_180 : i32
        %select_n3A_191 = arith.select %and3A_189, %add3A_190, %rem3A_181 : i32
        %mul3A_192 = arith.constant 128 : i32
        %mul3A_193 = arith.muli %select_n3A_191, %mul3A_192 : i32
        %eq3A_194 = arith.constant 0 : i32
        %eq3A_195 = arith.cmpi eq, %mul3A_193, %eq3A_194 : i32
        %convert_element_type3A_196 = arith.extui %eq3A_195 : i1 to i32
        %cond3A_197 = arith.constant 0 : i32
        %cond3A_198 = arith.cmpi ne, %convert_element_type3A_196, %cond3A_197 : i32
        scf.if %cond3A_198 {
          "tpu.region"() ({
            %run_scoped3A = tpu.sem_alloc : memref<!tpu.dma_semaphore, #tpu.memory_space<semaphore_mem>>
            %dma_start3A_206 = tpu.memref_slice %arg3[%add3A_175] : memref<161536xi32, #tpu.memory_space<hbm>> -> memref<1280xi32, #tpu.memory_space<hbm>>
            %dma_start3A_207 = tpu.memref_slice %arg3[%add3A_175] : memref<161536xi32, #tpu.memory_space<hbm>> -> memref<1280xi32, #tpu.memory_space<hbm>>
            tpu.enqueue_dma source(%dma_start3A_207 : memref<1280xi32, #tpu.memory_space<hbm>>) target(%arg16 : memref<1280xi32, #tpu.memory_space<vmem>>) target_semaphore(%run_scoped3A : memref<!tpu.dma_semaphore, #tpu.memory_space<semaphore_mem>>)
            %dma_wait3A = tpu.memref_slice %arg3[%add3A_175] : memref<161536xi32, #tpu.memory_space<hbm>> -> memref<1280xi32, #tpu.memory_space<hbm>>
            %dma_wait3A_208 = tpu.memref_slice %arg3[%add3A_175] : memref<161536xi32, #tpu.memory_space<hbm>> -> memref<1280xi32, #tpu.memory_space<hbm>>
            tpu.wait_dma2 semaphore(%run_scoped3A : memref<!tpu.dma_semaphore, #tpu.memory_space<semaphore_mem>>) src(%dma_wait3A_208 : memref<1280xi32, #tpu.memory_space<hbm>>) dst(%arg16 : memref<1280xi32, #tpu.memory_space<vmem>>)
            tpu.yield
          }) : () -> ()
          "tpu.region"() ({
            %run_scoped3A = tpu.sem_alloc : memref<!tpu.dma_semaphore, #tpu.memory_space<semaphore_mem>>
            %dma_start3A_206 = tpu.memref_slice %arg4[%add3A_175] : memref<161536xi32, #tpu.memory_space<hbm>> -> memref<1280xi32, #tpu.memory_space<hbm>>
            %dma_start3A_207 = tpu.memref_slice %arg4[%add3A_175] : memref<161536xi32, #tpu.memory_space<hbm>> -> memref<1280xi32, #tpu.memory_space<hbm>>
            tpu.enqueue_dma source(%dma_start3A_207 : memref<1280xi32, #tpu.memory_space<hbm>>) target(%arg17 : memref<1280xi32, #tpu.memory_space<vmem>>) target_semaphore(%run_scoped3A : memref<!tpu.dma_semaphore, #tpu.memory_space<semaphore_mem>>)
            %dma_wait3A = tpu.memref_slice %arg4[%add3A_175] : memref<161536xi32, #tpu.memory_space<hbm>> -> memref<1280xi32, #tpu.memory_space<hbm>>
            %dma_wait3A_208 = tpu.memref_slice %arg4[%add3A_175] : memref<161536xi32, #tpu.memory_space<hbm>> -> memref<1280xi32, #tpu.memory_space<hbm>>
            tpu.wait_dma2 semaphore(%run_scoped3A : memref<!tpu.dma_semaphore, #tpu.memory_space<semaphore_mem>>) src(%dma_wait3A_208 : memref<1280xi32, #tpu.memory_space<hbm>>) dst(%arg17 : memref<1280xi32, #tpu.memory_space<vmem>>)
            tpu.yield
          }) : () -> ()
        } else {
        }
        %scan3A_199 = arith.constant 0 : i32
        %scan3A_200 = arith.constant 8 : i32
        %scan3A_201 = arith.addi %scan3A_199, %scan3A_200 : i32
        %scan3A_202 = arith.constant 1 : i32
        scf.for %scan3A_206 = %scan3A_199 to %scan3A_201 step %scan3A_202  : i32 {
          %mul3A_207 = arith.constant 16 : i32
          %mul3A_208 = arith.muli %scan3A_206, %mul3A_207 : i32
          %add3A_209 = arith.constant 0 : i32
          %add3A_210 = arith.addi %add3A_209, %mul3A_208 : i32
          %add3A_211 = arith.addi %add3A_175, %add3A_210 : i32
          %add3A_212 = vector.broadcast %add3A_211 : i32 to vector<16xi32>
          %add3A_213 = arith.addi %add3A_212, %iota3A : vector<16xi32>
          %ge3A = vector.broadcast %reduce_sum3A_4 : i32 to vector<16xi32>
          %ge3A_214 = arith.cmpi sge, %add3A_213, %ge3A : vector<16xi32>
          %lt3A_215 = vector.broadcast %reduce_sum3A_15 : i32 to vector<16xi32>
          %lt3A_216 = arith.cmpi slt, %add3A_213, %lt3A_215 : vector<16xi32>
          %and3A_217 = arith.andi %ge3A_214, %lt3A_216 : vector<16xi1>
          %add3A_218 = arith.addi %mul3A_193, %add3A_210 : i32
          %get3A_219 = arith.index_cast %add3A_218 : i32 to index
          %get3A_220 = tpu.vector_load %arg17[%get3A_219] {strides = array<i32>} : memref<1280xi32, #tpu.memory_space<vmem>>, vector<16xi32>,
          %add3A_221 = arith.constant 10000 : i32
          %add3A_222 = vector.broadcast %add3A_221 : i32 to vector<16xi32>
          %add3A_223 = arith.addi %add3A_222, %iota3A : vector<16xi32>
          %select_n3A_224 = arith.select %and3A_217, %get3A_220, %add3A_223 : vector<16xi1>, vector<16xi32>
          %swap3A = arith.index_cast %add3A_210 : i32 to index
          %swap3A_225 = tpu.vector_load %arg9[%swap3A] {strides = array<i32>} : memref<128xi32, #tpu.memory_space<vmem>>, vector<16xi32>,
          tpu.vector_store %arg9[%swap3A], %select_n3A_224 {strides = array<i32>} : memref<128xi32, #tpu.memory_space<vmem>>, vector<16xi32>,
          %add3A_226 = arith.addi %mul3A_193, %add3A_210 : i32
          %get3A_227 = arith.index_cast %add3A_226 : i32 to index
          %get3A_228 = tpu.vector_load %arg16[%get3A_227] {strides = array<i32>} : memref<1280xi32, #tpu.memory_space<vmem>>, vector<16xi32>,
          %mul3A_229 = arith.constant 2 : i32
          %mul3A_230 = vector.broadcast %mul3A_229 : i32 to vector<16xi32>
          %mul3A_231 = arith.muli %get3A_228, %mul3A_230 : vector<16xi32>
          %add3A_232 = vector.broadcast %arg0 : i32 to vector<16xi32>
          %add3A_233 = arith.addi %mul3A_231, %add3A_232 : vector<16xi32>
          %swap3A_234 = arith.index_cast %add3A_210 : i32 to index
          %swap3A_235 = tpu.vector_load %arg8[%swap3A_234] {strides = array<i32>} : memref<128xi32, #tpu.memory_space<vmem>>, vector<16xi32>,
          tpu.vector_store %arg8[%swap3A_234], %add3A_233 {strides = array<i32>} : memref<128xi32, #tpu.memory_space<vmem>>, vector<16xi32>,
        }
        %scan3A_203 = arith.constant 8 : i32
        %dma_start3A = arith.constant 0 : i32
        %dma_start3A_204 = arith.constant 0 : i32
        %dma_start3A_205 = tpu.memref_slice %arg2[%dma_start3A, %dma_start3A_204] : memref<20000x128xf32, #tpu.memory_space<hbm>> -> memref<20000x128xf32, #tpu.memory_space<hbm>>
        tpu.enqueue_indirect_dma source(%dma_start3A_205 : memref<20000x128xf32, #tpu.memory_space<hbm>>) target(%arg10 : memref<128x128xf32, #tpu.memory_space<vmem>>) offsets(%arg8 : memref<128xi32, #tpu.memory_space<vmem>>) semaphore(%arg14 : memref<!tpu.dma_semaphore, #tpu.memory_space<semaphore_mem>>)
      } else {
      }
      %convert_element_type3A_163 = arith.extui %eq3A_147 : i1 to i32
      %cond3A_164 = arith.constant 0 : i32
      %cond3A_165 = arith.cmpi ne, %convert_element_type3A_163, %cond3A_164 : i32
      scf.if %cond3A_165 {
        %dma_wait3A = arith.constant 0 : i32
        %dma_wait3A_171 = arith.constant 0 : i32
        %dma_wait3A_172 = tpu.memref_slice %arg2[%dma_wait3A, %dma_wait3A_171] : memref<20000x128xf32, #tpu.memory_space<hbm>> -> memref<20000x128xf32, #tpu.memory_space<hbm>>
        tpu.wait_indirect_dma semaphore(%arg14 : memref<!tpu.dma_semaphore, #tpu.memory_space<semaphore_mem>>) src(%dma_wait3A_172 : memref<20000x128xf32, #tpu.memory_space<hbm>>) dst(%arg10 : memref<128x128xf32, #tpu.memory_space<vmem>>)
        "tpu.region"() ({
          %run_scoped3A = tpu.sem_alloc : memref<!tpu.dma_semaphore, #tpu.memory_space<semaphore_mem>>
          %dma_start3A = arith.constant 0 : i32
          %dma_start3A_173 = arith.constant 0 : i32
          %dma_start3A_174 = tpu.memref_slice %arg20[%dma_start3A, %dma_start3A_173] : memref<10016x128xf32, #tpu.memory_space<vmem_shared>> -> memref<10016x128xf32, #tpu.memory_space<vmem_shared>>
          tpu.enqueue_indirect_dma source(%arg10 : memref<128x128xf32, #tpu.memory_space<vmem>>) target(%dma_start3A_174 : memref<10016x128xf32, #tpu.memory_space<vmem_shared>>) offsets(%arg9 : memref<128xi32, #tpu.memory_space<vmem>>) semaphore(%run_scoped3A : memref<!tpu.dma_semaphore, #tpu.memory_space<semaphore_mem>>) {add = true}
          %dma_wait3A_175 = arith.constant 0 : i32
          %dma_wait3A_176 = arith.constant 0 : i32
          %dma_wait3A_177 = tpu.memref_slice %arg20[%dma_wait3A_175, %dma_wait3A_176] : memref<10016x128xf32, #tpu.memory_space<vmem_shared>> -> memref<10016x128xf32, #tpu.memory_space<vmem_shared>>
          tpu.wait_indirect_dma semaphore(%run_scoped3A : memref<!tpu.dma_semaphore, #tpu.memory_space<semaphore_mem>>) src(%arg10 : memref<128x128xf32, #tpu.memory_space<vmem>>) dst(%dma_wait3A_177 : memref<10016x128xf32, #tpu.memory_space<vmem_shared>>)
          tpu.yield
        }) : () -> ()
      } else {
      }
      %not3A_166 = arith.constant true
      %not3A_167 = arith.xori %eq3A_147, %not3A_166 : i1
      %convert_element_type3A_168 = arith.extui %not3A_167 : i1 to i32
      %cond3A_169 = arith.constant 0 : i32
      %cond3A_170 = arith.cmpi ne, %convert_element_type3A_168, %cond3A_169 : i32
      scf.if %cond3A_170 {
        %dma_wait3A = arith.constant 0 : i32
        %dma_wait3A_171 = arith.constant 0 : i32
        %dma_wait3A_172 = tpu.memref_slice %arg2[%dma_wait3A, %dma_wait3A_171] : memref<20000x128xf32, #tpu.memory_space<hbm>> -> memref<20000x128xf32, #tpu.memory_space<hbm>>
        tpu.wait_indirect_dma semaphore(%arg15 : memref<!tpu.dma_semaphore, #tpu.memory_space<semaphore_mem>>) src(%dma_wait3A_172 : memref<20000x128xf32, #tpu.memory_space<hbm>>) dst(%arg13 : memref<128x128xf32, #tpu.memory_space<vmem>>)
        "tpu.region"() ({
          %run_scoped3A = tpu.sem_alloc : memref<!tpu.dma_semaphore, #tpu.memory_space<semaphore_mem>>
          %dma_start3A = arith.constant 0 : i32
          %dma_start3A_173 = arith.constant 0 : i32
          %dma_start3A_174 = tpu.memref_slice %arg20[%dma_start3A, %dma_start3A_173] : memref<10016x128xf32, #tpu.memory_space<vmem_shared>> -> memref<10016x128xf32, #tpu.memory_space<vmem_shared>>
          tpu.enqueue_indirect_dma source(%arg13 : memref<128x128xf32, #tpu.memory_space<vmem>>) target(%dma_start3A_174 : memref<10016x128xf32, #tpu.memory_space<vmem_shared>>) offsets(%arg12 : memref<128xi32, #tpu.memory_space<vmem>>) semaphore(%run_scoped3A : memref<!tpu.dma_semaphore, #tpu.memory_space<semaphore_mem>>) {add = true}
          %dma_wait3A_175 = arith.constant 0 : i32
          %dma_wait3A_176 = arith.constant 0 : i32
          %dma_wait3A_177 = tpu.memref_slice %arg20[%dma_wait3A_175, %dma_wait3A_176] : memref<10016x128xf32, #tpu.memory_space<vmem_shared>> -> memref<10016x128xf32, #tpu.memory_space<vmem_shared>>
          tpu.wait_indirect_dma semaphore(%run_scoped3A : memref<!tpu.dma_semaphore, #tpu.memory_space<semaphore_mem>>) src(%arg13 : memref<128x128xf32, #tpu.memory_space<vmem>>) dst(%dma_wait3A_177 : memref<10016x128xf32, #tpu.memory_space<vmem_shared>>)
          tpu.yield
        }) : () -> ()
      } else {
      }
    }
    %while3A_106 = arith.constant 1 : i32
    scf.for %while3A_128 = %while3A_104 to %while3A_100 step %while3A_106  : i32 {
      %mul3A_129 = arith.muli %while3A_128, %while3A_96 : i32
      %add3A_130 = arith.addi %while3A_97, %mul3A_129 : i32
      %jit3A_131 = arith.constant 2 : i32
      %eq3A_132 = arith.constant 0 : i32
      %eq3A_133 = arith.cmpi eq, %jit3A_131, %eq3A_132 : i32
      %jit3A_134 = arith.constant 1 : i32
      %select_n3A_135 = arith.select %eq3A_133, %jit3A_134, %jit3A_131 : i32
      %rem3A_136 = arith.remsi %add3A_130, %select_n3A_135 : i32
      %ne3A_137 = arith.constant 0 : i32
      %ne3A_138 = arith.cmpi ne, %rem3A_136, %ne3A_137 : i32
      %lt3A = arith.constant 0 : i32
      %lt3A_139 = arith.cmpi slt, %rem3A_136, %lt3A : i32
      %lt3A_140 = arith.constant 0 : i32
      %lt3A_141 = arith.cmpi slt, %select_n3A_135, %lt3A_140 : i32
      %ne3A_142 = arith.xori %lt3A_139, %lt3A_141 : i1
      %and3A_143 = arith.andi %ne3A_142, %ne3A_138 : i1
      %add3A_144 = arith.addi %rem3A_136, %select_n3A_135 : i32
      %select_n3A_145 = arith.select %and3A_143, %add3A_144, %rem3A_136 : i32
      %eq3A_146 = arith.constant 0 : i32
      %eq3A_147 = arith.cmpi eq, %select_n3A_145, %eq3A_146 : i32
      %add3A_148 = arith.constant 1 : i32
      %add3A_149 = arith.addi %add3A_130, %add3A_148 : i32
      %lt3A_150 = arith.cmpi slt, %add3A_149, %select_n3A_85 : i32
      %and3A_151 = arith.andi %lt3A_150, %eq3A_147 : i1
      %convert_element_type3A_152 = arith.extui %and3A_151 : i1 to i32
      %cond3A_153 = arith.constant 0 : i32
      %cond3A_154 = arith.cmpi ne, %convert_element_type3A_152, %cond3A_153 : i32
      scf.if %cond3A_154 {
        %add3A_171 = arith.constant 1 : i32
        %add3A_172 = arith.addi %add3A_130, %add3A_171 : i32
        %mul3A_173 = arith.constant 128 : i32
        %mul3A_174 = arith.muli %add3A_172, %mul3A_173 : i32
        %add3A_175 = arith.addi %mul3A_56, %mul3A_174 : i32
        %jit3A_176 = arith.constant 10 : i32
        %eq3A_177 = arith.constant 0 : i32
        %eq3A_178 = arith.cmpi eq, %jit3A_176, %eq3A_177 : i32
        %jit3A_179 = arith.constant 1 : i32
        %select_n3A_180 = arith.select %eq3A_178, %jit3A_179, %jit3A_176 : i32
        %rem3A_181 = arith.remsi %add3A_172, %select_n3A_180 : i32
        %ne3A_182 = arith.constant 0 : i32
        %ne3A_183 = arith.cmpi ne, %rem3A_181, %ne3A_182 : i32
        %lt3A_184 = arith.constant 0 : i32
        %lt3A_185 = arith.cmpi slt, %rem3A_181, %lt3A_184 : i32
        %lt3A_186 = arith.constant 0 : i32
        %lt3A_187 = arith.cmpi slt, %select_n3A_180, %lt3A_186 : i32
        %ne3A_188 = arith.xori %lt3A_185, %lt3A_187 : i1
        %and3A_189 = arith.andi %ne3A_188, %ne3A_183 : i1
        %add3A_190 = arith.addi %rem3A_181, %select_n3A_180 : i32
        %select_n3A_191 = arith.select %and3A_189, %add3A_190, %rem3A_181 : i32
        %mul3A_192 = arith.constant 128 : i32
        %mul3A_193 = arith.muli %select_n3A_191, %mul3A_192 : i32
        %eq3A_194 = arith.constant 0 : i32
        %eq3A_195 = arith.cmpi eq, %mul3A_193, %eq3A_194 : i32
        %convert_element_type3A_196 = arith.extui %eq3A_195 : i1 to i32
        %cond3A_197 = arith.constant 0 : i32
        %cond3A_198 = arith.cmpi ne, %convert_element_type3A_196, %cond3A_197 : i32
        scf.if %cond3A_198 {
          "tpu.region"() ({
            %run_scoped3A = tpu.sem_alloc : memref<!tpu.dma_semaphore, #tpu.memory_space<semaphore_mem>>
            %dma_start3A_206 = tpu.memref_slice %arg3[%add3A_175] : memref<161536xi32, #tpu.memory_space<hbm>> -> memref<1280xi32, #tpu.memory_space<hbm>>
            %dma_start3A_207 = tpu.memref_slice %arg3[%add3A_175] : memref<161536xi32, #tpu.memory_space<hbm>> -> memref<1280xi32, #tpu.memory_space<hbm>>
            tpu.enqueue_dma source(%dma_start3A_207 : memref<1280xi32, #tpu.memory_space<hbm>>) target(%arg16 : memref<1280xi32, #tpu.memory_space<vmem>>) target_semaphore(%run_scoped3A : memref<!tpu.dma_semaphore, #tpu.memory_space<semaphore_mem>>)
            %dma_wait3A = tpu.memref_slice %arg3[%add3A_175] : memref<161536xi32, #tpu.memory_space<hbm>> -> memref<1280xi32, #tpu.memory_space<hbm>>
            %dma_wait3A_208 = tpu.memref_slice %arg3[%add3A_175] : memref<161536xi32, #tpu.memory_space<hbm>> -> memref<1280xi32, #tpu.memory_space<hbm>>
            tpu.wait_dma2 semaphore(%run_scoped3A : memref<!tpu.dma_semaphore, #tpu.memory_space<semaphore_mem>>) src(%dma_wait3A_208 : memref<1280xi32, #tpu.memory_space<hbm>>) dst(%arg16 : memref<1280xi32, #tpu.memory_space<vmem>>)
            tpu.yield
          }) : () -> ()
          "tpu.region"() ({
            %run_scoped3A = tpu.sem_alloc : memref<!tpu.dma_semaphore, #tpu.memory_space<semaphore_mem>>
            %dma_start3A_206 = tpu.memref_slice %arg4[%add3A_175] : memref<161536xi32, #tpu.memory_space<hbm>> -> memref<1280xi32, #tpu.memory_space<hbm>>
            %dma_start3A_207 = tpu.memref_slice %arg4[%add3A_175] : memref<161536xi32, #tpu.memory_space<hbm>> -> memref<1280xi32, #tpu.memory_space<hbm>>
            tpu.enqueue_dma source(%dma_start3A_207 : memref<1280xi32, #tpu.memory_space<hbm>>) target(%arg17 : memref<1280xi32, #tpu.memory_space<vmem>>) target_semaphore(%run_scoped3A : memref<!tpu.dma_semaphore, #tpu.memory_space<semaphore_mem>>)
            %dma_wait3A = tpu.memref_slice %arg4[%add3A_175] : memref<161536xi32, #tpu.memory_space<hbm>> -> memref<1280xi32, #tpu.memory_space<hbm>>
            %dma_wait3A_208 = tpu.memref_slice %arg4[%add3A_175] : memref<161536xi32, #tpu.memory_space<hbm>> -> memref<1280xi32, #tpu.memory_space<hbm>>
            tpu.wait_dma2 semaphore(%run_scoped3A : memref<!tpu.dma_semaphore, #tpu.memory_space<semaphore_mem>>) src(%dma_wait3A_208 : memref<1280xi32, #tpu.memory_space<hbm>>) dst(%arg17 : memref<1280xi32, #tpu.memory_space<vmem>>)
            tpu.yield
          }) : () -> ()
        } else {
        }
        %scan3A_199 = arith.constant 0 : i32
        %scan3A_200 = arith.constant 8 : i32
        %scan3A_201 = arith.addi %scan3A_199, %scan3A_200 : i32
        %scan3A_202 = arith.constant 1 : i32
        scf.for %scan3A_206 = %scan3A_199 to %scan3A_201 step %scan3A_202  : i32 {
          %mul3A_207 = arith.constant 16 : i32
          %mul3A_208 = arith.muli %scan3A_206, %mul3A_207 : i32
          %add3A_209 = arith.constant 0 : i32
          %add3A_210 = arith.addi %add3A_209, %mul3A_208 : i32
          %add3A_211 = arith.addi %add3A_175, %add3A_210 : i32
          %add3A_212 = vector.broadcast %add3A_211 : i32 to vector<16xi32>
          %add3A_213 = arith.addi %add3A_212, %iota3A : vector<16xi32>
          %ge3A = vector.broadcast %reduce_sum3A_4 : i32 to vector<16xi32>
          %ge3A_214 = arith.cmpi sge, %add3A_213, %ge3A : vector<16xi32>
          %lt3A_215 = vector.broadcast %reduce_sum3A_15 : i32 to vector<16xi32>
          %lt3A_216 = arith.cmpi slt, %add3A_213, %lt3A_215 : vector<16xi32>
          %and3A_217 = arith.andi %ge3A_214, %lt3A_216 : vector<16xi1>
          %add3A_218 = arith.addi %mul3A_193, %add3A_210 : i32
          %get3A_219 = arith.index_cast %add3A_218 : i32 to index
          %get3A_220 = tpu.vector_load %arg17[%get3A_219] {strides = array<i32>} : memref<1280xi32, #tpu.memory_space<vmem>>, vector<16xi32>,
          %add3A_221 = arith.constant 10000 : i32
          %add3A_222 = vector.broadcast %add3A_221 : i32 to vector<16xi32>
          %add3A_223 = arith.addi %add3A_222, %iota3A : vector<16xi32>
          %select_n3A_224 = arith.select %and3A_217, %get3A_220, %add3A_223 : vector<16xi1>, vector<16xi32>
          %swap3A = arith.index_cast %add3A_210 : i32 to index
          %swap3A_225 = tpu.vector_load %arg12[%swap3A] {strides = array<i32>} : memref<128xi32, #tpu.memory_space<vmem>>, vector<16xi32>,
          tpu.vector_store %arg12[%swap3A], %select_n3A_224 {strides = array<i32>} : memref<128xi32, #tpu.memory_space<vmem>>, vector<16xi32>,
          %add3A_226 = arith.addi %mul3A_193, %add3A_210 : i32
          %get3A_227 = arith.index_cast %add3A_226 : i32 to index
          %get3A_228 = tpu.vector_load %arg16[%get3A_227] {strides = array<i32>} : memref<1280xi32, #tpu.memory_space<vmem>>, vector<16xi32>,
          %mul3A_229 = arith.constant 2 : i32
          %mul3A_230 = vector.broadcast %mul3A_229 : i32 to vector<16xi32>
          %mul3A_231 = arith.muli %get3A_228, %mul3A_230 : vector<16xi32>
          %add3A_232 = vector.broadcast %arg0 : i32 to vector<16xi32>
          %add3A_233 = arith.addi %mul3A_231, %add3A_232 : vector<16xi32>
          %swap3A_234 = arith.index_cast %add3A_210 : i32 to index
          %swap3A_235 = tpu.vector_load %arg11[%swap3A_234] {strides = array<i32>} : memref<128xi32, #tpu.memory_space<vmem>>, vector<16xi32>,
          tpu.vector_store %arg11[%swap3A_234], %add3A_233 {strides = array<i32>} : memref<128xi32, #tpu.memory_space<vmem>>, vector<16xi32>,
        }
        %scan3A_203 = arith.constant 8 : i32
        %dma_start3A = arith.constant 0 : i32
        %dma_start3A_204 = arith.constant 0 : i32
        %dma_start3A_205 = tpu.memref_slice %arg2[%dma_start3A, %dma_start3A_204] : memref<20000x128xf32, #tpu.memory_space<hbm>> -> memref<20000x128xf32, #tpu.memory_space<hbm>>
        tpu.enqueue_indirect_dma source(%dma_start3A_205 : memref<20000x128xf32, #tpu.memory_space<hbm>>) target(%arg13 : memref<128x128xf32, #tpu.memory_space<vmem>>) offsets(%arg11 : memref<128xi32, #tpu.memory_space<vmem>>) semaphore(%arg15 : memref<!tpu.dma_semaphore, #tpu.memory_space<semaphore_mem>>)
      } else {
      }
      %add3A_155 = arith.constant 1 : i32
      %add3A_156 = arith.addi %add3A_130, %add3A_155 : i32
      %lt3A_157 = arith.cmpi slt, %add3A_156, %select_n3A_85 : i32
      %not3A = arith.constant true
      %not3A_158 = arith.xori %eq3A_147, %not3A : i1
      %and3A_159 = arith.andi %lt3A_157, %not3A_158 : i1
      %convert_element_type3A_160 = arith.extui %and3A_159 : i1 to i32
      %cond3A_161 = arith.constant 0 : i32
      %cond3A_162 = arith.cmpi ne, %convert_element_type3A_160, %cond3A_161 : i32
      scf.if %cond3A_162 {
        %add3A_171 = arith.constant 1 : i32
        %add3A_172 = arith.addi %add3A_130, %add3A_171 : i32
        %mul3A_173 = arith.constant 128 : i32
        %mul3A_174 = arith.muli %add3A_172, %mul3A_173 : i32
        %add3A_175 = arith.addi %mul3A_56, %mul3A_174 : i32
        %jit3A_176 = arith.constant 10 : i32
        %eq3A_177 = arith.constant 0 : i32
        %eq3A_178 = arith.cmpi eq, %jit3A_176, %eq3A_177 : i32
        %jit3A_179 = arith.constant 1 : i32
        %select_n3A_180 = arith.select %eq3A_178, %jit3A_179, %jit3A_176 : i32
        %rem3A_181 = arith.remsi %add3A_172, %select_n3A_180 : i32
        %ne3A_182 = arith.constant 0 : i32
        %ne3A_183 = arith.cmpi ne, %rem3A_181, %ne3A_182 : i32
        %lt3A_184 = arith.constant 0 : i32
        %lt3A_185 = arith.cmpi slt, %rem3A_181, %lt3A_184 : i32
        %lt3A_186 = arith.constant 0 : i32
        %lt3A_187 = arith.cmpi slt, %select_n3A_180, %lt3A_186 : i32
        %ne3A_188 = arith.xori %lt3A_185, %lt3A_187 : i1
        %and3A_189 = arith.andi %ne3A_188, %ne3A_183 : i1
        %add3A_190 = arith.addi %rem3A_181, %select_n3A_180 : i32
        %select_n3A_191 = arith.select %and3A_189, %add3A_190, %rem3A_181 : i32
        %mul3A_192 = arith.constant 128 : i32
        %mul3A_193 = arith.muli %select_n3A_191, %mul3A_192 : i32
        %eq3A_194 = arith.constant 0 : i32
        %eq3A_195 = arith.cmpi eq, %mul3A_193, %eq3A_194 : i32
        %convert_element_type3A_196 = arith.extui %eq3A_195 : i1 to i32
        %cond3A_197 = arith.constant 0 : i32
        %cond3A_198 = arith.cmpi ne, %convert_element_type3A_196, %cond3A_197 : i32
        scf.if %cond3A_198 {
          "tpu.region"() ({
            %run_scoped3A = tpu.sem_alloc : memref<!tpu.dma_semaphore, #tpu.memory_space<semaphore_mem>>
            %dma_start3A_206 = tpu.memref_slice %arg3[%add3A_175] : memref<161536xi32, #tpu.memory_space<hbm>> -> memref<1280xi32, #tpu.memory_space<hbm>>
            %dma_start3A_207 = tpu.memref_slice %arg3[%add3A_175] : memref<161536xi32, #tpu.memory_space<hbm>> -> memref<1280xi32, #tpu.memory_space<hbm>>
            tpu.enqueue_dma source(%dma_start3A_207 : memref<1280xi32, #tpu.memory_space<hbm>>) target(%arg16 : memref<1280xi32, #tpu.memory_space<vmem>>) target_semaphore(%run_scoped3A : memref<!tpu.dma_semaphore, #tpu.memory_space<semaphore_mem>>)
            %dma_wait3A = tpu.memref_slice %arg3[%add3A_175] : memref<161536xi32, #tpu.memory_space<hbm>> -> memref<1280xi32, #tpu.memory_space<hbm>>
            %dma_wait3A_208 = tpu.memref_slice %arg3[%add3A_175] : memref<161536xi32, #tpu.memory_space<hbm>> -> memref<1280xi32, #tpu.memory_space<hbm>>
            tpu.wait_dma2 semaphore(%run_scoped3A : memref<!tpu.dma_semaphore, #tpu.memory_space<semaphore_mem>>) src(%dma_wait3A_208 : memref<1280xi32, #tpu.memory_space<hbm>>) dst(%arg16 : memref<1280xi32, #tpu.memory_space<vmem>>)
            tpu.yield
          }) : () -> ()
          "tpu.region"() ({
            %run_scoped3A = tpu.sem_alloc : memref<!tpu.dma_semaphore, #tpu.memory_space<semaphore_mem>>
            %dma_start3A_206 = tpu.memref_slice %arg4[%add3A_175] : memref<161536xi32, #tpu.memory_space<hbm>> -> memref<1280xi32, #tpu.memory_space<hbm>>
            %dma_start3A_207 = tpu.memref_slice %arg4[%add3A_175] : memref<161536xi32, #tpu.memory_space<hbm>> -> memref<1280xi32, #tpu.memory_space<hbm>>
            tpu.enqueue_dma source(%dma_start3A_207 : memref<1280xi32, #tpu.memory_space<hbm>>) target(%arg17 : memref<1280xi32, #tpu.memory_space<vmem>>) target_semaphore(%run_scoped3A : memref<!tpu.dma_semaphore, #tpu.memory_space<semaphore_mem>>)
            %dma_wait3A = tpu.memref_slice %arg4[%add3A_175] : memref<161536xi32, #tpu.memory_space<hbm>> -> memref<1280xi32, #tpu.memory_space<hbm>>
            %dma_wait3A_208 = tpu.memref_slice %arg4[%add3A_175] : memref<161536xi32, #tpu.memory_space<hbm>> -> memref<1280xi32, #tpu.memory_space<hbm>>
            tpu.wait_dma2 semaphore(%run_scoped3A : memref<!tpu.dma_semaphore, #tpu.memory_space<semaphore_mem>>) src(%dma_wait3A_208 : memref<1280xi32, #tpu.memory_space<hbm>>) dst(%arg17 : memref<1280xi32, #tpu.memory_space<vmem>>)
            tpu.yield
          }) : () -> ()
        } else {
        }
        %scan3A_199 = arith.constant 0 : i32
        %scan3A_200 = arith.constant 8 : i32
        %scan3A_201 = arith.addi %scan3A_199, %scan3A_200 : i32
        %scan3A_202 = arith.constant 1 : i32
        scf.for %scan3A_206 = %scan3A_199 to %scan3A_201 step %scan3A_202  : i32 {
          %mul3A_207 = arith.constant 16 : i32
          %mul3A_208 = arith.muli %scan3A_206, %mul3A_207 : i32
          %add3A_209 = arith.constant 0 : i32
          %add3A_210 = arith.addi %add3A_209, %mul3A_208 : i32
          %add3A_211 = arith.addi %add3A_175, %add3A_210 : i32
          %add3A_212 = vector.broadcast %add3A_211 : i32 to vector<16xi32>
          %add3A_213 = arith.addi %add3A_212, %iota3A : vector<16xi32>
          %ge3A = vector.broadcast %reduce_sum3A_4 : i32 to vector<16xi32>
          %ge3A_214 = arith.cmpi sge, %add3A_213, %ge3A : vector<16xi32>
          %lt3A_215 = vector.broadcast %reduce_sum3A_15 : i32 to vector<16xi32>
          %lt3A_216 = arith.cmpi slt, %add3A_213, %lt3A_215 : vector<16xi32>
          %and3A_217 = arith.andi %ge3A_214, %lt3A_216 : vector<16xi1>
          %add3A_218 = arith.addi %mul3A_193, %add3A_210 : i32
          %get3A_219 = arith.index_cast %add3A_218 : i32 to index
          %get3A_220 = tpu.vector_load %arg17[%get3A_219] {strides = array<i32>} : memref<1280xi32, #tpu.memory_space<vmem>>, vector<16xi32>,
          %add3A_221 = arith.constant 10000 : i32
          %add3A_222 = vector.broadcast %add3A_221 : i32 to vector<16xi32>
          %add3A_223 = arith.addi %add3A_222, %iota3A : vector<16xi32>
          %select_n3A_224 = arith.select %and3A_217, %get3A_220, %add3A_223 : vector<16xi1>, vector<16xi32>
          %swap3A = arith.index_cast %add3A_210 : i32 to index
          %swap3A_225 = tpu.vector_load %arg9[%swap3A] {strides = array<i32>} : memref<128xi32, #tpu.memory_space<vmem>>, vector<16xi32>,
          tpu.vector_store %arg9[%swap3A], %select_n3A_224 {strides = array<i32>} : memref<128xi32, #tpu.memory_space<vmem>>, vector<16xi32>,
          %add3A_226 = arith.addi %mul3A_193, %add3A_210 : i32
          %get3A_227 = arith.index_cast %add3A_226 : i32 to index
          %get3A_228 = tpu.vector_load %arg16[%get3A_227] {strides = array<i32>} : memref<1280xi32, #tpu.memory_space<vmem>>, vector<16xi32>,
          %mul3A_229 = arith.constant 2 : i32
          %mul3A_230 = vector.broadcast %mul3A_229 : i32 to vector<16xi32>
          %mul3A_231 = arith.muli %get3A_228, %mul3A_230 : vector<16xi32>
          %add3A_232 = vector.broadcast %arg0 : i32 to vector<16xi32>
          %add3A_233 = arith.addi %mul3A_231, %add3A_232 : vector<16xi32>
          %swap3A_234 = arith.index_cast %add3A_210 : i32 to index
          %swap3A_235 = tpu.vector_load %arg8[%swap3A_234] {strides = array<i32>} : memref<128xi32, #tpu.memory_space<vmem>>, vector<16xi32>,
          tpu.vector_store %arg8[%swap3A_234], %add3A_233 {strides = array<i32>} : memref<128xi32, #tpu.memory_space<vmem>>, vector<16xi32>,
        }
        %scan3A_203 = arith.constant 8 : i32
        %dma_start3A = arith.constant 0 : i32
        %dma_start3A_204 = arith.constant 0 : i32
        %dma_start3A_205 = tpu.memref_slice %arg2[%dma_start3A, %dma_start3A_204] : memref<20000x128xf32, #tpu.memory_space<hbm>> -> memref<20000x128xf32, #tpu.memory_space<hbm>>
        tpu.enqueue_indirect_dma source(%dma_start3A_205 : memref<20000x128xf32, #tpu.memory_space<hbm>>) target(%arg10 : memref<128x128xf32, #tpu.memory_space<vmem>>) offsets(%arg8 : memref<128xi32, #tpu.memory_space<vmem>>) semaphore(%arg14 : memref<!tpu.dma_semaphore, #tpu.memory_space<semaphore_mem>>)
      } else {
      }
      %convert_element_type3A_163 = arith.extui %eq3A_147 : i1 to i32
      %cond3A_164 = arith.constant 0 : i32
      %cond3A_165 = arith.cmpi ne, %convert_element_type3A_163, %cond3A_164 : i32
      scf.if %cond3A_165 {
        %dma_wait3A = arith.constant 0 : i32
        %dma_wait3A_171 = arith.constant 0 : i32
        %dma_wait3A_172 = tpu.memref_slice %arg2[%dma_wait3A, %dma_wait3A_171] : memref<20000x128xf32, #tpu.memory_space<hbm>> -> memref<20000x128xf32, #tpu.memory_space<hbm>>
        tpu.wait_indirect_dma semaphore(%arg14 : memref<!tpu.dma_semaphore, #tpu.memory_space<semaphore_mem>>) src(%dma_wait3A_172 : memref<20000x128xf32, #tpu.memory_space<hbm>>) dst(%arg10 : memref<128x128xf32, #tpu.memory_space<vmem>>)
        "tpu.region"() ({
          %run_scoped3A = tpu.sem_alloc : memref<!tpu.dma_semaphore, #tpu.memory_space<semaphore_mem>>
          %dma_start3A = arith.constant 0 : i32
          %dma_start3A_173 = arith.constant 0 : i32
          %dma_start3A_174 = tpu.memref_slice %arg20[%dma_start3A, %dma_start3A_173] : memref<10016x128xf32, #tpu.memory_space<vmem_shared>> -> memref<10016x128xf32, #tpu.memory_space<vmem_shared>>
          tpu.enqueue_indirect_dma source(%arg10 : memref<128x128xf32, #tpu.memory_space<vmem>>) target(%dma_start3A_174 : memref<10016x128xf32, #tpu.memory_space<vmem_shared>>) offsets(%arg9 : memref<128xi32, #tpu.memory_space<vmem>>) semaphore(%run_scoped3A : memref<!tpu.dma_semaphore, #tpu.memory_space<semaphore_mem>>) {add = true}
          %dma_wait3A_175 = arith.constant 0 : i32
          %dma_wait3A_176 = arith.constant 0 : i32
          %dma_wait3A_177 = tpu.memref_slice %arg20[%dma_wait3A_175, %dma_wait3A_176] : memref<10016x128xf32, #tpu.memory_space<vmem_shared>> -> memref<10016x128xf32, #tpu.memory_space<vmem_shared>>
          tpu.wait_indirect_dma semaphore(%run_scoped3A : memref<!tpu.dma_semaphore, #tpu.memory_space<semaphore_mem>>) src(%arg10 : memref<128x128xf32, #tpu.memory_space<vmem>>) dst(%dma_wait3A_177 : memref<10016x128xf32, #tpu.memory_space<vmem_shared>>)
          tpu.yield
        }) : () -> ()
      } else {
      }
      %not3A_166 = arith.constant true
      %not3A_167 = arith.xori %eq3A_147, %not3A_166 : i1
      %convert_element_type3A_168 = arith.extui %not3A_167 : i1 to i32
      %cond3A_169 = arith.constant 0 : i32
      %cond3A_170 = arith.cmpi ne, %convert_element_type3A_168, %cond3A_169 : i32
      scf.if %cond3A_170 {
        %dma_wait3A = arith.constant 0 : i32
        %dma_wait3A_171 = arith.constant 0 : i32
        %dma_wait3A_172 = tpu.memref_slice %arg2[%dma_wait3A, %dma_wait3A_171] : memref<20000x128xf32, #tpu.memory_space<hbm>> -> memref<20000x128xf32, #tpu.memory_space<hbm>>
        tpu.wait_indirect_dma semaphore(%arg15 : memref<!tpu.dma_semaphore, #tpu.memory_space<semaphore_mem>>) src(%dma_wait3A_172 : memref<20000x128xf32, #tpu.memory_space<hbm>>) dst(%arg13 : memref<128x128xf32, #tpu.memory_space<vmem>>)
        "tpu.region"() ({
          %run_scoped3A = tpu.sem_alloc : memref<!tpu.dma_semaphore, #tpu.memory_space<semaphore_mem>>
          %dma_start3A = arith.constant 0 : i32
          %dma_start3A_173 = arith.constant 0 : i32
          %dma_start3A_174 = tpu.memref_slice %arg20[%dma_start3A, %dma_start3A_173] : memref<10016x128xf32, #tpu.memory_space<vmem_shared>> -> memref<10016x128xf32, #tpu.memory_space<vmem_shared>>
          tpu.enqueue_indirect_dma source(%arg13 : memref<128x128xf32, #tpu.memory_space<vmem>>) target(%dma_start3A_174 : memref<10016x128xf32, #tpu.memory_space<vmem_shared>>) offsets(%arg12 : memref<128xi32, #tpu.memory_space<vmem>>) semaphore(%run_scoped3A : memref<!tpu.dma_semaphore, #tpu.memory_space<semaphore_mem>>) {add = true}
          %dma_wait3A_175 = arith.constant 0 : i32
          %dma_wait3A_176 = arith.constant 0 : i32
          %dma_wait3A_177 = tpu.memref_slice %arg20[%dma_wait3A_175, %dma_wait3A_176] : memref<10016x128xf32, #tpu.memory_space<vmem_shared>> -> memref<10016x128xf32, #tpu.memory_space<vmem_shared>>
          tpu.wait_indirect_dma semaphore(%run_scoped3A : memref<!tpu.dma_semaphore, #tpu.memory_space<semaphore_mem>>) src(%arg13 : memref<128x128xf32, #tpu.memory_space<vmem>>) dst(%dma_wait3A_177 : memref<10016x128xf32, #tpu.memory_space<vmem_shared>>)
          tpu.yield
        }) : () -> ()
      } else {
      }
    }
    %barrier3A_107 = arith.constant 0 : index
    tpu.barrier barrier_id(%barrier3A_107)
    %mul3A_108 = arith.constant 16 : i32
    %mul3A_109 = arith.muli %arg1, %mul3A_108 : i32
    %sub3A_110 = arith.constant 10000 : i32
    %sub3A_111 = arith.subi %sub3A_110, %mul3A_109 : i32
    %sub3A_112 = arith.constant 256 : i32
    %sub3A_113 = arith.constant 1 : i32
    %sub3A_114 = arith.subi %sub3A_112, %sub3A_113 : i32
    %add3A_115 = arith.addi %sub3A_111, %sub3A_114 : i32
    %div3A_116 = arith.constant 256 : i32
    %div3A_117 = arith.divsi %add3A_115, %div3A_116 : i32
    %while3A_118 = arith.constant 256 : i32
    %while3A_119 = arith.constant 0 : i32
    %while3A_120 = arith.subi %div3A_117, %while3A_119 : i32
    %while3A_121 = arith.addi %while3A_119, %while3A_120 : i32
    %while3A_122 = arith.constant 1 : i32
    %while3A_123 = arith.divsi %while3A_120, %while3A_122 : i32
    %while3A_124 = arith.muli %while3A_123, %while3A_122 : i32
    %while3A_125 = arith.addi %while3A_119, %while3A_124 : i32
    %while3A_126 = arith.constant 1 : i32
    scf.for %while3A_128 = %while3A_119 to %while3A_125 step %while3A_126  : i32 {
      %mul3A_129 = arith.muli %while3A_128, %while3A_118 : i32
      %add3A_130 = arith.addi %mul3A_109, %mul3A_129 : i32
      "tpu.region"() ({
        %run_scoped3A = tpu.sem_alloc : memref<!tpu.dma_semaphore, #tpu.memory_space<semaphore_mem>>
        %dma_start3A = arith.constant 0 : i32
        %dma_start3A_131 = arith.constant 0 : i32
        %dma_start3A_132 = tpu.memref_slice %arg7[%arg0, %dma_start3A, %dma_start3A_131] : memref<2x10000x128xf32, #tpu.memory_space<hbm>> -> memref<1x10000x128xf32, #tpu.memory_space<hbm>>
        %dma_start3A_133 = tpu.memref_squeeze %dma_start3A_132 : memref<1x10000x128xf32, #tpu.memory_space<hbm>> -> memref<10000x128xf32, #tpu.memory_space<hbm>>
        %dma_start3A_134 = arith.constant 0 : i32
        %dma_start3A_135 = tpu.memref_slice %dma_start3A_133[%add3A_130, %dma_start3A_134] : memref<10000x128xf32, #tpu.memory_space<hbm>> -> memref<16x128xf32, #tpu.memory_space<hbm>>
        %dma_start3A_136 = arith.constant 0 : i32
        %dma_start3A_137 = tpu.memref_slice %arg20[%add3A_130, %dma_start3A_136] : memref<10016x128xf32, #tpu.memory_space<vmem_shared>> -> memref<16x128xf32, #tpu.memory_space<vmem_shared>>
        tpu.enqueue_dma source(%dma_start3A_137 : memref<16x128xf32, #tpu.memory_space<vmem_shared>>) target(%dma_start3A_135 : memref<16x128xf32, #tpu.memory_space<hbm>>) target_semaphore(%run_scoped3A : memref<!tpu.dma_semaphore, #tpu.memory_space<semaphore_mem>>)
        %dma_wait3A = arith.constant 0 : i32
        %dma_wait3A_138 = arith.constant 0 : i32
        %dma_wait3A_139 = tpu.memref_slice %arg7[%arg0, %dma_wait3A, %dma_wait3A_138] : memref<2x10000x128xf32, #tpu.memory_space<hbm>> -> memref<1x10000x128xf32, #tpu.memory_space<hbm>>
        %dma_wait3A_140 = tpu.memref_squeeze %dma_wait3A_139 : memref<1x10000x128xf32, #tpu.memory_space<hbm>> -> memref<10000x128xf32, #tpu.memory_space<hbm>>
        %dma_wait3A_141 = arith.constant 0 : i32
        %dma_wait3A_142 = tpu.memref_slice %dma_wait3A_140[%add3A_130, %dma_wait3A_141] : memref<10000x128xf32, #tpu.memory_space<hbm>> -> memref<16x128xf32, #tpu.memory_space<hbm>>
        %dma_wait3A_143 = arith.constant 0 : i32
        %dma_wait3A_144 = tpu.memref_slice %arg20[%add3A_130, %dma_wait3A_143] : memref<10016x128xf32, #tpu.memory_space<vmem_shared>> -> memref<16x128xf32, #tpu.memory_space<vmem_shared>>
        tpu.wait_dma2 semaphore(%run_scoped3A : memref<!tpu.dma_semaphore, #tpu.memory_space<semaphore_mem>>) src(%dma_wait3A_144 : memref<16x128xf32, #tpu.memory_space<vmem_shared>>) dst(%dma_wait3A_142 : memref<16x128xf32, #tpu.memory_space<hbm>>)
        tpu.yield
      }) : () -> ()
    }
    %while3A_127 = arith.constant 1 : i32
    scf.for %while3A_128 = %while3A_125 to %while3A_121 step %while3A_127  : i32 {
      %mul3A_129 = arith.muli %while3A_128, %while3A_118 : i32
      %add3A_130 = arith.addi %mul3A_109, %mul3A_129 : i32
      "tpu.region"() ({
        %run_scoped3A = tpu.sem_alloc : memref<!tpu.dma_semaphore, #tpu.memory_space<semaphore_mem>>
        %dma_start3A = arith.constant 0 : i32
        %dma_start3A_131 = arith.constant 0 : i32
        %dma_start3A_132 = tpu.memref_slice %arg7[%arg0, %dma_start3A, %dma_start3A_131] : memref<2x10000x128xf32, #tpu.memory_space<hbm>> -> memref<1x10000x128xf32, #tpu.memory_space<hbm>>
        %dma_start3A_133 = tpu.memref_squeeze %dma_start3A_132 : memref<1x10000x128xf32, #tpu.memory_space<hbm>> -> memref<10000x128xf32, #tpu.memory_space<hbm>>
        %dma_start3A_134 = arith.constant 0 : i32
        %dma_start3A_135 = tpu.memref_slice %dma_start3A_133[%add3A_130, %dma_start3A_134] : memref<10000x128xf32, #tpu.memory_space<hbm>> -> memref<16x128xf32, #tpu.memory_space<hbm>>
        %dma_start3A_136 = arith.constant 0 : i32
        %dma_start3A_137 = tpu.memref_slice %arg20[%add3A_130, %dma_start3A_136] : memref<10016x128xf32, #tpu.memory_space<vmem_shared>> -> memref<16x128xf32, #tpu.memory_space<vmem_shared>>
        tpu.enqueue_dma source(%dma_start3A_137 : memref<16x128xf32, #tpu.memory_space<vmem_shared>>) target(%dma_start3A_135 : memref<16x128xf32, #tpu.memory_space<hbm>>) target_semaphore(%run_scoped3A : memref<!tpu.dma_semaphore, #tpu.memory_space<semaphore_mem>>)
        %dma_wait3A = arith.constant 0 : i32
        %dma_wait3A_138 = arith.constant 0 : i32
        %dma_wait3A_139 = tpu.memref_slice %arg7[%arg0, %dma_wait3A, %dma_wait3A_138] : memref<2x10000x128xf32, #tpu.memory_space<hbm>> -> memref<1x10000x128xf32, #tpu.memory_space<hbm>>
        %dma_wait3A_140 = tpu.memref_squeeze %dma_wait3A_139 : memref<1x10000x128xf32, #tpu.memory_space<hbm>> -> memref<10000x128xf32, #tpu.memory_space<hbm>>
        %dma_wait3A_141 = arith.constant 0 : i32
        %dma_wait3A_142 = tpu.memref_slice %dma_wait3A_140[%add3A_130, %dma_wait3A_141] : memref<10000x128xf32, #tpu.memory_space<hbm>> -> memref<16x128xf32, #tpu.memory_space<hbm>>
        %dma_wait3A_143 = arith.constant 0 : i32
        %dma_wait3A_144 = tpu.memref_slice %arg20[%add3A_130, %dma_wait3A_143] : memref<10016x128xf32, #tpu.memory_space<vmem_shared>> -> memref<16x128xf32, #tpu.memory_space<vmem_shared>>
        tpu.wait_dma2 semaphore(%run_scoped3A : memref<!tpu.dma_semaphore, #tpu.memory_space<semaphore_mem>>) src(%dma_wait3A_144 : memref<16x128xf32, #tpu.memory_space<vmem_shared>>) dst(%dma_wait3A_142 : memref<16x128xf32, #tpu.memory_space<hbm>>)
        tpu.yield
      }) : () -> ()
    }
    return
  }
}

module attributes {stable_mosaic.version = 14 : i64} {
  func.func @_enc_body(%arg0: memref<10000x1xf32, #tpu.memory_space<vmem>>, %arg1: memref<1x256xf32, #tpu.memory_space<vmem>>, %arg2: memref<1x256xf32, #tpu.memory_space<vmem>>, %arg3: memref<10000x256xf32, #tpu.memory_space<vmem>>) attributes {dimension_semantics = [], scalar_prefetch = 0 : i64, scratch_operands = 0 : i64, tpu.core_type = #tpu.core_type<tc>} {
    %get3A = arith.constant 0 : index
    %get3A_0 = arith.constant 0 : index
    %get3A_1 = vector.load %arg0[%get3A, %get3A_0] : memref<10000x1xf32, #tpu.memory_space<vmem>>, vector<10000x1xf32>
    %get3A_2 = arith.constant 0 : index
    %get3A_3 = arith.constant 0 : index
    %get3A_4 = vector.load %arg1[%get3A_2, %get3A_3] : memref<1x256xf32, #tpu.memory_space<vmem>>, vector<1x256xf32>
    %mul3A = vector.broadcast %get3A_1 : vector<10000x1xf32> to vector<10000x256xf32>
    %mul3A_5 = vector.broadcast %get3A_4 : vector<1x256xf32> to vector<10000x256xf32>
    %mul3A_6 = arith.mulf %mul3A, %mul3A_5 : vector<10000x256xf32>
    %get3A_7 = arith.constant 0 : index
    %get3A_8 = arith.constant 0 : index
    %get3A_9 = vector.load %arg2[%get3A_7, %get3A_8] : memref<1x256xf32, #tpu.memory_space<vmem>>, vector<1x256xf32>
    %add3A = vector.broadcast %get3A_9 : vector<1x256xf32> to vector<10000x256xf32>
    %add3A_10 = arith.addf %mul3A_6, %add3A : vector<10000x256xf32>
    %swap3A = arith.constant 0 : index
    %swap3A_11 = arith.constant 0 : index
    %swap3A_12 = vector.load %arg3[%swap3A, %swap3A_11] : memref<10000x256xf32, #tpu.memory_space<vmem>>, vector<10000x256xf32>
    tpu.vector_store %arg3[%swap3A, %swap3A_11], %add3A_10 {strides = array<i32>} : memref<10000x256xf32, #tpu.memory_space<vmem>>, vector<10000x256xf32>,
    return
  }
}

module attributes {stable_mosaic.version = 14 : i64} {
  func.func @_layer_body(%arg0: memref<10000x256xf32, #tpu.memory_space<vmem>>, %arg1: memref<10000x128xf32, #tpu.memory_space<vmem>>, %arg2: memref<10000x128xf32, #tpu.memory_space<vmem>>, %arg3: memref<1x1xf32, #tpu.memory_space<vmem>>, %arg4: memref<256x256xf32, #tpu.memory_space<vmem>>, %arg5: memref<1x256xf32, #tpu.memory_space<vmem>>, %arg6: memref<1x256xf32, #tpu.memory_space<vmem>>, %arg7: memref<1x256xf32, #tpu.memory_space<vmem>>, %arg8: memref<256x256xf32, #tpu.memory_space<vmem>>, %arg9: memref<1x256xf32, #tpu.memory_space<vmem>>, %arg10: memref<1x256xf32, #tpu.memory_space<vmem>>, %arg11: memref<1x256xf32, #tpu.memory_space<vmem>>, %arg12: memref<10000x256xf32, #tpu.memory_space<vmem>>) attributes {dimension_semantics = [], scalar_prefetch = 0 : i64, scratch_operands = 0 : i64, tpu.core_type = #tpu.core_type<tc>} {
    %get3A = arith.constant 0 : index
    %get3A_0 = arith.constant 0 : index
    %get3A_1 = vector.load %arg1[%get3A, %get3A_0] : memref<10000x128xf32, #tpu.memory_space<vmem>>, vector<10000x128xf32>
    %get3A_2 = arith.constant 0 : index
    %get3A_3 = arith.constant 0 : index
    %get3A_4 = vector.load %arg2[%get3A_2, %get3A_3] : memref<10000x128xf32, #tpu.memory_space<vmem>>, vector<10000x128xf32>
    %concatenate3A = tpu.concatenate %get3A_1, %get3A_4 in 1 : vector<10000x128xf32>, vector<10000x128xf32> -> vector<10000x256xf32>
    %get3A_5 = arith.constant 0 : index
    %get3A_6 = arith.constant 0 : index
    %get3A_7 = vector.load %arg3[%get3A_5, %get3A_6] : memref<1x1xf32, #tpu.memory_space<vmem>>, vector<1x1xf32>
    %get3A_8 = arith.constant 0 : index
    %get3A_9 = arith.constant 0 : index
    %get3A_10 = vector.load %arg0[%get3A_8, %get3A_9] : memref<10000x256xf32, #tpu.memory_space<vmem>>, vector<10000x256xf32>
    %mul3A = vector.broadcast %get3A_7 : vector<1x1xf32> to vector<10000x256xf32>
    %mul3A_11 = arith.mulf %mul3A, %get3A_10 : vector<10000x256xf32>
    %add3A = arith.addf %mul3A_11, %concatenate3A : vector<10000x256xf32>
    %get3A_12 = arith.constant 0 : index
    %get3A_13 = arith.constant 0 : index
    %get3A_14 = vector.load %arg4[%get3A_12, %get3A_13] : memref<256x256xf32, #tpu.memory_space<vmem>>, vector<256x256xf32>
    %dot_general3A = arith.constant dense<0.000000e+00> : vector<10000x256xf32>
    %dot_general3A_15 = tpu.matmul %add3A, %get3A_14, %dot_general3A {dimension_numbers = #tpu.dot_dimension_numbers<[1], [0], [0], [1], [0, 0, 1, 1], [], []>, transpose_lhs_hint = false} : vector<10000x256xf32>, vector<256x256xf32>, vector<10000x256xf32> -> vector<10000x256xf32>
    %get3A_16 = arith.constant 0 : index
    %get3A_17 = arith.constant 0 : index
    %get3A_18 = vector.load %arg5[%get3A_16, %get3A_17] : memref<1x256xf32, #tpu.memory_space<vmem>>, vector<1x256xf32>
    %add3A_19 = vector.broadcast %get3A_18 : vector<1x256xf32> to vector<10000x256xf32>
    %add3A_20 = arith.addf %dot_general3A_15, %add3A_19 : vector<10000x256xf32>
    %get3A_21 = arith.constant 0 : index
    %get3A_22 = arith.constant 0 : index
    %get3A_23 = vector.load %arg6[%get3A_21, %get3A_22] : memref<1x256xf32, #tpu.memory_space<vmem>>, vector<1x256xf32>
    %get3A_24 = arith.constant 0 : index
    %get3A_25 = arith.constant 0 : index
    %get3A_26 = vector.load %arg7[%get3A_24, %get3A_25] : memref<1x256xf32, #tpu.memory_space<vmem>>, vector<1x256xf32>
    %reduce_sum3A = arith.constant dense<0.000000e+00> : vector<256xf32>
    %reduce_sum3A_27 = vector.multi_reduction <add>, %add3A_20, %reduce_sum3A [0] : vector<10000x256xf32> to vector<256xf32>
    %div3A = arith.constant 1.000000e+04 : f32
    %div3A_28 = vector.broadcast %div3A : f32 to vector<256xf32>
    %div3A_29 = arith.divf %reduce_sum3A_27, %div3A_28 : vector<256xf32>
    %jit3A = arith.constant 0 : i32
    %reduce_sum3A_30 = arith.constant dense<0.000000e+00> : vector<256xf32>
    %reduce_sum3A_31 = vector.multi_reduction <add>, %add3A_20, %reduce_sum3A_30 [0] : vector<10000x256xf32> to vector<256xf32>
    %broadcast_in_dim3A = vector.shape_cast %reduce_sum3A_31 : vector<256xf32> to vector<1x256xf32>
    %div3A_32 = arith.constant 1.000000e+04 : f32
    %div3A_33 = vector.broadcast %div3A_32 : f32 to vector<1x256xf32>
    %div3A_34 = arith.divf %broadcast_in_dim3A, %div3A_33 : vector<1x256xf32>
    %sub3A = vector.broadcast %div3A_34 : vector<1x256xf32> to vector<10000x256xf32>
    %sub3A_35 = arith.subf %add3A_20, %sub3A : vector<10000x256xf32>
    %square3A = arith.mulf %sub3A_35, %sub3A_35 : vector<10000x256xf32>
    %convert_element_type3A = arith.sitofp %jit3A : i32 to f32
    %sub3A_36 = arith.constant 1.000000e+04 : f32
    %sub3A_37 = arith.subf %sub3A_36, %convert_element_type3A : f32
    %reduce_sum3A_38 = arith.constant dense<0.000000e+00> : vector<256xf32>
    %reduce_sum3A_39 = vector.multi_reduction <add>, %square3A, %reduce_sum3A_38 [0] : vector<10000x256xf32> to vector<256xf32>
    %div3A_40 = vector.broadcast %sub3A_37 : f32 to vector<256xf32>
    %div3A_41 = arith.divf %reduce_sum3A_39, %div3A_40 : vector<256xf32>
    %gt3A = arith.constant 0.000000e+00 : f32
    %gt3A_42 = arith.cmpf ogt, %sub3A_37, %gt3A : f32
    %jit3A_43 = arith.constant 0x7FC00000 : f32
    %broadcast_in_dim3A_44 = vector.broadcast %jit3A_43 : f32 to vector<256xf32>
    %select_n3A = arith.select %gt3A_42, %div3A_41, %broadcast_in_dim3A_44 : vector<256xf32>
    %broadcast_in_dim3A_45 = vector.shape_cast %div3A_29 : vector<256xf32> to vector<1x256xf32>
    %sub3A_46 = vector.broadcast %broadcast_in_dim3A_45 : vector<1x256xf32> to vector<10000x256xf32>
    %sub3A_47 = arith.subf %add3A_20, %sub3A_46 : vector<10000x256xf32>
    %mul3A_48 = vector.broadcast %get3A_23 : vector<1x256xf32> to vector<10000x256xf32>
    %mul3A_49 = arith.mulf %mul3A_48, %sub3A_47 : vector<10000x256xf32>
    %add3A_50 = arith.constant 9.99999974E-6 : f32
    %add3A_51 = vector.broadcast %add3A_50 : f32 to vector<256xf32>
    %add3A_52 = arith.addf %select_n3A, %add3A_51 : vector<256xf32>
    %sqrt3A = math.sqrt %add3A_52 : vector<256xf32>
    %broadcast_in_dim3A_53 = vector.shape_cast %sqrt3A : vector<256xf32> to vector<1x256xf32>
    %div3A_54 = vector.broadcast %broadcast_in_dim3A_53 : vector<1x256xf32> to vector<10000x256xf32>
    %div3A_55 = arith.divf %mul3A_49, %div3A_54 : vector<10000x256xf32>
    %add3A_56 = vector.broadcast %get3A_26 : vector<1x256xf32> to vector<10000x256xf32>
    %add3A_57 = arith.addf %div3A_55, %add3A_56 : vector<10000x256xf32>
    %max3A = arith.constant 0.000000e+00 : f32
    %max3A_58 = vector.broadcast %max3A : f32 to vector<10000x256xf32>
    %max3A_59 = arith.maximumf %add3A_57, %max3A_58 : vector<10000x256xf32>
    %get3A_60 = arith.constant 0 : index
    %get3A_61 = arith.constant 0 : index
    %get3A_62 = vector.load %arg8[%get3A_60, %get3A_61] : memref<256x256xf32, #tpu.memory_space<vmem>>, vector<256x256xf32>
    %dot_general3A_63 = arith.constant dense<0.000000e+00> : vector<10000x256xf32>
    %dot_general3A_64 = tpu.matmul %max3A_59, %get3A_62, %dot_general3A_63 {dimension_numbers = #tpu.dot_dimension_numbers<[1], [0], [0], [1], [0, 0, 1, 1], [], []>, transpose_lhs_hint = false} : vector<10000x256xf32>, vector<256x256xf32>, vector<10000x256xf32> -> vector<10000x256xf32>
    %get3A_65 = arith.constant 0 : index
    %get3A_66 = arith.constant 0 : index
    %get3A_67 = vector.load %arg9[%get3A_65, %get3A_66] : memref<1x256xf32, #tpu.memory_space<vmem>>, vector<1x256xf32>
    %add3A_68 = vector.broadcast %get3A_67 : vector<1x256xf32> to vector<10000x256xf32>
    %add3A_69 = arith.addf %dot_general3A_64, %add3A_68 : vector<10000x256xf32>
    %get3A_70 = arith.constant 0 : index
    %get3A_71 = arith.constant 0 : index
    %get3A_72 = vector.load %arg10[%get3A_70, %get3A_71] : memref<1x256xf32, #tpu.memory_space<vmem>>, vector<1x256xf32>
    %get3A_73 = arith.constant 0 : index
    %get3A_74 = arith.constant 0 : index
    %get3A_75 = vector.load %arg11[%get3A_73, %get3A_74] : memref<1x256xf32, #tpu.memory_space<vmem>>, vector<1x256xf32>
    %reduce_sum3A_76 = arith.constant dense<0.000000e+00> : vector<256xf32>
    %reduce_sum3A_77 = vector.multi_reduction <add>, %add3A_69, %reduce_sum3A_76 [0] : vector<10000x256xf32> to vector<256xf32>
    %div3A_78 = arith.constant 1.000000e+04 : f32
    %div3A_79 = vector.broadcast %div3A_78 : f32 to vector<256xf32>
    %div3A_80 = arith.divf %reduce_sum3A_77, %div3A_79 : vector<256xf32>
    %jit3A_81 = arith.constant 0 : i32
    %reduce_sum3A_82 = arith.constant dense<0.000000e+00> : vector<256xf32>
    %reduce_sum3A_83 = vector.multi_reduction <add>, %add3A_69, %reduce_sum3A_82 [0] : vector<10000x256xf32> to vector<256xf32>
    %broadcast_in_dim3A_84 = vector.shape_cast %reduce_sum3A_83 : vector<256xf32> to vector<1x256xf32>
    %div3A_85 = arith.constant 1.000000e+04 : f32
    %div3A_86 = vector.broadcast %div3A_85 : f32 to vector<1x256xf32>
    %div3A_87 = arith.divf %broadcast_in_dim3A_84, %div3A_86 : vector<1x256xf32>
    %sub3A_88 = vector.broadcast %div3A_87 : vector<1x256xf32> to vector<10000x256xf32>
    %sub3A_89 = arith.subf %add3A_69, %sub3A_88 : vector<10000x256xf32>
    %square3A_90 = arith.mulf %sub3A_89, %sub3A_89 : vector<10000x256xf32>
    %convert_element_type3A_91 = arith.sitofp %jit3A_81 : i32 to f32
    %sub3A_92 = arith.constant 1.000000e+04 : f32
    %sub3A_93 = arith.subf %sub3A_92, %convert_element_type3A_91 : f32
    %reduce_sum3A_94 = arith.constant dense<0.000000e+00> : vector<256xf32>
    %reduce_sum3A_95 = vector.multi_reduction <add>, %square3A_90, %reduce_sum3A_94 [0] : vector<10000x256xf32> to vector<256xf32>
    %div3A_96 = vector.broadcast %sub3A_93 : f32 to vector<256xf32>
    %div3A_97 = arith.divf %reduce_sum3A_95, %div3A_96 : vector<256xf32>
    %gt3A_98 = arith.constant 0.000000e+00 : f32
    %gt3A_99 = arith.cmpf ogt, %sub3A_93, %gt3A_98 : f32
    %jit3A_100 = arith.constant 0x7FC00000 : f32
    %broadcast_in_dim3A_101 = vector.broadcast %jit3A_100 : f32 to vector<256xf32>
    %select_n3A_102 = arith.select %gt3A_99, %div3A_97, %broadcast_in_dim3A_101 : vector<256xf32>
    %broadcast_in_dim3A_103 = vector.shape_cast %div3A_80 : vector<256xf32> to vector<1x256xf32>
    %sub3A_104 = vector.broadcast %broadcast_in_dim3A_103 : vector<1x256xf32> to vector<10000x256xf32>
    %sub3A_105 = arith.subf %add3A_69, %sub3A_104 : vector<10000x256xf32>
    %mul3A_106 = vector.broadcast %get3A_72 : vector<1x256xf32> to vector<10000x256xf32>
    %mul3A_107 = arith.mulf %mul3A_106, %sub3A_105 : vector<10000x256xf32>
    %add3A_108 = arith.constant 9.99999974E-6 : f32
    %add3A_109 = vector.broadcast %add3A_108 : f32 to vector<256xf32>
    %add3A_110 = arith.addf %select_n3A_102, %add3A_109 : vector<256xf32>
    %sqrt3A_111 = math.sqrt %add3A_110 : vector<256xf32>
    %broadcast_in_dim3A_112 = vector.shape_cast %sqrt3A_111 : vector<256xf32> to vector<1x256xf32>
    %div3A_113 = vector.broadcast %broadcast_in_dim3A_112 : vector<1x256xf32> to vector<10000x256xf32>
    %div3A_114 = arith.divf %mul3A_107, %div3A_113 : vector<10000x256xf32>
    %add3A_115 = vector.broadcast %get3A_75 : vector<1x256xf32> to vector<10000x256xf32>
    %add3A_116 = arith.addf %div3A_114, %add3A_115 : vector<10000x256xf32>
    %max3A_117 = arith.constant 0.000000e+00 : f32
    %max3A_118 = vector.broadcast %max3A_117 : f32 to vector<10000x256xf32>
    %max3A_119 = arith.maximumf %add3A_116, %max3A_118 : vector<10000x256xf32>
    %swap3A = arith.constant 0 : index
    %swap3A_120 = arith.constant 0 : index
    %swap3A_121 = vector.load %arg12[%swap3A, %swap3A_120] : memref<10000x256xf32, #tpu.memory_space<vmem>>, vector<10000x256xf32>
    tpu.vector_store %arg12[%swap3A, %swap3A_120], %max3A_119 {strides = array<i32>} : memref<10000x256xf32, #tpu.memory_space<vmem>>, vector<10000x256xf32>,
    return
  }
}

module attributes {stable_mosaic.version = 14 : i64} {
  func.func @_final_body(%arg0: memref<10000x256xf32, #tpu.memory_space<vmem>>, %arg1: memref<1x10000xi32, #tpu.memory_space<vmem>>, %arg2: memref<256x2xf32, #tpu.memory_space<vmem>>, %arg3: memref<1x2xf32, #tpu.memory_space<vmem>>, %arg4: memref<64x2xf32, #tpu.memory_space<vmem>>) attributes {dimension_semantics = [], scalar_prefetch = 0 : i64, scratch_operands = 0 : i64, tpu.core_type = #tpu.core_type<tc>} {
    %iota3A = tpu.iota {dimensions = array<i32: 0>} : vector<64x1xi32>
    %get3A = arith.constant 0 : index
    %get3A_0 = arith.constant 0 : index
    %get3A_1 = vector.load %arg1[%get3A, %get3A_0] : memref<1x10000xi32, #tpu.memory_space<vmem>>, vector<1x10000xi32>
    %eq3A = vector.broadcast %iota3A : vector<64x1xi32> to vector<64x10000xi32>
    %eq3A_2 = vector.broadcast %get3A_1 : vector<1x10000xi32> to vector<64x10000xi32>
    %eq3A_3 = arith.cmpi eq, %eq3A, %eq3A_2 : vector<64x10000xi32>
    %convert_element_type3A = arith.extui %eq3A_3 : vector<64x10000xi1> to vector<64x10000xi32>
    %convert_element_type3A_4 = arith.sitofp %convert_element_type3A : vector<64x10000xi32> to vector<64x10000xf32>
    %get3A_5 = arith.constant 0 : index
    %get3A_6 = arith.constant 0 : index
    %get3A_7 = vector.load %arg0[%get3A_5, %get3A_6] : memref<10000x256xf32, #tpu.memory_space<vmem>>, vector<10000x256xf32>
    %dot_general3A = arith.constant dense<0.000000e+00> : vector<64x256xf32>
    %dot_general3A_8 = tpu.matmul %convert_element_type3A_4, %get3A_7, %dot_general3A {dimension_numbers = #tpu.dot_dimension_numbers<[1], [0], [0], [1], [0, 0, 1, 1], [], []>, precision = #tpu.contract_precision<fp32>, transpose_lhs_hint = false} : vector<64x10000xf32>, vector<10000x256xf32>, vector<64x256xf32> -> vector<64x256xf32>
    %reduce_sum3A = arith.constant dense<0.000000e+00> : vector<64xf32>
    %reduce_sum3A_9 = vector.multi_reduction <add>, %convert_element_type3A_4, %reduce_sum3A [1] : vector<64x10000xf32> to vector<64xf32>
    %broadcast_in_dim3A = vector.shape_cast %reduce_sum3A_9 : vector<64xf32> to vector<64x1xf32>
    %max3A = arith.constant 1.000000e+00 : f32
    %max3A_10 = vector.broadcast %max3A : f32 to vector<64x1xf32>
    %max3A_11 = arith.maximumf %broadcast_in_dim3A, %max3A_10 : vector<64x1xf32>
    %div3A = vector.broadcast %max3A_11 : vector<64x1xf32> to vector<64x256xf32>
    %div3A_12 = arith.divf %dot_general3A_8, %div3A : vector<64x256xf32>
    %get3A_13 = arith.constant 0 : index
    %get3A_14 = arith.constant 0 : index
    %get3A_15 = vector.load %arg2[%get3A_13, %get3A_14] : memref<256x2xf32, #tpu.memory_space<vmem>>, vector<256x2xf32>
    %dot_general3A_16 = arith.constant dense<0.000000e+00> : vector<64x2xf32>
    %dot_general3A_17 = tpu.matmul %div3A_12, %get3A_15, %dot_general3A_16 {dimension_numbers = #tpu.dot_dimension_numbers<[1], [0], [0], [1], [0, 0, 1, 1], [], []>, transpose_lhs_hint = false} : vector<64x256xf32>, vector<256x2xf32>, vector<64x2xf32> -> vector<64x2xf32>
    %get3A_18 = arith.constant 0 : index
    %get3A_19 = arith.constant 0 : index
    %get3A_20 = vector.load %arg3[%get3A_18, %get3A_19] : memref<1x2xf32, #tpu.memory_space<vmem>>, vector<1x2xf32>
    %add3A = vector.broadcast %get3A_20 : vector<1x2xf32> to vector<64x2xf32>
    %add3A_21 = arith.addf %dot_general3A_17, %add3A : vector<64x2xf32>
    %swap3A = arith.constant 0 : index
    %swap3A_22 = arith.constant 0 : index
    %swap3A_23 = vector.load %arg4[%swap3A, %swap3A_22] : memref<64x2xf32, #tpu.memory_space<vmem>>, vector<64x2xf32>
    tpu.vector_store %arg4[%swap3A, %swap3A_22], %add3A_21 {strides = array<i32>} : memref<64x2xf32, #tpu.memory_space<vmem>>, vector<64x2xf32>,
    return
  }
}

</mosaic_0001>

<sc_bundles>
// kernel: gather_offload_async_start.1
scs
__scs_entry_jumppad:
0x0: {  	(pc) =	sbr.rel $0x88, $3  }
0x1: {  	(tag) =	ssettag $0x0;
	lr =	simm.s32 $0x1  }
0x2: {  	[smem:$0x3F91] =	sst lr;
	_ =	strace $0xD0000000  }
0x3: {  	_ = 	snop  }
0x4: {  	_ = 	snop  }
0x5: {  	_ = 	snop  }
0x6: {  	_ = 	snop  }
0x7: {  	_ = 	snop  }
__scs_overlays_trampoline_lowered:
0x8: {  	[smem:$0x3FA0] =	sst s0  }
0x9: {  	[smem:$0x3FA1] =	sst s1  }
0xa: {  	[smem:$0x3FA2] =	sst s2  }
0xb: {  	[smem:$0x3FA3] =	sst s3  }
0xc: {  	[smem:$0x3FA4] =	sst s4  }
0xd: {  	[smem:$0x3FA5] =	sst s5  }
0xe: {  	[smem:$0x3FA6] =	sst s6  }
0xf: {  	[smem:$0x3FA7] =	sst s7  }
0x10: {  	[smem:$0x3FA8] =	sst s8  }
0x11: {  	[smem:$0x3FA9] =	sst s9;
	s0 =	simm.s32 @!p0 $0x0  }
0x12: {  	s1 =	sld [smem:$0x3F8F];
	s0 =	simm.s32 @p0 $0x1  }
0x13: {  	[smem:$0x3FAA] =	sst s0;
	s0 =	simm.s32 @!p1 $0x0  }
0x14: {  	s2 =	sld [smem:$0x3F8E];
	s0 =	simm.s32 @p1 $0x1  }
0x15: {  	[smem:$0x3FAB] =	sst s0;
	s0 =	simm.s32 @!p2 $0x0  }
0x16: {  	s3 =	sld [smem:$0x3FDB];
	s0 =	simm.s32 @p2 $0x1  }
0x17: {  	s4 =	simm.s32 $0x1BF5;
	[smem:$0x3FAD] =	sst s0  }
0x18: {  	s0 =	sld [smem:$0x3F90];
	_ =	swait.ge [sflag:s4], $0x0  }
0x19: {  	s7 =	sld [smem:$0x3F91]  }
0x1a: {  	s8 =	sadd.s32 $0xFFFFE003, lr  }
0x1b: {  	s9 =	sadd.s32 $0xFFFFFEF7, lr;
	s5 =	simm.s32 $0xFFFFFFFF;
	p2 =	slt.u32 s8, $0xFFFFF086  }
0x1c: {  	p1 =	slt.u32 s9, $0xF7A;
	s5 =	simm.s32 @!p2 $0x0  }
0x1d: {  	s5 =	simm.s32 @p1 $0x1;
	p0 =	seq.s32 s7, s2  }
0x1e: {  	s7 =	smul.u32 @!p0 $0xF7A, s2;
	p2 =	seq.s32 @!p0 s5, $0x0  }
0x1f: {  	s9 =	smul.u32 $0xF7A, s1;
	s8 =	simm.s32 @!p0 $0x1BF5;
	p2 =	por !p2, p0  }
0x20: {  	[sflag:s8] =	ssyncset.s32 @!p0 $0xFFFFF086;
	s6 =	sadd.s32 @!p0 s3, s7;
	s7 =	simm.s32 @!p0 $0x108  }
0x21: {  	s3 =	sadd.s32 s3, s9;
	s6 =	sadd.s32 @!p0 $0x88, s6;
	s7 =	simm.s32 @p2 $0x1082  }
0x22: {  	[simem:s7], [sflag:s8] =	dma.local @!p0 [hbm:s6], $0xF7A  }
0x23: {  	s9 =	sor.u32 $0xD0000000, s2;
	s6 =	simm.s32 $0x108;
	_ =	swait.ge @!p0 [sflag:s8], $0x0  }
0x24: {  	s3 =	sadd.s32 $0x88, s3;
	s6 =	simm.s32 @!p1 $0x1082;
	[sflag:s4] =	ssyncset.s32 $0xFFFFF086  }
0x25: {  	[simem:s6], [sflag:s4] =	dma.local [hbm:s3], $0xF7A  }
0x26: {  	[smem:$0x3F91] =	sst s1;
	(tag) =	ssettag s2;
	_ =	strace s9  }
0x27: {  	s1 =	sld [smem:$0x3FA1]  }
0x28: {  	s2 =	sld [smem:$0x3FA2]  }
0x29: {  	s4 =	sld [smem:$0x3FA4]  }
0x2a: {  	p0 =	seq.s32 s5, $0x0;
	s5 =	sld [smem:$0x3FA5]  }
0x2b: {  	s6 =	sld [smem:$0x3FA6]  }
0x2c: {  	s7 =	sld [smem:$0x3FA7]  }
0x2d: {  	s3 =	simm.s32 $0x108;
	s8 =	sld [smem:$0x3FA8]  }
0x2e: {  	s3 =	simm.s32 @!p0 $0x1082;
	s9 =	sld [smem:$0x3FA9]  }
0x2f: {  	lr =	sadd.s32 s0, s3;
	s0 =	sld [smem:$0x3FA0]  }
0x30: {  	s3 =	sld [smem:$0x3FA3]  }
0x31: {  	[smem:$0x3FAC] =	sst s10  }
0x32: {  	s10 =	sld [smem:$0x3FAA];
	_ =	sdelay $0x3  }
0x33: {  	p0 =	seq.s32 s10, $0x1;
	s10 =	sld [smem:$0x3FAC];
	_ =	sdelay $0x3  }
0x34: {  	[smem:$0x3FAC] =	sst s10  }
0x35: {  	s10 =	sld [smem:$0x3FAB];
	_ =	sdelay $0x3  }
0x36: {  	p1 =	seq.s32 s10, $0x1;
	s10 =	sld [smem:$0x3FAC];
	_ =	sdelay $0x3  }
0x37: {  	[smem:$0x3FAC] =	sst s10  }
0x38: {  	s10 =	sld [smem:$0x3FAD]  }
0x39: {  	_ = 	snop;
	(pc) =	sbr.ind lr, $3  }
0x3a: {  	_ = 	snop  }
0x3b: {  	_ = 	snop  }
0x3c: {  	p2 =	seq.s32 s10, $0x1;
	s10 =	sld [smem:$0x3FAC]  }
0x3d: {  	_ =	shalt  }
0x3e: {  	_ =	shalt  }
0x3f: {  	_ =	shalt  }
0x40: {  	_ =	shalt  }
0x41: {  	_ =	shalt  }
0x42: {  	_ =	shalt  }
0x43: {  	_ =	shalt  }
0x44: {  	_ =	shalt  }
0x45: {  	_ =	shalt  }
0x46: {  	_ =	shalt  }
0x47: {  	_ =	shalt  }
0x48: {  	_ =	shalt  }
0x49: {  	_ =	shalt  }
0x4a: {  	_ =	shalt  }
0x4b: {  	_ =	shalt  }
0x4c: {  	_ =	shalt  }
0x4d: {  	_ =	shalt  }
0x4e: {  	_ =	shalt  }
0x4f: {  	_ =	shalt  }
0x50: {  	_ =	shalt  }
0x51: {  	_ =	shalt  }
0x52: {  	_ =	shalt  }
0x53: {  	_ =	shalt  }
0x54: {  	_ =	shalt  }
0x55: {  	_ =	shalt  }
0x56: {  	_ =	shalt  }
0x57: {  	_ =	shalt  }
0x58: {  	_ =	shalt  }
0x59: {  	_ =	shalt  }
0x5a: {  	_ =	shalt  }
0x5b: {  	_ =	shalt  }
0x5c: {  	_ =	shalt  }
0x5d: {  	_ =	shalt  }
0x5e: {  	_ =	shalt  }
0x5f: {  	_ =	shalt  }
0x60: {  	_ =	shalt  }
0x61: {  	_ =	shalt  }
0x62: {  	_ =	shalt  }
0x63: {  	_ =	shalt  }
0x64: {  	_ =	shalt  }
0x65: {  	_ =	shalt  }
0x66: {  	_ =	shalt  }
0x67: {  	_ =	shalt  }
0x68: {  	_ =	shalt  }
0x69: {  	_ =	shalt  }
0x6a: {  	_ =	shalt  }
0x6b: {  	_ =	shalt  }
0x6c: {  	_ =	shalt  }
0x6d: {  	_ =	shalt  }
0x6e: {  	_ =	shalt  }
0x6f: {  	_ =	shalt  }
0x70: {  	_ =	shalt  }
0x71: {  	_ =	shalt  }
0x72: {  	_ =	shalt  }
0x73: {  	_ =	shalt  }
0x74: {  	_ =	shalt  }
0x75: {  	_ =	shalt  }
0x76: {  	_ =	shalt  }
0x77: {  	_ =	shalt  }
0x78: {  	_ =	shalt  }
0x79: {  	_ =	shalt  }
0x7a: {  	_ =	shalt  }
0x7b: {  	_ =	shalt  }
0x7c: {  	_ =	shalt  }
0x7d: {  	_ =	shalt  }
0x7e: {  	_ =	shalt  }
0x7f: {  	_ =	shalt  }
0x80: {  	_ =	shalt  }
0x81: {  	_ =	shalt  }
0x82: {  	_ =	shalt  }
0x83: {  	_ =	shalt  }
0x84: {  	_ =	shalt  }
0x85: {  	_ =	shalt  }
0x86: {  	_ =	shalt  }
0x87: {  	_ =	shalt  }
.Lfunc_end0:
.L_simem_size_0:
called_computation.2_lowered:
.L_overlay_start_0:
0x88: {  	s2 =	sld [smem:$0x3FD9]  }
0x89: {  	s3 =	sld [smem:$0x3FFE];
	_ =	sdelay $0x1  }
0x8a: {  	s1 =	srdreg.scid  }
0x8b: {  	s0 =	sand.u32 $0x1, s1  }
0x8c: {  	s16 =	sshll.u32 s0, $0xA;
	s2 =	sadd.s32 s3, s2  }
0x8d: {  	s2 =	sadd.s32 s2, s16  }
0x8e: {  	[smem:$0x3FB8] =	sst s2  }
0x8f: {  	_ = 	snop  }
0x90: {  	(tm) =	ssettm $0x1  }
0x91: {  	s17 =	sld [smem:$0x3FFB];
	_ =	sdelay $0x3  }
0x92: {  	_ =	strace s17  }
0x93: {  	s2 =	sld [smem:$0x3FFC];
	_ =	sdelay $0x3  }
0x94: {  	_ =	strace s2  }
0x95: {  	s2 =	sld [smem:$0x3FFD];
	_ =	sdelay $0x3  }
0x96: {  	_ =	strace s2  }
0x97: {  	_ =	strace $0x8FFFFFFF  }
0x98: {  	s18 =	sld [smem:$0x3FDB];
	_ =	sdelay $0x1  }
0x99: {  	s19 =	simm.s32 $_scs_section_size  }
0x9a: {  	s4 =	simm.s32 $_size__tile_overlayer_lowered;
	s5 =	simm.s32 $_tile_overlayer_lowered  }
0x9b: {  	s22 =	simm.s32 $0x1BFF;
	s21 =	sshll.u32 s5, $0x1;
	s2 =	sadd.s32 s19, s18  }
0x9c: {  	s6 =	simm.s32 $0x0;
	s20 =	sshll.u32 s4, $0x1;
	s4 =	sadd.s32 s21, s2  }
0x9d: {  	[timem:s6], [sflag:s22] =	dma.local [hbm:s4], s20  }
0x9e: {  	_ =	swait.ge [sflag:s22], s20  }
0x9f: {  	s3 =	ssub.s32 $0x0, s20;
	[sflag:s22] =	ssyncset.done $0x0  }
0xa0: {  	[sflag:s22] =	ssyncadd.s32 s3;
	_ =	sdelay $0x1  }
0xa1: {  	s23 =	simm.s32 $0x1B8B  }
0xa2: {  	_ =	swait.ge [sflag:s23], $0x1  }
0xa3: {  	[sflag:s23] =	ssyncset.done $0x0  }
0xa4: {  	s25 =	simm.s32 $0x1B8E;
	s24 =	sld [smem:$0x3FFE];
	[sflag:s23] =	ssyncadd.s32 $0xFFFFFFFF  }
0xa5: {  	s26 =	simm.s32 $execute0_lowered;
	[smem:$0x3FD2] =	sst s25  }
0xa6: {  	s4 =	sshll.u32 s26, $0x1;
	_ =	strace $0x8000004C;
	[dreg:$0x1] =	wrdreg $0xFFFFFFFF  }
0xa7: {  	s28 =	simm.s32 $_size_execute0_lowered;
	s2 =	sadd.s32 s2, s4;
	[dreg:$0x0] =	wrdreg $0x0  }
0xa8: {  	s4 =	sshll.u32 s28, $0x1;
	[dreg:$0x2] =	wrdreg s2  }
0xa9: {  	[dreg:$0x3] =	wrdreg s4  }
0xaa: {  	[dreg:$0x4] =	wrdreg $0xC0  }
0xab: {  	_ =	task [dreg:s6], $0x5FFFF  }
0xac: {  	[dreg:$0x1] =	wrdreg $0xFFFFFFFF  }
0xad: {  	[dreg:$0x0] =	wrdreg $0x60  }
0xae: {  	[dreg:$0x2] =	wrdreg s24  }
0xaf: {  	[dreg:$0x3] =	wrdreg $0xA  }
0xb0: {  	_ =	task.clear_ibuf [dreg:s6], $0x4FFFF;
	_ =	strace $0x9000004C  }
0xb1: {  	s29 =	simm.s32 $0xA;
	_ =	strace $0x8000004E  }
0xb2: {  	_ =	swait.ge [sflag:s29], $0x1  }
0xb3: {  	[sflag:s29] =	ssyncadd.s32 $0xFFFFFFFF  }
0xb4: {  	_ =	strace $0x9000004E  }
0xb5: {  	_ =	sfence  }
0xb6: {  	s30 =	sld [smem:$0x0];
	_ =	sdelay $0x2  }
0xb7: {  	s31 =	sshll.u32 s1, $0xD;
	s1 =	sshrl.u32 s1, $0x2  }
0xb8: {  	s3 =	sand.u32 $0x4000, s31;
	s1 =	sadd.s32 s1, s30  }
0xb9: {  	s0 =	sor.u32 s3, s0;
	s1 =	sshll.u32 s1, $0x11  }
0xba: {  	s0 =	sor.u32 s1, s0  }
0xbb: {  	s0 =	sadd.s32 $0x8F2B, s0  }
0xbc: {  	[sflag:s0] =	ssyncadd.remote.s32 $0x1  }
0xbd: {  	_ =	sfence.sel $0xFFFF  }
0xbe: {  	[dreg:$0x0] =	wrdreg $0xFFFFFFFF;
	(pc) =	sbr.abs _section_cstart, $3  }
0xbf: {  	[dreg:$0x1] =	wrdreg $0xFFFFFFFF  }
0xc0: {  	_ =	task.clear_ibuf [dreg:s6], $0x2FFFF;
	_ =	strace $0x9FFFFFFF  }
0xc1: {  	(tm) =	ssettm $0x7FFFFFFF  }
tec
execute0_lowered:
.L_overlay_start_1:
0x0: {  	(tag) =	ssettag $0x1  }
0x1: {  	s8 =	rddreg [dreg:$0x0]  }
0x2: {  	s0 =	rddreg [dreg:$0x1];
	_ =	strace $0x8000004D;
	s1 =	stileid.u32  }
0x3: {  	s3 =	srdreg.scid;
	s4 =	simm.s32 $0x1;
	s7 =	simm.s32 $0x1  }
0x4: {  	s9 =	simm.s32 $0x1;
	s10 =	simm.s32 $0x3;
	s13 =	simm.s32 $0x0  }
0x5: {  	s12 =	simm.s32 $0x0;
	s5 =	sand.u32 $0x1, s3;
	s6 =	sshll.u32 s1, $0x1  }
0x6: {  	s2 =	sadd.s32 $0x271200, s8;
	s3 =	sadd.s32 $0x27B600, s8;
	s5 =	sor.u32 s6, s5  }
.Ltmp0:
0x7: {  	[sflag:s4] =	ssyncpa.u1 $0x0;
	p0 =	slt.u32 s5, $0x9;
	(pc) =	sbr.rel .LBB2_1-.Ltmp0, $4  }
0x8: {  	s6 =	simm.s32 $0x2;
	s7 =	simm.s32 @!p0 $0x0;
	p0 =	sne.s32 s5, $0x8  }
0x9: {  	[sflag:s6] =	ssyncpa.u1 $0x0;
	s5 =	smul.u32 $0xFA0, s5;
	s9 =	simm.s32 @!p0 $0x0  }
0xa: {  	s8 =	sadd.s32 $0x280600, s8;
	[sflag:s10] =	ssyncpa.u1 $0x0;
	s7 =	sadd.s32 s9, s7  }
0xb: {  	vm0 =	vmmov $0xffff;
	s10 =	simm.s32 $0x0;
	s11 =	smov.u32 s5;
	s9 =	sadd.s32 $0x1, s7  }
.LBB2_4:
0xc: {  	v2 =	vnsel vm1, $0x0, v2  }
0xd: {  	vm1 =	vgt.s32 v0, $0x0;
	v2 =	vmin.u32 v2, $0x270FF  }
0xe: {  	v0 =	vnsel vm1, $0x0, v0  }
0xf: {  	v0 =	vmin.u32 v0, $0x270FF  }
0x10: {  	[tilespmem:s18], [sflag:$0x1] =	stream.indirect_vreg.gather [hbm4b:s2+s10], $0x1, v1, vm0, $0x4038;
	[tilespmem:$0x3E80] =	vst v63  }
0x11: {  	(ifvalue) =	ssetifvalue $0x7FFFFFFF  }
0x12: {  	[tilespmem:s15], [sflag:$0x1] =	stream.indirect_vreg.gather [hbm4b:s2+s10], $0x1, v2, vm0, $0x4038;
	[tilespmem:$0x3E80] =	vst v63  }
0x13: {  	s29 =	sadd.s32 $0x10, s15;
	(ifvalue) =	ssetifvalue $0x7FFFFFFF  }
0x14: {  	[tilespmem:s29], [sflag:$0x1] =	stream.indirect_vreg.gather [hbm4b:s2+s10], $0x1, v0, vm0, $0x4038;
	[tilespmem:$0x3E80] =	vst v63  }
0x15: {  	_ =	swait.ge [sflag:s4], $0xFA0  }
0x16: {  	s30 =	sshrl.u32 s13, $0x3;
	[sflag:s4] =	ssyncset.done $0x0  }
0x17: {  	s31 =	sand.u32 $0x7, s13;
	s15 =	sadd.s32 s8, s30;
	[sflag:s4] =	ssyncadd.s32 $0xFFFFF060  }
0x18: {  	[hbm4b:s15+s31] =	stream.linear.scatter [tilespmem:s14], [sflag:$0x3], $0xFA0, $0x38;
	[tilespmem:$0x3E80] =	vst v63  }
.LBB2_5:
0x19: {  	s15 =	sadd.s32 $0x1F400, s11  }
0x1a: {  	p1 =	sgt.s32 s15, $0x270FF  }
0x1b: {  	s15 =	smov.u32 @p1 s5;
	p1 =	sne.s32 s12, s9  }
.Ltmp1:
0x1c: {  	p0 =	slt.u32 s12, $0x2;
	(pc) =	sbr.rel @!p1 .LBB2_6-.Ltmp1, $4  }
0x1d: {  	s14 =	simm.s32 @!p0 $0x3  }
0x1e: {  	_ =	swait.ge @!p0 [sflag:s14], $0xFA0  }
0x1f: {  	s16 =	sadd.s32 $0x1, s12;
	s13 =	smov.u32 s11;
	[sflag:s14] =	ssyncset.done @!p0 $0x0  }
0x20: {  	s12 =	smov.u32 s16;
	s11 =	smov.u32 s15;
	[sflag:s14] =	ssyncadd.s32 @!p0 $0xFFFFF060  }
.LBB2_1:
0x21: {  	p0 =	sge.u32 s12, s7  }
0x22: {  	s14 =	sxor.u32 @!p0 $0x1, s12  }
0x23: {  	s14 =	smul.u32 @!p0 $0x3E80, s14  }
0x24: {  	s31 =	sadd.s32 $0xFFFFFFFF, s12;
	s15 =	sshrl.u32 @!p0 s11, $0x3  }
0x25: {  	s16 =	sand.u32 @!p0 $0x7, s11;
	s15 =	sadd.s32 @!p0 s3, s15;
	s14 =	sshra.s32 @!p0 s14, $0x2  }
0x26: {  	[tilespmem:s14], [sflag:$0x2] =	stream.linear.gather @!p0 [hbm4b:s15+s16], $0xFA0, $0x38;
	[tilespmem:$0x3E80] =	vst v63  }
0x27: {  	p0 =	sge.u32 s31, s7  }
.Ltmp2:
0x28: {  	_ = 	snop;
	(pc) =	sbr.rel @p0 .LBB2_5-.Ltmp2, $1  }
0x29: {  	_ =	sdelay $0x3  }
0x2a: {  	s14 =	sand.u32 $0x1, s12  }
0x2b: {  	_ =	swait.ge [sflag:s6], $0xFA0;
	p0 =	seq.s32 s14, $0x1;
	s14 =	simm.s32 $0xFA0  }
0x2c: {  	[sflag:s6] =	ssyncset.done $0x0;
	s14 =	simm.s32 @!p0 $0x0  }
0x2d: {  	[sflag:s6] =	ssyncadd.s32 $0xFFFFF060;
	(ifvalue) =	ssetifvalue $0x7FFFFFFF;
	v0 =	vld.msk [tilespmem:s14+$0x0 ss:$0x1], $0xffff;
	_ =	sdelay $0x4  }
0x2e: {  	s15 =	sadd.s32 $0x10, s14;
	vm1 =	vgt.s32 v0, $0x0  }
0x2f: {  	v2 =	vld.msk [tilespmem:s15+$0x0 ss:$0x1], $0xffff;
	v1 =	vnsel vm1, $0x0, v0  }
0x30: {  	v1 =	vmin.u32 v1, $0x270FF;
	_ =	sdelay $0x2  }
0x31: {  	s17 =	simm.s32 $0x20;
	s14 =	sadd.s32 $0x1F40, s14;
	s16 =	sadd.s32 $0x10, s15  }
0x32: {  	s15 =	sadd.s32 $0x10, s14;
	s18 =	smov.u32 s14;
	v0 =	vld.msk [tilespmem:s16+$0x0 ss:$0x1], $0xffff;
	vm1 =	vgt.s32 v2, $0x0;
	(ifvalue) =	ssetifvalue $0x7FFFFFFF  }
.LBB2_3:
0x33: {  	[tilespmem:s18], [sflag:$0x1] =	stream.indirect_vreg.gather [hbm4b:s2+s10], $0x1, v1, vm0, $0x4038;
	[tilespmem:$0x3E80] =	vst v63  }
0x34: {  	s17 =	sadd.s32 $0x10, s17  }
0x35: {  	v2 =	vnsel vm1, $0x0, v2;
	p0 =	slt.u32 s17, $0xF90  }
.Ltmp3:
0x36: {  	s18 =	smov.u32 s15;
	v1 =	vmin.u32 v2, $0x270FF;
	(pc) =	sbr.rel @p0 .LBB2_3-.Ltmp3, $3  }
0x37: {  	_ =	sdelay $0x1  }
0x38: {  	s16 =	sadd.s32 $0x10, s16  }
0x39: {  	vm1 =	vgt.s32 v0, $0x0;
	s15 =	sadd.s32 $0x10, s15;
	v2 =	vmov v0;
	(ifvalue) =	ssetifvalue $0x7FFFFFFF;
	v0 =	vld.msk [tilespmem:s16+$0x0 ss:$0x1], $0xffff  }
.Ltmp4:
0x3a: {  	_ = 	snop;
	(pc) =	sbr.rel .LBB2_4-.Ltmp4, $1  }
0x3b: {  	_ =	sdelay $0x3  }
.LBB2_6:
0x3c: {  	_ =	sfence.sel $0x180000  }
0x3d: {  	s2 =	simm.s32 $0x2;
	[bflag:$0x0] =	sbarrier.arrive $0xFFFF  }
0x3e: {  	s30 =	simm.s32 $0x3;
	[sflag:s2] =	ssyncpa.u1 $0x1  }
0x3f: {  	s31 =	simm.s32 $0x1;
	[sflag:s30] =	ssyncpa.u1 $0x1  }
0x40: {  	[sflag:s31] =	ssyncpa.u1 $0x1  }
0x41: {  	p0 =	sne.s32 s1, $0x0;
	_ =	strace $0x9000004D  }
0x42: {  	s0 =	sadd.s32 @!p0 $0x100000, s0;
	[bflag:$0x2] =	sbarrier.arrive $0xFFFF  }
0x43: {  	[sflag:s0] =	ssyncadd.tile.s32 @!p0 $0x1;
	_ =	shalt  }
.Lfunc_end2:
_tile_overlayer_lowered:
.L_overlay_start_2:
0x44: {  	(tag) =	ssettag $0x2  }
0x45: {  	s0 =	rddreg [dreg:$0x0];
	s2 =	stileid.u32  }
0x46: {  	s1 =	rddreg [dreg:$0x1];
	p0 =	sne.s32 s2, $0x0  }
0x47: {  	s3 =	rddreg [dreg:$0x2];
	[bflag:$0x3] =	sbarrier.arrive $0xFFFF;
	s2 =	simm.s32 @!p0 $0x1C01  }
0x48: {  	[timem:s3], [sflag:s2] =	dma.local @!p0 [hbm:s0], s1  }
0x49: {  	s0 =	simm.s32 @!p0 $0x1  }
0x4a: {  	_ =	swait.ge @!p0 [sflag:s0], s1  }
0x4b: {  	s1 =	ssub.s32 @!p0 $0x0, s1;
	[sflag:s0] =	ssyncset.done @!p0 $0x0  }
0x4c: {  	[sflag:s0] =	ssyncadd.s32 @!p0 s1  }
0x4d: {  	[bflag:$0x3] =	sbarrier.arrive $0xFFFF  }
0x4e: {  	_ =	shalt  }

// kernel: gather_offload_async_start.2
scs
__scs_entry_jumppad:
0x0: {  	(pc) =	sbr.rel $0x88, $3  }
0x1: {  	(tag) =	ssettag $0x0;
	lr =	simm.s32 $0x1  }
0x2: {  	[smem:$0x3F91] =	sst lr;
	_ =	strace $0xD0000000  }
0x3: {  	_ = 	snop  }
0x4: {  	_ = 	snop  }
0x5: {  	_ = 	snop  }
0x6: {  	_ = 	snop  }
0x7: {  	_ = 	snop  }
__scs_overlays_trampoline_lowered:
0x8: {  	[smem:$0x3FA0] =	sst s0  }
0x9: {  	[smem:$0x3FA1] =	sst s1  }
0xa: {  	[smem:$0x3FA2] =	sst s2  }
0xb: {  	[smem:$0x3FA3] =	sst s3  }
0xc: {  	[smem:$0x3FA4] =	sst s4  }
0xd: {  	[smem:$0x3FA5] =	sst s5  }
0xe: {  	[smem:$0x3FA6] =	sst s6  }
0xf: {  	[smem:$0x3FA7] =	sst s7  }
0x10: {  	[smem:$0x3FA8] =	sst s8  }
0x11: {  	[smem:$0x3FA9] =	sst s9;
	s0 =	simm.s32 @!p0 $0x0  }
0x12: {  	s1 =	sld [smem:$0x3F8F];
	s0 =	simm.s32 @p0 $0x1  }
0x13: {  	[smem:$0x3FAA] =	sst s0;
	s0 =	simm.s32 @!p1 $0x0  }
0x14: {  	s2 =	sld [smem:$0x3F8E];
	s0 =	simm.s32 @p1 $0x1  }
0x15: {  	[smem:$0x3FAB] =	sst s0;
	s0 =	simm.s32 @!p2 $0x0  }
0x16: {  	s3 =	sld [smem:$0x3FDB];
	s0 =	simm.s32 @p2 $0x1  }
0x17: {  	s4 =	simm.s32 $0x1BF5;
	[smem:$0x3FAD] =	sst s0  }
0x18: {  	s0 =	sld [smem:$0x3F90];
	_ =	swait.ge [sflag:s4], $0x0  }
0x19: {  	s7 =	sld [smem:$0x3F91]  }
0x1a: {  	s8 =	sadd.s32 $0xFFFFE003, lr  }
0x1b: {  	s9 =	sadd.s32 $0xFFFFFEF7, lr;
	s5 =	simm.s32 $0xFFFFFFFF;
	p2 =	slt.u32 s8, $0xFFFFF086  }
0x1c: {  	p1 =	slt.u32 s9, $0xF7A;
	s5 =	simm.s32 @!p2 $0x0  }
0x1d: {  	s5 =	simm.s32 @p1 $0x1;
	p0 =	seq.s32 s7, s2  }
0x1e: {  	s7 =	smul.u32 @!p0 $0xF7A, s2;
	p2 =	seq.s32 @!p0 s5, $0x0  }
0x1f: {  	s9 =	smul.u32 $0xF7A, s1;
	s8 =	simm.s32 @!p0 $0x1BF5;
	p2 =	por !p2, p0  }
0x20: {  	[sflag:s8] =	ssyncset.s32 @!p0 $0xFFFFF086;
	s6 =	sadd.s32 @!p0 s3, s7;
	s7 =	simm.s32 @!p0 $0x108  }
0x21: {  	s3 =	sadd.s32 s3, s9;
	s6 =	sadd.s32 @!p0 $0x88, s6;
	s7 =	simm.s32 @p2 $0x1082  }
0x22: {  	[simem:s7], [sflag:s8] =	dma.local @!p0 [hbm:s6], $0xF7A  }
0x23: {  	s9 =	sor.u32 $0xD0000000, s2;
	s6 =	simm.s32 $0x108;
	_ =	swait.ge @!p0 [sflag:s8], $0x0  }
0x24: {  	s3 =	sadd.s32 $0x88, s3;
	s6 =	simm.s32 @!p1 $0x1082;
	[sflag:s4] =	ssyncset.s32 $0xFFFFF086  }
0x25: {  	[simem:s6], [sflag:s4] =	dma.local [hbm:s3], $0xF7A  }
0x26: {  	[smem:$0x3F91] =	sst s1;
	(tag) =	ssettag s2;
	_ =	strace s9  }
0x27: {  	s1 =	sld [smem:$0x3FA1]  }
0x28: {  	s2 =	sld [smem:$0x3FA2]  }
0x29: {  	s4 =	sld [smem:$0x3FA4]  }
0x2a: {  	p0 =	seq.s32 s5, $0x0;
	s5 =	sld [smem:$0x3FA5]  }
0x2b: {  	s6 =	sld [smem:$0x3FA6]  }
0x2c: {  	s7 =	sld [smem:$0x3FA7]  }
0x2d: {  	s3 =	simm.s32 $0x108;
	s8 =	sld [smem:$0x3FA8]  }
0x2e: {  	s3 =	simm.s32 @!p0 $0x1082;
	s9 =	sld [smem:$0x3FA9]  }
0x2f: {  	lr =	sadd.s32 s0, s3;
	s0 =	sld [smem:$0x3FA0]  }
0x30: {  	s3 =	sld [smem:$0x3FA3]  }
0x31: {  	[smem:$0x3FAC] =	sst s10  }
0x32: {  	s10 =	sld [smem:$0x3FAA];
	_ =	sdelay $0x3  }
0x33: {  	p0 =	seq.s32 s10, $0x1;
	s10 =	sld [smem:$0x3FAC];
	_ =	sdelay $0x3  }
0x34: {  	[smem:$0x3FAC] =	sst s10  }
0x35: {  	s10 =	sld [smem:$0x3FAB];
	_ =	sdelay $0x3  }
0x36: {  	p1 =	seq.s32 s10, $0x1;
	s10 =	sld [smem:$0x3FAC];
	_ =	sdelay $0x3  }
0x37: {  	[smem:$0x3FAC] =	sst s10  }
0x38: {  	s10 =	sld [smem:$0x3FAD]  }
0x39: {  	_ = 	snop;
	(pc) =	sbr.ind lr, $3  }
0x3a: {  	_ = 	snop  }
0x3b: {  	_ = 	snop  }
0x3c: {  	p2 =	seq.s32 s10, $0x1;
	s10 =	sld [smem:$0x3FAC]  }
0x3d: {  	_ =	shalt  }
0x3e: {  	_ =	shalt  }
0x3f: {  	_ =	shalt  }
0x40: {  	_ =	shalt  }
0x41: {  	_ =	shalt  }
0x42: {  	_ =	shalt  }
0x43: {  	_ =	shalt  }
0x44: {  	_ =	shalt  }
0x45: {  	_ =	shalt  }
0x46: {  	_ =	shalt  }
0x47: {  	_ =	shalt  }
0x48: {  	_ =	shalt  }
0x49: {  	_ =	shalt  }
0x4a: {  	_ =	shalt  }
0x4b: {  	_ =	shalt  }
0x4c: {  	_ =	shalt  }
0x4d: {  	_ =	shalt  }
0x4e: {  	_ =	shalt  }
0x4f: {  	_ =	shalt  }
0x50: {  	_ =	shalt  }
0x51: {  	_ =	shalt  }
0x52: {  	_ =	shalt  }
0x53: {  	_ =	shalt  }
0x54: {  	_ =	shalt  }
0x55: {  	_ =	shalt  }
0x56: {  	_ =	shalt  }
0x57: {  	_ =	shalt  }
0x58: {  	_ =	shalt  }
0x59: {  	_ =	shalt  }
0x5a: {  	_ =	shalt  }
0x5b: {  	_ =	shalt  }
0x5c: {  	_ =	shalt  }
0x5d: {  	_ =	shalt  }
0x5e: {  	_ =	shalt  }
0x5f: {  	_ =	shalt  }
0x60: {  	_ =	shalt  }
0x61: {  	_ =	shalt  }
0x62: {  	_ =	shalt  }
0x63: {  	_ =	shalt  }
0x64: {  	_ =	shalt  }
0x65: {  	_ =	shalt  }
0x66: {  	_ =	shalt  }
0x67: {  	_ =	shalt  }
0x68: {  	_ =	shalt  }
0x69: {  	_ =	shalt  }
0x6a: {  	_ =	shalt  }
0x6b: {  	_ =	shalt  }
0x6c: {  	_ =	shalt  }
0x6d: {  	_ =	shalt  }
0x6e: {  	_ =	shalt  }
0x6f: {  	_ =	shalt  }
0x70: {  	_ =	shalt  }
0x71: {  	_ =	shalt  }
0x72: {  	_ =	shalt  }
0x73: {  	_ =	shalt  }
0x74: {  	_ =	shalt  }
0x75: {  	_ =	shalt  }
0x76: {  	_ =	shalt  }
0x77: {  	_ =	shalt  }
0x78: {  	_ =	shalt  }
0x79: {  	_ =	shalt  }
0x7a: {  	_ =	shalt  }
0x7b: {  	_ =	shalt  }
0x7c: {  	_ =	shalt  }
0x7d: {  	_ =	shalt  }
0x7e: {  	_ =	shalt  }
0x7f: {  	_ =	shalt  }
0x80: {  	_ =	shalt  }
0x81: {  	_ =	shalt  }
0x82: {  	_ =	shalt  }
0x83: {  	_ =	shalt  }
0x84: {  	_ =	shalt  }
0x85: {  	_ =	shalt  }
0x86: {  	_ =	shalt  }
0x87: {  	_ =	shalt  }
.Lfunc_end0:
.L_simem_size_0:
called_computation.3_lowered:
.L_overlay_start_0:
0x88: {  	s2 =	sld [smem:$0x3FD9]  }
0x89: {  	s3 =	sld [smem:$0x3FFE];
	_ =	sdelay $0x1  }
0x8a: {  	s1 =	srdreg.scid  }
0x8b: {  	s0 =	sand.u32 $0x1, s1  }
0x8c: {  	s16 =	sshll.u32 s0, $0xA;
	s2 =	sadd.s32 s3, s2  }
0x8d: {  	s2 =	sadd.s32 s2, s16  }
0x8e: {  	[smem:$0x3FB8] =	sst s2  }
0x8f: {  	_ = 	snop  }
0x90: {  	(tm) =	ssettm $0x1  }
0x91: {  	s17 =	sld [smem:$0x3FFB];
	_ =	sdelay $0x3  }
0x92: {  	_ =	strace s17  }
0x93: {  	s2 =	sld [smem:$0x3FFC];
	_ =	sdelay $0x3  }
0x94: {  	_ =	strace s2  }
0x95: {  	s2 =	sld [smem:$0x3FFD];
	_ =	sdelay $0x3  }
0x96: {  	_ =	strace s2  }
0x97: {  	_ =	strace $0x8FFFFFFF  }
0x98: {  	s18 =	sld [smem:$0x3FDB];
	_ =	sdelay $0x1  }
0x99: {  	s19 =	simm.s32 $_scs_section_size  }
0x9a: {  	s4 =	simm.s32 $_size__tile_overlayer_lowered;
	s5 =	simm.s32 $_tile_overlayer_lowered  }
0x9b: {  	s22 =	simm.s32 $0x1BFF;
	s21 =	sshll.u32 s5, $0x1;
	s2 =	sadd.s32 s19, s18  }
0x9c: {  	s6 =	simm.s32 $0x0;
	s20 =	sshll.u32 s4, $0x1;
	s4 =	sadd.s32 s21, s2  }
0x9d: {  	[timem:s6], [sflag:s22] =	dma.local [hbm:s4], s20  }
0x9e: {  	_ =	swait.ge [sflag:s22], s20  }
0x9f: {  	s3 =	ssub.s32 $0x0, s20;
	[sflag:s22] =	ssyncset.done $0x0  }
0xa0: {  	[sflag:s22] =	ssyncadd.s32 s3;
	_ =	sdelay $0x1  }
0xa1: {  	s23 =	simm.s32 $0x1B8B  }
0xa2: {  	_ =	swait.ge [sflag:s23], $0x1  }
0xa3: {  	[sflag:s23] =	ssyncset.done $0x0  }
0xa4: {  	s25 =	simm.s32 $0x1B8E;
	s24 =	sld [smem:$0x3FFE];
	[sflag:s23] =	ssyncadd.s32 $0xFFFFFFFF  }
0xa5: {  	s26 =	simm.s32 $execute0_lowered;
	[smem:$0x3FD2] =	sst s25  }
0xa6: {  	s4 =	sshll.u32 s26, $0x1;
	_ =	strace $0x80000046;
	[dreg:$0x1] =	wrdreg $0xFFFFFFFF  }
0xa7: {  	s28 =	simm.s32 $_size_execute0_lowered;
	s2 =	sadd.s32 s2, s4;
	[dreg:$0x0] =	wrdreg $0x0  }
0xa8: {  	s4 =	sshll.u32 s28, $0x1;
	[dreg:$0x2] =	wrdreg s2  }
0xa9: {  	[dreg:$0x3] =	wrdreg s4  }
0xaa: {  	[dreg:$0x4] =	wrdreg $0xC0  }
0xab: {  	_ =	task [dreg:s6], $0x5FFFF  }
0xac: {  	[dreg:$0x1] =	wrdreg $0xFFFFFFFF  }
0xad: {  	[dreg:$0x0] =	wrdreg $0x60  }
0xae: {  	[dreg:$0x2] =	wrdreg s24  }
0xaf: {  	[dreg:$0x3] =	wrdreg $0x9  }
0xb0: {  	_ =	task.clear_ibuf [dreg:s6], $0x4FFFF;
	_ =	strace $0x90000046  }
0xb1: {  	s29 =	simm.s32 $0x9;
	_ =	strace $0x80000048  }
0xb2: {  	_ =	swait.ge [sflag:s29], $0x1  }
0xb3: {  	[sflag:s29] =	ssyncadd.s32 $0xFFFFFFFF  }
0xb4: {  	_ =	strace $0x90000048  }
0xb5: {  	_ =	sfence  }
0xb6: {  	s30 =	sld [smem:$0x0];
	_ =	sdelay $0x2  }
0xb7: {  	s31 =	sshll.u32 s1, $0xD;
	s1 =	sshrl.u32 s1, $0x2  }
0xb8: {  	s3 =	sand.u32 $0x4000, s31;
	s1 =	sadd.s32 s1, s30  }
0xb9: {  	s0 =	sor.u32 s3, s0;
	s1 =	sshll.u32 s1, $0x11  }
0xba: {  	s0 =	sor.u32 s1, s0  }
0xbb: {  	s0 =	sadd.s32 $0x8F2B, s0  }
0xbc: {  	[sflag:s0] =	ssyncadd.remote.s32 $0x1  }
0xbd: {  	_ =	sfence.sel $0xFFFF  }
0xbe: {  	[dreg:$0x0] =	wrdreg $0xFFFFFFFF;
	(pc) =	sbr.abs _section_cstart, $3  }
0xbf: {  	[dreg:$0x1] =	wrdreg $0xFFFFFFFF  }
0xc0: {  	_ =	task.clear_ibuf [dreg:s6], $0x2FFFF;
	_ =	strace $0x9FFFFFFF  }
0xc1: {  	(tm) =	ssettm $0x7FFFFFFF  }
tec
execute0_lowered:
.L_overlay_start_1:
0x0: {  	(tag) =	ssettag $0x1  }
0x1: {  	s2 =	rddreg [dreg:$0x0]  }
0x2: {  	s0 =	rddreg [dreg:$0x1];
	s1 =	stileid.u32  }
0x3: {  	s3 =	srdreg.scid;
	_ =	strace $0x80000047;
	s4 =	simm.s32 $0x1  }
0x4: {  	s7 =	simm.s32 $0x1;
	s8 =	simm.s32 $0x1;
	s9 =	simm.s32 $0x3  }
0x5: {  	s10 =	simm.s32 $0x0;
	s5 =	sand.u32 $0x1, s3;
	s6 =	sshll.u32 s1, $0x1  }
0x6: {  	s13 =	simm.s32 $0x0;
	s12 =	simm.s32 $0x0;
	s5 =	sor.u32 s6, s5  }
.Ltmp0:
0x7: {  	[sflag:s4] =	ssyncpa.u1 $0x0;
	p0 =	slt.u32 s5, $0x9;
	(pc) =	sbr.rel .LBB2_1-.Ltmp0, $4  }
0x8: {  	s6 =	simm.s32 $0x2;
	s7 =	simm.s32 @!p0 $0x0;
	p0 =	sne.s32 s5, $0x8  }
0x9: {  	[sflag:s6] =	ssyncpa.u1 $0x0;
	s5 =	smul.u32 $0xFA0, s5;
	s8 =	simm.s32 @!p0 $0x0  }
0xa: {  	s3 =	sadd.s32 $0x292200, s2;
	[sflag:s9] =	ssyncpa.u1 $0x0;
	s7 =	sadd.s32 s8, s7  }
0xb: {  	vm0 =	vmmov $0xffff;
	s8 =	sadd.s32 $0x333600, s2;
	s11 =	smov.u32 s5;
	s9 =	sadd.s32 $0x1, s7  }
.LBB2_4:
0xc: {  	v5 =	vshrl.u32 v1, $0x12;
	v6 =	vshll.u32 v1, $0x7  }
0xd: {  	vm1 =	veq.s32 v1, $0x80000000;
	v58 =	vand.u32 $0xF, v5;
	v59 =	vand.u32 $0x1FFFF80, v6  }
0xe: {  	v1 =	vsel vm1, $0xFFFFFFFF, v58;
	v5 =	vsel vm1, $0xFFFFFF80, v59  }
0xf: {  	v3 =	vor.u32 v4, v3;
	v60 =	vand.u32 $0xFFFFFC00, v5;
	v61 =	vand.u32 $0xFFFFFC00, v1  }
0x10: {  	v2 =	vor.u32 v2, v3;
	v63 =	vand.u32 $0x380, v5;
	v62 =	vadd.s32 v61, v60  }
0x11: {  	v1 =	vand.u32 $0x7F, v1;
	v3 =	vor.u32 v63, v62  }
0x12: {  	v1 =	vor.u32 v1, v3  }
0x13: {  	[tilespmem:s17], [sflag:$0x1] =	stream.indirect_vreg.gather [hbm4b:s2+s10], $0x1, v0, vm0, $0x4038;
	[tilespmem:$0x3E80] =	vst v63  }
0x14: {  	(ifvalue) =	ssetifvalue $0x7FFFFFFF  }
0x15: {  	[tilespmem:s15], [sflag:$0x1] =	stream.indirect_vreg.gather [hbm4b:s2+s10], $0x1, v2, vm0, $0x4038;
	[tilespmem:$0x3E80] =	vst v63  }
0x16: {  	s29 =	sadd.s32 $0x10, s15;
	(ifvalue) =	ssetifvalue $0x7FFFFFFF  }
0x17: {  	[tilespmem:s29], [sflag:$0x1] =	stream.indirect_vreg.gather [hbm4b:s2+s10], $0x1, v1, vm0, $0x4038;
	[tilespmem:$0x3E80] =	vst v63  }
0x18: {  	_ =	swait.ge [sflag:s4], $0xFA0  }
0x19: {  	s30 =	sshrl.u32 s13, $0x3;
	[sflag:s4] =	ssyncset.done $0x0  }
0x1a: {  	s31 =	sand.u32 $0x7, s13;
	s15 =	sadd.s32 s8, s30;
	[sflag:s4] =	ssyncadd.s32 $0xFFFFF060  }
0x1b: {  	[hbm4b:s15+s31] =	stream.linear.scatter [tilespmem:s14], [sflag:$0x3], $0xFA0, $0x38;
	[tilespmem:$0x3E80] =	vst v63  }
.LBB2_5:
0x1c: {  	s15 =	sadd.s32 $0x1F400, s11  }
0x1d: {  	p1 =	sgt.s32 s15, $0x270FF  }
0x1e: {  	s15 =	smov.u32 @p1 s5;
	p1 =	sne.s32 s12, s9  }
.Ltmp1:
0x1f: {  	p0 =	slt.u32 s12, $0x2;
	(pc) =	sbr.rel @!p1 .LBB2_6-.Ltmp1, $4  }
0x20: {  	s14 =	simm.s32 @!p0 $0x3  }
0x21: {  	_ =	swait.ge @!p0 [sflag:s14], $0xFA0  }
0x22: {  	s16 =	sadd.s32 $0x1, s12;
	s13 =	smov.u32 s11;
	[sflag:s14] =	ssyncset.done @!p0 $0x0  }
0x23: {  	s12 =	smov.u32 s16;
	s11 =	smov.u32 s15;
	[sflag:s14] =	ssyncadd.s32 @!p0 $0xFFFFF060  }
.LBB2_1:
0x24: {  	p0 =	sge.u32 s12, s7  }
0x25: {  	s14 =	sxor.u32 @!p0 $0x1, s12  }
0x26: {  	s14 =	smul.u32 @!p0 $0x3E80, s14  }
0x27: {  	s31 =	sadd.s32 $0xFFFFFFFF, s12;
	s15 =	sshrl.u32 @!p0 s11, $0x3  }
0x28: {  	s16 =	sand.u32 @!p0 $0x7, s11;
	s15 =	sadd.s32 @!p0 s3, s15;
	s14 =	sshra.s32 @!p0 s14, $0x2  }
0x29: {  	[tilespmem:s14], [sflag:$0x2] =	stream.linear.gather @!p0 [hbm4b:s15+s16], $0xFA0, $0x38;
	[tilespmem:$0x3E80] =	vst v63  }
0x2a: {  	p0 =	sge.u32 s31, s7  }
.Ltmp2:
0x2b: {  	_ = 	snop;
	(pc) =	sbr.rel @p0 .LBB2_5-.Ltmp2, $1  }
0x2c: {  	_ =	sdelay $0x3  }
0x2d: {  	s14 =	sand.u32 $0x1, s12  }
0x2e: {  	_ =	swait.ge [sflag:s6], $0xFA0;
	p0 =	seq.s32 s14, $0x1;
	s14 =	simm.s32 $0xFA0  }
0x2f: {  	[sflag:s6] =	ssyncset.done $0x0;
	s14 =	simm.s32 @!p0 $0x0  }
0x30: {  	[sflag:s6] =	ssyncadd.s32 $0xFFFFF060;
	(ifvalue) =	ssetifvalue $0x7FFFFFFF;
	v0 =	vld.msk [tilespmem:s14+$0x0 ss:$0x1], $0xffff;
	_ =	sdelay $0x4  }
0x31: {  	s15 =	sadd.s32 $0x10, s14;
	v2 =	vshrl.u32 v0, $0x12;
	v3 =	vshll.u32 v0, $0x7  }
0x32: {  	v1 =	vld.msk [tilespmem:s15+$0x0 ss:$0x1], $0xffff;
	vm1 =	veq.s32 v0, $0x80000000;
	v0 =	vand.u32 $0xF, v2;
	v2 =	vand.u32 $0x1FFFF80, v3  }
0x33: {  	v0 =	vsel vm1, $0xFFFFFFFF, v0;
	v2 =	vsel vm1, $0xFFFFFF80, v2  }
0x34: {  	v3 =	vand.u32 $0xFFFFFC00, v2;
	v4 =	vand.u32 $0xFFFFFC00, v0  }
0x35: {  	v2 =	vand.u32 $0x380, v2;
	v3 =	vadd.s32 v4, v3  }
0x36: {  	v0 =	vand.u32 $0x7F, v0;
	v2 =	vor.u32 v2, v3  }
0x37: {  	v5 =	vshll.u32 v1, $0x7;
	v4 =	vshrl.u32 v1, $0x12;
	v0 =	vor.u32 v0, v2  }
0x38: {  	vm1 =	veq.s32 v1, $0x80000000;
	v1 =	vand.u32 $0xF, v4;
	v4 =	vand.u32 $0x1FFFF80, v5  }
0x39: {  	s14 =	sadd.s32 $0x1F40, s14;
	s15 =	sadd.s32 $0x10, s15;
	v3 =	vsel vm1, $0xFFFFFFFF, v1;
	v4 =	vsel vm1, $0xFFFFFF80, v4  }
0x3a: {  	s16 =	simm.s32 $0x20;
	s17 =	smov.u32 s14;
	v1 =	vld.msk [tilespmem:s15+$0x0 ss:$0x1], $0xffff;
	v5 =	vand.u32 $0xFFFFFC00, v4;
	v6 =	vand.u32 $0xFFFFFC00, v3  }
0x3b: {  	s18 =	sadd.s32 $0x10, s15;
	(ifvalue) =	ssetifvalue $0x7FFFFFFF;
	s15 =	sadd.s32 $0x10, s14;
	v2 =	vand.u32 $0x7F, v3;
	v4 =	vand.u32 $0x380, v4;
	v3 =	vadd.s32 v6, v5  }
.LBB2_3:
0x3c: {  	[tilespmem:s17], [sflag:$0x1] =	stream.indirect_vreg.gather [hbm4b:s2+s10], $0x1, v0, vm0, $0x4038;
	[tilespmem:$0x3E80] =	vst v63  }
0x3d: {  	s16 =	sadd.s32 $0x10, s16  }
0x3e: {  	v3 =	vor.u32 v4, v3;
	p0 =	slt.u32 s16, $0xF90  }
.Ltmp3:
0x3f: {  	v4 =	vshrl.u32 v1, $0x12;
	v5 =	vshll.u32 v1, $0x7;
	s17 =	smov.u32 s15;
	v0 =	vor.u32 v2, v3;
	v2 =	vmovc v1;
	v1 =	vld.msk [tilespmem:s18+$0x0 ss:$0x1], $0xffff;
	(pc) =	sbr.rel @p0 .LBB2_3-.Ltmp3, $4  }
0x40: {  	v3 =	vand.u32 $0x1FFFF80, v5;
	vm1 =	veq.s32 v2, $0x80000000;
	v2 =	vand.u32 $0xF, v4  }
0x41: {  	v4 =	vsel vm1, $0xFFFFFFFF, v2;
	v5 =	vsel vm1, $0xFFFFFF80, v3  }
0x42: {  	v2 =	vand.u32 $0x7F, v4;
	v3 =	vand.u32 $0xFFFFFC00, v5;
	v4 =	vand.u32 $0xFFFFFC00, v4  }
0x43: {  	s15 =	sadd.s32 $0x10, s15;
	s18 =	sadd.s32 $0x10, s18;
	v3 =	vadd.s32 v4, v3;
	v4 =	vand.u32 $0x380, v5;
	(ifvalue) =	ssetifvalue $0x7FFFFFFF  }
.Ltmp4:
0x44: {  	_ = 	snop;
	(pc) =	sbr.rel .LBB2_4-.Ltmp4, $1  }
0x45: {  	_ =	sdelay $0x3  }
.LBB2_6:
0x46: {  	_ =	sfence.sel $0x180000  }
0x47: {  	s2 =	simm.s32 $0x2;
	[bflag:$0x0] =	sbarrier.arrive $0xFFFF  }
0x48: {  	s30 =	simm.s32 $0x3;
	[sflag:s2] =	ssyncpa.u1 $0x1  }
0x49: {  	s31 =	simm.s32 $0x1;
	[sflag:s30] =	ssyncpa.u1 $0x1  }
0x4a: {  	[sflag:s31] =	ssyncpa.u1 $0x1  }
0x4b: {  	p0 =	sne.s32 s1, $0x0;
	_ =	strace $0x90000047  }
0x4c: {  	s0 =	sadd.s32 @!p0 $0x100000, s0;
	[bflag:$0x2] =	sbarrier.arrive $0xFFFF  }
0x4d: {  	[sflag:s0] =	ssyncadd.tile.s32 @!p0 $0x1;
	_ =	shalt  }
.Lfunc_end2:
_tile_overlayer_lowered:
.L_overlay_start_2:
0x4e: {  	(tag) =	ssettag $0x2  }
0x4f: {  	s0 =	rddreg [dreg:$0x0];
	s2 =	stileid.u32  }
0x50: {  	s1 =	rddreg [dreg:$0x1];
	p0 =	sne.s32 s2, $0x0  }
0x51: {  	s3 =	rddreg [dreg:$0x2];
	[bflag:$0x3] =	sbarrier.arrive $0xFFFF;
	s2 =	simm.s32 @!p0 $0x1C01  }
0x52: {  	[timem:s3], [sflag:s2] =	dma.local @!p0 [hbm:s0], s1  }
0x53: {  	s0 =	simm.s32 @!p0 $0x1  }
0x54: {  	_ =	swait.ge @!p0 [sflag:s0], s1  }
0x55: {  	s1 =	ssub.s32 @!p0 $0x0, s1;
	[sflag:s0] =	ssyncset.done @!p0 $0x0  }
0x56: {  	[sflag:s0] =	ssyncadd.s32 @!p0 s1  }
0x57: {  	[bflag:$0x3] =	sbarrier.arrive $0xFFFF  }
0x58: {  	_ =	shalt  }

// kernel: gather_offload_async_start
scs
__scs_entry_jumppad:
0x0: {  	(pc) =	sbr.rel $0x88, $3  }
0x1: {  	(tag) =	ssettag $0x0;
	lr =	simm.s32 $0x1  }
0x2: {  	[smem:$0x3F91] =	sst lr;
	_ =	strace $0xD0000000  }
0x3: {  	_ = 	snop  }
0x4: {  	_ = 	snop  }
0x5: {  	_ = 	snop  }
0x6: {  	_ = 	snop  }
0x7: {  	_ = 	snop  }
__scs_overlays_trampoline_lowered:
0x8: {  	[smem:$0x3FA0] =	sst s0  }
0x9: {  	[smem:$0x3FA1] =	sst s1  }
0xa: {  	[smem:$0x3FA2] =	sst s2  }
0xb: {  	[smem:$0x3FA3] =	sst s3  }
0xc: {  	[smem:$0x3FA4] =	sst s4  }
0xd: {  	[smem:$0x3FA5] =	sst s5  }
0xe: {  	[smem:$0x3FA6] =	sst s6  }
0xf: {  	[smem:$0x3FA7] =	sst s7  }
0x10: {  	[smem:$0x3FA8] =	sst s8  }
0x11: {  	[smem:$0x3FA9] =	sst s9;
	s0 =	simm.s32 @!p0 $0x0  }
0x12: {  	s1 =	sld [smem:$0x3F8F];
	s0 =	simm.s32 @p0 $0x1  }
0x13: {  	[smem:$0x3FAA] =	sst s0;
	s0 =	simm.s32 @!p1 $0x0  }
0x14: {  	s2 =	sld [smem:$0x3F8E];
	s0 =	simm.s32 @p1 $0x1  }
0x15: {  	[smem:$0x3FAB] =	sst s0;
	s0 =	simm.s32 @!p2 $0x0  }
0x16: {  	s3 =	sld [smem:$0x3FDB];
	s0 =	simm.s32 @p2 $0x1  }
0x17: {  	s4 =	simm.s32 $0x1BF5;
	[smem:$0x3FAD] =	sst s0  }
0x18: {  	s0 =	sld [smem:$0x3F90];
	_ =	swait.ge [sflag:s4], $0x0  }
0x19: {  	s7 =	sld [smem:$0x3F91]  }
0x1a: {  	s8 =	sadd.s32 $0xFFFFE003, lr  }
0x1b: {  	s9 =	sadd.s32 $0xFFFFFEF7, lr;
	s5 =	simm.s32 $0xFFFFFFFF;
	p2 =	slt.u32 s8, $0xFFFFF086  }
0x1c: {  	p1 =	slt.u32 s9, $0xF7A;
	s5 =	simm.s32 @!p2 $0x0  }
0x1d: {  	s5 =	simm.s32 @p1 $0x1;
	p0 =	seq.s32 s7, s2  }
0x1e: {  	s7 =	smul.u32 @!p0 $0xF7A, s2;
	p2 =	seq.s32 @!p0 s5, $0x0  }
0x1f: {  	s9 =	smul.u32 $0xF7A, s1;
	s8 =	simm.s32 @!p0 $0x1BF5;
	p2 =	por !p2, p0  }
0x20: {  	[sflag:s8] =	ssyncset.s32 @!p0 $0xFFFFF086;
	s6 =	sadd.s32 @!p0 s3, s7;
	s7 =	simm.s32 @!p0 $0x108  }
0x21: {  	s3 =	sadd.s32 s3, s9;
	s6 =	sadd.s32 @!p0 $0x88, s6;
	s7 =	simm.s32 @p2 $0x1082  }
0x22: {  	[simem:s7], [sflag:s8] =	dma.local @!p0 [hbm:s6], $0xF7A  }
0x23: {  	s9 =	sor.u32 $0xD0000000, s2;
	s6 =	simm.s32 $0x108;
	_ =	swait.ge @!p0 [sflag:s8], $0x0  }
0x24: {  	s3 =	sadd.s32 $0x88, s3;
	s6 =	simm.s32 @!p1 $0x1082;
	[sflag:s4] =	ssyncset.s32 $0xFFFFF086  }
0x25: {  	[simem:s6], [sflag:s4] =	dma.local [hbm:s3], $0xF7A  }
0x26: {  	[smem:$0x3F91] =	sst s1;
	(tag) =	ssettag s2;
	_ =	strace s9  }
0x27: {  	s1 =	sld [smem:$0x3FA1]  }
0x28: {  	s2 =	sld [smem:$0x3FA2]  }
0x29: {  	s4 =	sld [smem:$0x3FA4]  }
0x2a: {  	p0 =	seq.s32 s5, $0x0;
	s5 =	sld [smem:$0x3FA5]  }
0x2b: {  	s6 =	sld [smem:$0x3FA6]  }
0x2c: {  	s7 =	sld [smem:$0x3FA7]  }
0x2d: {  	s3 =	simm.s32 $0x108;
	s8 =	sld [smem:$0x3FA8]  }
0x2e: {  	s3 =	simm.s32 @!p0 $0x1082;
	s9 =	sld [smem:$0x3FA9]  }
0x2f: {  	lr =	sadd.s32 s0, s3;
	s0 =	sld [smem:$0x3FA0]  }
0x30: {  	s3 =	sld [smem:$0x3FA3]  }
0x31: {  	[smem:$0x3FAC] =	sst s10  }
0x32: {  	s10 =	sld [smem:$0x3FAA];
	_ =	sdelay $0x3  }
0x33: {  	p0 =	seq.s32 s10, $0x1;
	s10 =	sld [smem:$0x3FAC];
	_ =	sdelay $0x3  }
0x34: {  	[smem:$0x3FAC] =	sst s10  }
0x35: {  	s10 =	sld [smem:$0x3FAB];
	_ =	sdelay $0x3  }
0x36: {  	p1 =	seq.s32 s10, $0x1;
	s10 =	sld [smem:$0x3FAC];
	_ =	sdelay $0x3  }
0x37: {  	[smem:$0x3FAC] =	sst s10  }
0x38: {  	s10 =	sld [smem:$0x3FAD]  }
0x39: {  	_ = 	snop;
	(pc) =	sbr.ind lr, $3  }
0x3a: {  	_ = 	snop  }
0x3b: {  	_ = 	snop  }
0x3c: {  	p2 =	seq.s32 s10, $0x1;
	s10 =	sld [smem:$0x3FAC]  }
0x3d: {  	_ =	shalt  }
0x3e: {  	_ =	shalt  }
0x3f: {  	_ =	shalt  }
0x40: {  	_ =	shalt  }
0x41: {  	_ =	shalt  }
0x42: {  	_ =	shalt  }
0x43: {  	_ =	shalt  }
0x44: {  	_ =	shalt  }
0x45: {  	_ =	shalt  }
0x46: {  	_ =	shalt  }
0x47: {  	_ =	shalt  }
0x48: {  	_ =	shalt  }
0x49: {  	_ =	shalt  }
0x4a: {  	_ =	shalt  }
0x4b: {  	_ =	shalt  }
0x4c: {  	_ =	shalt  }
0x4d: {  	_ =	shalt  }
0x4e: {  	_ =	shalt  }
0x4f: {  	_ =	shalt  }
0x50: {  	_ =	shalt  }
0x51: {  	_ =	shalt  }
0x52: {  	_ =	shalt  }
0x53: {  	_ =	shalt  }
0x54: {  	_ =	shalt  }
0x55: {  	_ =	shalt  }
0x56: {  	_ =	shalt  }
0x57: {  	_ =	shalt  }
0x58: {  	_ =	shalt  }
0x59: {  	_ =	shalt  }
0x5a: {  	_ =	shalt  }
0x5b: {  	_ =	shalt  }
0x5c: {  	_ =	shalt  }
0x5d: {  	_ =	shalt  }
0x5e: {  	_ =	shalt  }
0x5f: {  	_ =	shalt  }
0x60: {  	_ =	shalt  }
0x61: {  	_ =	shalt  }
0x62: {  	_ =	shalt  }
0x63: {  	_ =	shalt  }
0x64: {  	_ =	shalt  }
0x65: {  	_ =	shalt  }
0x66: {  	_ =	shalt  }
0x67: {  	_ =	shalt  }
0x68: {  	_ =	shalt  }
0x69: {  	_ =	shalt  }
0x6a: {  	_ =	shalt  }
0x6b: {  	_ =	shalt  }
0x6c: {  	_ =	shalt  }
0x6d: {  	_ =	shalt  }
0x6e: {  	_ =	shalt  }
0x6f: {  	_ =	shalt  }
0x70: {  	_ =	shalt  }
0x71: {  	_ =	shalt  }
0x72: {  	_ =	shalt  }
0x73: {  	_ =	shalt  }
0x74: {  	_ =	shalt  }
0x75: {  	_ =	shalt  }
0x76: {  	_ =	shalt  }
0x77: {  	_ =	shalt  }
0x78: {  	_ =	shalt  }
0x79: {  	_ =	shalt  }
0x7a: {  	_ =	shalt  }
0x7b: {  	_ =	shalt  }
0x7c: {  	_ =	shalt  }
0x7d: {  	_ =	shalt  }
0x7e: {  	_ =	shalt  }
0x7f: {  	_ =	shalt  }
0x80: {  	_ =	shalt  }
0x81: {  	_ =	shalt  }
0x82: {  	_ =	shalt  }
0x83: {  	_ =	shalt  }
0x84: {  	_ =	shalt  }
0x85: {  	_ =	shalt  }
0x86: {  	_ =	shalt  }
0x87: {  	_ =	shalt  }
.Lfunc_end0:
.L_simem_size_0:
called_computation.1_lowered:
.L_overlay_start_0:
0x88: {  	s2 =	sld [smem:$0x3FD9]  }
0x89: {  	s3 =	sld [smem:$0x3FFE];
	_ =	sdelay $0x1  }
0x8a: {  	s1 =	srdreg.scid  }
0x8b: {  	s0 =	sand.u32 $0x1, s1  }
0x8c: {  	s17 =	sshll.u32 s0, $0xA;
	s2 =	sadd.s32 s3, s2  }
0x8d: {  	s2 =	sadd.s32 s2, s17  }
0x8e: {  	[smem:$0x3FB8] =	sst s2  }
0x8f: {  	_ = 	snop  }
0x90: {  	(tm) =	ssettm $0x1  }
0x91: {  	s18 =	sld [smem:$0x3FFB];
	_ =	sdelay $0x3  }
0x92: {  	_ =	strace s18  }
0x93: {  	s2 =	sld [smem:$0x3FFC];
	_ =	sdelay $0x3  }
0x94: {  	_ =	strace s2  }
0x95: {  	s2 =	sld [smem:$0x3FFD];
	_ =	sdelay $0x3  }
0x96: {  	_ =	strace s2  }
0x97: {  	_ =	strace $0x8FFFFFFF  }
0x98: {  	s19 =	sld [smem:$0x3FDB];
	_ =	sdelay $0x1  }
0x99: {  	s20 =	simm.s32 $_scs_section_size  }
0x9a: {  	s4 =	simm.s32 $_size__tile_overlayer_lowered;
	s5 =	simm.s32 $_tile_overlayer_lowered  }
0x9b: {  	s6 =	simm.s32 $0x1BFF;
	s21 =	sshll.u32 s5, $0x1;
	s3 =	sadd.s32 s20, s19  }
0x9c: {  	s22 =	simm.s32 $0x0;
	s4 =	sshll.u32 s4, $0x1;
	s5 =	sadd.s32 s21, s3  }
0x9d: {  	[timem:s22], [sflag:s6] =	dma.local [hbm:s5], s4  }
0x9e: {  	_ =	swait.ge [sflag:s6], s4  }
0x9f: {  	s4 =	ssub.s32 $0x0, s4;
	[sflag:s6] =	ssyncset.done $0x0  }
0xa0: {  	[sflag:s6] =	ssyncadd.s32 s4;
	_ =	sdelay $0x1  }
0xa1: {  	s23 =	simm.s32 $0x1B8B  }
0xa2: {  	_ =	swait.ge [sflag:s23], $0x1  }
0xa3: {  	[sflag:s23] =	ssyncset.done $0x0  }
0xa4: {  	[sflag:s23] =	ssyncadd.s32 $0xFFFFFFFF  }
0xa5: {  	s4 =	sld [smem:$0x0]  }
0xa6: {  	s5 =	sand.u32 $0xFFFFFFFE, s1  }
0xa7: {  	p0 =	sne.s32 s1, s5  }
0xa8: {  	s5 =	sshll.u32 @p0 s5, $0xE  }
0xa9: {  	s5 =	sadd.s32 @p0 $0x11B8D, s5;
	s6 =	sshll.u32 @p0 s4, $0x11  }
0xaa: {  	s5 =	sor.u32 @p0 s6, s5  }
0xab: {  	[sflag:s5] =	ssyncadd.remote.s32 @p0 $0x1;
	_ =	sdelay $0x1  }
0xac: {  	s5 =	simm.s32 @p0 $0x1B8D  }
0xad: {  	_ =	swait.eq @p0 [sflag:s5], $0x1  }
0xae: {  	[sflag:s5] =	ssyncadd.s32 @p0 $0xFFFFFFFF  }
0xaf: {  	s6 =	sshll.u32 @!p0 s1, $0xE  }
0xb0: {  	s6 =	sor.u32 @!p0 $0x4000, s6;
	s5 =	simm.s32 @!p0 $0x1B8D  }
0xb1: {  	s4 =	sshll.u32 @!p0 s4, $0x11;
	s6 =	sadd.s32 @!p0 $0x11B8D, s6;
	_ =	swait.eq @!p0 [sflag:s5], $0x1  }
0xb2: {  	s4 =	sor.u32 @!p0 s4, s6;
	[sflag:s5] =	ssyncadd.s32 @!p0 $0xFFFFFFFF  }
0xb3: {  	s25 =	simm.s32 $0x1B8E;
	s24 =	sld [smem:$0x3FFE];
	[sflag:s4] =	ssyncadd.remote.s32 @!p0 $0x1  }
0xb4: {  	s26 =	simm.s32 $execute0_lowered;
	[smem:$0x3FD2] =	sst s25  }
0xb5: {  	s5 =	sshll.u32 s26, $0x1;
	_ =	strace $0x8000004F;
	[dreg:$0x1] =	wrdreg $0xFFFFFFFF  }
0xb6: {  	s28 =	simm.s32 $_size_execute0_lowered;
	s3 =	sadd.s32 s3, s5;
	[dreg:$0x0] =	wrdreg $0x0  }
0xb7: {  	s5 =	sshll.u32 s28, $0x1;
	[dreg:$0x2] =	wrdreg s3  }
0xb8: {  	[dreg:$0x3] =	wrdreg s5  }
0xb9: {  	[dreg:$0x4] =	wrdreg $0xC0  }
0xba: {  	_ =	task [dreg:s22], $0x5FFFF  }
0xbb: {  	[dreg:$0x1] =	wrdreg $0xFFFFFFFF  }
0xbc: {  	[dreg:$0x0] =	wrdreg $0x60  }
0xbd: {  	[dreg:$0x2] =	wrdreg s24  }
0xbe: {  	[dreg:$0x3] =	wrdreg $0x9  }
0xbf: {  	_ =	task.clear_ibuf [dreg:s22], $0x4FFFF;
	_ =	strace $0x9000004F  }
0xc0: {  	s29 =	simm.s32 $0x9;
	_ =	strace $0x80000051  }
0xc1: {  	_ =	swait.ge [sflag:s29], $0x1  }
0xc2: {  	[sflag:s29] =	ssyncadd.s32 $0xFFFFFFFF  }
0xc3: {  	_ =	strace $0x90000051  }
0xc4: {  	_ =	sfence  }
0xc5: {  	s30 =	sld [smem:$0x0];
	_ =	sdelay $0x2  }
0xc6: {  	s31 =	sshll.u32 s1, $0xD;
	s1 =	sshrl.u32 s1, $0x2  }
0xc7: {  	s4 =	sand.u32 $0x4000, s31;
	s1 =	sadd.s32 s1, s30  }
0xc8: {  	s0 =	sor.u32 s4, s0;
	s1 =	sshll.u32 s1, $0x11  }
0xc9: {  	s0 =	sor.u32 s1, s0  }
0xca: {  	s0 =	sadd.s32 $0x8F2B, s0  }
0xcb: {  	[sflag:s0] =	ssyncadd.remote.s32 $0x1  }
0xcc: {  	_ =	sfence.sel $0xFFFF  }
0xcd: {  	[dreg:$0x0] =	wrdreg $0xFFFFFFFF;
	(pc) =	sbr.abs _section_cstart, $3  }
0xce: {  	[dreg:$0x1] =	wrdreg $0xFFFFFFFF  }
0xcf: {  	_ =	task.clear_ibuf [dreg:s22], $0x2FFFF;
	_ =	strace $0x9FFFFFFF  }
0xd0: {  	(tm) =	ssettm $0x7FFFFFFF  }
0xd1: {  	_ =	shalt  }
tec
execute0_lowered:
.L_overlay_start_1:
0x0: {  	(tag) =	ssettag $0x1  }
0x1: {  	s8 =	rddreg [dreg:$0x0]  }
0x2: {  	s0 =	rddreg [dreg:$0x1];
	_ =	strace $0x80000050;
	s1 =	stileid.u32  }
0x3: {  	s3 =	srdreg.scid;
	s4 =	simm.s32 $0x1;
	s7 =	simm.s32 $0x1  }
0x4: {  	s9 =	simm.s32 $0x1;
	s10 =	simm.s32 $0x3;
	s13 =	simm.s32 $0x0  }
0x5: {  	s12 =	simm.s32 $0x0;
	s5 =	sand.u32 $0x1, s3;
	s6 =	sshll.u32 s1, $0x1  }
0x6: {  	s2 =	sadd.s32 $0x276200, s8;
	s3 =	sadd.s32 $0x27B600, s8;
	s5 =	sor.u32 s6, s5  }
.Ltmp0:
0x7: {  	[sflag:s4] =	ssyncpa.u1 $0x0;
	p0 =	slt.u32 s5, $0x9;
	(pc) =	sbr.rel .LBB2_1-.Ltmp0, $4  }
0x8: {  	s6 =	simm.s32 $0x2;
	s7 =	simm.s32 @!p0 $0x0;
	p0 =	sne.s32 s5, $0x8  }
0x9: {  	[sflag:s6] =	ssyncpa.u1 $0x0;
	s5 =	smul.u32 $0xFA0, s5;
	s9 =	simm.s32 @!p0 $0x0  }
0xa: {  	s8 =	sadd.s32 $0x285600, s8;
	[sflag:s10] =	ssyncpa.u1 $0x0;
	s7 =	sadd.s32 s9, s7  }
0xb: {  	vm0 =	vmmov $0xffff;
	s10 =	simm.s32 $0x0;
	s11 =	smov.u32 s5;
	s9 =	sadd.s32 $0x1, s7  }
.LBB2_4:
0xc: {  	v2 =	vnsel vm1, $0x0, v2  }
0xd: {  	vm1 =	vgt.s32 v0, $0x0;
	v2 =	vmin.u32 v2, $0x270FF  }
0xe: {  	v0 =	vnsel vm1, $0x0, v0  }
0xf: {  	v0 =	vmin.u32 v0, $0x270FF  }
0x10: {  	[tilespmem:s18], [sflag:$0x1] =	stream.indirect_vreg.gather [hbm4b:s2+s10], $0x1, v1, vm0, $0x4038;
	[tilespmem:$0x3E80] =	vst v63  }
0x11: {  	(ifvalue) =	ssetifvalue $0x7FFFFFFF  }
0x12: {  	[tilespmem:s15], [sflag:$0x1] =	stream.indirect_vreg.gather [hbm4b:s2+s10], $0x1, v2, vm0, $0x4038;
	[tilespmem:$0x3E80] =	vst v63  }
0x13: {  	s29 =	sadd.s32 $0x10, s15;
	(ifvalue) =	ssetifvalue $0x7FFFFFFF  }
0x14: {  	[tilespmem:s29], [sflag:$0x1] =	stream.indirect_vreg.gather [hbm4b:s2+s10], $0x1, v0, vm0, $0x4038;
	[tilespmem:$0x3E80] =	vst v63  }
0x15: {  	_ =	swait.ge [sflag:s4], $0xFA0  }
0x16: {  	s30 =	sshrl.u32 s13, $0x3;
	[sflag:s4] =	ssyncset.done $0x0  }
0x17: {  	s31 =	sand.u32 $0x7, s13;
	s15 =	sadd.s32 s8, s30;
	[sflag:s4] =	ssyncadd.s32 $0xFFFFF060  }
0x18: {  	[hbm4b:s15+s31] =	stream.linear.scatter [tilespmem:s14], [sflag:$0x3], $0xFA0, $0x38;
	[tilespmem:$0x3E80] =	vst v63  }
.LBB2_5:
0x19: {  	s15 =	sadd.s32 $0x1F400, s11  }
0x1a: {  	p1 =	sgt.s32 s15, $0x270FF  }
0x1b: {  	s15 =	smov.u32 @p1 s5;
	p1 =	sne.s32 s12, s9  }
.Ltmp1:
0x1c: {  	p0 =	slt.u32 s12, $0x2;
	(pc) =	sbr.rel @!p1 .LBB2_6-.Ltmp1, $4  }
0x1d: {  	s14 =	simm.s32 @!p0 $0x3  }
0x1e: {  	_ =	swait.ge @!p0 [sflag:s14], $0xFA0  }
0x1f: {  	s16 =	sadd.s32 $0x1, s12;
	s13 =	smov.u32 s11;
	[sflag:s14] =	ssyncset.done @!p0 $0x0  }
0x20: {  	s12 =	smov.u32 s16;
	s11 =	smov.u32 s15;
	[sflag:s14] =	ssyncadd.s32 @!p0 $0xFFFFF060  }
.LBB2_1:
0x21: {  	p0 =	sge.u32 s12, s7  }
0x22: {  	s14 =	sxor.u32 @!p0 $0x1, s12  }
0x23: {  	s14 =	smul.u32 @!p0 $0x3E80, s14  }
0x24: {  	s31 =	sadd.s32 $0xFFFFFFFF, s12;
	s15 =	sshrl.u32 @!p0 s11, $0x3  }
0x25: {  	s16 =	sand.u32 @!p0 $0x7, s11;
	s15 =	sadd.s32 @!p0 s3, s15;
	s14 =	sshra.s32 @!p0 s14, $0x2  }
0x26: {  	[tilespmem:s14], [sflag:$0x2] =	stream.linear.gather @!p0 [hbm4b:s15+s16], $0xFA0, $0x38;
	[tilespmem:$0x3E80] =	vst v63  }
0x27: {  	p0 =	sge.u32 s31, s7  }
.Ltmp2:
0x28: {  	_ = 	snop;
	(pc) =	sbr.rel @p0 .LBB2_5-.Ltmp2, $1  }
0x29: {  	_ =	sdelay $0x3  }
0x2a: {  	s14 =	sand.u32 $0x1, s12  }
0x2b: {  	_ =	swait.ge [sflag:s6], $0xFA0;
	p0 =	seq.s32 s14, $0x1;
	s14 =	simm.s32 $0xFA0  }
0x2c: {  	[sflag:s6] =	ssyncset.done $0x0;
	s14 =	simm.s32 @!p0 $0x0  }
0x2d: {  	[sflag:s6] =	ssyncadd.s32 $0xFFFFF060;
	(ifvalue) =	ssetifvalue $0x7FFFFFFF;
	v0 =	vld.msk [tilespmem:s14+$0x0 ss:$0x1], $0xffff;
	_ =	sdelay $0x4  }
0x2e: {  	s15 =	sadd.s32 $0x10, s14;
	vm1 =	vgt.s32 v0, $0x0  }
0x2f: {  	v2 =	vld.msk [tilespmem:s15+$0x0 ss:$0x1], $0xffff;
	v1 =	vnsel vm1, $0x0, v0  }
0x30: {  	v1 =	vmin.u32 v1, $0x270FF;
	_ =	sdelay $0x2  }
0x31: {  	s17 =	simm.s32 $0x20;
	s14 =	sadd.s32 $0x1F40, s14;
	s16 =	sadd.s32 $0x10, s15  }
0x32: {  	s15 =	sadd.s32 $0x10, s14;
	s18 =	smov.u32 s14;
	v0 =	vld.msk [tilespmem:s16+$0x0 ss:$0x1], $0xffff;
	vm1 =	vgt.s32 v2, $0x0;
	(ifvalue) =	ssetifvalue $0x7FFFFFFF  }
.LBB2_3:
0x33: {  	[tilespmem:s18], [sflag:$0x1] =	stream.indirect_vreg.gather [hbm4b:s2+s10], $0x1, v1, vm0, $0x4038;
	[tilespmem:$0x3E80] =	vst v63  }
0x34: {  	s17 =	sadd.s32 $0x10, s17  }
0x35: {  	v2 =	vnsel vm1, $0x0, v2;
	p0 =	slt.u32 s17, $0xF90  }
.Ltmp3:
0x36: {  	s18 =	smov.u32 s15;
	v1 =	vmin.u32 v2, $0x270FF;
	(pc) =	sbr.rel @p0 .LBB2_3-.Ltmp3, $3  }
0x37: {  	_ =	sdelay $0x1  }
0x38: {  	s16 =	sadd.s32 $0x10, s16  }
0x39: {  	vm1 =	vgt.s32 v0, $0x0;
	s15 =	sadd.s32 $0x10, s15;
	v2 =	vmov v0;
	(ifvalue) =	ssetifvalue $0x7FFFFFFF;
	v0 =	vld.msk [tilespmem:s16+$0x0 ss:$0x1], $0xffff  }
.Ltmp4:
0x3a: {  	_ = 	snop;
	(pc) =	sbr.rel .LBB2_4-.Ltmp4, $1  }
0x3b: {  	_ =	sdelay $0x3  }
.LBB2_6:
0x3c: {  	_ =	sfence.sel $0x180000  }
0x3d: {  	s2 =	simm.s32 $0x2;
	[bflag:$0x0] =	sbarrier.arrive $0xFFFF  }
0x3e: {  	s30 =	simm.s32 $0x3;
	[sflag:s2] =	ssyncpa.u1 $0x1  }
0x3f: {  	s31 =	simm.s32 $0x1;
	[sflag:s30] =	ssyncpa.u1 $0x1  }
0x40: {  	[sflag:s31] =	ssyncpa.u1 $0x1  }
0x41: {  	p0 =	sne.s32 s1, $0x0;
	_ =	strace $0x90000050  }
0x42: {  	s0 =	sadd.s32 @!p0 $0x100000, s0;
	[bflag:$0x2] =	sbarrier.arrive $0xFFFF  }
0x43: {  	[sflag:s0] =	ssyncadd.tile.s32 @!p0 $0x1;
	_ =	shalt  }
.Lfunc_end2:
_tile_overlayer_lowered:
.L_overlay_start_2:
0x44: {  	(tag) =	ssettag $0x2  }
0x45: {  	s0 =	rddreg [dreg:$0x0];
	s2 =	stileid.u32  }
0x46: {  	s1 =	rddreg [dreg:$0x1];
	p0 =	sne.s32 s2, $0x0  }
0x47: {  	s3 =	rddreg [dreg:$0x2];
	[bflag:$0x3] =	sbarrier.arrive $0xFFFF;
	s2 =	simm.s32 @!p0 $0x1C01  }
0x48: {  	[timem:s3], [sflag:s2] =	dma.local @!p0 [hbm:s0], s1  }
0x49: {  	s0 =	simm.s32 @!p0 $0x1  }
0x4a: {  	_ =	swait.ge @!p0 [sflag:s0], s1  }
0x4b: {  	s1 =	ssub.s32 @!p0 $0x0, s1;
	[sflag:s0] =	ssyncset.done @!p0 $0x0  }
0x4c: {  	[sflag:s0] =	ssyncadd.s32 @!p0 s1  }
0x4d: {  	[bflag:$0x3] =	sbarrier.arrive $0xFFFF  }
0x4e: {  	_ =	shalt  }

// kernel: kernel.10.cloned.1.call-start
scs
__scs_entry_jumppad:
0x0: {  	(pc) =	sbr.rel $0x88, $3  }
0x1: {  	(tag) =	ssettag $0x0;
	lr =	simm.s32 $0x1  }
0x2: {  	[smem:$0x3F91] =	sst lr;
	_ =	strace $0xD0000000  }
0x3: {  	_ = 	snop  }
0x4: {  	_ = 	snop  }
0x5: {  	_ = 	snop  }
0x6: {  	_ = 	snop  }
0x7: {  	_ = 	snop  }
__scs_overlays_trampoline_lowered:
0x8: {  	[smem:$0x3FA0] =	sst s0  }
0x9: {  	[smem:$0x3FA1] =	sst s1  }
0xa: {  	[smem:$0x3FA2] =	sst s2  }
0xb: {  	[smem:$0x3FA3] =	sst s3  }
0xc: {  	[smem:$0x3FA4] =	sst s4  }
0xd: {  	[smem:$0x3FA5] =	sst s5  }
0xe: {  	[smem:$0x3FA6] =	sst s6  }
0xf: {  	[smem:$0x3FA7] =	sst s7  }
0x10: {  	[smem:$0x3FA8] =	sst s8  }
0x11: {  	[smem:$0x3FA9] =	sst s9;
	s0 =	simm.s32 @!p0 $0x0  }
0x12: {  	s1 =	sld [smem:$0x3F8F];
	s0 =	simm.s32 @p0 $0x1  }
0x13: {  	[smem:$0x3FAA] =	sst s0;
	s0 =	simm.s32 @!p1 $0x0  }
0x14: {  	s2 =	sld [smem:$0x3F8E];
	s0 =	simm.s32 @p1 $0x1  }
0x15: {  	[smem:$0x3FAB] =	sst s0;
	s0 =	simm.s32 @!p2 $0x0  }
0x16: {  	s3 =	sld [smem:$0x3FDB];
	s0 =	simm.s32 @p2 $0x1  }
0x17: {  	s4 =	simm.s32 $0x1BF5;
	[smem:$0x3FAD] =	sst s0  }
0x18: {  	s0 =	sld [smem:$0x3F90];
	_ =	swait.ge [sflag:s4], $0x0  }
0x19: {  	s7 =	sld [smem:$0x3F91]  }
0x1a: {  	s8 =	sadd.s32 $0xFFFFE003, lr  }
0x1b: {  	s9 =	sadd.s32 $0xFFFFFEF7, lr;
	s5 =	simm.s32 $0xFFFFFFFF;
	p2 =	slt.u32 s8, $0xFFFFF086  }
0x1c: {  	p1 =	slt.u32 s9, $0xF7A;
	s5 =	simm.s32 @!p2 $0x0  }
0x1d: {  	s5 =	simm.s32 @p1 $0x1;
	p0 =	seq.s32 s7, s2  }
0x1e: {  	s7 =	smul.u32 @!p0 $0xF7A, s2;
	p2 =	seq.s32 @!p0 s5, $0x0  }
0x1f: {  	s9 =	smul.u32 $0xF7A, s1;
	s8 =	simm.s32 @!p0 $0x1BF5;
	p2 =	por !p2, p0  }
0x20: {  	[sflag:s8] =	ssyncset.s32 @!p0 $0xFFFFF086;
	s6 =	sadd.s32 @!p0 s3, s7;
	s7 =	simm.s32 @!p0 $0x108  }
0x21: {  	s3 =	sadd.s32 s3, s9;
	s6 =	sadd.s32 @!p0 $0x88, s6;
	s7 =	simm.s32 @p2 $0x1082  }
0x22: {  	[simem:s7], [sflag:s8] =	dma.local @!p0 [hbm:s6], $0xF7A  }
0x23: {  	s9 =	sor.u32 $0xD0000000, s2;
	s6 =	simm.s32 $0x108;
	_ =	swait.ge @!p0 [sflag:s8], $0x0  }
0x24: {  	s3 =	sadd.s32 $0x88, s3;
	s6 =	simm.s32 @!p1 $0x1082;
	[sflag:s4] =	ssyncset.s32 $0xFFFFF086  }
0x25: {  	[simem:s6], [sflag:s4] =	dma.local [hbm:s3], $0xF7A  }
0x26: {  	[smem:$0x3F91] =	sst s1;
	(tag) =	ssettag s2;
	_ =	strace s9  }
0x27: {  	s1 =	sld [smem:$0x3FA1]  }
0x28: {  	s2 =	sld [smem:$0x3FA2]  }
0x29: {  	s4 =	sld [smem:$0x3FA4]  }
0x2a: {  	p0 =	seq.s32 s5, $0x0;
	s5 =	sld [smem:$0x3FA5]  }
0x2b: {  	s6 =	sld [smem:$0x3FA6]  }
0x2c: {  	s7 =	sld [smem:$0x3FA7]  }
0x2d: {  	s3 =	simm.s32 $0x108;
	s8 =	sld [smem:$0x3FA8]  }
0x2e: {  	s3 =	simm.s32 @!p0 $0x1082;
	s9 =	sld [smem:$0x3FA9]  }
0x2f: {  	lr =	sadd.s32 s0, s3;
	s0 =	sld [smem:$0x3FA0]  }
0x30: {  	s3 =	sld [smem:$0x3FA3]  }
0x31: {  	[smem:$0x3FAC] =	sst s10  }
0x32: {  	s10 =	sld [smem:$0x3FAA];
	_ =	sdelay $0x3  }
0x33: {  	p0 =	seq.s32 s10, $0x1;
	s10 =	sld [smem:$0x3FAC];
	_ =	sdelay $0x3  }
0x34: {  	[smem:$0x3FAC] =	sst s10  }
0x35: {  	s10 =	sld [smem:$0x3FAB];
	_ =	sdelay $0x3  }
0x36: {  	p1 =	seq.s32 s10, $0x1;
	s10 =	sld [smem:$0x3FAC];
	_ =	sdelay $0x3  }
0x37: {  	[smem:$0x3FAC] =	sst s10  }
0x38: {  	s10 =	sld [smem:$0x3FAD]  }
0x39: {  	_ = 	snop;
	(pc) =	sbr.ind lr, $3  }
0x3a: {  	_ = 	snop  }
0x3b: {  	_ = 	snop  }
0x3c: {  	p2 =	seq.s32 s10, $0x1;
	s10 =	sld [smem:$0x3FAC]  }
0x3d: {  	_ =	shalt  }
0x3e: {  	_ =	shalt  }
0x3f: {  	_ =	shalt  }
0x40: {  	_ =	shalt  }
0x41: {  	_ =	shalt  }
0x42: {  	_ =	shalt  }
0x43: {  	_ =	shalt  }
0x44: {  	_ =	shalt  }
0x45: {  	_ =	shalt  }
0x46: {  	_ =	shalt  }
0x47: {  	_ =	shalt  }
0x48: {  	_ =	shalt  }
0x49: {  	_ =	shalt  }
0x4a: {  	_ =	shalt  }
0x4b: {  	_ =	shalt  }
0x4c: {  	_ =	shalt  }
0x4d: {  	_ =	shalt  }
0x4e: {  	_ =	shalt  }
0x4f: {  	_ =	shalt  }
0x50: {  	_ =	shalt  }
0x51: {  	_ =	shalt  }
0x52: {  	_ =	shalt  }
0x53: {  	_ =	shalt  }
0x54: {  	_ =	shalt  }
0x55: {  	_ =	shalt  }
0x56: {  	_ =	shalt  }
0x57: {  	_ =	shalt  }
0x58: {  	_ =	shalt  }
0x59: {  	_ =	shalt  }
0x5a: {  	_ =	shalt  }
0x5b: {  	_ =	shalt  }
0x5c: {  	_ =	shalt  }
0x5d: {  	_ =	shalt  }
0x5e: {  	_ =	shalt  }
0x5f: {  	_ =	shalt  }
0x60: {  	_ =	shalt  }
0x61: {  	_ =	shalt  }
0x62: {  	_ =	shalt  }
0x63: {  	_ =	shalt  }
0x64: {  	_ =	shalt  }
0x65: {  	_ =	shalt  }
0x66: {  	_ =	shalt  }
0x67: {  	_ =	shalt  }
0x68: {  	_ =	shalt  }
0x69: {  	_ =	shalt  }
0x6a: {  	_ =	shalt  }
0x6b: {  	_ =	shalt  }
0x6c: {  	_ =	shalt  }
0x6d: {  	_ =	shalt  }
0x6e: {  	_ =	shalt  }
0x6f: {  	_ =	shalt  }
0x70: {  	_ =	shalt  }
0x71: {  	_ =	shalt  }
0x72: {  	_ =	shalt  }
0x73: {  	_ =	shalt  }
0x74: {  	_ =	shalt  }
0x75: {  	_ =	shalt  }
0x76: {  	_ =	shalt  }
0x77: {  	_ =	shalt  }
0x78: {  	_ =	shalt  }
0x79: {  	_ =	shalt  }
0x7a: {  	_ =	shalt  }
0x7b: {  	_ =	shalt  }
0x7c: {  	_ =	shalt  }
0x7d: {  	_ =	shalt  }
0x7e: {  	_ =	shalt  }
0x7f: {  	_ =	shalt  }
0x80: {  	_ =	shalt  }
0x81: {  	_ =	shalt  }
0x82: {  	_ =	shalt  }
0x83: {  	_ =	shalt  }
0x84: {  	_ =	shalt  }
0x85: {  	_ =	shalt  }
0x86: {  	_ =	shalt  }
0x87: {  	_ =	shalt  }
.Lfunc_end0:
.L_simem_size_0:
called_computation.4_lowered:
.L_overlay_start_0:
0x88: {  	s2 =	sld [smem:$0x3FD9]  }
0x89: {  	s3 =	sld [smem:$0x3FFE];
	_ =	sdelay $0x1  }
0x8a: {  	s1 =	srdreg.scid  }
0x8b: {  	s0 =	sand.u32 $0x1, s1  }
0x8c: {  	s16 =	sshll.u32 s0, $0xA;
	s2 =	sadd.s32 s3, s2  }
0x8d: {  	s2 =	sadd.s32 s2, s16  }
0x8e: {  	[smem:$0x3FB8] =	sst s2  }
0x8f: {  	_ = 	snop  }
0x90: {  	(tm) =	ssettm $0x1  }
0x91: {  	s17 =	sld [smem:$0x3FFB];
	_ =	sdelay $0x3  }
0x92: {  	_ =	strace s17  }
0x93: {  	s2 =	sld [smem:$0x3FFC];
	_ =	sdelay $0x3  }
0x94: {  	_ =	strace s2  }
0x95: {  	s2 =	sld [smem:$0x3FFD];
	_ =	sdelay $0x3  }
0x96: {  	_ =	strace s2  }
0x97: {  	_ =	strace $0x8FFFFFFF  }
0x98: {  	s18 =	sld [smem:$0x3FDB];
	_ =	sdelay $0x1  }
0x99: {  	s19 =	simm.s32 $_scs_section_size  }
0x9a: {  	s4 =	simm.s32 $_size__tile_overlayer_lowered;
	s5 =	simm.s32 $_tile_overlayer_lowered  }
0x9b: {  	s22 =	simm.s32 $0x1BFF;
	s21 =	sshll.u32 s5, $0x1;
	s2 =	sadd.s32 s19, s18  }
0x9c: {  	s6 =	simm.s32 $0x0;
	s20 =	sshll.u32 s4, $0x1;
	s4 =	sadd.s32 s21, s2  }
0x9d: {  	[timem:s6], [sflag:s22] =	dma.local [hbm:s4], s20  }
0x9e: {  	_ =	swait.ge [sflag:s22], s20  }
0x9f: {  	s3 =	ssub.s32 $0x0, s20;
	[sflag:s22] =	ssyncset.done $0x0  }
0xa0: {  	[sflag:s22] =	ssyncadd.s32 s3;
	_ =	sdelay $0x1  }
0xa1: {  	s23 =	simm.s32 $0x1B8B  }
0xa2: {  	_ =	swait.ge [sflag:s23], $0x1  }
0xa3: {  	[sflag:s23] =	ssyncset.done $0x0  }
0xa4: {  	s25 =	simm.s32 $0x1B8E;
	s24 =	sld [smem:$0x3FFE];
	[sflag:s23] =	ssyncadd.s32 $0xFFFFFFFF  }
0xa5: {  	s26 =	simm.s32 $execute0_lowered;
	[smem:$0x3FD2] =	sst s25  }
0xa6: {  	s4 =	sshll.u32 s26, $0x1;
	_ =	strace $0x80000052;
	[dreg:$0x1] =	wrdreg $0xFFFFFFFF  }
0xa7: {  	s28 =	simm.s32 $_size_execute0_lowered;
	s2 =	sadd.s32 s2, s4;
	[dreg:$0x0] =	wrdreg $0x0  }
0xa8: {  	s4 =	sshll.u32 s28, $0x1;
	[dreg:$0x2] =	wrdreg s2  }
0xa9: {  	[dreg:$0x3] =	wrdreg s4  }
0xaa: {  	[dreg:$0x4] =	wrdreg $0xC0  }
0xab: {  	_ =	task [dreg:s6], $0x5FFFF  }
0xac: {  	[dreg:$0x1] =	wrdreg $0xFFFFFFFF  }
0xad: {  	[dreg:$0x0] =	wrdreg $0x60  }
0xae: {  	[dreg:$0x2] =	wrdreg s24  }
0xaf: {  	[dreg:$0x3] =	wrdreg $0x94800  }
0xb0: {  	[dreg:$0x4] =	wrdreg $0x9  }
0xb1: {  	_ =	task.clear_ibuf [dreg:s6], $0x5FFFF;
	_ =	strace $0x90000052  }
0xb2: {  	s29 =	simm.s32 $0x9;
	_ =	strace $0x80000054  }
0xb3: {  	_ =	swait.ge [sflag:s29], $0x1  }
0xb4: {  	[sflag:s29] =	ssyncadd.s32 $0xFFFFFFFF  }
0xb5: {  	_ =	strace $0x90000054  }
0xb6: {  	_ =	sfence  }
0xb7: {  	s30 =	sld [smem:$0x0];
	_ =	sdelay $0x2  }
0xb8: {  	s31 =	sshll.u32 s1, $0xD;
	s1 =	sshrl.u32 s1, $0x2  }
0xb9: {  	s3 =	sand.u32 $0x4000, s31;
	s1 =	sadd.s32 s1, s30  }
0xba: {  	s0 =	sor.u32 s3, s0;
	s1 =	sshll.u32 s1, $0x11  }
0xbb: {  	s0 =	sor.u32 s1, s0  }
0xbc: {  	s0 =	sadd.s32 $0x8F2B, s0  }
0xbd: {  	[sflag:s0] =	ssyncadd.remote.s32 $0x1  }
0xbe: {  	_ =	sfence.sel $0xFFFF  }
0xbf: {  	[dreg:$0x0] =	wrdreg $0xFFFFFFFF;
	(pc) =	sbr.abs _section_cstart, $3  }
0xc0: {  	[dreg:$0x1] =	wrdreg $0xFFFFFFFF  }
0xc1: {  	_ =	task.clear_ibuf [dreg:s6], $0x2FFFF;
	_ =	strace $0x9FFFFFFF  }
0xc2: {  	(tm) =	ssettm $0x7FFFFFFF  }
0xc3: {  	_ =	shalt  }
tec
execute0_lowered:
.L_overlay_start_1:
0x0: {  	(tag) =	ssettag $0x1  }
0x1: {  	s0 =	rddreg [dreg:$0x0]  }
0x2: {  	s1 =	rddreg [dreg:$0x1]  }
0x3: {  	s2 =	simm.s32 $0x0;
	s4 =	srdreg.scid;
	s13 =	stileid.u32  }
0x4: {  	s14 =	simm.s32 $0x3;
	s15 =	simm.s32 $0x8C00;
	s18 =	simm.s32 $0x80  }
0x5: {  	s19 =	simm.s32 $0x100;
	s20 =	simm.s32 $0x4100;
	s21 =	simm.s32 $0x4200  }
0x6: {  	s23 =	simm.s32 $0x0;
	[smem:$0x7FF] =	sst s2;
	s3 =	sadd.s32 $0x2E5400, s0  }
0x7: {  	s4 =	sand.u32 $0x1, s4;
	s5 =	sadd.s32 $0x28F600, s0;
	s6 =	sadd.s32 $0x28A600, s0  }
0x8: {  	s8 =	sadd.s32 $0x27B400, s0;
	s9 =	sadd.s32 $0x271000, s0;
	s29 =	sshll.u32 s13, $0x4  }
0x9: {  	s10 =	sshll.u32 s13, $0xB;
	_ =	strace $0x80000053;
	[dreg:$0x3] =	wrdreg s8  }
0xa: {  	s31 =	sshll.u32 s13, $0x8;
	s7 =	ssub.s32 $0x2, s4;
	[dreg:$0x4] =	wrdreg s9  }
0xb: {  	s30 =	ssub.s32 $0x2810, s29;
	s12 =	smul.u32 $0x27100, s4;
	s28 =	sshrl.u32 s7, $0x1  }
0xc: {  	s10 =	sadd.s32 s10, s1;
	s8 =	ssub.s32 $0x2800, s29;
	s7 =	ssub.s32 s7, s28  }
0xd: {  	v1 =	vlaneseq.u32;
	v2 =	vimm.f32 $0.0e+00;
	v3 =	vmov s13;
	s9 =	sshrl.u32 s30, $0x8;
	s0 =	sadd.s32 s0, s12;
	s7 =	smax.u32 s7, $0x1  }
0xe: {  	v0 =	vmov s4;
	vm0 =	veq.s32 v3, v1;
	v3 =	vor.u32 $0x2710, v1;
	s11 =	sshrl.u32 s8, $0x8;
	s22 =	sadd.s32 s0, s31;
	[dreg:$0x5] =	wrdreg s7  }
.LBB2_1:
0xf: {  	s0 =	rddreg [dreg:$0x3];
	s4 =	simm.s32 $0x9400  }
0x10: {  	[tilespmem:s4], [sflag:$0x3] =	stream.linear.gather [hbm4b:s0+s2], $0x80, $0x38;
	[tilespmem:$0x1CD80] =	vst v63  }
0x11: {  	_ =	swait.ge [sflag:s14], $0x80  }
0x12: {  	[sflag:s14] =	ssyncset.done $0x0  }
0x13: {  	s31 =	rddreg [dreg:$0x4];
	[sflag:s14] =	ssyncadd.s32 $0xFFFFFF80  }
0x14: {  	v4 =	vld [tilespmem:$0x9400];
	[tilespmem:s4], [sflag:$0x3] =	stream.linear.gather [hbm4b:s31+s2], $0x80, $0x38  }
0x15: {  	_ =	swait.ge [sflag:s14], $0x80  }
0x16: {  	[sflag:s14] =	ssyncset.done $0x0  }
0x17: {  	[sflag:s14] =	ssyncadd.s32 $0xFFFFFF80  }
0x18: {  	s0 =	simm.s32 $0x0;
	s4 =	simm.s32 $0x200;
	v5 =	vld [tilespmem:$0x9400]  }
.LBB2_2:
0x19: {  	p0 =	sne.s32 s4, $0x1E00;
	[tilespmem:s0+$0x8C70] =	vst v2  }
0x1a: {  	[tilespmem:s0+$0x8C00] =	vst v2  }
0x1b: {  	[tilespmem:s0+$0x8C10] =	vst v2  }
.Ltmp0:
0x1c: {  	[tilespmem:s0+$0x8C20] =	vst v2;
	(pc) =	sbr.rel @p0 .LBB2_2-.Ltmp0, $4  }
0x1d: {  	[tilespmem:s0+$0x8C30] =	vst v2  }
0x1e: {  	[tilespmem:s0+$0x8C40] =	vst v2  }
0x1f: {  	[tilespmem:s0+$0x8C50] =	vst v2  }
0x20: {  	[tilespmem:s0+$0x8C60] =	vst v2;
	s0 =	sshra.s32 s4, $0x2;
	s4 =	sadd.s32 $0x200, s4  }
0x21: {  	[tilespmem:s0+$0x8C70] =	vst v2  }
0x22: {  	[tilespmem:s0+$0x8C00] =	vst v2  }
0x23: {  	[tilespmem:s0+$0x8C10] =	vst v2  }
0x24: {  	[tilespmem:s0+$0x8C20] =	vst v2  }
0x25: {  	[tilespmem:s0+$0x8C30] =	vst v2  }
0x26: {  	[tilespmem:s0+$0x8C40] =	vst v2;
	p0 =	sne.s32 s9, $0x1  }
.Ltmp1:
0x27: {  	[tilespmem:s0+$0x8C50] =	vst v2;
	(pc) =	sbr.rel @!p0 .LBB2_5-.Ltmp1, $4  }
0x28: {  	[tilespmem:s0+$0x8C60] =	vst v2  }
0x29: {  	[spmem:s10] =	stream.linear.scatter [tilespmem:s15], [sflag:$0x3], $0x800, $0x38;
	[tilespmem:$0x1CD80] =	vst v63  }
0x2a: {  	_ =	swait.ge [sflag:s14], $0x800  }
0x2b: {  	s0 =	sadd.s32 $0xFFFFFFFF, s9;
	s4 =	smov.u32 s10;
	[sflag:s14] =	ssyncset.done $0x0  }
.LBB2_4:
0x2c: {  	p0 =	sne.s32 s0, $0x1;
	[sflag:s14] =	ssyncadd.s32 $0xFFFFF800;
	s4 =	sadd.s32 $0x8000, s4  }
.Ltmp2:
0x2d: {  	s0 =	sadd.s32 $0xFFFFFFFF, s0;
	(pc) =	sbr.rel @p0 .LBB2_4-.Ltmp2, $4  }
0x2e: {  	_ = 	snop  }
0x2f: {  	[spmem:s4] =	stream.linear.scatter [tilespmem:s15], [sflag:$0x3], $0x800, $0x38;
	[tilespmem:$0x1CD80] =	vst v63  }
0x30: {  	_ =	swait.ge [sflag:s14], $0x800  }
0x31: {  	[sflag:s14] =	ssyncset.done $0x0  }
.LBB2_5:
0x32: {  	v4 =	vnsel vm0, $0x0, v4  }
0x33: {  	(xrf0) =	vadd.scan.msk.s32 $0xffff, v4;
	_ =	sdelay $0x5  }
0x34: {  	v5 =	vnsel vm0, $0x0, v5;
	v4, _, _ =	vpop (xrf0)  }
0x35: {  	(xrf0) =	vadd.scan.msk.s32 $0xffff, v5;
	(v2sf) =	vpush v4, $0xF;
	_ =	sdelay $0x5  }
0x36: {  	v5, _, _ =	vpop (xrf0)  }
0x37: {  	(v2sf) =	vpush v5, $0xF;
	_ =	sdelay $0x7  }
0x38: {  	s0 =	spop (v2sf)  }
0x39: {  	s4 =	sand.u32 $0x7, s0  }
0x3a: {  	s7 =	sshra.s32 s0, $0x1F;
	p0 =	slt.s32 s0, $0x1;
	p1 =	sne.s32 s4, $0x0  }
0x3b: {  	s28 =	sshrl.u32 s7, $0x1D;
	p0 =	por !p0, !p1  }
0x3c: {  	s4 =	simm.s32 $0x1;
	s0 =	sadd.s32 s28, s0;
	p0 =	por !p0, !p0  }
0x3d: {  	s0 =	sshra.s32 s0, $0x3;
	s4 =	simm.s32 @!p0 $0x0  }
0x3e: {  	s0 =	ssub.s32 s0, s4  }
0x3f: {  	s29 =	spop (v2sf);
	s24 =	sshll.u32 s0, $0x3  }
0x40: {  	s4 =	ssub.s32 s29, s24  }
0x41: {  	s4 =	sadd.s32 $0x7F, s4  }
0x42: {  	s30 =	sand.u32 $0x7F, s4  }
0x43: {  	s31 =	sshra.s32 s4, $0x1F;
	p6 =	slt.s32 s4, $0x1;
	p5 =	sne.s32 s30, $0x0  }
0x44: {  	s7 =	sshrl.u32 s31, $0x19;
	p0 =	por !p6, !p5  }
0x45: {  	s4 =	sadd.s32 s7, s4;
	s7 =	simm.s32 $0x1;
	p0 =	por !p0, !p0  }
0x46: {  	s4 =	sshra.s32 s4, $0x7;
	s7 =	simm.s32 @!p0 $0x0  }
0x47: {  	s25 =	ssub.s32 s4, s7  }
0x48: {  	p0 =	slt.s32 s25, $0x1  }
.Ltmp3:
0x49: {  	_ = 	snop;
	(pc) =	sbr.rel @p0 .LBB2_18-.Ltmp3, $3  }
0x4a: {  	_ = 	snop  }
0x4b: {  	[sflag:s14] =	ssyncadd.s32 $0xFFFFF800  }
0x4c: {  	[bflag:$0x0] =	sbarrier.arrive $0xFFFF;
	_ =	sdelay $0x1  }
0x4d: {  	s0 =	sand.u32 $0x1FFFFFFF, s0  }
0x4e: {  	s7 =	simm.s32 $0x0;
	s8 =	simm.s32 $0x8200;
	s4 =	sadd.s32 s5, s0  }
0x4f: {  	[tilespmem:s8], [sflag:$0x3] =	stream.linear.gather [hbm4b:s4+s7], $0x500, $0x38;
	[tilespmem:$0x1CD80] =	vst v63  }
0x50: {  	_ =	swait.ge [sflag:s14], $0x500  }
0x51: {  	[sflag:s14] =	ssyncset.done $0x0  }
0x52: {  	s31 =	simm.s32 $0x8700;
	s0 =	sadd.s32 s6, s0;
	[sflag:s14] =	ssyncadd.s32 $0xFFFFFB00  }
0x53: {  	[tilespmem:s31], [sflag:$0x3] =	stream.linear.gather [hbm4b:s0+s7], $0x500, $0x38;
	[tilespmem:$0x1CD80] =	vst v63  }
0x54: {  	_ =	swait.ge [sflag:s14], $0x500  }
0x55: {  	[sflag:s14] =	ssyncset.done $0x0  }
0x56: {  	s0 =	simm.s32 $0x0;
	[sflag:s14] =	ssyncadd.s32 $0xFFFFFB00  }
0x57: {  	v6 =	vld [tilespmem:s0+$0x8200]  }
0x58: {  	v7 =	vld [tilespmem:s0+$0x8700]  }
0x59: {  	v4 =	vbroadcast v4, $0xF;
	v5 =	vbroadcast v5, $0xF  }
0x5a: {  	v8 =	vadd.s32 s24, v1  }
0x5b: {  	s4 =	simm.s32 $0x40;
	vm1 =	vge.s32 v8, v4;
	vm2 =	vlt.s32 v8, v5;
	s7 =	smov.u32 s24  }
.LBB2_7:
0x5c: {  	s8 =	sshra.s32 s4, $0x2;
	p0 =	sne.s32 s4, $0x1C0;
	s4 =	sadd.s32 $0x40, s4;
	vm1 =	vmand vm1, vm2;
	v8 =	vshll.u32 v6, $0x1  }
.Ltmp4:
0x5d: {  	v6 =	vld [tilespmem:s8+$0x8200];
	v9 =	vsel vm1, v7, v3;
	v8 =	vor.u32 v0, v8;
	(pc) =	sbr.rel @p0 .LBB2_7-.Ltmp4, $4  }
0x5e: {  	v7 =	vld [tilespmem:s8+$0x8700];
	[tilespmem:s0+$0x0] =	vst v8  }
0x5f: {  	s7 =	sadd.s32 $0x10, s7;
	[tilespmem:s0+$0x80] =	vst v9;
	s0 =	smov.u32 s8  }
0x60: {  	v8 =	vadd.s32 s7, v1  }
0x61: {  	vm1 =	vge.s32 v8, v4;
	vm2 =	vlt.s32 v8, v5  }
.Ltmp5:
0x62: {  	v6 =	vshll.u32 v6, $0x1;
	(pc) =	sbr.rel .LBB2_9-.Ltmp5, $4  }
0x63: {  	vm1 =	vmand vm1, vm2;
	v6 =	vor.u32 v0, v6  }
0x64: {  	s26 =	simm.s32 $0x0;
	s7 =	sadd.s32 $0x80, s24;
	v7 =	vsel vm1, v7, v3;
	[tilespmem:s0+$0x0] =	vst v6  }
0x65: {  	s29 =	simm.s32 $0x8280;
	s30 =	simm.s32 $0x1;
	s31 =	simm.s32 $0x8780;
	[tilespmem:s0+$0x80] =	vst v7  }
0x66: {  	[tilespmem:s19], [sflag:$0x1] =	stream.indirect.gather [hbm4b:s3+s18], $0x80, s26, s18, $0xb8;
	[tilespmem:$0x1CD80] =	vst v63  }
.LBB2_17:
0x67: {  	p1 =	sne.s32 s0, $0x0  }
0x68: {  	s0 =	simm.s32 @!p1 $0x1  }
0x69: {  	_ =	swait.ge @!p1 [sflag:s0], $0x4000  }
0x6a: {  	[sflag:s0] =	ssyncset.done @!p1 $0x0  }
0x6b: {  	s4 =	simm.s32 @!p1 $0x100;
	[sflag:s0] =	ssyncadd.s32 @!p1 $0xFFFFC000;
	s0 =	simm.s32 @!p1 $0x80  }
0x6c: {  	[spmem:s1] =	stream.indirect.scatter.add.f32 @!p1 [tilespmem:s4], [sflag:$0x4], $0x80, s0, s0, $0xb8;
	[tilespmem:$0x1CD80] =	vst v63  }
0x6d: {  	s0 =	simm.s32 @!p1 $0x4  }
0x6e: {  	_ =	swait.ge @!p1 [sflag:s0], $0x4000  }
0x6f: {  	[sflag:s0] =	ssyncset.done @!p1 $0x0  }
0x70: {  	[sflag:s0] =	ssyncadd.s32 @!p1 $0xFFFFC000;
	s0 =	simm.s32 @p0 $0x2  }
0x71: {  	_ =	swait.ge @p0 [sflag:s0], $0x4000  }
0x72: {  	s8 =	simm.s32 @p0 $0x4200;
	[sflag:s0] =	ssyncset.done @p0 $0x0  }
0x73: {  	s4 =	simm.s32 @p0 $0x4180;
	[sflag:s0] =	ssyncadd.s32 @p0 $0xFFFFC000;
	s0 =	simm.s32 @p0 $0x80  }
0x74: {  	[spmem:s1] =	stream.indirect.scatter.add.f32 @p0 [tilespmem:s8], [sflag:$0x3], $0x80, s4, s0, $0xb8;
	[tilespmem:$0x1CD80] =	vst v63  }
0x75: {  	s0 =	simm.s32 @p0 $0x3  }
0x76: {  	_ =	swait.ge @p0 [sflag:s0], $0x4000  }
0x77: {  	[sflag:s0] =	ssyncset.done @p0 $0x0  }
0x78: {  	[sflag:s0] =	ssyncadd.s32 @p0 $0xFFFFC000;
	p0 =	sne.s32 s26, s25  }
.Ltmp6:
0x79: {  	_ = 	snop;
	(pc) =	sbr.rel @!p0 .LBB2_18-.Ltmp6, $3  }
0x7a: {  	_ =	sdelay $0x1  }
0x7b: {  	s29 =	sadd.s32 $0x80, s29  }
0x7c: {  	s30 =	sadd.s32 $0x1, s30;
	s31 =	sadd.s32 $0x80, s31;
	s7 =	sadd.s32 $0x80, s7  }
.LBB2_9:
0x7d: {  	s0 =	sand.u32 $0x1, s26;
	s26 =	sadd.s32 $0x1, s26  }
0x7e: {  	p1 =	sge.s32 s26, s25  }
0x7f: {  	s4 =	smulhi.u32 $0xCCCCCCCD, s30;
	p0 =	sne.s32 @!p1 s0, $0x0  }
0x80: {  	p0 =	por p1, p0  }
.Ltmp7:
0x81: {  	s4 =	sshrl.u32 s4, $0x3;
	(pc) =	sbr.rel @p0 .LBB2_13-.Ltmp7, $3  }
0x82: {  	s4 =	smul.u32 $0xFFFFEC00, s4;
	_ =	sdelay $0x1  }
0x83: {  	s4 =	sshra.s32 s4, $0x2  }
0x84: {  	s16 =	sadd.s32 s4, s29;
	s17 =	sadd.s32 s4, s31  }
0x85: {  	s4 =	sadd.s32 $0x0, s17  }
0x86: {  	v6 =	vld [tilespmem:s4+$0x0];
	_ =	sdelay $0x1  }
0x87: {  	v7 =	vadd.s32 s7, v1  }
0x88: {  	vm1 =	vge.s32 v7, v4;
	vm2 =	vlt.s32 v7, v5  }
0x89: {  	vm1 =	vmand vm1, vm2  }
0x8a: {  	s4 =	simm.s32 $0x0;
	v6 =	vsel vm1, v6, v3  }
0x8b: {  	s8 =	sadd.s32 $0x0, s16;
	[tilespmem:s4+$0x4180] =	vst v6  }
0x8c: {  	v6 =	vld [tilespmem:s8+$0x0];
	_ =	sdelay $0x4  }
0x8d: {  	v6 =	vshll.u32 v6, $0x1  }
0x8e: {  	s13 =	simm.s32 $0x10;
	s28 =	smov.u32 s7;
	s8 =	simm.s32 $0x80;
	v6 =	vor.u32 v0, v6  }
.LBB2_11:
0x8f: {  	p0 =	sne.s32 s8, $0x1C0;
	s12 =	sadd.s32 s13, s17;
	[tilespmem:s4+$0x4100] =	vst v6;
	s4 =	smov.u32 s13  }
0x90: {  	v6 =	vld [tilespmem:s12+$0x0]  }
0x91: {  	s28 =	sadd.s32 $0x10, s28  }
0x92: {  	v7 =	vadd.s32 s28, v1  }
0x93: {  	vm1 =	vge.s32 v7, v4;
	vm2 =	vlt.s32 v7, v5  }
0x94: {  	vm1 =	vmand vm1, vm2  }
0x95: {  	v6 =	vsel vm1, v6, v3  }
0x96: {  	s12 =	sadd.s32 s4, s16;
	[tilespmem:s4+$0x4180] =	vst v6  }
0x97: {  	v6 =	vld [tilespmem:s12+$0x0];
	_ =	sdelay $0x1  }
.Ltmp8:
0x98: {  	(pc) =	sbr.rel @p0 .LBB2_11-.Ltmp8, $3  }
0x99: {  	_ =	sdelay $0x1  }
0x9a: {  	v6 =	vshll.u32 v6, $0x1  }
0x9b: {  	s13 =	sshra.s32 s8, $0x2;
	s8 =	sadd.s32 $0x40, s8;
	v6 =	vor.u32 v0, v6  }
0x9c: {  	s8 =	sadd.s32 s13, s17;
	[tilespmem:s4+$0x4100] =	vst v6  }
0x9d: {  	v6 =	vld [tilespmem:s8+$0x0]  }
0x9e: {  	s12 =	sadd.s32 $0x10, s28  }
0x9f: {  	v7 =	vadd.s32 s12, v1  }
0xa0: {  	vm1 =	vge.s32 v7, v4;
	vm2 =	vlt.s32 v7, v5  }
0xa1: {  	vm1 =	vmand vm1, vm2  }
0xa2: {  	v6 =	vsel vm1, v6, v3  }
0xa3: {  	s28 =	sadd.s32 s13, s16;
	[tilespmem:s13+$0x4180] =	vst v6  }
0xa4: {  	v6 =	vld [tilespmem:s28+$0x0];
	_ =	sdelay $0x4  }
0xa5: {  	v6 =	vshll.u32 v6, $0x1  }
0xa6: {  	v6 =	vor.u32 v0, v6  }
0xa7: {  	[tilespmem:s13+$0x4100] =	vst v6  }
0xa8: {  	[tilespmem:s21], [sflag:$0x2] =	stream.indirect.gather [hbm4b:s3+s18], $0x80, s20, s18, $0xb8;
	[tilespmem:$0x1CD80] =	vst v63  }
.LBB2_13:
0xa9: {  	p0 =	seq.s32 s0, $0x1  }
0xaa: {  	p1 =	por p1, !p0  }
.Ltmp9:
0xab: {  	_ = 	snop;
	(pc) =	sbr.rel @p1 .LBB2_17-.Ltmp9, $1  }
0xac: {  	_ =	sdelay $0x3  }
0xad: {  	s4 =	smul.u32 $0xCCCCCCCD, s26;
	_ =	sdelay $0x1  }
0xae: {  	s8 =	sshll.u32 s4, $0x1F;
	s4 =	sshrl.u32 s4, $0x1  }
0xaf: {  	s12 =	sshll.u32 s26, $0x7;
	s4 =	sor.u32 s8, s4  }
0xb0: {  	s8 =	sadd.s32 s24, s12;
	p1 =	sgt.u32 s4, $0x19999999  }
0xb1: {  	s4 =	sshrl.u32 @!p1 s8, $0x3  }
0xb2: {  	s12 =	simm.s32 @!p1 $0x0;
	s13 =	simm.s32 @!p1 $0x8200;
	s8 =	sadd.s32 @!p1 s5, s4  }
0xb3: {  	[tilespmem:s13], [sflag:$0x4] =	stream.linear.gather @!p1 [hbm4b:s8+s12], $0x500, $0x38;
	[tilespmem:$0x1CD80] =	vst v63  }
0xb4: {  	s8 =	simm.s32 @!p1 $0x4  }
0xb5: {  	_ =	swait.ge @!p1 [sflag:s8], $0x500  }
0xb6: {  	[sflag:s8] =	ssyncset.done @!p1 $0x0  }
0xb7: {  	v7 =	vmov s17;
	s4 =	sadd.s32 @!p1 s6, s4;
	s13 =	simm.s32 @!p1 $0x8700;
	[sflag:s8] =	ssyncadd.s32 @!p1 $0xFFFFFB00  }
0xb8: {  	[tilespmem:s13], [sflag:$0x4] =	stream.linear.gather @!p1 [hbm4b:s4+s12], $0x500, $0x38;
	[tilespmem:$0x1CD80] =	vst v63  }
0xb9: {  	_ =	swait.ge @!p1 [sflag:s8], $0x500  }
0xba: {  	[sflag:s8] =	ssyncset.done @!p1 $0x0  }
0xbb: {  	s28 =	simm.s32 $0x0;
	[sflag:s8] =	ssyncadd.s32 @!p1 $0xFFFFFB00  }
0xbc: {  	v8 =	vld.idx.msk [tilespmem:v7+s28+$0x0 ss:$0x1], $0xffff;
	_ =	sdelay $0x1  }
0xbd: {  	v6 =	vmov s16;
	v9 =	vadd.s32 s7, v1  }
0xbe: {  	vm1 =	vge.s32 v9, v4;
	vm2 =	vlt.s32 v9, v5  }
0xbf: {  	vm1 =	vmand vm1, vm2  }
0xc0: {  	v8 =	vsel vm1, v8, v3  }
0xc1: {  	[tilespmem:s28+$0x80] =	vst v8  }
0xc2: {  	v8 =	vld.idx.msk [tilespmem:v6+s28+$0x0 ss:$0x1], $0xffff;
	_ =	sdelay $0x4  }
0xc3: {  	v8 =	vshll.u32 v8, $0x1  }
0xc4: {  	v8 =	vor.u32 v0, v8  }
0xc5: {  	s16 =	simm.s32 $0x10;
	s4 =	smov.u32 s7;
	s8 =	simm.s32 $0x80;
	[tilespmem:s28+$0x0] =	vst v8  }
.LBB2_15:
0xc6: {  	p1 =	sne.s32 s8, $0x1C0;
	v8 =	vld.idx.msk [tilespmem:v7+s16+$0x0 ss:$0x1], $0xffff;
	_ =	sdelay $0x1  }
0xc7: {  	s4 =	sadd.s32 $0x10, s4  }
0xc8: {  	v9 =	vadd.s32 s4, v1  }
0xc9: {  	vm1 =	vge.s32 v9, v4;
	vm2 =	vlt.s32 v9, v5  }
0xca: {  	vm1 =	vmand vm1, vm2  }
0xcb: {  	v8 =	vsel vm1, v8, v3  }
0xcc: {  	[tilespmem:s16+$0x80] =	vst v8  }
0xcd: {  	v8 =	vld.idx.msk [tilespmem:v6+s16+$0x0 ss:$0x1], $0xffff;
	_ =	sdelay $0x3  }
.Ltmp10:
0xce: {  	(pc) =	sbr.rel @p1 .LBB2_15-.Ltmp10, $4  }
0xcf: {  	_ = 	snop  }
0xd0: {  	v8 =	vshll.u32 v8, $0x1  }
0xd1: {  	v8 =	vor.u32 v0, v8  }
0xd2: {  	[tilespmem:s16+$0x0] =	vst v8;
	s16 =	sshra.s32 s8, $0x2;
	s8 =	sadd.s32 $0x40, s8  }
0xd3: {  	_ =	sdelay $0x3  }
0xd4: {  	v7 =	vld.idx.msk [tilespmem:v7+s16+$0x0 ss:$0x1], $0xffff  }
0xd5: {  	s4 =	sadd.s32 $0x10, s4  }
0xd6: {  	v8 =	vadd.s32 s4, v1  }
0xd7: {  	vm1 =	vge.s32 v8, v4;
	vm2 =	vlt.s32 v8, v5  }
0xd8: {  	vm1 =	vmand vm1, vm2  }
0xd9: {  	v7 =	vsel vm1, v7, v3  }
0xda: {  	[tilespmem:s16+$0x80] =	vst v7  }
0xdb: {  	v6 =	vld.idx.msk [tilespmem:v6+s16+$0x0 ss:$0x1], $0xffff;
	_ =	sdelay $0x3  }
.Ltmp11:
0xdc: {  	_ = 	snop;
	(pc) =	sbr.rel .LBB2_17-.Ltmp11, $4  }
0xdd: {  	v6 =	vshll.u32 v6, $0x1  }
0xde: {  	v6 =	vor.u32 v0, v6  }
0xdf: {  	[tilespmem:s16+$0x0] =	vst v6  }
0xe0: {  	[tilespmem:s19], [sflag:$0x1] =	stream.indirect.gather [hbm4b:s3+s18], $0x80, s2, s18, $0xb8;
	[tilespmem:$0x1CD80] =	vst v63  }
.LBB2_18:
0xe1: {  	p0 =	sne.s32 s11, $0x1  }
.Ltmp12:
0xe2: {  	s0 =	stileid.u32;
	(pc) =	sbr.rel @!p0 .LBB2_20-.Ltmp12, $4  }
0xe3: {  	[bflag:$0x0] =	sbarrier.arrive $0xFFFF;
	s0 =	sshll.u32 s0, $0x6  }
0xe4: {  	s4 =	sshrl.u32 s10, $0x3;
	s7 =	sadd.s32 $0x1000, s22;
	s0 =	sor.u32 $0x1C03, s0  }
0xe5: {  	[hbm:s22], [sflag:s0] =	dma.local [spmem:s4], $0x100  }
0xe6: {  	s8 =	smov.u32 s10;
	s4 =	sadd.s32 $0xFFFFFFFF, s11;
	_ =	swait.ge [sflag:s14], $0x100  }
.LBB2_19:
0xe7: {  	[sflag:s14] =	ssyncset.done $0x0;
	s8 =	sadd.s32 $0x8000, s8;
	p0 =	sne.s32 s4, $0x1  }
.Ltmp13:
0xe8: {  	s12 =	sshrl.u32 s8, $0x3;
	[sflag:s14] =	ssyncadd.s32 $0xFFFFFF00;
	(pc) =	sbr.rel @p0 .LBB2_19-.Ltmp13, $3  }
0xe9: {  	[hbm:s7], [sflag:s0] =	dma.local [spmem:s12], $0x100  }
0xea: {  	s4 =	sadd.s32 $0xFFFFFFFF, s4;
	_ =	sdelay $0x1  }
0xeb: {  	s7 =	sadd.s32 $0x1000, s7;
	_ =	swait.ge [sflag:s14], $0x100  }
.LBB2_20:
0xec: {  	s23 =	sadd.s32 $0x1, s23;
	s0 =	rddreg [dreg:$0x5]  }
0xed: {  	p0 =	sne.s32 s23, s0  }
.Ltmp14:
0xee: {  	_ = 	snop;
	(pc) =	sbr.rel @p0 .LBB2_1-.Ltmp14, $3  }
0xef: {  	_ =	sdelay $0x1  }
0xf0: {  	[sflag:s14] =	ssyncset.done $0x0  }
0xf1: {  	[sflag:s14] =	ssyncadd.s32 $0xFFFFFF00  }
0xf2: {  	_ =	sfence.sel $0x180000  }
0xf3: {  	[bflag:$0x0] =	sbarrier.arrive $0xFFFF  }
0xf4: {  	_ =	strace $0x90000053  }
0xf5: {  	s0 =	stileid.u32;
	[bflag:$0x2] =	sbarrier.arrive $0xFFFF  }
0xf6: {  	p0 =	sne.s32 s0, $0x0;
	s0 =	rddreg [dreg:$0x2]  }
0xf7: {  	s0 =	sadd.s32 @!p0 $0x100000, s0  }
0xf8: {  	[sflag:s0] =	ssyncadd.tile.s32 @!p0 $0x1;
	_ =	shalt  }
.Lfunc_end2:
_tile_overlayer_lowered:
.L_overlay_start_2:
0xf9: {  	(tag) =	ssettag $0x2  }
0xfa: {  	s0 =	rddreg [dreg:$0x0];
	s2 =	stileid.u32  }
0xfb: {  	s1 =	rddreg [dreg:$0x1];
	p0 =	sne.s32 s2, $0x0  }
0xfc: {  	s3 =	rddreg [dreg:$0x2];
	[bflag:$0x3] =	sbarrier.arrive $0xFFFF;
	s2 =	simm.s32 @!p0 $0x1C03  }
0xfd: {  	[timem:s3], [sflag:s2] =	dma.local @!p0 [hbm:s0], s1  }
0xfe: {  	s0 =	simm.s32 @!p0 $0x3  }
0xff: {  	_ =	swait.ge @!p0 [sflag:s0], s1  }
0x100: {  	s1 =	ssub.s32 @!p0 $0x0, s1;
	[sflag:s0] =	ssyncset.done @!p0 $0x0  }
0x101: {  	[sflag:s0] =	ssyncadd.s32 @!p0 s1  }
0x102: {  	[bflag:$0x3] =	sbarrier.arrive $0xFFFF  }
0x103: {  	_ =	shalt  }

// kernel: kernel.13.cloned.1.call-start
scs
__scs_entry_jumppad:
0x0: {  	(pc) =	sbr.rel $0x88, $3  }
0x1: {  	(tag) =	ssettag $0x0;
	lr =	simm.s32 $0x1  }
0x2: {  	[smem:$0x3F91] =	sst lr;
	_ =	strace $0xD0000000  }
0x3: {  	_ = 	snop  }
0x4: {  	_ = 	snop  }
0x5: {  	_ = 	snop  }
0x6: {  	_ = 	snop  }
0x7: {  	_ = 	snop  }
__scs_overlays_trampoline_lowered:
0x8: {  	[smem:$0x3FA0] =	sst s0  }
0x9: {  	[smem:$0x3FA1] =	sst s1  }
0xa: {  	[smem:$0x3FA2] =	sst s2  }
0xb: {  	[smem:$0x3FA3] =	sst s3  }
0xc: {  	[smem:$0x3FA4] =	sst s4  }
0xd: {  	[smem:$0x3FA5] =	sst s5  }
0xe: {  	[smem:$0x3FA6] =	sst s6  }
0xf: {  	[smem:$0x3FA7] =	sst s7  }
0x10: {  	[smem:$0x3FA8] =	sst s8  }
0x11: {  	[smem:$0x3FA9] =	sst s9;
	s0 =	simm.s32 @!p0 $0x0  }
0x12: {  	s1 =	sld [smem:$0x3F8F];
	s0 =	simm.s32 @p0 $0x1  }
0x13: {  	[smem:$0x3FAA] =	sst s0;
	s0 =	simm.s32 @!p1 $0x0  }
0x14: {  	s2 =	sld [smem:$0x3F8E];
	s0 =	simm.s32 @p1 $0x1  }
0x15: {  	[smem:$0x3FAB] =	sst s0;
	s0 =	simm.s32 @!p2 $0x0  }
0x16: {  	s3 =	sld [smem:$0x3FDB];
	s0 =	simm.s32 @p2 $0x1  }
0x17: {  	s4 =	simm.s32 $0x1BF5;
	[smem:$0x3FAD] =	sst s0  }
0x18: {  	s0 =	sld [smem:$0x3F90];
	_ =	swait.ge [sflag:s4], $0x0  }
0x19: {  	s7 =	sld [smem:$0x3F91]  }
0x1a: {  	s8 =	sadd.s32 $0xFFFFE003, lr  }
0x1b: {  	s9 =	sadd.s32 $0xFFFFFEF7, lr;
	s5 =	simm.s32 $0xFFFFFFFF;
	p2 =	slt.u32 s8, $0xFFFFF086  }
0x1c: {  	p1 =	slt.u32 s9, $0xF7A;
	s5 =	simm.s32 @!p2 $0x0  }
0x1d: {  	s5 =	simm.s32 @p1 $0x1;
	p0 =	seq.s32 s7, s2  }
0x1e: {  	s7 =	smul.u32 @!p0 $0xF7A, s2;
	p2 =	seq.s32 @!p0 s5, $0x0  }
0x1f: {  	s9 =	smul.u32 $0xF7A, s1;
	s8 =	simm.s32 @!p0 $0x1BF5;
	p2 =	por !p2, p0  }
0x20: {  	[sflag:s8] =	ssyncset.s32 @!p0 $0xFFFFF086;
	s6 =	sadd.s32 @!p0 s3, s7;
	s7 =	simm.s32 @!p0 $0x108  }
0x21: {  	s3 =	sadd.s32 s3, s9;
	s6 =	sadd.s32 @!p0 $0x88, s6;
	s7 =	simm.s32 @p2 $0x1082  }
0x22: {  	[simem:s7], [sflag:s8] =	dma.local @!p0 [hbm:s6], $0xF7A  }
0x23: {  	s9 =	sor.u32 $0xD0000000, s2;
	s6 =	simm.s32 $0x108;
	_ =	swait.ge @!p0 [sflag:s8], $0x0  }
0x24: {  	s3 =	sadd.s32 $0x88, s3;
	s6 =	simm.s32 @!p1 $0x1082;
	[sflag:s4] =	ssyncset.s32 $0xFFFFF086  }
0x25: {  	[simem:s6], [sflag:s4] =	dma.local [hbm:s3], $0xF7A  }
0x26: {  	[smem:$0x3F91] =	sst s1;
	(tag) =	ssettag s2;
	_ =	strace s9  }
0x27: {  	s1 =	sld [smem:$0x3FA1]  }
0x28: {  	s2 =	sld [smem:$0x3FA2]  }
0x29: {  	s4 =	sld [smem:$0x3FA4]  }
0x2a: {  	p0 =	seq.s32 s5, $0x0;
	s5 =	sld [smem:$0x3FA5]  }
0x2b: {  	s6 =	sld [smem:$0x3FA6]  }
0x2c: {  	s7 =	sld [smem:$0x3FA7]  }
0x2d: {  	s3 =	simm.s32 $0x108;
	s8 =	sld [smem:$0x3FA8]  }
0x2e: {  	s3 =	simm.s32 @!p0 $0x1082;
	s9 =	sld [smem:$0x3FA9]  }
0x2f: {  	lr =	sadd.s32 s0, s3;
	s0 =	sld [smem:$0x3FA0]  }
0x30: {  	s3 =	sld [smem:$0x3FA3]  }
0x31: {  	[smem:$0x3FAC] =	sst s10  }
0x32: {  	s10 =	sld [smem:$0x3FAA];
	_ =	sdelay $0x3  }
0x33: {  	p0 =	seq.s32 s10, $0x1;
	s10 =	sld [smem:$0x3FAC];
	_ =	sdelay $0x3  }
0x34: {  	[smem:$0x3FAC] =	sst s10  }
0x35: {  	s10 =	sld [smem:$0x3FAB];
	_ =	sdelay $0x3  }
0x36: {  	p1 =	seq.s32 s10, $0x1;
	s10 =	sld [smem:$0x3FAC];
	_ =	sdelay $0x3  }
0x37: {  	[smem:$0x3FAC] =	sst s10  }
0x38: {  	s10 =	sld [smem:$0x3FAD]  }
0x39: {  	_ = 	snop;
	(pc) =	sbr.ind lr, $3  }
0x3a: {  	_ = 	snop  }
0x3b: {  	_ = 	snop  }
0x3c: {  	p2 =	seq.s32 s10, $0x1;
	s10 =	sld [smem:$0x3FAC]  }
0x3d: {  	_ =	shalt  }
0x3e: {  	_ =	shalt  }
0x3f: {  	_ =	shalt  }
0x40: {  	_ =	shalt  }
0x41: {  	_ =	shalt  }
0x42: {  	_ =	shalt  }
0x43: {  	_ =	shalt  }
0x44: {  	_ =	shalt  }
0x45: {  	_ =	shalt  }
0x46: {  	_ =	shalt  }
0x47: {  	_ =	shalt  }
0x48: {  	_ =	shalt  }
0x49: {  	_ =	shalt  }
0x4a: {  	_ =	shalt  }
0x4b: {  	_ =	shalt  }
0x4c: {  	_ =	shalt  }
0x4d: {  	_ =	shalt  }
0x4e: {  	_ =	shalt  }
0x4f: {  	_ =	shalt  }
0x50: {  	_ =	shalt  }
0x51: {  	_ =	shalt  }
0x52: {  	_ =	shalt  }
0x53: {  	_ =	shalt  }
0x54: {  	_ =	shalt  }
0x55: {  	_ =	shalt  }
0x56: {  	_ =	shalt  }
0x57: {  	_ =	shalt  }
0x58: {  	_ =	shalt  }
0x59: {  	_ =	shalt  }
0x5a: {  	_ =	shalt  }
0x5b: {  	_ =	shalt  }
0x5c: {  	_ =	shalt  }
0x5d: {  	_ =	shalt  }
0x5e: {  	_ =	shalt  }
0x5f: {  	_ =	shalt  }
0x60: {  	_ =	shalt  }
0x61: {  	_ =	shalt  }
0x62: {  	_ =	shalt  }
0x63: {  	_ =	shalt  }
0x64: {  	_ =	shalt  }
0x65: {  	_ =	shalt  }
0x66: {  	_ =	shalt  }
0x67: {  	_ =	shalt  }
0x68: {  	_ =	shalt  }
0x69: {  	_ =	shalt  }
0x6a: {  	_ =	shalt  }
0x6b: {  	_ =	shalt  }
0x6c: {  	_ =	shalt  }
0x6d: {  	_ =	shalt  }
0x6e: {  	_ =	shalt  }
0x6f: {  	_ =	shalt  }
0x70: {  	_ =	shalt  }
0x71: {  	_ =	shalt  }
0x72: {  	_ =	shalt  }
0x73: {  	_ =	shalt  }
0x74: {  	_ =	shalt  }
0x75: {  	_ =	shalt  }
0x76: {  	_ =	shalt  }
0x77: {  	_ =	shalt  }
0x78: {  	_ =	shalt  }
0x79: {  	_ =	shalt  }
0x7a: {  	_ =	shalt  }
0x7b: {  	_ =	shalt  }
0x7c: {  	_ =	shalt  }
0x7d: {  	_ =	shalt  }
0x7e: {  	_ =	shalt  }
0x7f: {  	_ =	shalt  }
0x80: {  	_ =	shalt  }
0x81: {  	_ =	shalt  }
0x82: {  	_ =	shalt  }
0x83: {  	_ =	shalt  }
0x84: {  	_ =	shalt  }
0x85: {  	_ =	shalt  }
0x86: {  	_ =	shalt  }
0x87: {  	_ =	shalt  }
.Lfunc_end0:
.L_simem_size_0:
called_computation.5_lowered:
.L_overlay_start_0:
0x88: {  	s2 =	sld [smem:$0x3FD9]  }
0x89: {  	s3 =	sld [smem:$0x3FFE];
	_ =	sdelay $0x1  }
0x8a: {  	s1 =	srdreg.scid  }
0x8b: {  	s0 =	sand.u32 $0x1, s1  }
0x8c: {  	s16 =	sshll.u32 s0, $0xA;
	s2 =	sadd.s32 s3, s2  }
0x8d: {  	s2 =	sadd.s32 s2, s16  }
0x8e: {  	[smem:$0x3FB8] =	sst s2  }
0x8f: {  	_ = 	snop  }
0x90: {  	(tm) =	ssettm $0x1  }
0x91: {  	s17 =	sld [smem:$0x3FFB];
	_ =	sdelay $0x3  }
0x92: {  	_ =	strace s17  }
0x93: {  	s2 =	sld [smem:$0x3FFC];
	_ =	sdelay $0x3  }
0x94: {  	_ =	strace s2  }
0x95: {  	s2 =	sld [smem:$0x3FFD];
	_ =	sdelay $0x3  }
0x96: {  	_ =	strace s2  }
0x97: {  	_ =	strace $0x8FFFFFFF  }
0x98: {  	s18 =	sld [smem:$0x3FDB];
	_ =	sdelay $0x1  }
0x99: {  	s19 =	simm.s32 $_scs_section_size  }
0x9a: {  	s4 =	simm.s32 $_size__tile_overlayer_lowered;
	s5 =	simm.s32 $_tile_overlayer_lowered  }
0x9b: {  	s22 =	simm.s32 $0x1BFF;
	s21 =	sshll.u32 s5, $0x1;
	s2 =	sadd.s32 s19, s18  }
0x9c: {  	s6 =	simm.s32 $0x0;
	s20 =	sshll.u32 s4, $0x1;
	s4 =	sadd.s32 s21, s2  }
0x9d: {  	[timem:s6], [sflag:s22] =	dma.local [hbm:s4], s20  }
0x9e: {  	_ =	swait.ge [sflag:s22], s20  }
0x9f: {  	s3 =	ssub.s32 $0x0, s20;
	[sflag:s22] =	ssyncset.done $0x0  }
0xa0: {  	[sflag:s22] =	ssyncadd.s32 s3;
	_ =	sdelay $0x1  }
0xa1: {  	s23 =	simm.s32 $0x1B8B  }
0xa2: {  	_ =	swait.ge [sflag:s23], $0x1  }
0xa3: {  	[sflag:s23] =	ssyncset.done $0x0  }
0xa4: {  	s25 =	simm.s32 $0x1B8E;
	s24 =	sld [smem:$0x3FFE];
	[sflag:s23] =	ssyncadd.s32 $0xFFFFFFFF  }
0xa5: {  	s26 =	simm.s32 $execute0_lowered;
	[smem:$0x3FD2] =	sst s25  }
0xa6: {  	s4 =	sshll.u32 s26, $0x1;
	_ =	strace $0x80000055;
	[dreg:$0x1] =	wrdreg $0xFFFFFFFF  }
0xa7: {  	s28 =	simm.s32 $_size_execute0_lowered;
	s2 =	sadd.s32 s2, s4;
	[dreg:$0x0] =	wrdreg $0x0  }
0xa8: {  	s4 =	sshll.u32 s28, $0x1;
	[dreg:$0x2] =	wrdreg s2  }
0xa9: {  	[dreg:$0x3] =	wrdreg s4  }
0xaa: {  	[dreg:$0x4] =	wrdreg $0xC0  }
0xab: {  	_ =	task [dreg:s6], $0x5FFFF  }
0xac: {  	[dreg:$0x1] =	wrdreg $0xFFFFFFFF  }
0xad: {  	[dreg:$0x0] =	wrdreg $0x60  }
0xae: {  	[dreg:$0x2] =	wrdreg s24  }
0xaf: {  	[dreg:$0x3] =	wrdreg $0x94800  }
0xb0: {  	[dreg:$0x4] =	wrdreg $0x9  }
0xb1: {  	_ =	task.clear_ibuf [dreg:s6], $0x5FFFF;
	_ =	strace $0x90000055  }
0xb2: {  	s29 =	simm.s32 $0x9;
	_ =	strace $0x80000057  }
0xb3: {  	_ =	swait.ge [sflag:s29], $0x1  }
0xb4: {  	[sflag:s29] =	ssyncadd.s32 $0xFFFFFFFF  }
0xb5: {  	_ =	strace $0x90000057  }
0xb6: {  	_ =	sfence  }
0xb7: {  	s30 =	sld [smem:$0x0];
	_ =	sdelay $0x2  }
0xb8: {  	s31 =	sshll.u32 s1, $0xD;
	s1 =	sshrl.u32 s1, $0x2  }
0xb9: {  	s3 =	sand.u32 $0x4000, s31;
	s1 =	sadd.s32 s1, s30  }
0xba: {  	s0 =	sor.u32 s3, s0;
	s1 =	sshll.u32 s1, $0x11  }
0xbb: {  	s0 =	sor.u32 s1, s0  }
0xbc: {  	s0 =	sadd.s32 $0x8F2B, s0  }
0xbd: {  	[sflag:s0] =	ssyncadd.remote.s32 $0x1  }
0xbe: {  	_ =	sfence.sel $0xFFFF  }
0xbf: {  	[dreg:$0x0] =	wrdreg $0xFFFFFFFF;
	(pc) =	sbr.abs _section_cstart, $3  }
0xc0: {  	[dreg:$0x1] =	wrdreg $0xFFFFFFFF  }
0xc1: {  	_ =	task.clear_ibuf [dreg:s6], $0x2FFFF;
	_ =	strace $0x9FFFFFFF  }
0xc2: {  	(tm) =	ssettm $0x7FFFFFFF  }
0xc3: {  	_ =	shalt  }
tec
execute0_lowered:
.L_overlay_start_1:
0x0: {  	(tag) =	ssettag $0x1  }
0x1: {  	s0 =	rddreg [dreg:$0x0]  }
0x2: {  	s1 =	rddreg [dreg:$0x1];
	s2 =	simm.s32 $0x0  }
0x3: {  	s5 =	srdreg.scid;
	s12 =	stileid.u32;
	s14 =	simm.s32 $0x3  }
0x4: {  	s15 =	simm.s32 $0x8C00;
	s18 =	simm.s32 $0x80;
	s19 =	simm.s32 $0x100  }
0x5: {  	s20 =	simm.s32 $0x4100;
	s21 =	simm.s32 $0x4200;
	[smem:$0x7FF] =	sst s2  }
0x6: {  	s23 =	simm.s32 $0x0;
	s3 =	sadd.s32 $0x28F600, s0;
	s4 =	sadd.s32 $0x28A600, s0  }
0x7: {  	s5 =	sand.u32 $0x1, s5;
	s6 =	sadd.s32 $0x4E200, s0;
	s7 =	sadd.s32 $0x27B400, s0  }
0x8: {  	s8 =	sadd.s32 $0x271000, s0;
	s11 =	sshll.u32 s12, $0x4;
	s10 =	sshll.u32 s12, $0xB  }
0x9: {  	s31 =	sshll.u32 s12, $0x8;
	_ =	strace $0x80000056;
	[dreg:$0x3] =	wrdreg s7  }
0xa: {  	s25 =	smul.u32 $0x27100, s5;
	[dreg:$0x4] =	wrdreg s8;
	s26 =	ssub.s32 $0x2, s5  }
0xb: {  	s29 =	ssub.s32 $0x2810, s11;
	s10 =	sadd.s32 s10, s1;
	s28 =	sshrl.u32 s26, $0x1  }
0xc: {  	s30 =	ssub.s32 $0x2800, s11;
	s0 =	sadd.s32 s25, s0;
	s7 =	ssub.s32 s26, s28  }
0xd: {  	v1 =	vlaneseq.u32;
	v2 =	vimm.f32 $0.0e+00;
	v3 =	vmov s12;
	s9 =	sshrl.u32 s29, $0x8;
	s0 =	sadd.s32 $0x9C400, s0;
	s7 =	smax.u32 s7, $0x1  }
0xe: {  	v0 =	vmov s5;
	vm0 =	veq.s32 v3, v1;
	v3 =	vor.u32 $0x2710, v1;
	s11 =	sshrl.u32 s30, $0x8;
	[dreg:$0x5] =	wrdreg s7;
	s22 =	sadd.s32 s0, s31  }
.LBB2_1:
0xf: {  	s0 =	rddreg [dreg:$0x3];
	s5 =	simm.s32 $0x9400  }
0x10: {  	[tilespmem:s5], [sflag:$0x3] =	stream.linear.gather [hbm4b:s0+s2], $0x80, $0x38;
	[tilespmem:$0x1CD80] =	vst v63  }
0x11: {  	_ =	swait.ge [sflag:s14], $0x80  }
0x12: {  	[sflag:s14] =	ssyncset.done $0x0  }
0x13: {  	s31 =	rddreg [dreg:$0x4];
	[sflag:s14] =	ssyncadd.s32 $0xFFFFFF80  }
0x14: {  	v4 =	vld [tilespmem:$0x9400];
	[tilespmem:s5], [sflag:$0x3] =	stream.linear.gather [hbm4b:s31+s2], $0x80, $0x38  }
0x15: {  	_ =	swait.ge [sflag:s14], $0x80  }
0x16: {  	[sflag:s14] =	ssyncset.done $0x0  }
0x17: {  	[sflag:s14] =	ssyncadd.s32 $0xFFFFFF80  }
0x18: {  	s0 =	simm.s32 $0x0;
	s5 =	simm.s32 $0x200;
	v5 =	vld [tilespmem:$0x9400]  }
.LBB2_2:
0x19: {  	p0 =	sne.s32 s5, $0x1E00;
	[tilespmem:s0+$0x8C70] =	vst v2  }
0x1a: {  	[tilespmem:s0+$0x8C00] =	vst v2  }
0x1b: {  	[tilespmem:s0+$0x8C10] =	vst v2  }
.Ltmp0:
0x1c: {  	[tilespmem:s0+$0x8C20] =	vst v2;
	(pc) =	sbr.rel @p0 .LBB2_2-.Ltmp0, $4  }
0x1d: {  	[tilespmem:s0+$0x8C30] =	vst v2  }
0x1e: {  	[tilespmem:s0+$0x8C40] =	vst v2  }
0x1f: {  	[tilespmem:s0+$0x8C50] =	vst v2  }
0x20: {  	[tilespmem:s0+$0x8C60] =	vst v2;
	s0 =	sshra.s32 s5, $0x2;
	s5 =	sadd.s32 $0x200, s5  }
0x21: {  	[tilespmem:s0+$0x8C70] =	vst v2  }
0x22: {  	[tilespmem:s0+$0x8C00] =	vst v2  }
0x23: {  	[tilespmem:s0+$0x8C10] =	vst v2  }
0x24: {  	[tilespmem:s0+$0x8C20] =	vst v2  }
0x25: {  	[tilespmem:s0+$0x8C30] =	vst v2  }
0x26: {  	[tilespmem:s0+$0x8C40] =	vst v2;
	p0 =	sne.s32 s9, $0x1  }
.Ltmp1:
0x27: {  	[tilespmem:s0+$0x8C50] =	vst v2;
	(pc) =	sbr.rel @!p0 .LBB2_5-.Ltmp1, $4  }
0x28: {  	[tilespmem:s0+$0x8C60] =	vst v2  }
0x29: {  	[spmem:s10] =	stream.linear.scatter [tilespmem:s15], [sflag:$0x3], $0x800, $0x38;
	[tilespmem:$0x1CD80] =	vst v63  }
0x2a: {  	_ =	swait.ge [sflag:s14], $0x800  }
0x2b: {  	s0 =	sadd.s32 $0xFFFFFFFF, s9;
	s5 =	smov.u32 s10;
	[sflag:s14] =	ssyncset.done $0x0  }
.LBB2_4:
0x2c: {  	p0 =	sne.s32 s0, $0x1;
	[sflag:s14] =	ssyncadd.s32 $0xFFFFF800;
	s5 =	sadd.s32 $0x8000, s5  }
.Ltmp2:
0x2d: {  	s0 =	sadd.s32 $0xFFFFFFFF, s0;
	(pc) =	sbr.rel @p0 .LBB2_4-.Ltmp2, $4  }
0x2e: {  	_ = 	snop  }
0x2f: {  	[spmem:s5] =	stream.linear.scatter [tilespmem:s15], [sflag:$0x3], $0x800, $0x38;
	[tilespmem:$0x1CD80] =	vst v63  }
0x30: {  	_ =	swait.ge [sflag:s14], $0x800  }
0x31: {  	[sflag:s14] =	ssyncset.done $0x0  }
.LBB2_5:
0x32: {  	v4 =	vnsel vm0, $0x0, v4  }
0x33: {  	(xrf0) =	vadd.scan.msk.s32 $0xffff, v4;
	_ =	sdelay $0x5  }
0x34: {  	v5 =	vnsel vm0, $0x0, v5;
	v4, _, _ =	vpop (xrf0)  }
0x35: {  	(xrf0) =	vadd.scan.msk.s32 $0xffff, v5;
	(v2sf) =	vpush v4, $0xF;
	_ =	sdelay $0x5  }
0x36: {  	v5, _, _ =	vpop (xrf0)  }
0x37: {  	(v2sf) =	vpush v5, $0xF;
	_ =	sdelay $0x7  }
0x38: {  	s0 =	spop (v2sf)  }
0x39: {  	s5 =	sand.u32 $0x7, s0  }
0x3a: {  	s7 =	sshra.s32 s0, $0x1F;
	p0 =	slt.s32 s0, $0x1;
	p1 =	sne.s32 s5, $0x0  }
0x3b: {  	s28 =	sshrl.u32 s7, $0x1D;
	p0 =	por !p0, !p1  }
0x3c: {  	s5 =	simm.s32 $0x1;
	s0 =	sadd.s32 s28, s0;
	p0 =	por !p0, !p0  }
0x3d: {  	s0 =	sshra.s32 s0, $0x3;
	s5 =	simm.s32 @!p0 $0x0  }
0x3e: {  	s0 =	ssub.s32 s0, s5  }
0x3f: {  	s29 =	spop (v2sf);
	s24 =	sshll.u32 s0, $0x3  }
0x40: {  	s5 =	ssub.s32 s29, s24  }
0x41: {  	s5 =	sadd.s32 $0x7F, s5  }
0x42: {  	s30 =	sand.u32 $0x7F, s5  }
0x43: {  	s31 =	sshra.s32 s5, $0x1F;
	p6 =	slt.s32 s5, $0x1;
	p5 =	sne.s32 s30, $0x0  }
0x44: {  	s7 =	sshrl.u32 s31, $0x19;
	p0 =	por !p6, !p5  }
0x45: {  	s5 =	sadd.s32 s7, s5;
	s7 =	simm.s32 $0x1;
	p0 =	por !p0, !p0  }
0x46: {  	s5 =	sshra.s32 s5, $0x7;
	s7 =	simm.s32 @!p0 $0x0  }
0x47: {  	s25 =	ssub.s32 s5, s7  }
0x48: {  	p0 =	slt.s32 s25, $0x1  }
.Ltmp3:
0x49: {  	_ = 	snop;
	(pc) =	sbr.rel @p0 .LBB2_18-.Ltmp3, $3  }
0x4a: {  	_ = 	snop  }
0x4b: {  	[sflag:s14] =	ssyncadd.s32 $0xFFFFF800  }
0x4c: {  	[bflag:$0x0] =	sbarrier.arrive $0xFFFF;
	_ =	sdelay $0x1  }
0x4d: {  	s0 =	sand.u32 $0x1FFFFFFF, s0  }
0x4e: {  	s7 =	simm.s32 $0x0;
	s8 =	simm.s32 $0x8200;
	s5 =	sadd.s32 s3, s0  }
0x4f: {  	[tilespmem:s8], [sflag:$0x3] =	stream.linear.gather [hbm4b:s5+s7], $0x500, $0x38;
	[tilespmem:$0x1CD80] =	vst v63  }
0x50: {  	_ =	swait.ge [sflag:s14], $0x500  }
0x51: {  	[sflag:s14] =	ssyncset.done $0x0  }
0x52: {  	s31 =	simm.s32 $0x8700;
	s0 =	sadd.s32 s4, s0;
	[sflag:s14] =	ssyncadd.s32 $0xFFFFFB00  }
0x53: {  	[tilespmem:s31], [sflag:$0x3] =	stream.linear.gather [hbm4b:s0+s7], $0x500, $0x38;
	[tilespmem:$0x1CD80] =	vst v63  }
0x54: {  	_ =	swait.ge [sflag:s14], $0x500  }
0x55: {  	[sflag:s14] =	ssyncset.done $0x0  }
0x56: {  	s0 =	simm.s32 $0x0;
	[sflag:s14] =	ssyncadd.s32 $0xFFFFFB00  }
0x57: {  	v6 =	vld [tilespmem:s0+$0x8200]  }
0x58: {  	v7 =	vld [tilespmem:s0+$0x8700]  }
0x59: {  	v4 =	vbroadcast v4, $0xF;
	v5 =	vbroadcast v5, $0xF  }
0x5a: {  	v8 =	vadd.s32 s24, v1  }
0x5b: {  	s5 =	simm.s32 $0x40;
	vm1 =	vge.s32 v8, v4;
	vm2 =	vlt.s32 v8, v5;
	s7 =	smov.u32 s24  }
.LBB2_7:
0x5c: {  	s8 =	sshra.s32 s5, $0x2;
	p0 =	sne.s32 s5, $0x1C0;
	s5 =	sadd.s32 $0x40, s5;
	vm1 =	vmand vm1, vm2;
	v8 =	vshll.u32 v6, $0x1  }
.Ltmp4:
0x5d: {  	v6 =	vld [tilespmem:s8+$0x8200];
	v9 =	vsel vm1, v7, v3;
	v8 =	vor.u32 v0, v8;
	(pc) =	sbr.rel @p0 .LBB2_7-.Ltmp4, $4  }
0x5e: {  	v7 =	vld [tilespmem:s8+$0x8700];
	[tilespmem:s0+$0x0] =	vst v8  }
0x5f: {  	s7 =	sadd.s32 $0x10, s7;
	[tilespmem:s0+$0x80] =	vst v9;
	s0 =	smov.u32 s8  }
0x60: {  	v8 =	vadd.s32 s7, v1  }
0x61: {  	vm1 =	vge.s32 v8, v4;
	vm2 =	vlt.s32 v8, v5  }
.Ltmp5:
0x62: {  	v6 =	vshll.u32 v6, $0x1;
	(pc) =	sbr.rel .LBB2_9-.Ltmp5, $4  }
0x63: {  	vm1 =	vmand vm1, vm2;
	v6 =	vor.u32 v0, v6  }
0x64: {  	s26 =	simm.s32 $0x0;
	s7 =	sadd.s32 $0x80, s24;
	v7 =	vsel vm1, v7, v3;
	[tilespmem:s0+$0x0] =	vst v6  }
0x65: {  	s29 =	simm.s32 $0x8280;
	s30 =	simm.s32 $0x1;
	s31 =	simm.s32 $0x8780;
	[tilespmem:s0+$0x80] =	vst v7  }
0x66: {  	[tilespmem:s19], [sflag:$0x1] =	stream.indirect.gather [hbm4b:s6+s18], $0x80, s26, s18, $0xb8;
	[tilespmem:$0x1CD80] =	vst v63  }
.LBB2_17:
0x67: {  	p1 =	sne.s32 s0, $0x0  }
0x68: {  	s0 =	simm.s32 @!p1 $0x1  }
0x69: {  	_ =	swait.ge @!p1 [sflag:s0], $0x4000  }
0x6a: {  	[sflag:s0] =	ssyncset.done @!p1 $0x0  }
0x6b: {  	s5 =	simm.s32 @!p1 $0x100;
	[sflag:s0] =	ssyncadd.s32 @!p1 $0xFFFFC000;
	s0 =	simm.s32 @!p1 $0x80  }
0x6c: {  	[spmem:s1] =	stream.indirect.scatter.add.f32 @!p1 [tilespmem:s5], [sflag:$0x4], $0x80, s0, s0, $0xb8;
	[tilespmem:$0x1CD80] =	vst v63  }
0x6d: {  	s0 =	simm.s32 @!p1 $0x4  }
0x6e: {  	_ =	swait.ge @!p1 [sflag:s0], $0x4000  }
0x6f: {  	[sflag:s0] =	ssyncset.done @!p1 $0x0  }
0x70: {  	[sflag:s0] =	ssyncadd.s32 @!p1 $0xFFFFC000;
	s0 =	simm.s32 @p0 $0x2  }
0x71: {  	_ =	swait.ge @p0 [sflag:s0], $0x4000  }
0x72: {  	s8 =	simm.s32 @p0 $0x4200;
	[sflag:s0] =	ssyncset.done @p0 $0x0  }
0x73: {  	s5 =	simm.s32 @p0 $0x4180;
	[sflag:s0] =	ssyncadd.s32 @p0 $0xFFFFC000;
	s0 =	simm.s32 @p0 $0x80  }
0x74: {  	[spmem:s1] =	stream.indirect.scatter.add.f32 @p0 [tilespmem:s8], [sflag:$0x3], $0x80, s5, s0, $0xb8;
	[tilespmem:$0x1CD80] =	vst v63  }
0x75: {  	s0 =	simm.s32 @p0 $0x3  }
0x76: {  	_ =	swait.ge @p0 [sflag:s0], $0x4000  }
0x77: {  	[sflag:s0] =	ssyncset.done @p0 $0x0  }
0x78: {  	[sflag:s0] =	ssyncadd.s32 @p0 $0xFFFFC000;
	p0 =	sne.s32 s26, s25  }
.Ltmp6:
0x79: {  	_ = 	snop;
	(pc) =	sbr.rel @!p0 .LBB2_18-.Ltmp6, $3  }
0x7a: {  	_ =	sdelay $0x1  }
0x7b: {  	s29 =	sadd.s32 $0x80, s29  }
0x7c: {  	s30 =	sadd.s32 $0x1, s30;
	s31 =	sadd.s32 $0x80, s31;
	s7 =	sadd.s32 $0x80, s7  }
.LBB2_9:
0x7d: {  	s0 =	sand.u32 $0x1, s26;
	s26 =	sadd.s32 $0x1, s26  }
0x7e: {  	p1 =	sge.s32 s26, s25  }
0x7f: {  	s5 =	smulhi.u32 $0xCCCCCCCD, s30;
	p0 =	sne.s32 @!p1 s0, $0x0  }
0x80: {  	p0 =	por p1, p0  }
.Ltmp7:
0x81: {  	s5 =	sshrl.u32 s5, $0x3;
	(pc) =	sbr.rel @p0 .LBB2_13-.Ltmp7, $3  }
0x82: {  	s5 =	smul.u32 $0xFFFFEC00, s5;
	_ =	sdelay $0x1  }
0x83: {  	s5 =	sshra.s32 s5, $0x2  }
0x84: {  	s16 =	sadd.s32 s5, s29;
	s17 =	sadd.s32 s5, s31  }
0x85: {  	s5 =	sadd.s32 $0x0, s17  }
0x86: {  	v6 =	vld [tilespmem:s5+$0x0];
	_ =	sdelay $0x1  }
0x87: {  	v7 =	vadd.s32 s7, v1  }
0x88: {  	vm1 =	vge.s32 v7, v4;
	vm2 =	vlt.s32 v7, v5  }
0x89: {  	vm1 =	vmand vm1, vm2  }
0x8a: {  	s5 =	simm.s32 $0x0;
	v6 =	vsel vm1, v6, v3  }
0x8b: {  	s8 =	sadd.s32 $0x0, s16;
	[tilespmem:s5+$0x4180] =	vst v6  }
0x8c: {  	v6 =	vld [tilespmem:s8+$0x0];
	_ =	sdelay $0x4  }
0x8d: {  	v6 =	vshll.u32 v6, $0x1  }
0x8e: {  	s13 =	simm.s32 $0x10;
	s28 =	smov.u32 s7;
	s8 =	simm.s32 $0x80;
	v6 =	vor.u32 v0, v6  }
.LBB2_11:
0x8f: {  	p0 =	sne.s32 s8, $0x1C0;
	s12 =	sadd.s32 s13, s17;
	[tilespmem:s5+$0x4100] =	vst v6;
	s5 =	smov.u32 s13  }
0x90: {  	v6 =	vld [tilespmem:s12+$0x0]  }
0x91: {  	s28 =	sadd.s32 $0x10, s28  }
0x92: {  	v7 =	vadd.s32 s28, v1  }
0x93: {  	vm1 =	vge.s32 v7, v4;
	vm2 =	vlt.s32 v7, v5  }
0x94: {  	vm1 =	vmand vm1, vm2  }
0x95: {  	v6 =	vsel vm1, v6, v3  }
0x96: {  	s12 =	sadd.s32 s5, s16;
	[tilespmem:s5+$0x4180] =	vst v6  }
0x97: {  	v6 =	vld [tilespmem:s12+$0x0];
	_ =	sdelay $0x1  }
.Ltmp8:
0x98: {  	(pc) =	sbr.rel @p0 .LBB2_11-.Ltmp8, $3  }
0x99: {  	_ =	sdelay $0x1  }
0x9a: {  	v6 =	vshll.u32 v6, $0x1  }
0x9b: {  	s13 =	sshra.s32 s8, $0x2;
	s8 =	sadd.s32 $0x40, s8;
	v6 =	vor.u32 v0, v6  }
0x9c: {  	s8 =	sadd.s32 s13, s17;
	[tilespmem:s5+$0x4100] =	vst v6  }
0x9d: {  	v6 =	vld [tilespmem:s8+$0x0]  }
0x9e: {  	s12 =	sadd.s32 $0x10, s28  }
0x9f: {  	v7 =	vadd.s32 s12, v1  }
0xa0: {  	vm1 =	vge.s32 v7, v4;
	vm2 =	vlt.s32 v7, v5  }
0xa1: {  	vm1 =	vmand vm1, vm2  }
0xa2: {  	v6 =	vsel vm1, v6, v3  }
0xa3: {  	s28 =	sadd.s32 s13, s16;
	[tilespmem:s13+$0x4180] =	vst v6  }
0xa4: {  	v6 =	vld [tilespmem:s28+$0x0];
	_ =	sdelay $0x4  }
0xa5: {  	v6 =	vshll.u32 v6, $0x1  }
0xa6: {  	v6 =	vor.u32 v0, v6  }
0xa7: {  	[tilespmem:s13+$0x4100] =	vst v6  }
0xa8: {  	[tilespmem:s21], [sflag:$0x2] =	stream.indirect.gather [hbm4b:s6+s18], $0x80, s20, s18, $0xb8;
	[tilespmem:$0x1CD80] =	vst v63  }
.LBB2_13:
0xa9: {  	p0 =	seq.s32 s0, $0x1  }
0xaa: {  	p1 =	por p1, !p0  }
.Ltmp9:
0xab: {  	_ = 	snop;
	(pc) =	sbr.rel @p1 .LBB2_17-.Ltmp9, $1  }
0xac: {  	_ =	sdelay $0x3  }
0xad: {  	s5 =	smul.u32 $0xCCCCCCCD, s26;
	_ =	sdelay $0x1  }
0xae: {  	s8 =	sshll.u32 s5, $0x1F;
	s5 =	sshrl.u32 s5, $0x1  }
0xaf: {  	s12 =	sshll.u32 s26, $0x7;
	s5 =	sor.u32 s8, s5  }
0xb0: {  	s8 =	sadd.s32 s24, s12;
	p1 =	sgt.u32 s5, $0x19999999  }
0xb1: {  	s5 =	sshrl.u32 @!p1 s8, $0x3  }
0xb2: {  	s12 =	simm.s32 @!p1 $0x0;
	s13 =	simm.s32 @!p1 $0x8200;
	s8 =	sadd.s32 @!p1 s3, s5  }
0xb3: {  	[tilespmem:s13], [sflag:$0x4] =	stream.linear.gather @!p1 [hbm4b:s8+s12], $0x500, $0x38;
	[tilespmem:$0x1CD80] =	vst v63  }
0xb4: {  	s8 =	simm.s32 @!p1 $0x4  }
0xb5: {  	_ =	swait.ge @!p1 [sflag:s8], $0x500  }
0xb6: {  	[sflag:s8] =	ssyncset.done @!p1 $0x0  }
0xb7: {  	v7 =	vmov s17;
	s5 =	sadd.s32 @!p1 s4, s5;
	s13 =	simm.s32 @!p1 $0x8700;
	[sflag:s8] =	ssyncadd.s32 @!p1 $0xFFFFFB00  }
0xb8: {  	[tilespmem:s13], [sflag:$0x4] =	stream.linear.gather @!p1 [hbm4b:s5+s12], $0x500, $0x38;
	[tilespmem:$0x1CD80] =	vst v63  }
0xb9: {  	_ =	swait.ge @!p1 [sflag:s8], $0x500  }
0xba: {  	[sflag:s8] =	ssyncset.done @!p1 $0x0  }
0xbb: {  	s28 =	simm.s32 $0x0;
	[sflag:s8] =	ssyncadd.s32 @!p1 $0xFFFFFB00  }
0xbc: {  	v8 =	vld.idx.msk [tilespmem:v7+s28+$0x0 ss:$0x1], $0xffff;
	_ =	sdelay $0x1  }
0xbd: {  	v6 =	vmov s16;
	v9 =	vadd.s32 s7, v1  }
0xbe: {  	vm1 =	vge.s32 v9, v4;
	vm2 =	vlt.s32 v9, v5  }
0xbf: {  	vm1 =	vmand vm1, vm2  }
0xc0: {  	v8 =	vsel vm1, v8, v3  }
0xc1: {  	[tilespmem:s28+$0x80] =	vst v8  }
0xc2: {  	v8 =	vld.idx.msk [tilespmem:v6+s28+$0x0 ss:$0x1], $0xffff;
	_ =	sdelay $0x4  }
0xc3: {  	v8 =	vshll.u32 v8, $0x1  }
0xc4: {  	v8 =	vor.u32 v0, v8  }
0xc5: {  	s16 =	simm.s32 $0x10;
	s5 =	smov.u32 s7;
	s8 =	simm.s32 $0x80;
	[tilespmem:s28+$0x0] =	vst v8  }
.LBB2_15:
0xc6: {  	p1 =	sne.s32 s8, $0x1C0;
	v8 =	vld.idx.msk [tilespmem:v7+s16+$0x0 ss:$0x1], $0xffff;
	_ =	sdelay $0x1  }
0xc7: {  	s5 =	sadd.s32 $0x10, s5  }
0xc8: {  	v9 =	vadd.s32 s5, v1  }
0xc9: {  	vm1 =	vge.s32 v9, v4;
	vm2 =	vlt.s32 v9, v5  }
0xca: {  	vm1 =	vmand vm1, vm2  }
0xcb: {  	v8 =	vsel vm1, v8, v3  }
0xcc: {  	[tilespmem:s16+$0x80] =	vst v8  }
0xcd: {  	v8 =	vld.idx.msk [tilespmem:v6+s16+$0x0 ss:$0x1], $0xffff;
	_ =	sdelay $0x3  }
.Ltmp10:
0xce: {  	(pc) =	sbr.rel @p1 .LBB2_15-.Ltmp10, $4  }
0xcf: {  	_ = 	snop  }
0xd0: {  	v8 =	vshll.u32 v8, $0x1  }
0xd1: {  	v8 =	vor.u32 v0, v8  }
0xd2: {  	[tilespmem:s16+$0x0] =	vst v8;
	s16 =	sshra.s32 s8, $0x2;
	s8 =	sadd.s32 $0x40, s8  }
0xd3: {  	_ =	sdelay $0x3  }
0xd4: {  	v7 =	vld.idx.msk [tilespmem:v7+s16+$0x0 ss:$0x1], $0xffff  }
0xd5: {  	s5 =	sadd.s32 $0x10, s5  }
0xd6: {  	v8 =	vadd.s32 s5, v1  }
0xd7: {  	vm1 =	vge.s32 v8, v4;
	vm2 =	vlt.s32 v8, v5  }
0xd8: {  	vm1 =	vmand vm1, vm2  }
0xd9: {  	v7 =	vsel vm1, v7, v3  }
0xda: {  	[tilespmem:s16+$0x80] =	vst v7  }
0xdb: {  	v6 =	vld.idx.msk [tilespmem:v6+s16+$0x0 ss:$0x1], $0xffff;
	_ =	sdelay $0x3  }
.Ltmp11:
0xdc: {  	_ = 	snop;
	(pc) =	sbr.rel .LBB2_17-.Ltmp11, $4  }
0xdd: {  	v6 =	vshll.u32 v6, $0x1  }
0xde: {  	v6 =	vor.u32 v0, v6  }
0xdf: {  	[tilespmem:s16+$0x0] =	vst v6  }
0xe0: {  	[tilespmem:s19], [sflag:$0x1] =	stream.indirect.gather [hbm4b:s6+s18], $0x80, s2, s18, $0xb8;
	[tilespmem:$0x1CD80] =	vst v63  }
.LBB2_18:
0xe1: {  	p0 =	sne.s32 s11, $0x1  }
.Ltmp12:
0xe2: {  	s0 =	stileid.u32;
	(pc) =	sbr.rel @!p0 .LBB2_20-.Ltmp12, $4  }
0xe3: {  	[bflag:$0x0] =	sbarrier.arrive $0xFFFF;
	s0 =	sshll.u32 s0, $0x6  }
0xe4: {  	s5 =	sshrl.u32 s10, $0x3;
	s7 =	sadd.s32 $0x1000, s22;
	s0 =	sor.u32 $0x1C03, s0  }
0xe5: {  	[hbm:s22], [sflag:s0] =	dma.local [spmem:s5], $0x100  }
0xe6: {  	s8 =	smov.u32 s10;
	s5 =	sadd.s32 $0xFFFFFFFF, s11;
	_ =	swait.ge [sflag:s14], $0x100  }
.LBB2_19:
0xe7: {  	[sflag:s14] =	ssyncset.done $0x0;
	s8 =	sadd.s32 $0x8000, s8;
	p0 =	sne.s32 s5, $0x1  }
.Ltmp13:
0xe8: {  	s12 =	sshrl.u32 s8, $0x3;
	[sflag:s14] =	ssyncadd.s32 $0xFFFFFF00;
	(pc) =	sbr.rel @p0 .LBB2_19-.Ltmp13, $3  }
0xe9: {  	[hbm:s7], [sflag:s0] =	dma.local [spmem:s12], $0x100  }
0xea: {  	s5 =	sadd.s32 $0xFFFFFFFF, s5;
	_ =	sdelay $0x1  }
0xeb: {  	s7 =	sadd.s32 $0x1000, s7;
	_ =	swait.ge [sflag:s14], $0x100  }
.LBB2_20:
0xec: {  	s23 =	sadd.s32 $0x1, s23;
	s0 =	rddreg [dreg:$0x5]  }
0xed: {  	p0 =	sne.s32 s23, s0  }
.Ltmp14:
0xee: {  	_ = 	snop;
	(pc) =	sbr.rel @p0 .LBB2_1-.Ltmp14, $3  }
0xef: {  	_ =	sdelay $0x1  }
0xf0: {  	[sflag:s14] =	ssyncset.done $0x0  }
0xf1: {  	[sflag:s14] =	ssyncadd.s32 $0xFFFFFF00  }
0xf2: {  	_ =	sfence.sel $0x180000  }
0xf3: {  	[bflag:$0x0] =	sbarrier.arrive $0xFFFF  }
0xf4: {  	_ =	strace $0x90000056  }
0xf5: {  	s0 =	stileid.u32;
	[bflag:$0x2] =	sbarrier.arrive $0xFFFF  }
0xf6: {  	p0 =	sne.s32 s0, $0x0;
	s0 =	rddreg [dreg:$0x2]  }
0xf7: {  	s0 =	sadd.s32 @!p0 $0x100000, s0  }
0xf8: {  	[sflag:s0] =	ssyncadd.tile.s32 @!p0 $0x1;
	_ =	shalt  }
.Lfunc_end2:
_tile_overlayer_lowered:
.L_overlay_start_2:
0xf9: {  	(tag) =	ssettag $0x2  }
0xfa: {  	s0 =	rddreg [dreg:$0x0];
	s2 =	stileid.u32  }
0xfb: {  	s1 =	rddreg [dreg:$0x1];
	p0 =	sne.s32 s2, $0x0  }
0xfc: {  	s3 =	rddreg [dreg:$0x2];
	[bflag:$0x3] =	sbarrier.arrive $0xFFFF;
	s2 =	simm.s32 @!p0 $0x1C03  }
0xfd: {  	[timem:s3], [sflag:s2] =	dma.local @!p0 [hbm:s0], s1  }
0xfe: {  	s0 =	simm.s32 @!p0 $0x3  }
0xff: {  	_ =	swait.ge @!p0 [sflag:s0], s1  }
0x100: {  	s1 =	ssub.s32 @!p0 $0x0, s1;
	[sflag:s0] =	ssyncset.done @!p0 $0x0  }
0x101: {  	[sflag:s0] =	ssyncadd.s32 @!p0 s1  }
0x102: {  	[bflag:$0x3] =	sbarrier.arrive $0xFFFF  }
0x103: {  	_ =	shalt  }

// kernel: kernel.16.cloned.1.call-start
scs
__scs_entry_jumppad:
0x0: {  	(pc) =	sbr.rel $0x88, $3  }
0x1: {  	(tag) =	ssettag $0x0;
	lr =	simm.s32 $0x1  }
0x2: {  	[smem:$0x3F91] =	sst lr;
	_ =	strace $0xD0000000  }
0x3: {  	_ = 	snop  }
0x4: {  	_ = 	snop  }
0x5: {  	_ = 	snop  }
0x6: {  	_ = 	snop  }
0x7: {  	_ = 	snop  }
__scs_overlays_trampoline_lowered:
0x8: {  	[smem:$0x3FA0] =	sst s0  }
0x9: {  	[smem:$0x3FA1] =	sst s1  }
0xa: {  	[smem:$0x3FA2] =	sst s2  }
0xb: {  	[smem:$0x3FA3] =	sst s3  }
0xc: {  	[smem:$0x3FA4] =	sst s4  }
0xd: {  	[smem:$0x3FA5] =	sst s5  }
0xe: {  	[smem:$0x3FA6] =	sst s6  }
0xf: {  	[smem:$0x3FA7] =	sst s7  }
0x10: {  	[smem:$0x3FA8] =	sst s8  }
0x11: {  	[smem:$0x3FA9] =	sst s9;
	s0 =	simm.s32 @!p0 $0x0  }
0x12: {  	s1 =	sld [smem:$0x3F8F];
	s0 =	simm.s32 @p0 $0x1  }
0x13: {  	[smem:$0x3FAA] =	sst s0;
	s0 =	simm.s32 @!p1 $0x0  }
0x14: {  	s2 =	sld [smem:$0x3F8E];
	s0 =	simm.s32 @p1 $0x1  }
0x15: {  	[smem:$0x3FAB] =	sst s0;
	s0 =	simm.s32 @!p2 $0x0  }
0x16: {  	s3 =	sld [smem:$0x3FDB];
	s0 =	simm.s32 @p2 $0x1  }
0x17: {  	s4 =	simm.s32 $0x1BF5;
	[smem:$0x3FAD] =	sst s0  }
0x18: {  	s0 =	sld [smem:$0x3F90];
	_ =	swait.ge [sflag:s4], $0x0  }
0x19: {  	s7 =	sld [smem:$0x3F91]  }
0x1a: {  	s8 =	sadd.s32 $0xFFFFE003, lr  }
0x1b: {  	s9 =	sadd.s32 $0xFFFFFEF7, lr;
	s5 =	simm.s32 $0xFFFFFFFF;
	p2 =	slt.u32 s8, $0xFFFFF086  }
0x1c: {  	p1 =	slt.u32 s9, $0xF7A;
	s5 =	simm.s32 @!p2 $0x0  }
0x1d: {  	s5 =	simm.s32 @p1 $0x1;
	p0 =	seq.s32 s7, s2  }
0x1e: {  	s7 =	smul.u32 @!p0 $0xF7A, s2;
	p2 =	seq.s32 @!p0 s5, $0x0  }
0x1f: {  	s9 =	smul.u32 $0xF7A, s1;
	s8 =	simm.s32 @!p0 $0x1BF5;
	p2 =	por !p2, p0  }
0x20: {  	[sflag:s8] =	ssyncset.s32 @!p0 $0xFFFFF086;
	s6 =	sadd.s32 @!p0 s3, s7;
	s7 =	simm.s32 @!p0 $0x108  }
0x21: {  	s3 =	sadd.s32 s3, s9;
	s6 =	sadd.s32 @!p0 $0x88, s6;
	s7 =	simm.s32 @p2 $0x1082  }
0x22: {  	[simem:s7], [sflag:s8] =	dma.local @!p0 [hbm:s6], $0xF7A  }
0x23: {  	s9 =	sor.u32 $0xD0000000, s2;
	s6 =	simm.s32 $0x108;
	_ =	swait.ge @!p0 [sflag:s8], $0x0  }
0x24: {  	s3 =	sadd.s32 $0x88, s3;
	s6 =	simm.s32 @!p1 $0x1082;
	[sflag:s4] =	ssyncset.s32 $0xFFFFF086  }
0x25: {  	[simem:s6], [sflag:s4] =	dma.local [hbm:s3], $0xF7A  }
0x26: {  	[smem:$0x3F91] =	sst s1;
	(tag) =	ssettag s2;
	_ =	strace s9  }
0x27: {  	s1 =	sld [smem:$0x3FA1]  }
0x28: {  	s2 =	sld [smem:$0x3FA2]  }
0x29: {  	s4 =	sld [smem:$0x3FA4]  }
0x2a: {  	p0 =	seq.s32 s5, $0x0;
	s5 =	sld [smem:$0x3FA5]  }
0x2b: {  	s6 =	sld [smem:$0x3FA6]  }
0x2c: {  	s7 =	sld [smem:$0x3FA7]  }
0x2d: {  	s3 =	simm.s32 $0x108;
	s8 =	sld [smem:$0x3FA8]  }
0x2e: {  	s3 =	simm.s32 @!p0 $0x1082;
	s9 =	sld [smem:$0x3FA9]  }
0x2f: {  	lr =	sadd.s32 s0, s3;
	s0 =	sld [smem:$0x3FA0]  }
0x30: {  	s3 =	sld [smem:$0x3FA3]  }
0x31: {  	[smem:$0x3FAC] =	sst s10  }
0x32: {  	s10 =	sld [smem:$0x3FAA];
	_ =	sdelay $0x3  }
0x33: {  	p0 =	seq.s32 s10, $0x1;
	s10 =	sld [smem:$0x3FAC];
	_ =	sdelay $0x3  }
0x34: {  	[smem:$0x3FAC] =	sst s10  }
0x35: {  	s10 =	sld [smem:$0x3FAB];
	_ =	sdelay $0x3  }
0x36: {  	p1 =	seq.s32 s10, $0x1;
	s10 =	sld [smem:$0x3FAC];
	_ =	sdelay $0x3  }
0x37: {  	[smem:$0x3FAC] =	sst s10  }
0x38: {  	s10 =	sld [smem:$0x3FAD]  }
0x39: {  	_ = 	snop;
	(pc) =	sbr.ind lr, $3  }
0x3a: {  	_ = 	snop  }
0x3b: {  	_ = 	snop  }
0x3c: {  	p2 =	seq.s32 s10, $0x1;
	s10 =	sld [smem:$0x3FAC]  }
0x3d: {  	_ =	shalt  }
0x3e: {  	_ =	shalt  }
0x3f: {  	_ =	shalt  }
0x40: {  	_ =	shalt  }
0x41: {  	_ =	shalt  }
0x42: {  	_ =	shalt  }
0x43: {  	_ =	shalt  }
0x44: {  	_ =	shalt  }
0x45: {  	_ =	shalt  }
0x46: {  	_ =	shalt  }
0x47: {  	_ =	shalt  }
0x48: {  	_ =	shalt  }
0x49: {  	_ =	shalt  }
0x4a: {  	_ =	shalt  }
0x4b: {  	_ =	shalt  }
0x4c: {  	_ =	shalt  }
0x4d: {  	_ =	shalt  }
0x4e: {  	_ =	shalt  }
0x4f: {  	_ =	shalt  }
0x50: {  	_ =	shalt  }
0x51: {  	_ =	shalt  }
0x52: {  	_ =	shalt  }
0x53: {  	_ =	shalt  }
0x54: {  	_ =	shalt  }
0x55: {  	_ =	shalt  }
0x56: {  	_ =	shalt  }
0x57: {  	_ =	shalt  }
0x58: {  	_ =	shalt  }
0x59: {  	_ =	shalt  }
0x5a: {  	_ =	shalt  }
0x5b: {  	_ =	shalt  }
0x5c: {  	_ =	shalt  }
0x5d: {  	_ =	shalt  }
0x5e: {  	_ =	shalt  }
0x5f: {  	_ =	shalt  }
0x60: {  	_ =	shalt  }
0x61: {  	_ =	shalt  }
0x62: {  	_ =	shalt  }
0x63: {  	_ =	shalt  }
0x64: {  	_ =	shalt  }
0x65: {  	_ =	shalt  }
0x66: {  	_ =	shalt  }
0x67: {  	_ =	shalt  }
0x68: {  	_ =	shalt  }
0x69: {  	_ =	shalt  }
0x6a: {  	_ =	shalt  }
0x6b: {  	_ =	shalt  }
0x6c: {  	_ =	shalt  }
0x6d: {  	_ =	shalt  }
0x6e: {  	_ =	shalt  }
0x6f: {  	_ =	shalt  }
0x70: {  	_ =	shalt  }
0x71: {  	_ =	shalt  }
0x72: {  	_ =	shalt  }
0x73: {  	_ =	shalt  }
0x74: {  	_ =	shalt  }
0x75: {  	_ =	shalt  }
0x76: {  	_ =	shalt  }
0x77: {  	_ =	shalt  }
0x78: {  	_ =	shalt  }
0x79: {  	_ =	shalt  }
0x7a: {  	_ =	shalt  }
0x7b: {  	_ =	shalt  }
0x7c: {  	_ =	shalt  }
0x7d: {  	_ =	shalt  }
0x7e: {  	_ =	shalt  }
0x7f: {  	_ =	shalt  }
0x80: {  	_ =	shalt  }
0x81: {  	_ =	shalt  }
0x82: {  	_ =	shalt  }
0x83: {  	_ =	shalt  }
0x84: {  	_ =	shalt  }
0x85: {  	_ =	shalt  }
0x86: {  	_ =	shalt  }
0x87: {  	_ =	shalt  }
.Lfunc_end0:
.L_simem_size_0:
called_computation.6_lowered:
.L_overlay_start_0:
0x88: {  	s2 =	sld [smem:$0x3FD9]  }
0x89: {  	s3 =	sld [smem:$0x3FFE];
	_ =	sdelay $0x1  }
0x8a: {  	s1 =	srdreg.scid  }
0x8b: {  	s0 =	sand.u32 $0x1, s1  }
0x8c: {  	s16 =	sshll.u32 s0, $0xA;
	s2 =	sadd.s32 s3, s2  }
0x8d: {  	s2 =	sadd.s32 s2, s16  }
0x8e: {  	[smem:$0x3FB8] =	sst s2  }
0x8f: {  	_ = 	snop  }
0x90: {  	(tm) =	ssettm $0x1  }
0x91: {  	s17 =	sld [smem:$0x3FFB];
	_ =	sdelay $0x3  }
0x92: {  	_ =	strace s17  }
0x93: {  	s2 =	sld [smem:$0x3FFC];
	_ =	sdelay $0x3  }
0x94: {  	_ =	strace s2  }
0x95: {  	s2 =	sld [smem:$0x3FFD];
	_ =	sdelay $0x3  }
0x96: {  	_ =	strace s2  }
0x97: {  	_ =	strace $0x8FFFFFFF  }
0x98: {  	s18 =	sld [smem:$0x3FDB];
	_ =	sdelay $0x1  }
0x99: {  	s19 =	simm.s32 $_scs_section_size  }
0x9a: {  	s4 =	simm.s32 $_size__tile_overlayer_lowered;
	s5 =	simm.s32 $_tile_overlayer_lowered  }
0x9b: {  	s22 =	simm.s32 $0x1BFF;
	s21 =	sshll.u32 s5, $0x1;
	s2 =	sadd.s32 s19, s18  }
0x9c: {  	s6 =	simm.s32 $0x0;
	s20 =	sshll.u32 s4, $0x1;
	s4 =	sadd.s32 s21, s2  }
0x9d: {  	[timem:s6], [sflag:s22] =	dma.local [hbm:s4], s20  }
0x9e: {  	_ =	swait.ge [sflag:s22], s20  }
0x9f: {  	s3 =	ssub.s32 $0x0, s20;
	[sflag:s22] =	ssyncset.done $0x0  }
0xa0: {  	[sflag:s22] =	ssyncadd.s32 s3;
	_ =	sdelay $0x1  }
0xa1: {  	s23 =	simm.s32 $0x1B8B  }
0xa2: {  	_ =	swait.ge [sflag:s23], $0x1  }
0xa3: {  	[sflag:s23] =	ssyncset.done $0x0  }
0xa4: {  	s25 =	simm.s32 $0x1B8E;
	s24 =	sld [smem:$0x3FFE];
	[sflag:s23] =	ssyncadd.s32 $0xFFFFFFFF  }
0xa5: {  	s26 =	simm.s32 $execute0_lowered;
	[smem:$0x3FD2] =	sst s25  }
0xa6: {  	s4 =	sshll.u32 s26, $0x1;
	_ =	strace $0x80000058;
	[dreg:$0x1] =	wrdreg $0xFFFFFFFF  }
0xa7: {  	s28 =	simm.s32 $_size_execute0_lowered;
	s2 =	sadd.s32 s2, s4;
	[dreg:$0x0] =	wrdreg $0x0  }
0xa8: {  	s4 =	sshll.u32 s28, $0x1;
	[dreg:$0x2] =	wrdreg s2  }
0xa9: {  	[dreg:$0x3] =	wrdreg s4  }
0xaa: {  	[dreg:$0x4] =	wrdreg $0xC0  }
0xab: {  	_ =	task [dreg:s6], $0x5FFFF  }
0xac: {  	[dreg:$0x1] =	wrdreg $0xFFFFFFFF  }
0xad: {  	[dreg:$0x0] =	wrdreg $0x60  }
0xae: {  	[dreg:$0x2] =	wrdreg s24  }
0xaf: {  	[dreg:$0x3] =	wrdreg $0x94800  }
0xb0: {  	[dreg:$0x4] =	wrdreg $0x9  }
0xb1: {  	_ =	task.clear_ibuf [dreg:s6], $0x5FFFF;
	_ =	strace $0x90000058  }
0xb2: {  	s29 =	simm.s32 $0x9;
	_ =	strace $0x8000005A  }
0xb3: {  	_ =	swait.ge [sflag:s29], $0x1  }
0xb4: {  	[sflag:s29] =	ssyncadd.s32 $0xFFFFFFFF  }
0xb5: {  	_ =	strace $0x9000005A  }
0xb6: {  	_ =	sfence  }
0xb7: {  	s30 =	sld [smem:$0x0];
	_ =	sdelay $0x2  }
0xb8: {  	s31 =	sshll.u32 s1, $0xD;
	s1 =	sshrl.u32 s1, $0x2  }
0xb9: {  	s3 =	sand.u32 $0x4000, s31;
	s1 =	sadd.s32 s1, s30  }
0xba: {  	s0 =	sor.u32 s3, s0;
	s1 =	sshll.u32 s1, $0x11  }
0xbb: {  	s0 =	sor.u32 s1, s0  }
0xbc: {  	s0 =	sadd.s32 $0x8F2B, s0  }
0xbd: {  	[sflag:s0] =	ssyncadd.remote.s32 $0x1  }
0xbe: {  	_ =	sfence.sel $0xFFFF  }
0xbf: {  	[dreg:$0x0] =	wrdreg $0xFFFFFFFF;
	(pc) =	sbr.abs _section_cstart, $3  }
0xc0: {  	[dreg:$0x1] =	wrdreg $0xFFFFFFFF  }
0xc1: {  	_ =	task.clear_ibuf [dreg:s6], $0x2FFFF;
	_ =	strace $0x9FFFFFFF  }
0xc2: {  	(tm) =	ssettm $0x7FFFFFFF  }
0xc3: {  	_ =	shalt  }
tec
execute0_lowered:
.L_overlay_start_1:
0x0: {  	(tag) =	ssettag $0x1  }
0x1: {  	s1 =	rddreg [dreg:$0x0]  }
0x2: {  	s2 =	rddreg [dreg:$0x1]  }
0x3: {  	s3 =	simm.s32 $0x0;
	s0 =	srdreg.scid;
	s12 =	stileid.u32  }
0x4: {  	s14 =	simm.s32 $0x3;
	s15 =	simm.s32 $0x8C00;
	s18 =	simm.s32 $0x80  }
0x5: {  	s19 =	simm.s32 $0x100;
	s20 =	simm.s32 $0x4100;
	s21 =	simm.s32 $0x4200  }
0x6: {  	s23 =	simm.s32 $0x0;
	[smem:$0x7FF] =	sst s3;
	s4 =	sadd.s32 $0x28F600, s1  }
0x7: {  	s5 =	sadd.s32 $0x28A600, s1;
	s0 =	sand.u32 $0x1, s0;
	s6 =	sadd.s32 $0x27B400, s1  }
0x8: {  	s7 =	sadd.s32 $0x271000, s1;
	s11 =	sshll.u32 s12, $0x4;
	s10 =	sshll.u32 s12, $0xB  }
0x9: {  	s31 =	sshll.u32 s12, $0x8;
	_ =	strace $0x80000059;
	[dreg:$0x3] =	wrdreg s6  }
0xa: {  	s26 =	smul.u32 $0x27100, s0;
	[dreg:$0x4] =	wrdreg s7;
	s28 =	ssub.s32 $0x2, s0  }
0xb: {  	s29 =	ssub.s32 $0x2810, s11;
	s10 =	sadd.s32 s10, s2;
	s8 =	sshrl.u32 s28, $0x1  }
0xc: {  	s30 =	ssub.s32 $0x2800, s11;
	s6 =	sadd.s32 s26, s1;
	s7 =	ssub.s32 s28, s8  }
0xd: {  	v1 =	vlaneseq.u32;
	v2 =	vimm.f32 $0.0e+00;
	v3 =	vmov s12;
	s9 =	sshrl.u32 s29, $0x8;
	s6 =	sadd.s32 $0xC3600, s6;
	s7 =	smax.u32 s7, $0x1  }
0xe: {  	v0 =	vmov s0;
	vm0 =	veq.s32 v3, v1;
	v3 =	vor.u32 $0x2710, v1;
	s11 =	sshrl.u32 s30, $0x8;
	[dreg:$0x5] =	wrdreg s7;
	s22 =	sadd.s32 s6, s31  }
.LBB2_1:
0xf: {  	s0 =	rddreg [dreg:$0x3];
	s6 =	simm.s32 $0x9400  }
0x10: {  	[tilespmem:s6], [sflag:$0x3] =	stream.linear.gather [hbm4b:s0+s3], $0x80, $0x38;
	[tilespmem:$0x1CD80] =	vst v63  }
0x11: {  	_ =	swait.ge [sflag:s14], $0x80  }
0x12: {  	[sflag:s14] =	ssyncset.done $0x0  }
0x13: {  	s31 =	rddreg [dreg:$0x4];
	[sflag:s14] =	ssyncadd.s32 $0xFFFFFF80  }
0x14: {  	v4 =	vld [tilespmem:$0x9400];
	[tilespmem:s6], [sflag:$0x3] =	stream.linear.gather [hbm4b:s31+s3], $0x80, $0x38  }
0x15: {  	_ =	swait.ge [sflag:s14], $0x80  }
0x16: {  	[sflag:s14] =	ssyncset.done $0x0  }
0x17: {  	[sflag:s14] =	ssyncadd.s32 $0xFFFFFF80  }
0x18: {  	s0 =	simm.s32 $0x0;
	s6 =	simm.s32 $0x200;
	v5 =	vld [tilespmem:$0x9400]  }
.LBB2_2:
0x19: {  	p0 =	sne.s32 s6, $0x1E00;
	[tilespmem:s0+$0x8C70] =	vst v2  }
0x1a: {  	[tilespmem:s0+$0x8C00] =	vst v2  }
0x1b: {  	[tilespmem:s0+$0x8C10] =	vst v2  }
.Ltmp0:
0x1c: {  	[tilespmem:s0+$0x8C20] =	vst v2;
	(pc) =	sbr.rel @p0 .LBB2_2-.Ltmp0, $4  }
0x1d: {  	[tilespmem:s0+$0x8C30] =	vst v2  }
0x1e: {  	[tilespmem:s0+$0x8C40] =	vst v2  }
0x1f: {  	[tilespmem:s0+$0x8C50] =	vst v2  }
0x20: {  	[tilespmem:s0+$0x8C60] =	vst v2;
	s0 =	sshra.s32 s6, $0x2;
	s6 =	sadd.s32 $0x200, s6  }
0x21: {  	[tilespmem:s0+$0x8C70] =	vst v2  }
0x22: {  	[tilespmem:s0+$0x8C00] =	vst v2  }
0x23: {  	[tilespmem:s0+$0x8C10] =	vst v2  }
0x24: {  	[tilespmem:s0+$0x8C20] =	vst v2  }
0x25: {  	[tilespmem:s0+$0x8C30] =	vst v2  }
0x26: {  	[tilespmem:s0+$0x8C40] =	vst v2;
	p0 =	sne.s32 s9, $0x1  }
.Ltmp1:
0x27: {  	[tilespmem:s0+$0x8C50] =	vst v2;
	(pc) =	sbr.rel @!p0 .LBB2_5-.Ltmp1, $4  }
0x28: {  	[tilespmem:s0+$0x8C60] =	vst v2  }
0x29: {  	[spmem:s10] =	stream.linear.scatter [tilespmem:s15], [sflag:$0x3], $0x800, $0x38;
	[tilespmem:$0x1CD80] =	vst v63  }
0x2a: {  	_ =	swait.ge [sflag:s14], $0x800  }
0x2b: {  	s0 =	sadd.s32 $0xFFFFFFFF, s9;
	s6 =	smov.u32 s10;
	[sflag:s14] =	ssyncset.done $0x0  }
.LBB2_4:
0x2c: {  	p0 =	sne.s32 s0, $0x1;
	[sflag:s14] =	ssyncadd.s32 $0xFFFFF800;
	s6 =	sadd.s32 $0x8000, s6  }
.Ltmp2:
0x2d: {  	s0 =	sadd.s32 $0xFFFFFFFF, s0;
	(pc) =	sbr.rel @p0 .LBB2_4-.Ltmp2, $4  }
0x2e: {  	_ = 	snop  }
0x2f: {  	[spmem:s6] =	stream.linear.scatter [tilespmem:s15], [sflag:$0x3], $0x800, $0x38;
	[tilespmem:$0x1CD80] =	vst v63  }
0x30: {  	_ =	swait.ge [sflag:s14], $0x800  }
0x31: {  	[sflag:s14] =	ssyncset.done $0x0  }
.LBB2_5:
0x32: {  	v4 =	vnsel vm0, $0x0, v4  }
0x33: {  	(xrf0) =	vadd.scan.msk.s32 $0xffff, v4;
	_ =	sdelay $0x5  }
0x34: {  	v5 =	vnsel vm0, $0x0, v5;
	v4, _, _ =	vpop (xrf0)  }
0x35: {  	(xrf0) =	vadd.scan.msk.s32 $0xffff, v5;
	(v2sf) =	vpush v4, $0xF;
	_ =	sdelay $0x5  }
0x36: {  	v5, _, _ =	vpop (xrf0)  }
0x37: {  	(v2sf) =	vpush v5, $0xF;
	_ =	sdelay $0x7  }
0x38: {  	s0 =	spop (v2sf)  }
0x39: {  	s6 =	sand.u32 $0x7, s0  }
0x3a: {  	s7 =	sshra.s32 s0, $0x1F;
	p0 =	slt.s32 s0, $0x1;
	p1 =	sne.s32 s6, $0x0  }
0x3b: {  	s28 =	sshrl.u32 s7, $0x1D;
	p0 =	por !p0, !p1  }
0x3c: {  	s6 =	simm.s32 $0x1;
	s0 =	sadd.s32 s28, s0;
	p0 =	por !p0, !p0  }
0x3d: {  	s0 =	sshra.s32 s0, $0x3;
	s6 =	simm.s32 @!p0 $0x0  }
0x3e: {  	s0 =	ssub.s32 s0, s6  }
0x3f: {  	s29 =	spop (v2sf);
	s24 =	sshll.u32 s0, $0x3  }
0x40: {  	s6 =	ssub.s32 s29, s24  }
0x41: {  	s6 =	sadd.s32 $0x7F, s6  }
0x42: {  	s30 =	sand.u32 $0x7F, s6  }
0x43: {  	s31 =	sshra.s32 s6, $0x1F;
	p6 =	slt.s32 s6, $0x1;
	p5 =	sne.s32 s30, $0x0  }
0x44: {  	s7 =	sshrl.u32 s31, $0x19;
	p0 =	por !p6, !p5  }
0x45: {  	s6 =	sadd.s32 s7, s6;
	s7 =	simm.s32 $0x1;
	p0 =	por !p0, !p0  }
0x46: {  	s6 =	sshra.s32 s6, $0x7;
	s7 =	simm.s32 @!p0 $0x0  }
0x47: {  	s25 =	ssub.s32 s6, s7  }
0x48: {  	p0 =	slt.s32 s25, $0x1  }
.Ltmp3:
0x49: {  	_ = 	snop;
	(pc) =	sbr.rel @p0 .LBB2_18-.Ltmp3, $3  }
0x4a: {  	_ = 	snop  }
0x4b: {  	[sflag:s14] =	ssyncadd.s32 $0xFFFFF800  }
0x4c: {  	[bflag:$0x0] =	sbarrier.arrive $0xFFFF;
	_ =	sdelay $0x1  }
0x4d: {  	s0 =	sand.u32 $0x1FFFFFFF, s0  }
0x4e: {  	s7 =	simm.s32 $0x0;
	s8 =	simm.s32 $0x8200;
	s6 =	sadd.s32 s4, s0  }
0x4f: {  	[tilespmem:s8], [sflag:$0x3] =	stream.linear.gather [hbm4b:s6+s7], $0x500, $0x38;
	[tilespmem:$0x1CD80] =	vst v63  }
0x50: {  	_ =	swait.ge [sflag:s14], $0x500  }
0x51: {  	[sflag:s14] =	ssyncset.done $0x0  }
0x52: {  	s31 =	simm.s32 $0x8700;
	s0 =	sadd.s32 s5, s0;
	[sflag:s14] =	ssyncadd.s32 $0xFFFFFB00  }
0x53: {  	[tilespmem:s31], [sflag:$0x3] =	stream.linear.gather [hbm4b:s0+s7], $0x500, $0x38;
	[tilespmem:$0x1CD80] =	vst v63  }
0x54: {  	_ =	swait.ge [sflag:s14], $0x500  }
0x55: {  	[sflag:s14] =	ssyncset.done $0x0  }
0x56: {  	s0 =	simm.s32 $0x0;
	[sflag:s14] =	ssyncadd.s32 $0xFFFFFB00  }
0x57: {  	v6 =	vld [tilespmem:s0+$0x8200]  }
0x58: {  	v7 =	vld [tilespmem:s0+$0x8700]  }
0x59: {  	v4 =	vbroadcast v4, $0xF;
	v5 =	vbroadcast v5, $0xF  }
0x5a: {  	v8 =	vadd.s32 s24, v1  }
0x5b: {  	s6 =	simm.s32 $0x40;
	vm1 =	vge.s32 v8, v4;
	vm2 =	vlt.s32 v8, v5;
	s7 =	smov.u32 s24  }
.LBB2_7:
0x5c: {  	s8 =	sshra.s32 s6, $0x2;
	p0 =	sne.s32 s6, $0x1C0;
	s6 =	sadd.s32 $0x40, s6;
	vm1 =	vmand vm1, vm2;
	v8 =	vshll.u32 v6, $0x1  }
.Ltmp4:
0x5d: {  	v6 =	vld [tilespmem:s8+$0x8200];
	v9 =	vsel vm1, v7, v3;
	v8 =	vor.u32 v0, v8;
	(pc) =	sbr.rel @p0 .LBB2_7-.Ltmp4, $4  }
0x5e: {  	v7 =	vld [tilespmem:s8+$0x8700];
	[tilespmem:s0+$0x0] =	vst v8  }
0x5f: {  	s7 =	sadd.s32 $0x10, s7;
	[tilespmem:s0+$0x80] =	vst v9;
	s0 =	smov.u32 s8  }
0x60: {  	v8 =	vadd.s32 s7, v1  }
0x61: {  	vm1 =	vge.s32 v8, v4;
	vm2 =	vlt.s32 v8, v5  }
.Ltmp5:
0x62: {  	v6 =	vshll.u32 v6, $0x1;
	(pc) =	sbr.rel .LBB2_9-.Ltmp5, $4  }
0x63: {  	vm1 =	vmand vm1, vm2;
	v6 =	vor.u32 v0, v6  }
0x64: {  	s26 =	simm.s32 $0x0;
	s7 =	sadd.s32 $0x80, s24;
	v7 =	vsel vm1, v7, v3;
	[tilespmem:s0+$0x0] =	vst v6  }
0x65: {  	s29 =	simm.s32 $0x8280;
	s30 =	simm.s32 $0x1;
	s31 =	simm.s32 $0x8780;
	[tilespmem:s0+$0x80] =	vst v7  }
0x66: {  	[tilespmem:s19], [sflag:$0x1] =	stream.indirect.gather [hbm4b:s1+s18], $0x80, s26, s18, $0xb8;
	[tilespmem:$0x1CD80] =	vst v63  }
.LBB2_17:
0x67: {  	p1 =	sne.s32 s0, $0x0  }
0x68: {  	s0 =	simm.s32 @!p1 $0x1  }
0x69: {  	_ =	swait.ge @!p1 [sflag:s0], $0x4000  }
0x6a: {  	[sflag:s0] =	ssyncset.done @!p1 $0x0  }
0x6b: {  	s6 =	simm.s32 @!p1 $0x100;
	[sflag:s0] =	ssyncadd.s32 @!p1 $0xFFFFC000;
	s0 =	simm.s32 @!p1 $0x80  }
0x6c: {  	[spmem:s2] =	stream.indirect.scatter.add.f32 @!p1 [tilespmem:s6], [sflag:$0x4], $0x80, s0, s0, $0xb8;
	[tilespmem:$0x1CD80] =	vst v63  }
0x6d: {  	s0 =	simm.s32 @!p1 $0x4  }
0x6e: {  	_ =	swait.ge @!p1 [sflag:s0], $0x4000  }
0x6f: {  	[sflag:s0] =	ssyncset.done @!p1 $0x0  }
0x70: {  	[sflag:s0] =	ssyncadd.s32 @!p1 $0xFFFFC000;
	s0 =	simm.s32 @p0 $0x2  }
0x71: {  	_ =	swait.ge @p0 [sflag:s0], $0x4000  }
0x72: {  	s8 =	simm.s32 @p0 $0x4200;
	[sflag:s0] =	ssyncset.done @p0 $0x0  }
0x73: {  	s6 =	simm.s32 @p0 $0x4180;
	[sflag:s0] =	ssyncadd.s32 @p0 $0xFFFFC000;
	s0 =	simm.s32 @p0 $0x80  }
0x74: {  	[spmem:s2] =	stream.indirect.scatter.add.f32 @p0 [tilespmem:s8], [sflag:$0x3], $0x80, s6, s0, $0xb8;
	[tilespmem:$0x1CD80] =	vst v63  }
0x75: {  	s0 =	simm.s32 @p0 $0x3  }
0x76: {  	_ =	swait.ge @p0 [sflag:s0], $0x4000  }
0x77: {  	[sflag:s0] =	ssyncset.done @p0 $0x0  }
0x78: {  	[sflag:s0] =	ssyncadd.s32 @p0 $0xFFFFC000;
	p0 =	sne.s32 s26, s25  }
.Ltmp6:
0x79: {  	_ = 	snop;
	(pc) =	sbr.rel @!p0 .LBB2_18-.Ltmp6, $3  }
0x7a: {  	_ =	sdelay $0x1  }
0x7b: {  	s29 =	sadd.s32 $0x80, s29  }
0x7c: {  	s30 =	sadd.s32 $0x1, s30;
	s31 =	sadd.s32 $0x80, s31;
	s7 =	sadd.s32 $0x80, s7  }
.LBB2_9:
0x7d: {  	s0 =	sand.u32 $0x1, s26;
	s26 =	sadd.s32 $0x1, s26  }
0x7e: {  	p1 =	sge.s32 s26, s25  }
0x7f: {  	s6 =	smulhi.u32 $0xCCCCCCCD, s30;
	p0 =	sne.s32 @!p1 s0, $0x0  }
0x80: {  	p0 =	por p1, p0  }
.Ltmp7:
0x81: {  	s6 =	sshrl.u32 s6, $0x3;
	(pc) =	sbr.rel @p0 .LBB2_13-.Ltmp7, $3  }
0x82: {  	s6 =	smul.u32 $0xFFFFEC00, s6;
	_ =	sdelay $0x1  }
0x83: {  	s6 =	sshra.s32 s6, $0x2  }
0x84: {  	s16 =	sadd.s32 s6, s29;
	s17 =	sadd.s32 s6, s31  }
0x85: {  	s6 =	sadd.s32 $0x0, s17  }
0x86: {  	v6 =	vld [tilespmem:s6+$0x0];
	_ =	sdelay $0x1  }
0x87: {  	v7 =	vadd.s32 s7, v1  }
0x88: {  	vm1 =	vge.s32 v7, v4;
	vm2 =	vlt.s32 v7, v5  }
0x89: {  	vm1 =	vmand vm1, vm2  }
0x8a: {  	s6 =	simm.s32 $0x0;
	v6 =	vsel vm1, v6, v3  }
0x8b: {  	s8 =	sadd.s32 $0x0, s16;
	[tilespmem:s6+$0x4180] =	vst v6  }
0x8c: {  	v6 =	vld [tilespmem:s8+$0x0];
	_ =	sdelay $0x4  }
0x8d: {  	v6 =	vshll.u32 v6, $0x1  }
0x8e: {  	s13 =	simm.s32 $0x10;
	s28 =	smov.u32 s7;
	s8 =	simm.s32 $0x80;
	v6 =	vor.u32 v0, v6  }
.LBB2_11:
0x8f: {  	p0 =	sne.s32 s8, $0x1C0;
	s12 =	sadd.s32 s13, s17;
	[tilespmem:s6+$0x4100] =	vst v6;
	s6 =	smov.u32 s13  }
0x90: {  	v6 =	vld [tilespmem:s12+$0x0]  }
0x91: {  	s28 =	sadd.s32 $0x10, s28  }
0x92: {  	v7 =	vadd.s32 s28, v1  }
0x93: {  	vm1 =	vge.s32 v7, v4;
	vm2 =	vlt.s32 v7, v5  }
0x94: {  	vm1 =	vmand vm1, vm2  }
0x95: {  	v6 =	vsel vm1, v6, v3  }
0x96: {  	s12 =	sadd.s32 s6, s16;
	[tilespmem:s6+$0x4180] =	vst v6  }
0x97: {  	v6 =	vld [tilespmem:s12+$0x0];
	_ =	sdelay $0x1  }
.Ltmp8:
0x98: {  	(pc) =	sbr.rel @p0 .LBB2_11-.Ltmp8, $3  }
0x99: {  	_ =	sdelay $0x1  }
0x9a: {  	v6 =	vshll.u32 v6, $0x1  }
0x9b: {  	s13 =	sshra.s32 s8, $0x2;
	s8 =	sadd.s32 $0x40, s8;
	v6 =	vor.u32 v0, v6  }
0x9c: {  	s8 =	sadd.s32 s13, s17;
	[tilespmem:s6+$0x4100] =	vst v6  }
0x9d: {  	v6 =	vld [tilespmem:s8+$0x0]  }
0x9e: {  	s12 =	sadd.s32 $0x10, s28  }
0x9f: {  	v7 =	vadd.s32 s12, v1  }
0xa0: {  	vm1 =	vge.s32 v7, v4;
	vm2 =	vlt.s32 v7, v5  }
0xa1: {  	vm1 =	vmand vm1, vm2  }
0xa2: {  	v6 =	vsel vm1, v6, v3  }
0xa3: {  	s28 =	sadd.s32 s13, s16;
	[tilespmem:s13+$0x4180] =	vst v6  }
0xa4: {  	v6 =	vld [tilespmem:s28+$0x0];
	_ =	sdelay $0x4  }
0xa5: {  	v6 =	vshll.u32 v6, $0x1  }
0xa6: {  	v6 =	vor.u32 v0, v6  }
0xa7: {  	[tilespmem:s13+$0x4100] =	vst v6  }
0xa8: {  	[tilespmem:s21], [sflag:$0x2] =	stream.indirect.gather [hbm4b:s1+s18], $0x80, s20, s18, $0xb8;
	[tilespmem:$0x1CD80] =	vst v63  }
.LBB2_13:
0xa9: {  	p0 =	seq.s32 s0, $0x1  }
0xaa: {  	p1 =	por p1, !p0  }
.Ltmp9:
0xab: {  	_ = 	snop;
	(pc) =	sbr.rel @p1 .LBB2_17-.Ltmp9, $1  }
0xac: {  	_ =	sdelay $0x3  }
0xad: {  	s6 =	smul.u32 $0xCCCCCCCD, s26;
	_ =	sdelay $0x1  }
0xae: {  	s8 =	sshll.u32 s6, $0x1F;
	s6 =	sshrl.u32 s6, $0x1  }
0xaf: {  	s12 =	sshll.u32 s26, $0x7;
	s6 =	sor.u32 s8, s6  }
0xb0: {  	s8 =	sadd.s32 s24, s12;
	p1 =	sgt.u32 s6, $0x19999999  }
0xb1: {  	s6 =	sshrl.u32 @!p1 s8, $0x3  }
0xb2: {  	s12 =	simm.s32 @!p1 $0x0;
	s13 =	simm.s32 @!p1 $0x8200;
	s8 =	sadd.s32 @!p1 s4, s6  }
0xb3: {  	[tilespmem:s13], [sflag:$0x4] =	stream.linear.gather @!p1 [hbm4b:s8+s12], $0x500, $0x38;
	[tilespmem:$0x1CD80] =	vst v63  }
0xb4: {  	s8 =	simm.s32 @!p1 $0x4  }
0xb5: {  	_ =	swait.ge @!p1 [sflag:s8], $0x500  }
0xb6: {  	[sflag:s8] =	ssyncset.done @!p1 $0x0  }
0xb7: {  	v7 =	vmov s17;
	s6 =	sadd.s32 @!p1 s5, s6;
	s13 =	simm.s32 @!p1 $0x8700;
	[sflag:s8] =	ssyncadd.s32 @!p1 $0xFFFFFB00  }
0xb8: {  	[tilespmem:s13], [sflag:$0x4] =	stream.linear.gather @!p1 [hbm4b:s6+s12], $0x500, $0x38;
	[tilespmem:$0x1CD80] =	vst v63  }
0xb9: {  	_ =	swait.ge @!p1 [sflag:s8], $0x500  }
0xba: {  	[sflag:s8] =	ssyncset.done @!p1 $0x0  }
0xbb: {  	s28 =	simm.s32 $0x0;
	[sflag:s8] =	ssyncadd.s32 @!p1 $0xFFFFFB00  }
0xbc: {  	v8 =	vld.idx.msk [tilespmem:v7+s28+$0x0 ss:$0x1], $0xffff;
	_ =	sdelay $0x1  }
0xbd: {  	v6 =	vmov s16;
	v9 =	vadd.s32 s7, v1  }
0xbe: {  	vm1 =	vge.s32 v9, v4;
	vm2 =	vlt.s32 v9, v5  }
0xbf: {  	vm1 =	vmand vm1, vm2  }
0xc0: {  	v8 =	vsel vm1, v8, v3  }
0xc1: {  	[tilespmem:s28+$0x80] =	vst v8  }
0xc2: {  	v8 =	vld.idx.msk [tilespmem:v6+s28+$0x0 ss:$0x1], $0xffff;
	_ =	sdelay $0x4  }
0xc3: {  	v8 =	vshll.u32 v8, $0x1  }
0xc4: {  	v8 =	vor.u32 v0, v8  }
0xc5: {  	s16 =	simm.s32 $0x10;
	s6 =	smov.u32 s7;
	s8 =	simm.s32 $0x80;
	[tilespmem:s28+$0x0] =	vst v8  }
.LBB2_15:
0xc6: {  	p1 =	sne.s32 s8, $0x1C0;
	v8 =	vld.idx.msk [tilespmem:v7+s16+$0x0 ss:$0x1], $0xffff;
	_ =	sdelay $0x1  }
0xc7: {  	s6 =	sadd.s32 $0x10, s6  }
0xc8: {  	v9 =	vadd.s32 s6, v1  }
0xc9: {  	vm1 =	vge.s32 v9, v4;
	vm2 =	vlt.s32 v9, v5  }
0xca: {  	vm1 =	vmand vm1, vm2  }
0xcb: {  	v8 =	vsel vm1, v8, v3  }
0xcc: {  	[tilespmem:s16+$0x80] =	vst v8  }
0xcd: {  	v8 =	vld.idx.msk [tilespmem:v6+s16+$0x0 ss:$0x1], $0xffff;
	_ =	sdelay $0x3  }
.Ltmp10:
0xce: {  	(pc) =	sbr.rel @p1 .LBB2_15-.Ltmp10, $4  }
0xcf: {  	_ = 	snop  }
0xd0: {  	v8 =	vshll.u32 v8, $0x1  }
0xd1: {  	v8 =	vor.u32 v0, v8  }
0xd2: {  	[tilespmem:s16+$0x0] =	vst v8;
	s16 =	sshra.s32 s8, $0x2;
	s8 =	sadd.s32 $0x40, s8  }
0xd3: {  	_ =	sdelay $0x3  }
0xd4: {  	v7 =	vld.idx.msk [tilespmem:v7+s16+$0x0 ss:$0x1], $0xffff  }
0xd5: {  	s6 =	sadd.s32 $0x10, s6  }
0xd6: {  	v8 =	vadd.s32 s6, v1  }
0xd7: {  	vm1 =	vge.s32 v8, v4;
	vm2 =	vlt.s32 v8, v5  }
0xd8: {  	vm1 =	vmand vm1, vm2  }
0xd9: {  	v7 =	vsel vm1, v7, v3  }
0xda: {  	[tilespmem:s16+$0x80] =	vst v7  }
0xdb: {  	v6 =	vld.idx.msk [tilespmem:v6+s16+$0x0 ss:$0x1], $0xffff;
	_ =	sdelay $0x3  }
.Ltmp11:
0xdc: {  	_ = 	snop;
	(pc) =	sbr.rel .LBB2_17-.Ltmp11, $4  }
0xdd: {  	v6 =	vshll.u32 v6, $0x1  }
0xde: {  	v6 =	vor.u32 v0, v6  }
0xdf: {  	[tilespmem:s16+$0x0] =	vst v6  }
0xe0: {  	[tilespmem:s19], [sflag:$0x1] =	stream.indirect.gather [hbm4b:s1+s18], $0x80, s3, s18, $0xb8;
	[tilespmem:$0x1CD80] =	vst v63  }
.LBB2_18:
0xe1: {  	p0 =	sne.s32 s11, $0x1  }
.Ltmp12:
0xe2: {  	s0 =	stileid.u32;
	(pc) =	sbr.rel @!p0 .LBB2_20-.Ltmp12, $4  }
0xe3: {  	[bflag:$0x0] =	sbarrier.arrive $0xFFFF;
	s0 =	sshll.u32 s0, $0x6  }
0xe4: {  	s6 =	sshrl.u32 s10, $0x3;
	s7 =	sadd.s32 $0x1000, s22;
	s0 =	sor.u32 $0x1C03, s0  }
0xe5: {  	[hbm:s22], [sflag:s0] =	dma.local [spmem:s6], $0x100  }
0xe6: {  	s8 =	smov.u32 s10;
	s6 =	sadd.s32 $0xFFFFFFFF, s11;
	_ =	swait.ge [sflag:s14], $0x100  }
.LBB2_19:
0xe7: {  	[sflag:s14] =	ssyncset.done $0x0;
	s8 =	sadd.s32 $0x8000, s8;
	p0 =	sne.s32 s6, $0x1  }
.Ltmp13:
0xe8: {  	s12 =	sshrl.u32 s8, $0x3;
	[sflag:s14] =	ssyncadd.s32 $0xFFFFFF00;
	(pc) =	sbr.rel @p0 .LBB2_19-.Ltmp13, $3  }
0xe9: {  	[hbm:s7], [sflag:s0] =	dma.local [spmem:s12], $0x100  }
0xea: {  	s6 =	sadd.s32 $0xFFFFFFFF, s6;
	_ =	sdelay $0x1  }
0xeb: {  	s7 =	sadd.s32 $0x1000, s7;
	_ =	swait.ge [sflag:s14], $0x100  }
.LBB2_20:
0xec: {  	s23 =	sadd.s32 $0x1, s23;
	s0 =	rddreg [dreg:$0x5]  }
0xed: {  	p0 =	sne.s32 s23, s0  }
.Ltmp14:
0xee: {  	_ = 	snop;
	(pc) =	sbr.rel @p0 .LBB2_1-.Ltmp14, $3  }
0xef: {  	_ =	sdelay $0x1  }
0xf0: {  	[sflag:s14] =	ssyncset.done $0x0  }
0xf1: {  	[sflag:s14] =	ssyncadd.s32 $0xFFFFFF00  }
0xf2: {  	_ =	sfence.sel $0x180000  }
0xf3: {  	[bflag:$0x0] =	sbarrier.arrive $0xFFFF  }
0xf4: {  	_ =	strace $0x90000059  }
0xf5: {  	s0 =	stileid.u32;
	[bflag:$0x2] =	sbarrier.arrive $0xFFFF  }
0xf6: {  	p0 =	sne.s32 s0, $0x0;
	s0 =	rddreg [dreg:$0x2]  }
0xf7: {  	s0 =	sadd.s32 @!p0 $0x100000, s0  }
0xf8: {  	[sflag:s0] =	ssyncadd.tile.s32 @!p0 $0x1;
	_ =	shalt  }
.Lfunc_end2:
_tile_overlayer_lowered:
.L_overlay_start_2:
0xf9: {  	(tag) =	ssettag $0x2  }
0xfa: {  	s0 =	rddreg [dreg:$0x0];
	s2 =	stileid.u32  }
0xfb: {  	s1 =	rddreg [dreg:$0x1];
	p0 =	sne.s32 s2, $0x0  }
0xfc: {  	s3 =	rddreg [dreg:$0x2];
	[bflag:$0x3] =	sbarrier.arrive $0xFFFF;
	s2 =	simm.s32 @!p0 $0x1C03  }
0xfd: {  	[timem:s3], [sflag:s2] =	dma.local @!p0 [hbm:s0], s1  }
0xfe: {  	s0 =	simm.s32 @!p0 $0x3  }
0xff: {  	_ =	swait.ge @!p0 [sflag:s0], s1  }
0x100: {  	s1 =	ssub.s32 @!p0 $0x0, s1;
	[sflag:s0] =	ssyncset.done @!p0 $0x0  }
0x101: {  	[sflag:s0] =	ssyncadd.s32 @!p0 s1  }
0x102: {  	[bflag:$0x3] =	sbarrier.arrive $0xFFFF  }
0x103: {  	_ =	shalt  }

// kernel: scatter_offload_async_start
scs
__scs_entry_jumppad:
0x0: {  	(pc) =	sbr.rel $0x88, $3  }
0x1: {  	(tag) =	ssettag $0x0;
	lr =	simm.s32 $0x1  }
0x2: {  	[smem:$0x3F91] =	sst lr;
	_ =	strace $0xD0000000  }
0x3: {  	_ = 	snop  }
0x4: {  	_ = 	snop  }
0x5: {  	_ = 	snop  }
0x6: {  	_ = 	snop  }
0x7: {  	_ = 	snop  }
__scs_overlays_trampoline_lowered:
0x8: {  	[smem:$0x3FA0] =	sst s0  }
0x9: {  	[smem:$0x3FA1] =	sst s1  }
0xa: {  	[smem:$0x3FA2] =	sst s2  }
0xb: {  	[smem:$0x3FA3] =	sst s3  }
0xc: {  	[smem:$0x3FA4] =	sst s4  }
0xd: {  	[smem:$0x3FA5] =	sst s5  }
0xe: {  	[smem:$0x3FA6] =	sst s6  }
0xf: {  	[smem:$0x3FA7] =	sst s7  }
0x10: {  	[smem:$0x3FA8] =	sst s8  }
0x11: {  	[smem:$0x3FA9] =	sst s9;
	s0 =	simm.s32 @!p0 $0x0  }
0x12: {  	s1 =	sld [smem:$0x3F8F];
	s0 =	simm.s32 @p0 $0x1  }
0x13: {  	[smem:$0x3FAA] =	sst s0;
	s0 =	simm.s32 @!p1 $0x0  }
0x14: {  	s2 =	sld [smem:$0x3F8E];
	s0 =	simm.s32 @p1 $0x1  }
0x15: {  	[smem:$0x3FAB] =	sst s0;
	s0 =	simm.s32 @!p2 $0x0  }
0x16: {  	s3 =	sld [smem:$0x3FDB];
	s0 =	simm.s32 @p2 $0x1  }
0x17: {  	s4 =	simm.s32 $0x1BF5;
	[smem:$0x3FAD] =	sst s0  }
0x18: {  	s0 =	sld [smem:$0x3F90];
	_ =	swait.ge [sflag:s4], $0x0  }
0x19: {  	s7 =	sld [smem:$0x3F91]  }
0x1a: {  	s8 =	sadd.s32 $0xFFFFE003, lr  }
0x1b: {  	s9 =	sadd.s32 $0xFFFFFEF7, lr;
	s5 =	simm.s32 $0xFFFFFFFF;
	p2 =	slt.u32 s8, $0xFFFFF086  }
0x1c: {  	p1 =	slt.u32 s9, $0xF7A;
	s5 =	simm.s32 @!p2 $0x0  }
0x1d: {  	s5 =	simm.s32 @p1 $0x1;
	p0 =	seq.s32 s7, s2  }
0x1e: {  	s7 =	smul.u32 @!p0 $0xF7A, s2;
	p2 =	seq.s32 @!p0 s5, $0x0  }
0x1f: {  	s9 =	smul.u32 $0xF7A, s1;
	s8 =	simm.s32 @!p0 $0x1BF5;
	p2 =	por !p2, p0  }
0x20: {  	[sflag:s8] =	ssyncset.s32 @!p0 $0xFFFFF086;
	s6 =	sadd.s32 @!p0 s3, s7;
	s7 =	simm.s32 @!p0 $0x108  }
0x21: {  	s3 =	sadd.s32 s3, s9;
	s6 =	sadd.s32 @!p0 $0x88, s6;
	s7 =	simm.s32 @p2 $0x1082  }
0x22: {  	[simem:s7], [sflag:s8] =	dma.local @!p0 [hbm:s6], $0xF7A  }
0x23: {  	s9 =	sor.u32 $0xD0000000, s2;
	s6 =	simm.s32 $0x108;
	_ =	swait.ge @!p0 [sflag:s8], $0x0  }
0x24: {  	s3 =	sadd.s32 $0x88, s3;
	s6 =	simm.s32 @!p1 $0x1082;
	[sflag:s4] =	ssyncset.s32 $0xFFFFF086  }
0x25: {  	[simem:s6], [sflag:s4] =	dma.local [hbm:s3], $0xF7A  }
0x26: {  	[smem:$0x3F91] =	sst s1;
	(tag) =	ssettag s2;
	_ =	strace s9  }
0x27: {  	s1 =	sld [smem:$0x3FA1]  }
0x28: {  	s2 =	sld [smem:$0x3FA2]  }
0x29: {  	s4 =	sld [smem:$0x3FA4]  }
0x2a: {  	p0 =	seq.s32 s5, $0x0;
	s5 =	sld [smem:$0x3FA5]  }
0x2b: {  	s6 =	sld [smem:$0x3FA6]  }
0x2c: {  	s7 =	sld [smem:$0x3FA7]  }
0x2d: {  	s3 =	simm.s32 $0x108;
	s8 =	sld [smem:$0x3FA8]  }
0x2e: {  	s3 =	simm.s32 @!p0 $0x1082;
	s9 =	sld [smem:$0x3FA9]  }
0x2f: {  	lr =	sadd.s32 s0, s3;
	s0 =	sld [smem:$0x3FA0]  }
0x30: {  	s3 =	sld [smem:$0x3FA3]  }
0x31: {  	[smem:$0x3FAC] =	sst s10  }
0x32: {  	s10 =	sld [smem:$0x3FAA];
	_ =	sdelay $0x3  }
0x33: {  	p0 =	seq.s32 s10, $0x1;
	s10 =	sld [smem:$0x3FAC];
	_ =	sdelay $0x3  }
0x34: {  	[smem:$0x3FAC] =	sst s10  }
0x35: {  	s10 =	sld [smem:$0x3FAB];
	_ =	sdelay $0x3  }
0x36: {  	p1 =	seq.s32 s10, $0x1;
	s10 =	sld [smem:$0x3FAC];
	_ =	sdelay $0x3  }
0x37: {  	[smem:$0x3FAC] =	sst s10  }
0x38: {  	s10 =	sld [smem:$0x3FAD]  }
0x39: {  	_ = 	snop;
	(pc) =	sbr.ind lr, $3  }
0x3a: {  	_ = 	snop  }
0x3b: {  	_ = 	snop  }
0x3c: {  	p2 =	seq.s32 s10, $0x1;
	s10 =	sld [smem:$0x3FAC]  }
0x3d: {  	_ =	shalt  }
0x3e: {  	_ =	shalt  }
0x3f: {  	_ =	shalt  }
0x40: {  	_ =	shalt  }
0x41: {  	_ =	shalt  }
0x42: {  	_ =	shalt  }
0x43: {  	_ =	shalt  }
0x44: {  	_ =	shalt  }
0x45: {  	_ =	shalt  }
0x46: {  	_ =	shalt  }
0x47: {  	_ =	shalt  }
0x48: {  	_ =	shalt  }
0x49: {  	_ =	shalt  }
0x4a: {  	_ =	shalt  }
0x4b: {  	_ =	shalt  }
0x4c: {  	_ =	shalt  }
0x4d: {  	_ =	shalt  }
0x4e: {  	_ =	shalt  }
0x4f: {  	_ =	shalt  }
0x50: {  	_ =	shalt  }
0x51: {  	_ =	shalt  }
0x52: {  	_ =	shalt  }
0x53: {  	_ =	shalt  }
0x54: {  	_ =	shalt  }
0x55: {  	_ =	shalt  }
0x56: {  	_ =	shalt  }
0x57: {  	_ =	shalt  }
0x58: {  	_ =	shalt  }
0x59: {  	_ =	shalt  }
0x5a: {  	_ =	shalt  }
0x5b: {  	_ =	shalt  }
0x5c: {  	_ =	shalt  }
0x5d: {  	_ =	shalt  }
0x5e: {  	_ =	shalt  }
0x5f: {  	_ =	shalt  }
0x60: {  	_ =	shalt  }
0x61: {  	_ =	shalt  }
0x62: {  	_ =	shalt  }
0x63: {  	_ =	shalt  }
0x64: {  	_ =	shalt  }
0x65: {  	_ =	shalt  }
0x66: {  	_ =	shalt  }
0x67: {  	_ =	shalt  }
0x68: {  	_ =	shalt  }
0x69: {  	_ =	shalt  }
0x6a: {  	_ =	shalt  }
0x6b: {  	_ =	shalt  }
0x6c: {  	_ =	shalt  }
0x6d: {  	_ =	shalt  }
0x6e: {  	_ =	shalt  }
0x6f: {  	_ =	shalt  }
0x70: {  	_ =	shalt  }
0x71: {  	_ =	shalt  }
0x72: {  	_ =	shalt  }
0x73: {  	_ =	shalt  }
0x74: {  	_ =	shalt  }
0x75: {  	_ =	shalt  }
0x76: {  	_ =	shalt  }
0x77: {  	_ =	shalt  }
0x78: {  	_ =	shalt  }
0x79: {  	_ =	shalt  }
0x7a: {  	_ =	shalt  }
0x7b: {  	_ =	shalt  }
0x7c: {  	_ =	shalt  }
0x7d: {  	_ =	shalt  }
0x7e: {  	_ =	shalt  }
0x7f: {  	_ =	shalt  }
0x80: {  	_ =	shalt  }
0x81: {  	_ =	shalt  }
0x82: {  	_ =	shalt  }
0x83: {  	_ =	shalt  }
0x84: {  	_ =	shalt  }
0x85: {  	_ =	shalt  }
0x86: {  	_ =	shalt  }
0x87: {  	_ =	shalt  }
.Lfunc_end0:
.L_simem_size_0:
called_computation_lowered:
.L_overlay_start_0:
0x88: {  	s0 =	sld [smem:$0x3FD9]  }
0x89: {  	s1 =	sld [smem:$0x3FFE];
	_ =	sdelay $0x3  }
0x8a: {  	s0 =	sadd.s32 s1, s0  }
0x8b: {  	[smem:$0x3FB8] =	sst s0  }
0x8c: {  	_ = 	snop  }
0x8d: {  	(tm) =	ssettm $0x1  }
0x8e: {  	s15 =	sld [smem:$0x3FFB];
	_ =	sdelay $0x3  }
0x8f: {  	_ =	strace s15  }
0x90: {  	s0 =	sld [smem:$0x3FFC];
	_ =	sdelay $0x3  }
0x91: {  	_ =	strace s0  }
0x92: {  	s0 =	sld [smem:$0x3FFD];
	_ =	sdelay $0x3  }
0x93: {  	_ =	strace s0  }
0x94: {  	_ =	strace $0x8FFFFFFF  }
0x95: {  	s16 =	sld [smem:$0x3FDB];
	_ =	sdelay $0x1  }
0x96: {  	s17 =	simm.s32 $_scs_section_size  }
0x97: {  	s2 =	simm.s32 $_size__tile_overlayer_lowered;
	s3 =	simm.s32 $_tile_overlayer_lowered  }
0x98: {  	s20 =	simm.s32 $0x1BFF;
	s19 =	sshll.u32 s3, $0x1;
	s0 =	sadd.s32 s17, s16  }
0x99: {  	s4 =	simm.s32 $0x0;
	s18 =	sshll.u32 s2, $0x1;
	s2 =	sadd.s32 s19, s0  }
0x9a: {  	[timem:s4], [sflag:s20] =	dma.local [hbm:s2], s18  }
0x9b: {  	_ =	swait.ge [sflag:s20], s18  }
0x9c: {  	s1 =	ssub.s32 $0x0, s18;
	[sflag:s20] =	ssyncset.done $0x0  }
0x9d: {  	[sflag:s20] =	ssyncadd.s32 s1;
	_ =	sdelay $0x1  }
0x9e: {  	s21 =	simm.s32 $0x1B8B  }
0x9f: {  	_ =	swait.ge [sflag:s21], $0x1  }
0xa0: {  	[sflag:s21] =	ssyncset.done $0x0  }
0xa1: {  	s23 =	simm.s32 $0x1B8E;
	s22 =	sld [smem:$0x3FFE];
	[sflag:s21] =	ssyncadd.s32 $0xFFFFFFFF  }
0xa2: {  	s24 =	simm.s32 $execute0_lowered;
	[smem:$0x3FD2] =	sst s23  }
0xa3: {  	s2 =	sshll.u32 s24, $0x1;
	_ =	strace $0x80000049;
	[dreg:$0x1] =	wrdreg $0xFFFFFFFF  }
0xa4: {  	s25 =	simm.s32 $_size_execute0_lowered;
	s0 =	sadd.s32 s0, s2;
	[dreg:$0x0] =	wrdreg $0x0  }
0xa5: {  	s2 =	sshll.u32 s25, $0x1;
	[dreg:$0x2] =	wrdreg s0  }
0xa6: {  	[dreg:$0x3] =	wrdreg s2  }
0xa7: {  	[dreg:$0x4] =	wrdreg $0xC0  }
0xa8: {  	_ =	task [dreg:s4], $0x5FFFF  }
0xa9: {  	[dreg:$0x1] =	wrdreg $0xFFFFFFFF  }
0xaa: {  	[dreg:$0x0] =	wrdreg $0x60  }
0xab: {  	[dreg:$0x2] =	wrdreg s22  }
0xac: {  	[dreg:$0x3] =	wrdreg $0x9  }
0xad: {  	_ =	task.clear_ibuf [dreg:s4], $0x4FFFF;
	_ =	strace $0x90000049  }
0xae: {  	s26 =	simm.s32 $0x9;
	_ =	strace $0x8000004B  }
0xaf: {  	_ =	swait.ge [sflag:s26], $0x1  }
0xb0: {  	[sflag:s26] =	ssyncadd.s32 $0xFFFFFFFF  }
0xb1: {  	_ =	strace $0x9000004B  }
0xb2: {  	_ =	sfence  }
0xb3: {  	s28 =	sld [smem:$0x0];
	_ =	sdelay $0x1  }
0xb4: {  	s29 =	srdreg.scid  }
0xb5: {  	s30 =	sshll.u32 s29, $0xD;
	s31 =	sshrl.u32 s29, $0x2  }
0xb6: {  	s1 =	sand.u32 $0x1, s29;
	s2 =	sand.u32 $0x4000, s30;
	s0 =	sadd.s32 s31, s28  }
0xb7: {  	s1 =	sor.u32 s2, s1;
	s0 =	sshll.u32 s0, $0x11  }
0xb8: {  	s0 =	sor.u32 s0, s1  }
0xb9: {  	s0 =	sadd.s32 $0x8F2B, s0  }
0xba: {  	[sflag:s0] =	ssyncadd.remote.s32 $0x1  }
0xbb: {  	_ =	sfence.sel $0xFFFF  }
0xbc: {  	[dreg:$0x0] =	wrdreg $0xFFFFFFFF;
	(pc) =	sbr.abs _section_cstart, $3  }
0xbd: {  	[dreg:$0x1] =	wrdreg $0xFFFFFFFF  }
0xbe: {  	_ =	task.clear_ibuf [dreg:s4], $0x2FFFF;
	_ =	strace $0x9FFFFFFF  }
0xbf: {  	(tm) =	ssettm $0x7FFFFFFF  }
tec
execute0_lowered:
.L_overlay_start_1:
0x0: {  	(tag) =	ssettag $0x1  }
0x1: {  	s7 =	rddreg [dreg:$0x0]  }
0x2: {  	s0 =	rddreg [dreg:$0x1]  }
0x3: {  	_ =	strace $0x8000004A;
	s3 =	stileid.u32;
	s4 =	simm.s32 $0x3E  }
0x4: {  	s1 =	sadd.s32 $0x285600, s7;
	p0 =	sne.s32 s3, $0x0;
	[sflag:s4] =	ssyncpa.u1 $0x0  }
0x5: {  	s30 =	smin.u32 s3, $0x4;
	s2 =	simm.s32 @!p0 $0x1C3E;
	s5 =	simm.s32 @!p0 $0x0  }
0x6: {  	[spmem:s5], [sflag:s2] =	dma.local @!p0 [hbm:s1], $0x4E80  }
0x7: {  	s2 =	sadd.s32 s3, s30  }
0x8: {  	p1 =	slt.u32 s3, $0x4;
	s3 =	simm.s32 $0x3E80;
	s2 =	smul.u32 $0x1F40, s2  }
0x9: {  	s3 =	simm.s32 @!p1 $0x1F40  }
0xa: {  	s3 =	sadd.s32 s3, s2  }
0xb: {  	s3 =	smin.u32 s3, $0x27100  }
0xc: {  	s8 =	ssub.s32 s3, s2  }
0xd: {  	p1 =	sgt.s32 s8, $0x0  }
0xe: {  	s8 =	simm.s32 @!p1 $0x0  }
0xf: {  	s5 =	simm.s32 @!p0 $0x3E;
	s31 =	smulhi.u32 $0x10624DD3, s8  }
0x10: {  	_ =	swait.ge @!p0 [sflag:s5], $0x4E80  }
0x11: {  	s6 =	simm.s32 $0x2;
	[sflag:s5] =	ssyncset.done @!p0 $0x0;
	s9 =	sshrl.u32 s31, $0x9  }
0x12: {  	s11 =	simm.s32 $0x0;
	[sflag:s5] =	ssyncadd.s32 @!p0 $0xFFFFB180;
	s10 =	smul.u32 $0x1F40, s9  }
.Ltmp0:
0x13: {  	s5 =	sadd.s32 $0x27B600, s7;
	[bflag:$0x0] =	sbarrier.arrive $0xFFFF;
	(pc) =	sbr.rel .LBB2_1-.Ltmp0, $4  }
0x14: {  	s7 =	sadd.s32 $0x280600, s7;
	[sflag:s4] =	ssyncpa.u1 $0x1;
	s4 =	simm.s32 $0x1  }
0x15: {  	[sflag:s4] =	ssyncpa.u1 $0x0;
	p1 =	sne.s32 s8, s10;
	s8 =	simm.s32 $0x1  }
0x16: {  	(ifvalue) =	ssetifvalue $0x27400;
	[sflag:s6] =	ssyncpa.u1 $0x0;
	s8 =	simm.s32 @!p1 $0x0  }
0x17: {  	vm0 =	vmmov $0xffff;
	s10 =	smov.u32 s2;
	s8 =	sadd.s32 s8, s9;
	s9 =	simm.s32 $0x0  }
.LBB2_5:
0x18: {  	p2 =	sne.s32 s11, s8  }
.Ltmp1:
0x19: {  	_ = 	snop;
	(pc) =	sbr.rel @!p2 .LBB2_6-.Ltmp1, $4  }
0x1a: {  	_ = 	snop  }
0x1b: {  	s12 =	sadd.s32 $0x1F40, s10  }
0x1c: {  	s10 =	smov.u32 s2;
	s13 =	sadd.s32 $0x1, s11;
	p1 =	slt.s32 s12, s3  }
0x1d: {  	s11 =	smov.u32 s13;
	s10 =	smov.u32 @p1 s12  }
.LBB2_1:
0x1e: {  	p1 =	sge.u32 s11, s8  }
0x1f: {  	s12 =	sxor.u32 @!p1 $0xFFFFFFFF, s11  }
0x20: {  	s12 =	sand.u32 @!p1 $0x1, s12  }
0x21: {  	s12 =	smul.u32 @!p1 $0x1F40, s12  }
0x22: {  	s13 =	sshrl.u32 @!p1 s10, $0x3  }
0x23: {  	s16 =	sand.u32 @!p1 $0x7, s10;
	s14 =	sadd.s32 @!p1 s5, s13;
	s15 =	sadd.s32 @!p1 $0x2740, s12  }
0x24: {  	[tilespmem:s15], [sflag:$0x2] =	stream.linear.gather @!p1 [hbm4b:s14+s16], $0x1F40, $0x38;
	[tilespmem:$0xA440] =	vst v63  }
0x25: {  	s13 =	sadd.s32 @!p1 s7, s13;
	s12 =	sadd.s32 @!p1 $0x65C0, s12  }
0x26: {  	[tilespmem:s12], [sflag:$0x2] =	stream.linear.gather @!p1 [hbm4b:s13+s16], $0x1F40, $0x38;
	[tilespmem:$0xA440] =	vst v63  }
0x27: {  	p1 =	seq.s32 s11, $0x0  }
.Ltmp2:
0x28: {  	_ = 	snop;
	(pc) =	sbr.rel @p1 .LBB2_5-.Ltmp2, $1  }
0x29: {  	_ =	sdelay $0x3  }
0x2a: {  	s12 =	sand.u32 $0x1, s11  }
0x2b: {  	_ =	swait.ge [sflag:s6], $0x3E80;
	p1 =	seq.s32 s12, $0x1;
	s12 =	simm.s32 $0x1F40  }
0x2c: {  	[sflag:s6] =	ssyncset.done $0x0;
	s12 =	simm.s32 @!p1 $0x0  }
0x2d: {  	[sflag:s6] =	ssyncadd.s32 $0xFFFFC180;
	s14 =	sadd.s32 $0x2740, s12  }
0x2e: {  	v0 =	vld.msk [tilespmem:s14+$0x0 ss:$0x1], $0xffff;
	_ =	sdelay $0x4  }
0x2f: {  	v0 =	vmin.u32 v0, $0x27400;
	_ =	sdelay $0x3  }
0x30: {  	s13 =	simm.s32 $0x0;
	s12 =	sadd.s32 $0x65C0, s12;
	s14 =	sadd.s32 $0x10, s14  }
0x31: {  	[spmem:s9] =	stream.indirect_vreg.scatter.add.s32 [tilespmem:s12], [sflag:$0x1], $0x1, v0, vm0, $0x4038;
	[tilespmem:$0xA440] =	vst v63  }
.LBB2_3:
0x32: {  	v0 =	vld.msk [tilespmem:s14+$0x0 ss:$0x1], $0xffff;
	s13 =	sadd.s32 $0x10, s13  }
0x33: {  	p1 =	slt.u32 s13, $0x1F30;
	_ =	sdelay $0x4  }
0x34: {  	v0 =	vmin.u32 v0, $0x27400  }
.Ltmp3:
0x35: {  	(pc) =	sbr.rel @p1 .LBB2_3-.Ltmp3, $3  }
0x36: {  	_ =	sdelay $0x1  }
0x37: {  	s14 =	sadd.s32 $0x10, s14;
	s12 =	sadd.s32 $0x10, s12  }
0x38: {  	[spmem:s9] =	stream.indirect_vreg.scatter.add.s32 [tilespmem:s12], [sflag:$0x1], $0x1, v0, vm0, $0x4038;
	[tilespmem:$0xA440] =	vst v63  }
.Ltmp4:
0x39: {  	(pc) =	sbr.rel .LBB2_5-.Ltmp4, $4  }
0x3a: {  	_ = 	snop  }
0x3b: {  	_ =	swait.ge [sflag:s4], $0x1F40  }
0x3c: {  	[sflag:s4] =	ssyncset.done $0x0  }
0x3d: {  	[sflag:s4] =	ssyncadd.s32 $0xFFFFE0C0  }
.LBB2_6:
0x3e: {  	_ =	sfence.sel $0x180000  }
0x3f: {  	s2 =	simm.s32 $0x2;
	[bflag:$0x0] =	sbarrier.arrive $0xFFFF  }
0x40: {  	s30 =	simm.s32 $0x1;
	[sflag:s2] =	ssyncpa.u1 $0x1  }
0x41: {  	[sflag:s30] =	ssyncpa.u1 $0x1  }
0x42: {  	_ =	sfence.stream.spmem  }
0x43: {  	s31 =	simm.s32 $0x3D;
	[bflag:$0x0] =	sbarrier.arrive $0xFFFF  }
0x44: {  	s2 =	simm.s32 @p0 $0x3D;
	[sflag:s31] =	ssyncpa.u1 $0x0  }
0x45: {  	[sflag:s2] =	ssyncpa.u1 @p0 $0x1  }
0x46: {  	[bflag:$0x0] =	sbarrier.arrive @p0 $0xFFFF  }
0x47: {  	_ =	strace @p0 $0x9000004A  }
0x48: {  	s3 =	simm.s32 @!p0 $0x1C3D;
	s2 =	simm.s32 @!p0 $0x0;
	[bflag:$0x2] =	sbarrier.arrive @p0 $0xFFFF  }
0x49: {  	[hbm:s1], [sflag:s3] =	dma.local @!p0 [spmem:s2], $0x4E80  }
0x4a: {  	s1 =	simm.s32 @!p0 $0x3D  }
0x4b: {  	_ =	swait.ge @!p0 [sflag:s1], $0x4E80  }
0x4c: {  	[sflag:s1] =	ssyncset.done @!p0 $0x0  }
0x4d: {  	[sflag:s1] =	ssyncadd.s32 @!p0 $0xFFFFB180  }
0x4e: {  	[sflag:s1] =	ssyncpa.u1 @!p0 $0x1  }
0x4f: {  	[bflag:$0x0] =	sbarrier.arrive @!p0 $0xFFFF  }
0x50: {  	_ =	strace @!p0 $0x9000004A  }
0x51: {  	s0 =	sadd.s32 @!p0 $0x100000, s0;
	[bflag:$0x2] =	sbarrier.arrive @!p0 $0xFFFF  }
0x52: {  	[sflag:s0] =	ssyncadd.tile.s32 @!p0 $0x1;
	_ =	shalt  }
.Lfunc_end2:
_tile_overlayer_lowered:
.L_overlay_start_2:
0x53: {  	(tag) =	ssettag $0x2  }
0x54: {  	s0 =	rddreg [dreg:$0x0];
	s2 =	stileid.u32  }
0x55: {  	s1 =	rddreg [dreg:$0x1];
	p0 =	sne.s32 s2, $0x0  }
0x56: {  	s3 =	rddreg [dreg:$0x2];
	[bflag:$0x3] =	sbarrier.arrive $0xFFFF;
	s2 =	simm.s32 @!p0 $0x1C01  }
0x57: {  	[timem:s3], [sflag:s2] =	dma.local @!p0 [hbm:s0], s1  }
0x58: {  	s0 =	simm.s32 @!p0 $0x1  }
0x59: {  	_ =	swait.ge @!p0 [sflag:s0], s1  }
0x5a: {  	s1 =	ssub.s32 @!p0 $0x0, s1;
	[sflag:s0] =	ssyncset.done @!p0 $0x0  }
0x5b: {  	[sflag:s0] =	ssyncadd.s32 @!p0 s1  }
0x5c: {  	[bflag:$0x3] =	sbarrier.arrive $0xFFFF  }
0x5d: {  	_ =	shalt  }

</sc_bundles>
